<compile_context>
chip_gen: v7x
topology: tpu7x:2x2x1
jax: 0.10.2.dev20260603
libtpu: 0.0.44.dev20260713+nightly
codegen_flags: <defaults>
</compile_context>

<pallas_src>
import functools

import jax
import jax.numpy as jnp
from jax import lax
from jax.experimental import pallas as pl
from jax.experimental.pallas import tpu as pltpu
from jax.experimental.pallas import tpu_sc as plsc

D = 100
DP = 128
NEG = -3e38
_SC_CORES = 2
_SC_SUBCORES = 16
_NW = _SC_CORES * _SC_SUBCORES

_pallas_call = pl.pallas_call



def _chunk(bpw, cap=128):
    for c in range(cap, 0, -8):
        if bpw % c == 0:
            return c
    return 8


def _sc_gather(jobs):
    mesh = plsc.VectorSubcoreMesh(core_axis_name="c", subcore_axis_name="s")
    out_types = []
    scratch = []
    plans = []
    cap = 128 if len(jobs) <= 2 else 64
    for t, idx in jobs:
        n = idx.shape[0]
        bpw = n // _NW
        ch = _chunk(bpw, cap)
        plans.append((bpw, ch, bpw // ch))
        out_types.append(jax.ShapeDtypeStruct((n, t.shape[1]), t.dtype))
        scratch.append(pltpu.VMEM((ch,), jnp.int32))
        scratch.append(pltpu.VMEM((ch, t.shape[1]), t.dtype))
        scratch.append(pltpu.VMEM((ch,), jnp.int32))
        scratch.append(pltpu.VMEM((ch, t.shape[1]), t.dtype))
    scratch.append(pltpu.SemaphoreType.DMA)
    scratch.append(pltpu.SemaphoreType.DMA)
    nj = len(jobs)

    @functools.partial(pl.kernel, mesh=mesh, out_type=out_types,
                       scratch_types=scratch)
    def gather_kernel(*refs):
        ins = refs[:2 * nj]
        outs = refs[2 * nj:3 * nj]
        scr = refs[3 * nj:]
        semA = scr[-2]
        semB = scr[-1]
        wid = lax.axis_index("s") * _SC_CORES + lax.axis_index("c")
        for j, (bpw, ch, nch) in enumerate(plans):
            t_hbm = ins[2 * j]
            i_hbm = ins[2 * j + 1]
            o_hbm = outs[j]
            idxA = scr[4 * j]
            rowsA = scr[4 * j + 1]
            idxB = scr[4 * j + 2]
            rowsB = scr[4 * j + 3]

            if nch >= 2:
                @pl.loop(0, nch // 2)
                def _(cp, t_hbm=t_hbm, i_hbm=i_hbm, o_hbm=o_hbm, idxA=idxA,
                      rowsA=rowsA, idxB=idxB, rowsB=rowsB, bpw=bpw, ch=ch):
                    baseA = wid * bpw + (2 * cp) * ch
                    baseB = baseA + ch
                    pltpu.sync_copy(i_hbm.at[pl.ds(baseA, ch)], idxA)
                    cpA = pltpu.async_copy(t_hbm.at[idxA], rowsA, semA)
                    pltpu.sync_copy(i_hbm.at[pl.ds(baseB, ch)], idxB)
                    cpB = pltpu.async_copy(t_hbm.at[idxB], rowsB, semB)
                    cpA.wait()
                    pltpu.sync_copy(rowsA, o_hbm.at[pl.ds(baseA, ch)])
                    cpB.wait()
                    pltpu.sync_copy(rowsB, o_hbm.at[pl.ds(baseB, ch)])
            if nch % 2:
                ci = nch - 1
                base = wid * bpw + ci * ch
                pltpu.sync_copy(i_hbm.at[pl.ds(base, ch)], idxA)
                pltpu.async_copy(t_hbm.at[idxA], rowsA, semA).wait()
                pltpu.sync_copy(rowsA, o_hbm.at[pl.ds(base, ch)])

    flat = []
    for t, idx in jobs:
        flat += [t, idx]
    res = gather_kernel(*flat)
    if not isinstance(res, (list, tuple)):
        res = [res]
    return list(res)


def _pad_idx(idx, mult=256):
    n = idx.shape[0]
    m = -(-n // mult) * mult
    if m == n:
        return idx
    return jnp.pad(idx, (0, m - n))



def _tc1_a2u(EQ2g3, embu_p, W2T, b2p):
    NU = embu_p.shape[0]
    BLK = 2000

    def body(eq2_ref, eu_ref, w_ref, b_ref, o_ref):
        m = (eq2_ref[:, 0, :] + eq2_ref[:, 1, :] + eq2_ref[:, 2, :]
             + eq2_ref[:, 3, :]) * 0.25
        o_ref[...] = jnp.tanh(
            jnp.dot(m + eu_ref[...], w_ref[...],
                    preferred_element_type=jnp.float32) + b_ref[...])

    return _pallas_call(
        body,
        grid=(NU // BLK,),
        in_specs=[pl.BlockSpec((BLK, 4, DP), lambda i: (i, 0, 0)),
                  pl.BlockSpec((BLK, DP), lambda i: (i, 0)),
                  pl.BlockSpec((DP, DP), lambda i: (0, 0)),
                  pl.BlockSpec((1, DP), lambda i: (0, 0))],
        out_specs=pl.BlockSpec((BLK, DP), lambda i: (i, 0)),
        out_shape=jax.ShapeDtypeStruct((NU, DP), jnp.float32),
    )(EQ2g3, embu_p, W2T, b2p)


def _tc1b_skill_tables(embq5kN, qn5kN, embs_p, W2T, b2p, W1T, b1p):

    def step(e_ref, q_ref, s_ref, w2_ref, b2_ref, p1_ref, p2_ref):
        n = pl.program_id(0)
        iot = lax.broadcasted_iota(jnp.int32, (1, 512), 1)
        e = e_ref[0]
        q = q_ref[0]
        cnt = jnp.zeros((512, 512), jnp.float32)
        for jj in range(4):
            cnt += (q[:, jj:jj + 1] == iot).astype(jnp.float32)
        mS = jnp.dot(cnt, s_ref[...],
                     preferred_element_type=jnp.float32) * 0.25
        a2 = jnp.tanh(jnp.dot(mS + e, w2_ref[...],
                              preferred_element_type=jnp.float32)
                      + b2_ref[...])

        @pl.when(n == 0)
        def _():
            p1_ref[...] = jnp.zeros((512, DP), jnp.float32)
            p2_ref[...] = jnp.zeros((512, DP), jnp.float32)

        p1_ref[...] += a2
        p2_ref[...] += e

    P1, P2 = _pallas_call(
        step,
        grid=(10,),
        in_specs=[pl.BlockSpec((1, 512, DP), lambda n: (n, 0, 0)),
                  pl.BlockSpec((1, 512, 16), lambda n: (n, 0, 0)),
                  pl.BlockSpec((512, DP), lambda n: (0, 0)),
                  pl.BlockSpec((DP, DP), lambda n: (0, 0)),
                  pl.BlockSpec((1, DP), lambda n: (0, 0))],
        out_specs=[pl.BlockSpec((512, DP), lambda n: (0, 0)),
                   pl.BlockSpec((512, DP), lambda n: (0, 0))],
        out_shape=[jax.ShapeDtypeStruct((512, DP), jnp.float32),
                   jax.ShapeDtypeStruct((512, DP), jnp.float32)],
    )(embq5kN, qn5kN, embs_p, W2T, b2p)

    def fin(p1_ref, p2_ref, s_ref, w1_ref, b1_ref, o1_ref, o2_ref):
        A1 = jnp.tanh(jnp.dot(p2_ref[...] * 0.1 + s_ref[...], w1_ref[...],
                              preferred_element_type=jnp.float32)
                      + b1_ref[...])
        B1 = jnp.tanh(jnp.dot(p1_ref[...] * 0.1 + A1, w1_ref[...],
                              preferred_element_type=jnp.float32)
                      + b1_ref[...])
        o1_ref[...] = A1
        o2_ref[...] = B1

    fullspec = lambda shp: pl.BlockSpec(shp, lambda: tuple(0 for _ in shp))
    return _pallas_call(
        fin,
        in_specs=[fullspec((512, DP)), fullspec((512, DP)),
                  fullspec((512, DP)), fullspec((DP, DP)), fullspec((1, DP))],
        out_specs=[fullspec((512, DP)), fullspec((512, DP))],
        out_shape=[jax.ShapeDtypeStruct((512, DP), jnp.float32),
                   jax.ShapeDtypeStruct((512, DP), jnp.float32)],
    )(P1, P2, embs_p, W1T, b1p)


def _tc2a_positions(P, n1g, skg, Eq_pos, Eq_next, Eq2_pos, Eu_pos, E1u, EUm2,
                    A2um2, rm, mm, T3, embs_p, embr_p, W0T, b0p, W1T, b1p,
                    WlastT, blastp, WllT, bllp, WihT, bihp, WqT, bqp,
                    w1s, w2s):
    PB = 608
    NBLK = P // PB

    def body(n1_ref, sk_ref, eqp_ref, eqn_ref, eq2p_ref, eup_ref, e1u_ref,
             eum2_ref, a2um2_ref, rm_ref, mm_ref, t3_ref, es_ref, er_ref,
             w0_ref, b0_ref, w1_ref, b1_ref, wl_ref, bl_ref, wll_ref, bll_ref,
             wih_ref, bih_ref, wqr_ref, bq_ref, w1s_ref, w2s_ref,
             gx_ref, qs_ref, q_ref):
        f32 = jnp.float32
        dot = lambda a, b: jnp.dot(a, b, preferred_element_type=f32)
        iot = lax.broadcasted_iota(jnp.int32, (1, 512), 1)

        cnt = jnp.zeros((PB, 512), f32)
        for jj in range(4):
            cnt += (n1_ref[:, jj:jj + 1] == iot).astype(f32)
        cm = dot(cnt, t3_ref[...]) * 0.25
        mE1 = cm[:, 0:DP]
        mA1 = cm[:, DP:2 * DP]
        mB1 = cm[:, 2 * DP:3 * DP]
        eqpos = eqp_ref[...]
        a0 = jnp.tanh(dot(mE1 + eqpos, w0_ref[...]) + b0_ref[...])
        b0q = jnp.tanh(dot(mA1 + a0, w0_ref[...]) + b0_ref[...])
        cq = jnp.tanh(dot(mB1 + b0q, w0_ref[...]) + b0_ref[...])
        aggq = jnp.tanh(dot(cq, wl_ref[...]) + bl_ref[...])

        e1u = [e1u_ref[j] for j in range(4)]
        meanEU = [(eum2_ref[4 * j + 0] + eum2_ref[4 * j + 1]
                   + eum2_ref[4 * j + 2] + eum2_ref[4 * j + 3]) * 0.25
                  for j in range(4)]
        X = jnp.concatenate([meanEU[j] + e1u[j] for j in range(4)], axis=0)
        A1U = jnp.tanh(dot(X, w1_ref[...]) + b1_ref[...])
        a1u = [A1U[j * PB:(j + 1) * PB] for j in range(4)]
        meanA2 = [(a2um2_ref[4 * j + 0] + a2um2_ref[4 * j + 1]
                   + a2um2_ref[4 * j + 2] + a2um2_ref[4 * j + 3]) * 0.25
                  for j in range(4)]
        Xb = jnp.concatenate([meanA2[j] + a1u[j] for j in range(4)], axis=0)
        B1U = jnp.tanh(dot(Xb, w1_ref[...]) + b1_ref[...])
        b1u = [B1U[j * PB:(j + 1) * PB] for j in range(4)]
        a0u = jnp.tanh(dot((e1u[0] + e1u[1] + e1u[2] + e1u[3]) * 0.25
                           + eup_ref[...], w0_ref[...]) + b0_ref[...])
        b0u = jnp.tanh(dot((a1u[0] + a1u[1] + a1u[2] + a1u[3]) * 0.25
                           + a0u, w0_ref[...]) + b0_ref[...])
        c0u = jnp.tanh(dot((b1u[0] + b1u[1] + b1u[2] + b1u[3]) * 0.25
                           + b0u, w0_ref[...]) + b0_ref[...])
        aggu = jnp.tanh(dot(c0u, wl_ref[...]) + bl_ref[...])

        mmv = mm_ref[...]
        eq = jnp.where(mmv > 0.5, aggq, eqpos)
        eq2 = jnp.where(mmv > 0.5, aggu, eq2p_ref[...])
        ehat = w1s_ref[0, 0] * eq + w2s_ref[0, 0] * eq2
        er = jnp.where(rm_ref[...] > 0.5, er_ref[1:2, :], er_ref[0:1, :])
        xcat = jnp.concatenate([ehat, er], axis=1)
        x = jnp.maximum(dot(xcat, wll_ref[...]) + bll_ref[...], 0.0)
        gx_ref[...] = dot(x, wih_ref[...]) + bih_ref[...]

        eqnext = eqn_ref[...]
        qs_ref[0] = eqnext
        q_ref[0] = jnp.tanh(dot(eqnext, wqr_ref[...]) + bq_ref[...])
        for jj in range(4):
            oh = (sk_ref[:, jj:jj + 1] == iot).astype(f32)
            se = dot(oh, es_ref[...])
            qs_ref[1 + jj] = se
            q_ref[1 + jj] = jnp.tanh(dot(se, wqr_ref[...]) + bq_ref[...])

    fullw = lambda shp: pl.BlockSpec(shp, lambda i: tuple(0 for _ in shp))
    return _pallas_call(
        body,
        grid=(NBLK,),
        in_specs=[
            pl.BlockSpec((PB, 16), lambda i: (i, 0)),
            pl.BlockSpec((PB, 16), lambda i: (i, 0)),
            pl.BlockSpec((PB, DP), lambda i: (i, 0)),
            pl.BlockSpec((PB, DP), lambda i: (i, 0)),
            pl.BlockSpec((PB, DP), lambda i: (i, 0)),
            pl.BlockSpec((PB, DP), lambda i: (i, 0)),
            pl.BlockSpec((4, PB, DP), lambda i: (0, i, 0)),
            pl.BlockSpec((16, PB, DP), lambda i: (0, i, 0)),
            pl.BlockSpec((16, PB, DP), lambda i: (0, i, 0)),
            pl.BlockSpec((PB, 1), lambda i: (i, 0)),
            pl.BlockSpec((PB, 1), lambda i: (i, 0)),
            fullw((512, 3 * DP)),
            fullw((512, DP)),
            fullw((2, DP)),
            fullw((DP, DP)), fullw((1, DP)),
            fullw((DP, DP)), fullw((1, DP)),
            fullw((DP, DP)), fullw((1, DP)),
            fullw((256, 256)), fullw((1, 256)),
            fullw((256, 512)), fullw((1, 512)),
            fullw((DP, DP)), fullw((1, DP)),
            fullw((1, 1)), fullw((1, 1)),
        ],
        out_specs=[pl.BlockSpec((PB, 512), lambda i: (i, 0)),
                   pl.BlockSpec((5, PB, DP), lambda i: (0, i, 0)),
                   pl.BlockSpec((5, PB, DP), lambda i: (0, i, 0))],
        out_shape=[jax.ShapeDtypeStruct((P, 512), jnp.float32),
                   jax.ShapeDtypeStruct((5, P, DP), jnp.float32),
                   jax.ShapeDtypeStruct((5, P, DP), jnp.float32)],
    )(n1g, skg, Eq_pos, Eq_next, Eq2_pos, Eu_pos, E1u, EUm2, A2um2, rm, mm,
      T3, embs_p, embr_p, W0T, b0p, W1T, b1p, WlastT, blastp, WllT, bllp,
      WihT, bihp, WqT, bqp, w1s, w2s)


def _tc2b_lstm(B, T, gxr, WhhT, bhhp, h0p, c0p, WkT, bkp):

    def body(gx_ref, whh_ref, bhh_ref, h0_ref, c0_ref, wk_ref, bk_ref,
             H_ref, KH_ref):
        dot = lambda a, b: jnp.dot(a, b, preferred_element_type=jnp.float32)
        h = h0_ref[...]
        c = c0_ref[...]
        for t in range(T):
            g = gx_ref[:, t, :] + dot(h, whh_ref[...]) + bhh_ref[...]
            gi = g[:, 0:DP]
            gf = g[:, DP:2 * DP]
            gg = g[:, 2 * DP:3 * DP]
            go = g[:, 3 * DP:4 * DP]
            c = jax.nn.sigmoid(gf) * c + jax.nn.sigmoid(gi) * jnp.tanh(gg)
            h = jax.nn.sigmoid(go) * jnp.tanh(c)
            H_ref[:, t:t + 1, :] = h[:, None, :]
            kh = jnp.tanh(dot(h, wk_ref[...]) + bk_ref[...])
            KH_ref[:, t:t + 1, :] = kh[:, None, :]

    fullspec = lambda shp: pl.BlockSpec(shp, lambda: tuple(0 for _ in shp))
    return _pallas_call(
        body,
        in_specs=[fullspec((B, T, 4 * DP)), fullspec((DP, 4 * DP)),
                  fullspec((1, 4 * DP)), fullspec((B, DP)), fullspec((B, DP)),
                  fullspec((DP, DP)), fullspec((1, DP))],
        out_specs=[fullspec((B, T, DP)), fullspec((B, T, DP))],
        out_shape=[jax.ShapeDtypeStruct((B, T, DP), jnp.float32),
                   jax.ShapeDtypeStruct((B, T, DP), jnp.float32)],
    )(gxr, WhhT, bhhp, h0p, c0p, WkT, bkp)


def _tc2c_predict(B, T, RK, Hb, KHb, Eqb, QS, Qb, wqv, wkv, bws):

    def body(H_ref, KH_ref, eq_ref, qs_ref, qb_ref, wq_ref, wk_ref, bw_ref,
             y_ref):
        f32 = jnp.float32
        eq = eq_ref[...]
        nrm = jnp.sqrt(jnp.sum(eq * eq, axis=2))
        qn = eq / (nrm[:, :, None] + 1e-8)
        KHv = KH_ref[...]
        kwv = jnp.sum(KHv * wk_ref[...][None, :, :], axis=2)
        qwall = jnp.sum(qb_ref[...] * wq_ref[...][None, :, :], axis=2)
        Hv = H_ref[...]
        iotaL = lax.broadcasted_iota(jnp.int32, (B, T), 1)
        iota20 = lax.broadcasted_iota(jnp.int32, (1, T + 1), 1)
        iota5T = lax.broadcasted_iota(jnp.int32, (B, 5 * T), 1)
        bw = bw_ref[0, 0]

        def tstep(t, ycols):
            ohn = (iota20 == t + 1).astype(f32)
            qsel = jnp.sum(qn * ohn[:, :, None], axis=1)
            simt = jnp.sum(qn[:, 0:T, :] * qsel[:, None, :], axis=2)
            sm0 = jnp.where(iotaL < t, simt, NEG)

            def rstep(r, carry):
                s, sm = carry
                vmax = jnp.max(sm, axis=1, keepdims=True)
                hit = sm >= vmax
                idxv = jnp.min(jnp.where(hit, iotaL, 10000), axis=1,
                               keepdims=True)
                oh = (iotaL == idxv) & (r < t)
                s = jnp.where(oh, 1.0, s)
                sm = jnp.where(oh, NEG, sm)
                return s, sm

            s, _sm = lax.fori_loop(0, RK, rstep,
                                   (jnp.zeros((B, T), f32), sm0))
            oht = (iotaL == t).astype(f32)
            kwt = jnp.sum(kwv * oht, axis=1, keepdims=True)
            num = jnp.zeros((B, 1), f32)
            Z = jnp.zeros((B, 1), f32)
            rows_w = []
            rows_v = []
            for i in range(5):
                ohq = (iota5T == i * T + t).astype(f32)
                qw_i = jnp.sum(qwall * ohq, axis=1, keepdims=True)
                qsi = qs_ref[i, pl.ds(t, 1)][0]
                val_i = jax.nn.sigmoid(
                    jnp.sum(Hv * qsi[:, None, :], axis=2))
                v0 = jnp.sum(val_i * oht, axis=1, keepdims=True)
                w0 = qw_i + kwt + bw
                wh = jnp.where(s > 0.5, qw_i + kwv + bw, NEG)
                rows_w.append(jnp.concatenate([w0, wh], axis=1))
                rows_v.append(jnp.concatenate([v0, val_i], axis=1))
            m_ = rows_w[0].max(axis=1, keepdims=True)
            for i in range(1, 5):
                m_ = jnp.maximum(m_, rows_w[i].max(axis=1, keepdims=True))
            for i in range(5):
                e_i = jnp.exp(rows_w[i] - m_)
                Z = Z + jnp.sum(e_i, axis=1, keepdims=True)
                num = num + jnp.sum(e_i * rows_v[i], axis=1, keepdims=True)
            return jnp.where(iotaL == t, num / Z, ycols)

        y_ref[...] = lax.fori_loop(0, T, tstep,
                                   jnp.zeros((B, T), f32))

    fullspec = lambda shp: pl.BlockSpec(shp, lambda: tuple(0 for _ in shp))
    return _pallas_call(
        body,
        in_specs=[fullspec((B, T, DP)), fullspec((B, T, DP)),
                  fullspec((B, T + 1, DP)), fullspec((5, T, B, DP)),
                  fullspec((B, 5 * T, DP)), fullspec((1, DP)),
                  fullspec((1, DP)), fullspec((1, 1))],
        out_specs=fullspec((B, T)),
        out_shape=jax.ShapeDtypeStruct((B, T), jnp.float32),
    )(Hb, KHb, Eqb, QS, Qb, wqv, wkv, bws)



def kernel(user, question, response, mask, q_neighbors, s_neighbors,
           u_neighbors, q_neighbors_2, qs_skill_ids, emb_q, emb_q2, emb_s,
           emb_u, emb_r, w1_q, w2_q, W_ll, b_ll, W_ih, W_hh, b_ih, b_hh,
           W_agg, b_agg, W_last, b_last, W_query, b_query, W_key, b_key,
           W_w, b_w, h0, c0):
    B, S = question.shape
    T = S - 1
    P = B * T
    NU = emb_u.shape[0]
    NS = emb_s.shape[0]
    RK = 10
    f32 = jnp.float32

    padc = lambda a: jnp.pad(a, ((0, 0), (0, DP - a.shape[1])))
    embq_p = padc(emb_q)
    embq2_p = padc(emb_q2)
    embu_p = padc(emb_u)
    embs_p = jnp.pad(emb_s, ((0, 512 - NS), (0, DP - D)))
    embr_p = padc(emb_r)
    padi = lambda a: jnp.pad(a, ((0, 0), (0, DP - a.shape[1])))
    qn_t = padi(q_neighbors)
    un_t = padi(u_neighbors)
    qn2_t = padi(q_neighbors_2)
    sk_t = padi(qs_skill_ids)
    snp = jnp.pad(s_neighbors, ((0, 512 - NS), (0, 0)))

    pad_sq = lambda w: jnp.pad(w, ((0, DP - w.shape[0]), (0, DP - w.shape[1])))
    pad_b = lambda b: jnp.pad(b, (0, DP - b.shape[0])).reshape(1, DP)
    W0T = pad_sq(W_agg[0]).T
    W1T = pad_sq(W_agg[1]).T
    W2T = pad_sq(W_agg[2]).T
    b0p = pad_b(b_agg[0])
    b1p = pad_b(b_agg[1])
    b2p = pad_b(b_agg[2])
    WlastT = pad_sq(W_last).T
    blastp = pad_b(b_last)
    WqT = pad_sq(W_query).T
    bqp = pad_b(b_query)
    WkT = pad_sq(W_key).T
    bkp = pad_b(b_key)
    Wllp = jnp.pad(W_ll.reshape(2, D, 2, D),
                   ((0, 0), (0, DP - D), (0, 0), (0, DP - D))).reshape(256, 256)
    WllT = Wllp.T
    bllp = jnp.pad(b_ll.reshape(2, D), ((0, 0), (0, DP - D))).reshape(1, 256)
    Wihp = jnp.pad(W_ih.reshape(4, D, 2, D),
                   ((0, 0), (0, DP - D), (0, 0), (0, DP - D))).reshape(512, 256)
    WihT = Wihp.T
    bihp = jnp.pad(b_ih.reshape(4, D), ((0, 0), (0, DP - D))).reshape(1, 512)
    Whhp = jnp.pad(W_hh.reshape(4, D, D),
                   ((0, 0), (0, DP - D), (0, DP - D))).reshape(512, DP)
    WhhT = Whhp.T
    bhhp = jnp.pad(b_hh.reshape(4, D), ((0, 0), (0, DP - D))).reshape(1, 512)
    wqv = jnp.pad(W_w[0, :D], (0, DP - D)).reshape(1, DP)
    wkv = jnp.pad(W_w[0, D:], (0, DP - D)).reshape(1, DP)
    bws = b_w.reshape(1, 1)
    h0p = padc(h0)
    c0p = padc(c0)
    w1s = w1_q.reshape(1, 1)
    w2s = w2_q.reshape(1, 1)

    qpos = question[:, :T].reshape(-1)
    upos = user[:, :T].reshape(-1)
    qnext = question[:, 1:].reshape(-1)
    qflat = question.reshape(-1)
    snf = snp.reshape(-1)
    unf = u_neighbors.reshape(-1)
    idxA = _pad_idx(jnp.concatenate([qpos, snf]))
    idxB = jnp.concatenate([qflat, snf])
    idxC = jnp.concatenate([unf, qpos])
    idxU = _pad_idx(upos)
    idxN = _pad_idx(qnext)

    A_g, m1g, skg0, B_g, C_g, Eu_g = _sc_gather([
        (qn_t, idxA), (un_t, idxU), (sk_t, idxN),
        (embq_p, idxB), (embq2_p, idxC), (embu_p, idxU)])
    n1g = A_g[:P, :16]
    qn5kN = A_g[P:P + 5120, :16].reshape(512, 10, 16).transpose(1, 0, 2)
    m1 = m1g[:P, :4]
    skg = skg0[:P, :16]
    Eq_all = B_g[:B * S].reshape(B, S, DP)
    embq5kN = B_g[B * S:].reshape(512, 10, DP).transpose(1, 0, 2)
    EQ2g3 = C_g[:NU * 4].reshape(NU, 4, DP)
    Eq2_pos = C_g[NU * 4:]
    Eu_pos = Eu_g[:P]

    m1jT = _pad_idx(m1.T.reshape(-1), 2048)
    m2g, E1ug = _sc_gather([(qn2_t, m1jT), (embq2_p, m1jT)])
    m2 = (m2g[:4 * P, :4].reshape(4, P, 4).transpose(0, 2, 1).reshape(-1))
    E1u = E1ug[:4 * P].reshape(4, P, DP)

    A2u_p = _tc1_a2u(EQ2g3, embu_p, W2T, b2p)

    EUm2g, A2um2g = _sc_gather([(embu_p, m2), (A2u_p, m2)])
    EUm2 = EUm2g.reshape(16, P, DP)
    A2um2 = A2um2g.reshape(16, P, DP)

    A1tab, B1tab = _tc1b_skill_tables(embq5kN, qn5kN, embs_p, W2T, b2p,
                                      W1T, b1p)
    T3 = jnp.concatenate([embs_p, A1tab, B1tab], axis=1)

    Eq_pos = Eq_all[:, :T].reshape(P, DP)
    Eq_next = Eq_all[:, 1:].reshape(P, DP)
    rm = (response[:, :T].reshape(P, 1) == 1).astype(f32)
    mm = (mask[:, :T].reshape(P, 1) == 1).astype(f32)
    gx, qs5, Q5 = _tc2a_positions(
        P, n1g, skg, Eq_pos, Eq_next, Eq2_pos, Eu_pos, E1u, EUm2, A2um2,
        rm, mm, T3, embs_p, embr_p, W0T, b0p, W1T, b1p, WlastT, blastp,
        WllT, bllp, WihT, bihp, WqT, bqp, w1s, w2s)

    gxr = gx.reshape(B, T, 4 * DP)
    Hb, KHb = _tc2b_lstm(B, T, gxr, WhhT, bhhp, h0p, c0p, WkT, bkp)

    QS = qs5.reshape(5, B, T, DP).transpose(0, 2, 1, 3)
    Qb = Q5.reshape(5, B, T, DP).transpose(1, 0, 2, 3).reshape(B, 5 * T, DP)
    y19 = _tc2c_predict(B, T, RK, Hb, KHb, Eq_all, QS, Qb, wqv, wkv, bws)
    return jnp.concatenate([jnp.full((B, 1), 0.5, f32), y19], axis=1)

# --- scband reference (transcript-rebuilt; emitter-appended) ---
"""Pipeline reference for scband-sqgkt-87797721465158 (READ-ONLY COPY).

The authoritative reference and input builder live on the scoring server;
editing this copy changes nothing except your own understanding.
"""

import jax, jax.numpy as jnp
import numpy as np

NQ, NS, NU, D = 20000, 500, 20000, 100
QN, SN, UN, QN2, KSKILL = 4, 10, 4, 4, 4
RANK_K = 10
B, S = 128, 20


def setup_inputs(seed: int = 0):
    key = jax.random.key(seed)
    ks = jax.random.split(key, 32)
    nrm = lambda i, shape: jax.random.normal(ks[i], shape, dtype=jnp.float32) * 0.05
    inp = {}
    inp['user'] = jax.random.randint(ks[0], (B, S), 0, NU)
    inp['question'] = jax.random.randint(ks[1], (B, S), 0, NQ)
    inp['response'] = jax.random.randint(ks[2], (B, S), 0, 2)
    inp['mask'] = jnp.ones((B, S), dtype=jnp.int32)
    inp['q_neighbors'] = jax.random.randint(ks[3], (NQ, QN), 0, NS)
    inp['s_neighbors'] = jax.random.randint(ks[4], (NS, SN), 0, NQ)
    inp['u_neighbors'] = jax.random.randint(ks[5], (NU, UN), 0, NQ)
    inp['q_neighbors_2'] = jax.random.randint(ks[6], (NQ, QN2), 0, NU)
    inp['qs_skill_ids'] = jax.random.randint(ks[7], (NQ, KSKILL), 0, NS)
    inp['emb_q'] = nrm(8, (NQ, D))
    inp['emb_q2'] = nrm(9, (NQ, D))
    inp['emb_s'] = nrm(10, (NS, D))
    inp['emb_u'] = nrm(11, (NU, D))
    inp['emb_r'] = nrm(12, (2, D))
    inp['w1_q'] = jnp.asarray(0.5, dtype=jnp.float32)
    inp['w2_q'] = jnp.asarray(0.5, dtype=jnp.float32)
    inp['W_ll'] = nrm(13, (2 * D, 2 * D))
    inp['b_ll'] = jnp.zeros((2 * D,), jnp.float32)
    inp['W_ih'] = nrm(14, (4 * D, 2 * D))
    inp['W_hh'] = nrm(15, (4 * D, D))
    inp['b_ih'] = jnp.zeros((4 * D,), jnp.float32)
    inp['b_hh'] = jnp.zeros((4 * D,), jnp.float32)
    inp['W_agg'] = nrm(16, (3, D, D))
    inp['b_agg'] = jnp.zeros((3, D), jnp.float32)
    inp['W_last'] = nrm(17, (D, D))
    inp['b_last'] = jnp.zeros((D,), jnp.float32)
    inp['W_query'] = nrm(18, (D, D))
    inp['b_query'] = jnp.zeros((D,), jnp.float32)
    inp['W_key'] = nrm(19, (D, D))
    inp['b_key'] = jnp.zeros((D,), jnp.float32)
    inp['W_w'] = nrm(20, (1, 2 * D))
    inp['b_w'] = jnp.zeros((1,), jnp.float32)
    inp['h0'] = nrm(21, (B, D))
    inp['c0'] = nrm(22, (B, D))
    return inp


def _aggregate(embs, W_agg, b_agg, W_last, b_last):
    embs = list(embs)
    H = len(embs) - 1
    for i in range(H):
        for j in range(H - i):
            nb = jnp.mean(embs[j + 1], axis=-2)
            embs[j] = jnp.tanh((nb + embs[j]) @ W_agg[j].T + b_agg[j])
    return jnp.tanh(embs[0] @ W_last.T + b_last)


def _predict(qs, st, W_query, b_query, W_key, b_key, W_w, b_w):
    Bsz, nq, d = qs.shape
    ns = st.shape[1]
    Q = jnp.tanh(qs @ W_query.T + b_query)
    K = jnp.tanh(st @ W_key.T + b_key)
    Qe = jnp.broadcast_to(Q[:, :, None, :], (Bsz, nq, ns, d))
    Ke = jnp.broadcast_to(K[:, None, :, :], (Bsz, nq, ns, d))
    w = (jnp.concatenate([Qe, Ke], axis=-1) @ W_w.T + b_w)[..., 0]
    alpha = jax.nn.softmax(w.reshape(Bsz, -1), axis=-1)
    val = jax.nn.sigmoid(jnp.sum(qs[:, :, None, :] * st[:, None, :, :], axis=-1)).reshape(Bsz, -1)
    return jnp.sum(alpha * val, axis=-1)


def _forward(user, question, response, mask, q_neighbors, s_neighbors, u_neighbors, q_neighbors_2, qs_skill_ids, emb_q, emb_q2, emb_s, emb_u, emb_r, w1_q, w2_q, W_ll, b_ll, W_ih, W_hh, b_ih, b_hh, W_agg, b_agg, W_last, b_last, W_query, b_query, W_key, b_key, W_w, b_w, h0, c0):
    Bsz, Slen = question.shape
    h1, h2 = h0, c0
    state_history = jnp.zeros((Bsz, Slen, D), jnp.float32)
    y = jnp.zeros((Bsz, Slen), jnp.float32).at[:, 0].set(0.5)
    for t in range(Slen - 1):
        q_t = question[:, t]
        u_t = user[:, t]
        r_t = response[:, t]
        m_t = (mask[:, t] == 1)
        # question-skill GNN aggregation (3 hops: q -> s -> q -> s)
        n1 = q_neighbors[q_t]
        n2 = s_neighbors[n1]
        n3 = q_neighbors[n2]
        agg_q = _aggregate([emb_q[q_t], emb_s[n1], emb_q[n2], emb_s[n3]], W_agg, b_agg, W_last, b_last)
        # user-question GNN aggregation (3 hops: u -> q -> u -> q)
        m1 = u_neighbors[u_t]
        m2 = q_neighbors_2[m1]
        m3 = u_neighbors[m2]
        agg_u = _aggregate([emb_u[u_t], emb_q2[m1], emb_u[m2], emb_q2[m3]], W_agg, b_agg, W_last, b_last)
        eq = jnp.where(m_t[:, None], agg_q, emb_q[q_t])
        eq2 = jnp.where(m_t[:, None], agg_u, emb_q2[q_t])
        emb_hat = w1_q * eq + w2_q * eq2
        x = jnp.concatenate([emb_hat, emb_r[r_t]], axis=1)
        x = jax.nn.relu(x @ W_ll.T + b_ll)
        gates = x @ W_ih.T + b_ih + h1 @ W_hh.T + b_hh
        gi, gf, gg, go = jnp.split(gates, 4, axis=1)
        h2 = jax.nn.sigmoid(gf) * h2 + jax.nn.sigmoid(gi) * jnp.tanh(gg)
        h1 = jax.nn.sigmoid(go) * jnp.tanh(h2)
        state_history = state_history.at[:, t].set(h1)
        q_next = question[:, t + 1]
        emb_q_next = emb_q[q_next]
        qs_concat = jnp.concatenate([emb_q_next[:, None, :], emb_s[qs_skill_ids[q_next]]], axis=1)
        if t == 0:
            states = h1[:, None, :]
        else:
            hist = emb_q[question[:, :t]]
            qn = emb_q_next / (jnp.linalg.norm(emb_q_next, axis=-1, keepdims=True) + 1e-8)
            hn = hist / (jnp.linalg.norm(hist, axis=-1, keepdims=True) + 1e-8)
            sim = jnp.einsum('bd,btd->bt', qn, hn)
            k = min(RANK_K, t)
            _, idx = jax.lax.top_k(sim, k)
            sel = jnp.take_along_axis(state_history[:, :t], idx[:, :, None], axis=1)
            states = jnp.concatenate([h1[:, None, :], sel], axis=1)
        y = y.at[:, t + 1].set(_predict(qs_concat, states, W_query, b_query, W_key, b_key, W_w, b_w))
    return y


def reference(user, question, response, mask, q_neighbors, s_neighbors, u_neighbors, q_neighbors_2, qs_skill_ids, emb_q, emb_q2, emb_s, emb_u, emb_r, w1_q, w2_q, W_ll, b_ll, W_ih, W_hh, b_ih, b_hh, W_agg, b_agg, W_last, b_last, W_query, b_query, W_key, b_key, W_w, b_w, h0, c0):
    return _forward(user, question, response, mask, q_neighbors, s_neighbors, u_neighbors, q_neighbors_2, qs_skill_ids, emb_q, emb_q2, emb_s, emb_u, emb_r, w1_q, w2_q, W_ll, b_ll, W_ih, W_hh, b_ih, b_hh, W_agg, b_agg, W_last, b_last, W_query, b_query, W_key, b_key, W_w, b_w, h0, c0)

if __name__ == "__main__":
    import jax
    _d = setup_inputs()
    print(jax.jit(kernel)(*tuple(_d.values())))

</pallas_src>

<mosaic_0001>
#map = affine_map<(d0, d1) -> (0, 0)>
#map1 = affine_map<(d0, d1) -> (0)>
module attributes {stable_mosaic.version = 14 : i64} {
  func.func @gather_kernel(%arg0: i32, %arg1: i32, %arg2: memref<20000x128xi32, #tpu.memory_space<hbm>>, %arg3: memref<7680xi32, #tpu.memory_space<hbm>>, %arg4: memref<20000x128xi32, #tpu.memory_space<hbm>>, %arg5: memref<2560xi32, #tpu.memory_space<hbm>>, %arg6: memref<20000x128xi32, #tpu.memory_space<hbm>>, %arg7: memref<2560xi32, #tpu.memory_space<hbm>>, %arg8: memref<20000x128xf32, #tpu.memory_space<hbm>>, %arg9: memref<7680xi32, #tpu.memory_space<hbm>>, %arg10: memref<20000x128xf32, #tpu.memory_space<hbm>>, %arg11: memref<82432xi32, #tpu.memory_space<hbm>>, %arg12: memref<20000x128xf32, #tpu.memory_space<hbm>>, %arg13: memref<2560xi32, #tpu.memory_space<hbm>>, %arg14: memref<7680x128xi32, #tpu.memory_space<hbm>>, %arg15: memref<2560x128xi32, #tpu.memory_space<hbm>>, %arg16: memref<2560x128xi32, #tpu.memory_space<hbm>>, %arg17: memref<7680x128xf32, #tpu.memory_space<hbm>>, %arg18: memref<82432x128xf32, #tpu.memory_space<hbm>>, %arg19: memref<2560x128xf32, #tpu.memory_space<hbm>>, %arg20: memref<48xi32, #tpu.memory_space<vmem>>, %arg21: memref<48x128xi32, #tpu.memory_space<vmem>>, %arg22: memref<48xi32, #tpu.memory_space<vmem>>, %arg23: memref<48x128xi32, #tpu.memory_space<vmem>>, %arg24: memref<40xi32, #tpu.memory_space<vmem>>, %arg25: memref<40x128xi32, #tpu.memory_space<vmem>>, %arg26: memref<40xi32, #tpu.memory_space<vmem>>, %arg27: memref<40x128xi32, #tpu.memory_space<vmem>>, %arg28: memref<40xi32, #tpu.memory_space<vmem>>, %arg29: memref<40x128xi32, #tpu.memory_space<vmem>>, %arg30: memref<40xi32, #tpu.memory_space<vmem>>, %arg31: memref<40x128xi32, #tpu.memory_space<vmem>>, %arg32: memref<48xi32, #tpu.memory_space<vmem>>, %arg33: memref<48x128xf32, #tpu.memory_space<vmem>>, %arg34: memref<48xi32, #tpu.memory_space<vmem>>, %arg35: memref<48x128xf32, #tpu.memory_space<vmem>>, %arg36: memref<56xi32, #tpu.memory_space<vmem>>, %arg37: memref<56x128xf32, #tpu.memory_space<vmem>>, %arg38: memref<56xi32, #tpu.memory_space<vmem>>, %arg39: memref<56x128xf32, #tpu.memory_space<vmem>>, %arg40: memref<40xi32, #tpu.memory_space<vmem>>, %arg41: memref<40x128xf32, #tpu.memory_space<vmem>>, %arg42: memref<40xi32, #tpu.memory_space<vmem>>, %arg43: memref<40x128xf32, #tpu.memory_space<vmem>>, %arg44: memref<!tpu.dma_semaphore, #tpu.memory_space<semaphore_mem>>, %arg45: memref<!tpu.dma_semaphore, #tpu.memory_space<semaphore_mem>>) attributes {dimension_semantics = [#tpu.dimension_semantics<core_parallel>, #tpu.dimension_semantics<subcore_parallel>], iteration_bounds = array<i64: 2, 16>, scalar_prefetch = 0 : i64, scratch_operands = 26 : i64, tpu.core_type = #tpu.core_type<sc_vector_subcore>, window_params = [{transform_indices = #map}, {transform_indices = #map1}, {transform_indices = #map}, {transform_indices = #map1}, {transform_indices = #map}, {transform_indices = #map1}, {transform_indices = #map}, {transform_indices = #map1}, {transform_indices = #map}, {transform_indices = #map1}, {transform_indices = #map}, {transform_indices = #map1}, {transform_indices = #map}, {transform_indices = #map}, {transform_indices = #map}, {transform_indices = #map}, {transform_indices = #map}, {transform_indices = #map}]} {
    %mul3A = arith.constant 2 : i32
    %mul3A_0 = arith.muli %arg1, %mul3A : i32
    %add3A = arith.addi %mul3A_0, %arg0 : i32
    %scan3A = arith.constant 0 : i32
    %scan3A_1 = arith.constant 2 : i32
    %scan3A_2 = arith.addi %scan3A, %scan3A_1 : i32
    %scan3A_3 = arith.constant 1 : i32
    scf.for %scan3A_114 = %scan3A to %scan3A_2 step %scan3A_3  : i32 {
      %mul3A_115 = arith.constant 1 : i32
      %mul3A_116 = arith.muli %scan3A_114, %mul3A_115 : i32
      %add3A_117 = arith.constant 0 : i32
      %add3A_118 = arith.addi %add3A_117, %mul3A_116 : i32
      %mul3A_119 = arith.constant 240 : i32
      %mul3A_120 = arith.muli %add3A, %mul3A_119 : i32
      %mul3A_121 = arith.constant 2 : i32
      %mul3A_122 = arith.muli %mul3A_121, %add3A_118 : i32
      %mul3A_123 = arith.constant 48 : i32
      %mul3A_124 = arith.muli %mul3A_122, %mul3A_123 : i32
      %add3A_125 = arith.addi %mul3A_120, %mul3A_124 : i32
      %add3A_126 = arith.constant 48 : i32
      %add3A_127 = arith.addi %add3A_125, %add3A_126 : i32
      "tpu.region"() ({
        %run_scoped3A = tpu.sem_alloc : memref<!tpu.dma_semaphore, #tpu.memory_space<semaphore_mem>>
        %dma_start3A_140 = tpu.memref_slice %arg3[%add3A_125] : memref<7680xi32, #tpu.memory_space<hbm>> -> memref<48xi32, #tpu.memory_space<hbm>>
        %dma_start3A_141 = tpu.memref_slice %arg3[%add3A_125] : memref<7680xi32, #tpu.memory_space<hbm>> -> memref<48xi32, #tpu.memory_space<hbm>>
        tpu.enqueue_dma source(%dma_start3A_141 : memref<48xi32, #tpu.memory_space<hbm>>) target(%arg20 : memref<48xi32, #tpu.memory_space<vmem>>) target_semaphore(%run_scoped3A : memref<!tpu.dma_semaphore, #tpu.memory_space<semaphore_mem>>)
        %dma_wait3A_142 = tpu.memref_slice %arg3[%add3A_125] : memref<7680xi32, #tpu.memory_space<hbm>> -> memref<48xi32, #tpu.memory_space<hbm>>
        %dma_wait3A_143 = tpu.memref_slice %arg3[%add3A_125] : memref<7680xi32, #tpu.memory_space<hbm>> -> memref<48xi32, #tpu.memory_space<hbm>>
        tpu.wait_dma2 semaphore(%run_scoped3A : memref<!tpu.dma_semaphore, #tpu.memory_space<semaphore_mem>>) src(%dma_wait3A_143 : memref<48xi32, #tpu.memory_space<hbm>>) dst(%arg20 : memref<48xi32, #tpu.memory_space<vmem>>)
        tpu.yield
      }) : () -> ()
      %dma_start3A_128 = arith.constant 0 : i32
      %dma_start3A_129 = arith.constant 0 : i32
      %dma_start3A_130 = tpu.memref_slice %arg2[%dma_start3A_128, %dma_start3A_129] : memref<20000x128xi32, #tpu.memory_space<hbm>> -> memref<20000x128xi32, #tpu.memory_space<hbm>>
      tpu.enqueue_indirect_dma source(%dma_start3A_130 : memref<20000x128xi32, #tpu.memory_space<hbm>>) target(%arg21 : memref<48x128xi32, #tpu.memory_space<vmem>>) offsets(%arg20 : memref<48xi32, #tpu.memory_space<vmem>>) semaphore(%arg44 : memref<!tpu.dma_semaphore, #tpu.memory_space<semaphore_mem>>)
      "tpu.region"() ({
        %run_scoped3A = tpu.sem_alloc : memref<!tpu.dma_semaphore, #tpu.memory_space<semaphore_mem>>
        %dma_start3A_140 = tpu.memref_slice %arg3[%add3A_127] : memref<7680xi32, #tpu.memory_space<hbm>> -> memref<48xi32, #tpu.memory_space<hbm>>
        %dma_start3A_141 = tpu.memref_slice %arg3[%add3A_127] : memref<7680xi32, #tpu.memory_space<hbm>> -> memref<48xi32, #tpu.memory_space<hbm>>
        tpu.enqueue_dma source(%dma_start3A_141 : memref<48xi32, #tpu.memory_space<hbm>>) target(%arg22 : memref<48xi32, #tpu.memory_space<vmem>>) target_semaphore(%run_scoped3A : memref<!tpu.dma_semaphore, #tpu.memory_space<semaphore_mem>>)
        %dma_wait3A_142 = tpu.memref_slice %arg3[%add3A_127] : memref<7680xi32, #tpu.memory_space<hbm>> -> memref<48xi32, #tpu.memory_space<hbm>>
        %dma_wait3A_143 = tpu.memref_slice %arg3[%add3A_127] : memref<7680xi32, #tpu.memory_space<hbm>> -> memref<48xi32, #tpu.memory_space<hbm>>
        tpu.wait_dma2 semaphore(%run_scoped3A : memref<!tpu.dma_semaphore, #tpu.memory_space<semaphore_mem>>) src(%dma_wait3A_143 : memref<48xi32, #tpu.memory_space<hbm>>) dst(%arg22 : memref<48xi32, #tpu.memory_space<vmem>>)
        tpu.yield
      }) : () -> ()
      %dma_start3A_131 = arith.constant 0 : i32
      %dma_start3A_132 = arith.constant 0 : i32
      %dma_start3A_133 = tpu.memref_slice %arg2[%dma_start3A_131, %dma_start3A_132] : memref<20000x128xi32, #tpu.memory_space<hbm>> -> memref<20000x128xi32, #tpu.memory_space<hbm>>
      tpu.enqueue_indirect_dma source(%dma_start3A_133 : memref<20000x128xi32, #tpu.memory_space<hbm>>) target(%arg23 : memref<48x128xi32, #tpu.memory_space<vmem>>) offsets(%arg22 : memref<48xi32, #tpu.memory_space<vmem>>) semaphore(%arg45 : memref<!tpu.dma_semaphore, #tpu.memory_space<semaphore_mem>>)
      %dma_wait3A_134 = arith.constant 0 : i32
      %dma_wait3A_135 = arith.constant 0 : i32
      %dma_wait3A_136 = tpu.memref_slice %arg2[%dma_wait3A_134, %dma_wait3A_135] : memref<20000x128xi32, #tpu.memory_space<hbm>> -> memref<20000x128xi32, #tpu.memory_space<hbm>>
      tpu.wait_indirect_dma semaphore(%arg44 : memref<!tpu.dma_semaphore, #tpu.memory_space<semaphore_mem>>) src(%dma_wait3A_136 : memref<20000x128xi32, #tpu.memory_space<hbm>>) dst(%arg21 : memref<48x128xi32, #tpu.memory_space<vmem>>)
      "tpu.region"() ({
        %run_scoped3A = tpu.sem_alloc : memref<!tpu.dma_semaphore, #tpu.memory_space<semaphore_mem>>
        %dma_start3A_140 = arith.constant 0 : i32
        %dma_start3A_141 = tpu.memref_slice %arg14[%add3A_125, %dma_start3A_140] : memref<7680x128xi32, #tpu.memory_space<hbm>> -> memref<48x128xi32, #tpu.memory_space<hbm>>
        %dma_start3A_142 = arith.constant 0 : i32
        %dma_start3A_143 = tpu.memref_slice %arg14[%add3A_125, %dma_start3A_142] : memref<7680x128xi32, #tpu.memory_space<hbm>> -> memref<48x128xi32, #tpu.memory_space<hbm>>
        tpu.enqueue_dma source(%arg21 : memref<48x128xi32, #tpu.memory_space<vmem>>) target(%dma_start3A_143 : memref<48x128xi32, #tpu.memory_space<hbm>>) target_semaphore(%run_scoped3A : memref<!tpu.dma_semaphore, #tpu.memory_space<semaphore_mem>>)
        %dma_wait3A_144 = arith.constant 0 : i32
        %dma_wait3A_145 = tpu.memref_slice %arg14[%add3A_125, %dma_wait3A_144] : memref<7680x128xi32, #tpu.memory_space<hbm>> -> memref<48x128xi32, #tpu.memory_space<hbm>>
        %dma_wait3A_146 = arith.constant 0 : i32
        %dma_wait3A_147 = tpu.memref_slice %arg14[%add3A_125, %dma_wait3A_146] : memref<7680x128xi32, #tpu.memory_space<hbm>> -> memref<48x128xi32, #tpu.memory_space<hbm>>
        tpu.wait_dma2 semaphore(%run_scoped3A : memref<!tpu.dma_semaphore, #tpu.memory_space<semaphore_mem>>) src(%arg21 : memref<48x128xi32, #tpu.memory_space<vmem>>) dst(%dma_wait3A_147 : memref<48x128xi32, #tpu.memory_space<hbm>>)
        tpu.yield
      }) : () -> ()
      %dma_wait3A_137 = arith.constant 0 : i32
      %dma_wait3A_138 = arith.constant 0 : i32
      %dma_wait3A_139 = tpu.memref_slice %arg2[%dma_wait3A_137, %dma_wait3A_138] : memref<20000x128xi32, #tpu.memory_space<hbm>> -> memref<20000x128xi32, #tpu.memory_space<hbm>>
      tpu.wait_indirect_dma semaphore(%arg45 : memref<!tpu.dma_semaphore, #tpu.memory_space<semaphore_mem>>) src(%dma_wait3A_139 : memref<20000x128xi32, #tpu.memory_space<hbm>>) dst(%arg23 : memref<48x128xi32, #tpu.memory_space<vmem>>)
      "tpu.region"() ({
        %run_scoped3A = tpu.sem_alloc : memref<!tpu.dma_semaphore, #tpu.memory_space<semaphore_mem>>
        %dma_start3A_140 = arith.constant 0 : i32
        %dma_start3A_141 = tpu.memref_slice %arg14[%add3A_127, %dma_start3A_140] : memref<7680x128xi32, #tpu.memory_space<hbm>> -> memref<48x128xi32, #tpu.memory_space<hbm>>
        %dma_start3A_142 = arith.constant 0 : i32
        %dma_start3A_143 = tpu.memref_slice %arg14[%add3A_127, %dma_start3A_142] : memref<7680x128xi32, #tpu.memory_space<hbm>> -> memref<48x128xi32, #tpu.memory_space<hbm>>
        tpu.enqueue_dma source(%arg23 : memref<48x128xi32, #tpu.memory_space<vmem>>) target(%dma_start3A_143 : memref<48x128xi32, #tpu.memory_space<hbm>>) target_semaphore(%run_scoped3A : memref<!tpu.dma_semaphore, #tpu.memory_space<semaphore_mem>>)
        %dma_wait3A_144 = arith.constant 0 : i32
        %dma_wait3A_145 = tpu.memref_slice %arg14[%add3A_127, %dma_wait3A_144] : memref<7680x128xi32, #tpu.memory_space<hbm>> -> memref<48x128xi32, #tpu.memory_space<hbm>>
        %dma_wait3A_146 = arith.constant 0 : i32
        %dma_wait3A_147 = tpu.memref_slice %arg14[%add3A_127, %dma_wait3A_146] : memref<7680x128xi32, #tpu.memory_space<hbm>> -> memref<48x128xi32, #tpu.memory_space<hbm>>
        tpu.wait_dma2 semaphore(%run_scoped3A : memref<!tpu.dma_semaphore, #tpu.memory_space<semaphore_mem>>) src(%arg23 : memref<48x128xi32, #tpu.memory_space<vmem>>) dst(%dma_wait3A_147 : memref<48x128xi32, #tpu.memory_space<hbm>>)
        tpu.yield
      }) : () -> ()
    }
    %scan3A_4 = arith.constant 2 : i32
    %mul3A_5 = arith.constant 240 : i32
    %mul3A_6 = arith.muli %add3A, %mul3A_5 : i32
    %add3A_7 = arith.constant 192 : i32
    %add3A_8 = arith.addi %mul3A_6, %add3A_7 : i32
    "tpu.region"() ({
      %run_scoped3A = tpu.sem_alloc : memref<!tpu.dma_semaphore, #tpu.memory_space<semaphore_mem>>
      %dma_start3A_114 = tpu.memref_slice %arg3[%add3A_8] : memref<7680xi32, #tpu.memory_space<hbm>> -> memref<48xi32, #tpu.memory_space<hbm>>
      %dma_start3A_115 = tpu.memref_slice %arg3[%add3A_8] : memref<7680xi32, #tpu.memory_space<hbm>> -> memref<48xi32, #tpu.memory_space<hbm>>
      tpu.enqueue_dma source(%dma_start3A_115 : memref<48xi32, #tpu.memory_space<hbm>>) target(%arg20 : memref<48xi32, #tpu.memory_space<vmem>>) target_semaphore(%run_scoped3A : memref<!tpu.dma_semaphore, #tpu.memory_space<semaphore_mem>>)
      %dma_wait3A_116 = tpu.memref_slice %arg3[%add3A_8] : memref<7680xi32, #tpu.memory_space<hbm>> -> memref<48xi32, #tpu.memory_space<hbm>>
      %dma_wait3A_117 = tpu.memref_slice %arg3[%add3A_8] : memref<7680xi32, #tpu.memory_space<hbm>> -> memref<48xi32, #tpu.memory_space<hbm>>
      tpu.wait_dma2 semaphore(%run_scoped3A : memref<!tpu.dma_semaphore, #tpu.memory_space<semaphore_mem>>) src(%dma_wait3A_117 : memref<48xi32, #tpu.memory_space<hbm>>) dst(%arg20 : memref<48xi32, #tpu.memory_space<vmem>>)
      tpu.yield
    }) : () -> ()
    %dma_start3A = arith.constant 0 : i32
    %dma_start3A_9 = arith.constant 0 : i32
    %dma_start3A_10 = tpu.memref_slice %arg2[%dma_start3A, %dma_start3A_9] : memref<20000x128xi32, #tpu.memory_space<hbm>> -> memref<20000x128xi32, #tpu.memory_space<hbm>>
    tpu.enqueue_indirect_dma source(%dma_start3A_10 : memref<20000x128xi32, #tpu.memory_space<hbm>>) target(%arg21 : memref<48x128xi32, #tpu.memory_space<vmem>>) offsets(%arg20 : memref<48xi32, #tpu.memory_space<vmem>>) semaphore(%arg44 : memref<!tpu.dma_semaphore, #tpu.memory_space<semaphore_mem>>)
    %dma_wait3A = arith.constant 0 : i32
    %dma_wait3A_11 = arith.constant 0 : i32
    %dma_wait3A_12 = tpu.memref_slice %arg2[%dma_wait3A, %dma_wait3A_11] : memref<20000x128xi32, #tpu.memory_space<hbm>> -> memref<20000x128xi32, #tpu.memory_space<hbm>>
    tpu.wait_indirect_dma semaphore(%arg44 : memref<!tpu.dma_semaphore, #tpu.memory_space<semaphore_mem>>) src(%dma_wait3A_12 : memref<20000x128xi32, #tpu.memory_space<hbm>>) dst(%arg21 : memref<48x128xi32, #tpu.memory_space<vmem>>)
    "tpu.region"() ({
      %run_scoped3A = tpu.sem_alloc : memref<!tpu.dma_semaphore, #tpu.memory_space<semaphore_mem>>
      %dma_start3A_114 = arith.constant 0 : i32
      %dma_start3A_115 = tpu.memref_slice %arg14[%add3A_8, %dma_start3A_114] : memref<7680x128xi32, #tpu.memory_space<hbm>> -> memref<48x128xi32, #tpu.memory_space<hbm>>
      %dma_start3A_116 = arith.constant 0 : i32
      %dma_start3A_117 = tpu.memref_slice %arg14[%add3A_8, %dma_start3A_116] : memref<7680x128xi32, #tpu.memory_space<hbm>> -> memref<48x128xi32, #tpu.memory_space<hbm>>
      tpu.enqueue_dma source(%arg21 : memref<48x128xi32, #tpu.memory_space<vmem>>) target(%dma_start3A_117 : memref<48x128xi32, #tpu.memory_space<hbm>>) target_semaphore(%run_scoped3A : memref<!tpu.dma_semaphore, #tpu.memory_space<semaphore_mem>>)
      %dma_wait3A_118 = arith.constant 0 : i32
      %dma_wait3A_119 = tpu.memref_slice %arg14[%add3A_8, %dma_wait3A_118] : memref<7680x128xi32, #tpu.memory_space<hbm>> -> memref<48x128xi32, #tpu.memory_space<hbm>>
      %dma_wait3A_120 = arith.constant 0 : i32
      %dma_wait3A_121 = tpu.memref_slice %arg14[%add3A_8, %dma_wait3A_120] : memref<7680x128xi32, #tpu.memory_space<hbm>> -> memref<48x128xi32, #tpu.memory_space<hbm>>
      tpu.wait_dma2 semaphore(%run_scoped3A : memref<!tpu.dma_semaphore, #tpu.memory_space<semaphore_mem>>) src(%arg21 : memref<48x128xi32, #tpu.memory_space<vmem>>) dst(%dma_wait3A_121 : memref<48x128xi32, #tpu.memory_space<hbm>>)
      tpu.yield
    }) : () -> ()
    %scan3A_13 = arith.constant 0 : i32
    %mul3A_14 = arith.constant 1 : i32
    %mul3A_15 = arith.muli %scan3A_13, %mul3A_14 : i32
    %add3A_16 = arith.constant 0 : i32
    %add3A_17 = arith.addi %add3A_16, %mul3A_15 : i32
    %mul3A_18 = arith.constant 80 : i32
    %mul3A_19 = arith.muli %add3A, %mul3A_18 : i32
    %mul3A_20 = arith.constant 2 : i32
    %mul3A_21 = arith.muli %mul3A_20, %add3A_17 : i32
    %mul3A_22 = arith.constant 40 : i32
    %mul3A_23 = arith.muli %mul3A_21, %mul3A_22 : i32
    %add3A_24 = arith.addi %mul3A_19, %mul3A_23 : i32
    %add3A_25 = arith.constant 40 : i32
    %add3A_26 = arith.addi %add3A_24, %add3A_25 : i32
    "tpu.region"() ({
      %run_scoped3A = tpu.sem_alloc : memref<!tpu.dma_semaphore, #tpu.memory_space<semaphore_mem>>
      %dma_start3A_114 = tpu.memref_slice %arg5[%add3A_24] : memref<2560xi32, #tpu.memory_space<hbm>> -> memref<40xi32, #tpu.memory_space<hbm>>
      %dma_start3A_115 = tpu.memref_slice %arg5[%add3A_24] : memref<2560xi32, #tpu.memory_space<hbm>> -> memref<40xi32, #tpu.memory_space<hbm>>
      tpu.enqueue_dma source(%dma_start3A_115 : memref<40xi32, #tpu.memory_space<hbm>>) target(%arg24 : memref<40xi32, #tpu.memory_space<vmem>>) target_semaphore(%run_scoped3A : memref<!tpu.dma_semaphore, #tpu.memory_space<semaphore_mem>>)
      %dma_wait3A_116 = tpu.memref_slice %arg5[%add3A_24] : memref<2560xi32, #tpu.memory_space<hbm>> -> memref<40xi32, #tpu.memory_space<hbm>>
      %dma_wait3A_117 = tpu.memref_slice %arg5[%add3A_24] : memref<2560xi32, #tpu.memory_space<hbm>> -> memref<40xi32, #tpu.memory_space<hbm>>
      tpu.wait_dma2 semaphore(%run_scoped3A : memref<!tpu.dma_semaphore, #tpu.memory_space<semaphore_mem>>) src(%dma_wait3A_117 : memref<40xi32, #tpu.memory_space<hbm>>) dst(%arg24 : memref<40xi32, #tpu.memory_space<vmem>>)
      tpu.yield
    }) : () -> ()
    %dma_start3A_27 = arith.constant 0 : i32
    %dma_start3A_28 = arith.constant 0 : i32
    %dma_start3A_29 = tpu.memref_slice %arg4[%dma_start3A_27, %dma_start3A_28] : memref<20000x128xi32, #tpu.memory_space<hbm>> -> memref<20000x128xi32, #tpu.memory_space<hbm>>
    tpu.enqueue_indirect_dma source(%dma_start3A_29 : memref<20000x128xi32, #tpu.memory_space<hbm>>) target(%arg25 : memref<40x128xi32, #tpu.memory_space<vmem>>) offsets(%arg24 : memref<40xi32, #tpu.memory_space<vmem>>) semaphore(%arg44 : memref<!tpu.dma_semaphore, #tpu.memory_space<semaphore_mem>>)
    "tpu.region"() ({
      %run_scoped3A = tpu.sem_alloc : memref<!tpu.dma_semaphore, #tpu.memory_space<semaphore_mem>>
      %dma_start3A_114 = tpu.memref_slice %arg5[%add3A_26] : memref<2560xi32, #tpu.memory_space<hbm>> -> memref<40xi32, #tpu.memory_space<hbm>>
      %dma_start3A_115 = tpu.memref_slice %arg5[%add3A_26] : memref<2560xi32, #tpu.memory_space<hbm>> -> memref<40xi32, #tpu.memory_space<hbm>>
      tpu.enqueue_dma source(%dma_start3A_115 : memref<40xi32, #tpu.memory_space<hbm>>) target(%arg26 : memref<40xi32, #tpu.memory_space<vmem>>) target_semaphore(%run_scoped3A : memref<!tpu.dma_semaphore, #tpu.memory_space<semaphore_mem>>)
      %dma_wait3A_116 = tpu.memref_slice %arg5[%add3A_26] : memref<2560xi32, #tpu.memory_space<hbm>> -> memref<40xi32, #tpu.memory_space<hbm>>
      %dma_wait3A_117 = tpu.memref_slice %arg5[%add3A_26] : memref<2560xi32, #tpu.memory_space<hbm>> -> memref<40xi32, #tpu.memory_space<hbm>>
      tpu.wait_dma2 semaphore(%run_scoped3A : memref<!tpu.dma_semaphore, #tpu.memory_space<semaphore_mem>>) src(%dma_wait3A_117 : memref<40xi32, #tpu.memory_space<hbm>>) dst(%arg26 : memref<40xi32, #tpu.memory_space<vmem>>)
      tpu.yield
    }) : () -> ()
    %dma_start3A_30 = arith.constant 0 : i32
    %dma_start3A_31 = arith.constant 0 : i32
    %dma_start3A_32 = tpu.memref_slice %arg4[%dma_start3A_30, %dma_start3A_31] : memref<20000x128xi32, #tpu.memory_space<hbm>> -> memref<20000x128xi32, #tpu.memory_space<hbm>>
    tpu.enqueue_indirect_dma source(%dma_start3A_32 : memref<20000x128xi32, #tpu.memory_space<hbm>>) target(%arg27 : memref<40x128xi32, #tpu.memory_space<vmem>>) offsets(%arg26 : memref<40xi32, #tpu.memory_space<vmem>>) semaphore(%arg45 : memref<!tpu.dma_semaphore, #tpu.memory_space<semaphore_mem>>)
    %dma_wait3A_33 = arith.constant 0 : i32
    %dma_wait3A_34 = arith.constant 0 : i32
    %dma_wait3A_35 = tpu.memref_slice %arg4[%dma_wait3A_33, %dma_wait3A_34] : memref<20000x128xi32, #tpu.memory_space<hbm>> -> memref<20000x128xi32, #tpu.memory_space<hbm>>
    tpu.wait_indirect_dma semaphore(%arg44 : memref<!tpu.dma_semaphore, #tpu.memory_space<semaphore_mem>>) src(%dma_wait3A_35 : memref<20000x128xi32, #tpu.memory_space<hbm>>) dst(%arg25 : memref<40x128xi32, #tpu.memory_space<vmem>>)
    "tpu.region"() ({
      %run_scoped3A = tpu.sem_alloc : memref<!tpu.dma_semaphore, #tpu.memory_space<semaphore_mem>>
      %dma_start3A_114 = arith.constant 0 : i32
      %dma_start3A_115 = tpu.memref_slice %arg15[%add3A_24, %dma_start3A_114] : memref<2560x128xi32, #tpu.memory_space<hbm>> -> memref<40x128xi32, #tpu.memory_space<hbm>>
      %dma_start3A_116 = arith.constant 0 : i32
      %dma_start3A_117 = tpu.memref_slice %arg15[%add3A_24, %dma_start3A_116] : memref<2560x128xi32, #tpu.memory_space<hbm>> -> memref<40x128xi32, #tpu.memory_space<hbm>>
      tpu.enqueue_dma source(%arg25 : memref<40x128xi32, #tpu.memory_space<vmem>>) target(%dma_start3A_117 : memref<40x128xi32, #tpu.memory_space<hbm>>) target_semaphore(%run_scoped3A : memref<!tpu.dma_semaphore, #tpu.memory_space<semaphore_mem>>)
      %dma_wait3A_118 = arith.constant 0 : i32
      %dma_wait3A_119 = tpu.memref_slice %arg15[%add3A_24, %dma_wait3A_118] : memref<2560x128xi32, #tpu.memory_space<hbm>> -> memref<40x128xi32, #tpu.memory_space<hbm>>
      %dma_wait3A_120 = arith.constant 0 : i32
      %dma_wait3A_121 = tpu.memref_slice %arg15[%add3A_24, %dma_wait3A_120] : memref<2560x128xi32, #tpu.memory_space<hbm>> -> memref<40x128xi32, #tpu.memory_space<hbm>>
      tpu.wait_dma2 semaphore(%run_scoped3A : memref<!tpu.dma_semaphore, #tpu.memory_space<semaphore_mem>>) src(%arg25 : memref<40x128xi32, #tpu.memory_space<vmem>>) dst(%dma_wait3A_121 : memref<40x128xi32, #tpu.memory_space<hbm>>)
      tpu.yield
    }) : () -> ()
    %dma_wait3A_36 = arith.constant 0 : i32
    %dma_wait3A_37 = arith.constant 0 : i32
    %dma_wait3A_38 = tpu.memref_slice %arg4[%dma_wait3A_36, %dma_wait3A_37] : memref<20000x128xi32, #tpu.memory_space<hbm>> -> memref<20000x128xi32, #tpu.memory_space<hbm>>
    tpu.wait_indirect_dma semaphore(%arg45 : memref<!tpu.dma_semaphore, #tpu.memory_space<semaphore_mem>>) src(%dma_wait3A_38 : memref<20000x128xi32, #tpu.memory_space<hbm>>) dst(%arg27 : memref<40x128xi32, #tpu.memory_space<vmem>>)
    "tpu.region"() ({
      %run_scoped3A = tpu.sem_alloc : memref<!tpu.dma_semaphore, #tpu.memory_space<semaphore_mem>>
      %dma_start3A_114 = arith.constant 0 : i32
      %dma_start3A_115 = tpu.memref_slice %arg15[%add3A_26, %dma_start3A_114] : memref<2560x128xi32, #tpu.memory_space<hbm>> -> memref<40x128xi32, #tpu.memory_space<hbm>>
      %dma_start3A_116 = arith.constant 0 : i32
      %dma_start3A_117 = tpu.memref_slice %arg15[%add3A_26, %dma_start3A_116] : memref<2560x128xi32, #tpu.memory_space<hbm>> -> memref<40x128xi32, #tpu.memory_space<hbm>>
      tpu.enqueue_dma source(%arg27 : memref<40x128xi32, #tpu.memory_space<vmem>>) target(%dma_start3A_117 : memref<40x128xi32, #tpu.memory_space<hbm>>) target_semaphore(%run_scoped3A : memref<!tpu.dma_semaphore, #tpu.memory_space<semaphore_mem>>)
      %dma_wait3A_118 = arith.constant 0 : i32
      %dma_wait3A_119 = tpu.memref_slice %arg15[%add3A_26, %dma_wait3A_118] : memref<2560x128xi32, #tpu.memory_space<hbm>> -> memref<40x128xi32, #tpu.memory_space<hbm>>
      %dma_wait3A_120 = arith.constant 0 : i32
      %dma_wait3A_121 = tpu.memref_slice %arg15[%add3A_26, %dma_wait3A_120] : memref<2560x128xi32, #tpu.memory_space<hbm>> -> memref<40x128xi32, #tpu.memory_space<hbm>>
      tpu.wait_dma2 semaphore(%run_scoped3A : memref<!tpu.dma_semaphore, #tpu.memory_space<semaphore_mem>>) src(%arg27 : memref<40x128xi32, #tpu.memory_space<vmem>>) dst(%dma_wait3A_121 : memref<40x128xi32, #tpu.memory_space<hbm>>)
      tpu.yield
    }) : () -> ()
    %scan3A_39 = arith.constant 1 : i32
    %scan3A_40 = arith.constant 0 : i32
    %mul3A_41 = arith.constant 1 : i32
    %mul3A_42 = arith.muli %scan3A_40, %mul3A_41 : i32
    %add3A_43 = arith.constant 0 : i32
    %add3A_44 = arith.addi %add3A_43, %mul3A_42 : i32
    %mul3A_45 = arith.constant 80 : i32
    %mul3A_46 = arith.muli %add3A, %mul3A_45 : i32
    %mul3A_47 = arith.constant 2 : i32
    %mul3A_48 = arith.muli %mul3A_47, %add3A_44 : i32
    %mul3A_49 = arith.constant 40 : i32
    %mul3A_50 = arith.muli %mul3A_48, %mul3A_49 : i32
    %add3A_51 = arith.addi %mul3A_46, %mul3A_50 : i32
    %add3A_52 = arith.constant 40 : i32
    %add3A_53 = arith.addi %add3A_51, %add3A_52 : i32
    "tpu.region"() ({
      %run_scoped3A = tpu.sem_alloc : memref<!tpu.dma_semaphore, #tpu.memory_space<semaphore_mem>>
      %dma_start3A_114 = tpu.memref_slice %arg7[%add3A_51] : memref<2560xi32, #tpu.memory_space<hbm>> -> memref<40xi32, #tpu.memory_space<hbm>>
      %dma_start3A_115 = tpu.memref_slice %arg7[%add3A_51] : memref<2560xi32, #tpu.memory_space<hbm>> -> memref<40xi32, #tpu.memory_space<hbm>>
      tpu.enqueue_dma source(%dma_start3A_115 : memref<40xi32, #tpu.memory_space<hbm>>) target(%arg28 : memref<40xi32, #tpu.memory_space<vmem>>) target_semaphore(%run_scoped3A : memref<!tpu.dma_semaphore, #tpu.memory_space<semaphore_mem>>)
      %dma_wait3A_116 = tpu.memref_slice %arg7[%add3A_51] : memref<2560xi32, #tpu.memory_space<hbm>> -> memref<40xi32, #tpu.memory_space<hbm>>
      %dma_wait3A_117 = tpu.memref_slice %arg7[%add3A_51] : memref<2560xi32, #tpu.memory_space<hbm>> -> memref<40xi32, #tpu.memory_space<hbm>>
      tpu.wait_dma2 semaphore(%run_scoped3A : memref<!tpu.dma_semaphore, #tpu.memory_space<semaphore_mem>>) src(%dma_wait3A_117 : memref<40xi32, #tpu.memory_space<hbm>>) dst(%arg28 : memref<40xi32, #tpu.memory_space<vmem>>)
      tpu.yield
    }) : () -> ()
    %dma_start3A_54 = arith.constant 0 : i32
    %dma_start3A_55 = arith.constant 0 : i32
    %dma_start3A_56 = tpu.memref_slice %arg6[%dma_start3A_54, %dma_start3A_55] : memref<20000x128xi32, #tpu.memory_space<hbm>> -> memref<20000x128xi32, #tpu.memory_space<hbm>>
    tpu.enqueue_indirect_dma source(%dma_start3A_56 : memref<20000x128xi32, #tpu.memory_space<hbm>>) target(%arg29 : memref<40x128xi32, #tpu.memory_space<vmem>>) offsets(%arg28 : memref<40xi32, #tpu.memory_space<vmem>>) semaphore(%arg44 : memref<!tpu.dma_semaphore, #tpu.memory_space<semaphore_mem>>)
    "tpu.region"() ({
      %run_scoped3A = tpu.sem_alloc : memref<!tpu.dma_semaphore, #tpu.memory_space<semaphore_mem>>
      %dma_start3A_114 = tpu.memref_slice %arg7[%add3A_53] : memref<2560xi32, #tpu.memory_space<hbm>> -> memref<40xi32, #tpu.memory_space<hbm>>
      %dma_start3A_115 = tpu.memref_slice %arg7[%add3A_53] : memref<2560xi32, #tpu.memory_space<hbm>> -> memref<40xi32, #tpu.memory_space<hbm>>
      tpu.enqueue_dma source(%dma_start3A_115 : memref<40xi32, #tpu.memory_space<hbm>>) target(%arg30 : memref<40xi32, #tpu.memory_space<vmem>>) target_semaphore(%run_scoped3A : memref<!tpu.dma_semaphore, #tpu.memory_space<semaphore_mem>>)
      %dma_wait3A_116 = tpu.memref_slice %arg7[%add3A_53] : memref<2560xi32, #tpu.memory_space<hbm>> -> memref<40xi32, #tpu.memory_space<hbm>>
      %dma_wait3A_117 = tpu.memref_slice %arg7[%add3A_53] : memref<2560xi32, #tpu.memory_space<hbm>> -> memref<40xi32, #tpu.memory_space<hbm>>
      tpu.wait_dma2 semaphore(%run_scoped3A : memref<!tpu.dma_semaphore, #tpu.memory_space<semaphore_mem>>) src(%dma_wait3A_117 : memref<40xi32, #tpu.memory_space<hbm>>) dst(%arg30 : memref<40xi32, #tpu.memory_space<vmem>>)
      tpu.yield
    }) : () -> ()
    %dma_start3A_57 = arith.constant 0 : i32
    %dma_start3A_58 = arith.constant 0 : i32
    %dma_start3A_59 = tpu.memref_slice %arg6[%dma_start3A_57, %dma_start3A_58] : memref<20000x128xi32, #tpu.memory_space<hbm>> -> memref<20000x128xi32, #tpu.memory_space<hbm>>
    tpu.enqueue_indirect_dma source(%dma_start3A_59 : memref<20000x128xi32, #tpu.memory_space<hbm>>) target(%arg31 : memref<40x128xi32, #tpu.memory_space<vmem>>) offsets(%arg30 : memref<40xi32, #tpu.memory_space<vmem>>) semaphore(%arg45 : memref<!tpu.dma_semaphore, #tpu.memory_space<semaphore_mem>>)
    %dma_wait3A_60 = arith.constant 0 : i32
    %dma_wait3A_61 = arith.constant 0 : i32
    %dma_wait3A_62 = tpu.memref_slice %arg6[%dma_wait3A_60, %dma_wait3A_61] : memref<20000x128xi32, #tpu.memory_space<hbm>> -> memref<20000x128xi32, #tpu.memory_space<hbm>>
    tpu.wait_indirect_dma semaphore(%arg44 : memref<!tpu.dma_semaphore, #tpu.memory_space<semaphore_mem>>) src(%dma_wait3A_62 : memref<20000x128xi32, #tpu.memory_space<hbm>>) dst(%arg29 : memref<40x128xi32, #tpu.memory_space<vmem>>)
    "tpu.region"() ({
      %run_scoped3A = tpu.sem_alloc : memref<!tpu.dma_semaphore, #tpu.memory_space<semaphore_mem>>
      %dma_start3A_114 = arith.constant 0 : i32
      %dma_start3A_115 = tpu.memref_slice %arg16[%add3A_51, %dma_start3A_114] : memref<2560x128xi32, #tpu.memory_space<hbm>> -> memref<40x128xi32, #tpu.memory_space<hbm>>
      %dma_start3A_116 = arith.constant 0 : i32
      %dma_start3A_117 = tpu.memref_slice %arg16[%add3A_51, %dma_start3A_116] : memref<2560x128xi32, #tpu.memory_space<hbm>> -> memref<40x128xi32, #tpu.memory_space<hbm>>
      tpu.enqueue_dma source(%arg29 : memref<40x128xi32, #tpu.memory_space<vmem>>) target(%dma_start3A_117 : memref<40x128xi32, #tpu.memory_space<hbm>>) target_semaphore(%run_scoped3A : memref<!tpu.dma_semaphore, #tpu.memory_space<semaphore_mem>>)
      %dma_wait3A_118 = arith.constant 0 : i32
      %dma_wait3A_119 = tpu.memref_slice %arg16[%add3A_51, %dma_wait3A_118] : memref<2560x128xi32, #tpu.memory_space<hbm>> -> memref<40x128xi32, #tpu.memory_space<hbm>>
      %dma_wait3A_120 = arith.constant 0 : i32
      %dma_wait3A_121 = tpu.memref_slice %arg16[%add3A_51, %dma_wait3A_120] : memref<2560x128xi32, #tpu.memory_space<hbm>> -> memref<40x128xi32, #tpu.memory_space<hbm>>
      tpu.wait_dma2 semaphore(%run_scoped3A : memref<!tpu.dma_semaphore, #tpu.memory_space<semaphore_mem>>) src(%arg29 : memref<40x128xi32, #tpu.memory_space<vmem>>) dst(%dma_wait3A_121 : memref<40x128xi32, #tpu.memory_space<hbm>>)
      tpu.yield
    }) : () -> ()
    %dma_wait3A_63 = arith.constant 0 : i32
    %dma_wait3A_64 = arith.constant 0 : i32
    %dma_wait3A_65 = tpu.memref_slice %arg6[%dma_wait3A_63, %dma_wait3A_64] : memref<20000x128xi32, #tpu.memory_space<hbm>> -> memref<20000x128xi32, #tpu.memory_space<hbm>>
    tpu.wait_indirect_dma semaphore(%arg45 : memref<!tpu.dma_semaphore, #tpu.memory_space<semaphore_mem>>) src(%dma_wait3A_65 : memref<20000x128xi32, #tpu.memory_space<hbm>>) dst(%arg31 : memref<40x128xi32, #tpu.memory_space<vmem>>)
    "tpu.region"() ({
      %run_scoped3A = tpu.sem_alloc : memref<!tpu.dma_semaphore, #tpu.memory_space<semaphore_mem>>
      %dma_start3A_114 = arith.constant 0 : i32
      %dma_start3A_115 = tpu.memref_slice %arg16[%add3A_53, %dma_start3A_114] : memref<2560x128xi32, #tpu.memory_space<hbm>> -> memref<40x128xi32, #tpu.memory_space<hbm>>
      %dma_start3A_116 = arith.constant 0 : i32
      %dma_start3A_117 = tpu.memref_slice %arg16[%add3A_53, %dma_start3A_116] : memref<2560x128xi32, #tpu.memory_space<hbm>> -> memref<40x128xi32, #tpu.memory_space<hbm>>
      tpu.enqueue_dma source(%arg31 : memref<40x128xi32, #tpu.memory_space<vmem>>) target(%dma_start3A_117 : memref<40x128xi32, #tpu.memory_space<hbm>>) target_semaphore(%run_scoped3A : memref<!tpu.dma_semaphore, #tpu.memory_space<semaphore_mem>>)
      %dma_wait3A_118 = arith.constant 0 : i32
      %dma_wait3A_119 = tpu.memref_slice %arg16[%add3A_53, %dma_wait3A_118] : memref<2560x128xi32, #tpu.memory_space<hbm>> -> memref<40x128xi32, #tpu.memory_space<hbm>>
      %dma_wait3A_120 = arith.constant 0 : i32
      %dma_wait3A_121 = tpu.memref_slice %arg16[%add3A_53, %dma_wait3A_120] : memref<2560x128xi32, #tpu.memory_space<hbm>> -> memref<40x128xi32, #tpu.memory_space<hbm>>
      tpu.wait_dma2 semaphore(%run_scoped3A : memref<!tpu.dma_semaphore, #tpu.memory_space<semaphore_mem>>) src(%arg31 : memref<40x128xi32, #tpu.memory_space<vmem>>) dst(%dma_wait3A_121 : memref<40x128xi32, #tpu.memory_space<hbm>>)
      tpu.yield
    }) : () -> ()
    %scan3A_66 = arith.constant 1 : i32
    %scan3A_67 = arith.constant 0 : i32
    %scan3A_68 = arith.constant 2 : i32
    %scan3A_69 = arith.addi %scan3A_67, %scan3A_68 : i32
    %scan3A_70 = arith.constant 1 : i32
    scf.for %scan3A_114 = %scan3A_67 to %scan3A_69 step %scan3A_70  : i32 {
      %mul3A_115 = arith.constant 1 : i32
      %mul3A_116 = arith.muli %scan3A_114, %mul3A_115 : i32
      %add3A_117 = arith.constant 0 : i32
      %add3A_118 = arith.addi %add3A_117, %mul3A_116 : i32
      %mul3A_119 = arith.constant 240 : i32
      %mul3A_120 = arith.muli %add3A, %mul3A_119 : i32
      %mul3A_121 = arith.constant 2 : i32
      %mul3A_122 = arith.muli %mul3A_121, %add3A_118 : i32
      %mul3A_123 = arith.constant 48 : i32
      %mul3A_124 = arith.muli %mul3A_122, %mul3A_123 : i32
      %add3A_125 = arith.addi %mul3A_120, %mul3A_124 : i32
      %add3A_126 = arith.constant 48 : i32
      %add3A_127 = arith.addi %add3A_125, %add3A_126 : i32
      "tpu.region"() ({
        %run_scoped3A = tpu.sem_alloc : memref<!tpu.dma_semaphore, #tpu.memory_space<semaphore_mem>>
        %dma_start3A_140 = tpu.memref_slice %arg9[%add3A_125] : memref<7680xi32, #tpu.memory_space<hbm>> -> memref<48xi32, #tpu.memory_space<hbm>>
        %dma_start3A_141 = tpu.memref_slice %arg9[%add3A_125] : memref<7680xi32, #tpu.memory_space<hbm>> -> memref<48xi32, #tpu.memory_space<hbm>>
        tpu.enqueue_dma source(%dma_start3A_141 : memref<48xi32, #tpu.memory_space<hbm>>) target(%arg32 : memref<48xi32, #tpu.memory_space<vmem>>) target_semaphore(%run_scoped3A : memref<!tpu.dma_semaphore, #tpu.memory_space<semaphore_mem>>)
        %dma_wait3A_142 = tpu.memref_slice %arg9[%add3A_125] : memref<7680xi32, #tpu.memory_space<hbm>> -> memref<48xi32, #tpu.memory_space<hbm>>
        %dma_wait3A_143 = tpu.memref_slice %arg9[%add3A_125] : memref<7680xi32, #tpu.memory_space<hbm>> -> memref<48xi32, #tpu.memory_space<hbm>>
        tpu.wait_dma2 semaphore(%run_scoped3A : memref<!tpu.dma_semaphore, #tpu.memory_space<semaphore_mem>>) src(%dma_wait3A_143 : memref<48xi32, #tpu.memory_space<hbm>>) dst(%arg32 : memref<48xi32, #tpu.memory_space<vmem>>)
        tpu.yield
      }) : () -> ()
      %dma_start3A_128 = arith.constant 0 : i32
      %dma_start3A_129 = arith.constant 0 : i32
      %dma_start3A_130 = tpu.memref_slice %arg8[%dma_start3A_128, %dma_start3A_129] : memref<20000x128xf32, #tpu.memory_space<hbm>> -> memref<20000x128xf32, #tpu.memory_space<hbm>>
      tpu.enqueue_indirect_dma source(%dma_start3A_130 : memref<20000x128xf32, #tpu.memory_space<hbm>>) target(%arg33 : memref<48x128xf32, #tpu.memory_space<vmem>>) offsets(%arg32 : memref<48xi32, #tpu.memory_space<vmem>>) semaphore(%arg44 : memref<!tpu.dma_semaphore, #tpu.memory_space<semaphore_mem>>)
      "tpu.region"() ({
        %run_scoped3A = tpu.sem_alloc : memref<!tpu.dma_semaphore, #tpu.memory_space<semaphore_mem>>
        %dma_start3A_140 = tpu.memref_slice %arg9[%add3A_127] : memref<7680xi32, #tpu.memory_space<hbm>> -> memref<48xi32, #tpu.memory_space<hbm>>
        %dma_start3A_141 = tpu.memref_slice %arg9[%add3A_127] : memref<7680xi32, #tpu.memory_space<hbm>> -> memref<48xi32, #tpu.memory_space<hbm>>
        tpu.enqueue_dma source(%dma_start3A_141 : memref<48xi32, #tpu.memory_space<hbm>>) target(%arg34 : memref<48xi32, #tpu.memory_space<vmem>>) target_semaphore(%run_scoped3A : memref<!tpu.dma_semaphore, #tpu.memory_space<semaphore_mem>>)
        %dma_wait3A_142 = tpu.memref_slice %arg9[%add3A_127] : memref<7680xi32, #tpu.memory_space<hbm>> -> memref<48xi32, #tpu.memory_space<hbm>>
        %dma_wait3A_143 = tpu.memref_slice %arg9[%add3A_127] : memref<7680xi32, #tpu.memory_space<hbm>> -> memref<48xi32, #tpu.memory_space<hbm>>
        tpu.wait_dma2 semaphore(%run_scoped3A : memref<!tpu.dma_semaphore, #tpu.memory_space<semaphore_mem>>) src(%dma_wait3A_143 : memref<48xi32, #tpu.memory_space<hbm>>) dst(%arg34 : memref<48xi32, #tpu.memory_space<vmem>>)
        tpu.yield
      }) : () -> ()
      %dma_start3A_131 = arith.constant 0 : i32
      %dma_start3A_132 = arith.constant 0 : i32
      %dma_start3A_133 = tpu.memref_slice %arg8[%dma_start3A_131, %dma_start3A_132] : memref<20000x128xf32, #tpu.memory_space<hbm>> -> memref<20000x128xf32, #tpu.memory_space<hbm>>
      tpu.enqueue_indirect_dma source(%dma_start3A_133 : memref<20000x128xf32, #tpu.memory_space<hbm>>) target(%arg35 : memref<48x128xf32, #tpu.memory_space<vmem>>) offsets(%arg34 : memref<48xi32, #tpu.memory_space<vmem>>) semaphore(%arg45 : memref<!tpu.dma_semaphore, #tpu.memory_space<semaphore_mem>>)
      %dma_wait3A_134 = arith.constant 0 : i32
      %dma_wait3A_135 = arith.constant 0 : i32
      %dma_wait3A_136 = tpu.memref_slice %arg8[%dma_wait3A_134, %dma_wait3A_135] : memref<20000x128xf32, #tpu.memory_space<hbm>> -> memref<20000x128xf32, #tpu.memory_space<hbm>>
      tpu.wait_indirect_dma semaphore(%arg44 : memref<!tpu.dma_semaphore, #tpu.memory_space<semaphore_mem>>) src(%dma_wait3A_136 : memref<20000x128xf32, #tpu.memory_space<hbm>>) dst(%arg33 : memref<48x128xf32, #tpu.memory_space<vmem>>)
      "tpu.region"() ({
        %run_scoped3A = tpu.sem_alloc : memref<!tpu.dma_semaphore, #tpu.memory_space<semaphore_mem>>
        %dma_start3A_140 = arith.constant 0 : i32
        %dma_start3A_141 = tpu.memref_slice %arg17[%add3A_125, %dma_start3A_140] : memref<7680x128xf32, #tpu.memory_space<hbm>> -> memref<48x128xf32, #tpu.memory_space<hbm>>
        %dma_start3A_142 = arith.constant 0 : i32
        %dma_start3A_143 = tpu.memref_slice %arg17[%add3A_125, %dma_start3A_142] : memref<7680x128xf32, #tpu.memory_space<hbm>> -> memref<48x128xf32, #tpu.memory_space<hbm>>
        tpu.enqueue_dma source(%arg33 : memref<48x128xf32, #tpu.memory_space<vmem>>) target(%dma_start3A_143 : memref<48x128xf32, #tpu.memory_space<hbm>>) target_semaphore(%run_scoped3A : memref<!tpu.dma_semaphore, #tpu.memory_space<semaphore_mem>>)
        %dma_wait3A_144 = arith.constant 0 : i32
        %dma_wait3A_145 = tpu.memref_slice %arg17[%add3A_125, %dma_wait3A_144] : memref<7680x128xf32, #tpu.memory_space<hbm>> -> memref<48x128xf32, #tpu.memory_space<hbm>>
        %dma_wait3A_146 = arith.constant 0 : i32
        %dma_wait3A_147 = tpu.memref_slice %arg17[%add3A_125, %dma_wait3A_146] : memref<7680x128xf32, #tpu.memory_space<hbm>> -> memref<48x128xf32, #tpu.memory_space<hbm>>
        tpu.wait_dma2 semaphore(%run_scoped3A : memref<!tpu.dma_semaphore, #tpu.memory_space<semaphore_mem>>) src(%arg33 : memref<48x128xf32, #tpu.memory_space<vmem>>) dst(%dma_wait3A_147 : memref<48x128xf32, #tpu.memory_space<hbm>>)
        tpu.yield
      }) : () -> ()
      %dma_wait3A_137 = arith.constant 0 : i32
      %dma_wait3A_138 = arith.constant 0 : i32
      %dma_wait3A_139 = tpu.memref_slice %arg8[%dma_wait3A_137, %dma_wait3A_138] : memref<20000x128xf32, #tpu.memory_space<hbm>> -> memref<20000x128xf32, #tpu.memory_space<hbm>>
      tpu.wait_indirect_dma semaphore(%arg45 : memref<!tpu.dma_semaphore, #tpu.memory_space<semaphore_mem>>) src(%dma_wait3A_139 : memref<20000x128xf32, #tpu.memory_space<hbm>>) dst(%arg35 : memref<48x128xf32, #tpu.memory_space<vmem>>)
      "tpu.region"() ({
        %run_scoped3A = tpu.sem_alloc : memref<!tpu.dma_semaphore, #tpu.memory_space<semaphore_mem>>
        %dma_start3A_140 = arith.constant 0 : i32
        %dma_start3A_141 = tpu.memref_slice %arg17[%add3A_127, %dma_start3A_140] : memref<7680x128xf32, #tpu.memory_space<hbm>> -> memref<48x128xf32, #tpu.memory_space<hbm>>
        %dma_start3A_142 = arith.constant 0 : i32
        %dma_start3A_143 = tpu.memref_slice %arg17[%add3A_127, %dma_start3A_142] : memref<7680x128xf32, #tpu.memory_space<hbm>> -> memref<48x128xf32, #tpu.memory_space<hbm>>
        tpu.enqueue_dma source(%arg35 : memref<48x128xf32, #tpu.memory_space<vmem>>) target(%dma_start3A_143 : memref<48x128xf32, #tpu.memory_space<hbm>>) target_semaphore(%run_scoped3A : memref<!tpu.dma_semaphore, #tpu.memory_space<semaphore_mem>>)
        %dma_wait3A_144 = arith.constant 0 : i32
        %dma_wait3A_145 = tpu.memref_slice %arg17[%add3A_127, %dma_wait3A_144] : memref<7680x128xf32, #tpu.memory_space<hbm>> -> memref<48x128xf32, #tpu.memory_space<hbm>>
        %dma_wait3A_146 = arith.constant 0 : i32
        %dma_wait3A_147 = tpu.memref_slice %arg17[%add3A_127, %dma_wait3A_146] : memref<7680x128xf32, #tpu.memory_space<hbm>> -> memref<48x128xf32, #tpu.memory_space<hbm>>
        tpu.wait_dma2 semaphore(%run_scoped3A : memref<!tpu.dma_semaphore, #tpu.memory_space<semaphore_mem>>) src(%arg35 : memref<48x128xf32, #tpu.memory_space<vmem>>) dst(%dma_wait3A_147 : memref<48x128xf32, #tpu.memory_space<hbm>>)
        tpu.yield
      }) : () -> ()
    }
    %scan3A_71 = arith.constant 2 : i32
    %mul3A_72 = arith.constant 240 : i32
    %mul3A_73 = arith.muli %add3A, %mul3A_72 : i32
    %add3A_74 = arith.constant 192 : i32
    %add3A_75 = arith.addi %mul3A_73, %add3A_74 : i32
    "tpu.region"() ({
      %run_scoped3A = tpu.sem_alloc : memref<!tpu.dma_semaphore, #tpu.memory_space<semaphore_mem>>
      %dma_start3A_114 = tpu.memref_slice %arg9[%add3A_75] : memref<7680xi32, #tpu.memory_space<hbm>> -> memref<48xi32, #tpu.memory_space<hbm>>
      %dma_start3A_115 = tpu.memref_slice %arg9[%add3A_75] : memref<7680xi32, #tpu.memory_space<hbm>> -> memref<48xi32, #tpu.memory_space<hbm>>
      tpu.enqueue_dma source(%dma_start3A_115 : memref<48xi32, #tpu.memory_space<hbm>>) target(%arg32 : memref<48xi32, #tpu.memory_space<vmem>>) target_semaphore(%run_scoped3A : memref<!tpu.dma_semaphore, #tpu.memory_space<semaphore_mem>>)
      %dma_wait3A_116 = tpu.memref_slice %arg9[%add3A_75] : memref<7680xi32, #tpu.memory_space<hbm>> -> memref<48xi32, #tpu.memory_space<hbm>>
      %dma_wait3A_117 = tpu.memref_slice %arg9[%add3A_75] : memref<7680xi32, #tpu.memory_space<hbm>> -> memref<48xi32, #tpu.memory_space<hbm>>
      tpu.wait_dma2 semaphore(%run_scoped3A : memref<!tpu.dma_semaphore, #tpu.memory_space<semaphore_mem>>) src(%dma_wait3A_117 : memref<48xi32, #tpu.memory_space<hbm>>) dst(%arg32 : memref<48xi32, #tpu.memory_space<vmem>>)
      tpu.yield
    }) : () -> ()
    %dma_start3A_76 = arith.constant 0 : i32
    %dma_start3A_77 = arith.constant 0 : i32
    %dma_start3A_78 = tpu.memref_slice %arg8[%dma_start3A_76, %dma_start3A_77] : memref<20000x128xf32, #tpu.memory_space<hbm>> -> memref<20000x128xf32, #tpu.memory_space<hbm>>
    tpu.enqueue_indirect_dma source(%dma_start3A_78 : memref<20000x128xf32, #tpu.memory_space<hbm>>) target(%arg33 : memref<48x128xf32, #tpu.memory_space<vmem>>) offsets(%arg32 : memref<48xi32, #tpu.memory_space<vmem>>) semaphore(%arg44 : memref<!tpu.dma_semaphore, #tpu.memory_space<semaphore_mem>>)
    %dma_wait3A_79 = arith.constant 0 : i32
    %dma_wait3A_80 = arith.constant 0 : i32
    %dma_wait3A_81 = tpu.memref_slice %arg8[%dma_wait3A_79, %dma_wait3A_80] : memref<20000x128xf32, #tpu.memory_space<hbm>> -> memref<20000x128xf32, #tpu.memory_space<hbm>>
    tpu.wait_indirect_dma semaphore(%arg44 : memref<!tpu.dma_semaphore, #tpu.memory_space<semaphore_mem>>) src(%dma_wait3A_81 : memref<20000x128xf32, #tpu.memory_space<hbm>>) dst(%arg33 : memref<48x128xf32, #tpu.memory_space<vmem>>)
    "tpu.region"() ({
      %run_scoped3A = tpu.sem_alloc : memref<!tpu.dma_semaphore, #tpu.memory_space<semaphore_mem>>
      %dma_start3A_114 = arith.constant 0 : i32
      %dma_start3A_115 = tpu.memref_slice %arg17[%add3A_75, %dma_start3A_114] : memref<7680x128xf32, #tpu.memory_space<hbm>> -> memref<48x128xf32, #tpu.memory_space<hbm>>
      %dma_start3A_116 = arith.constant 0 : i32
      %dma_start3A_117 = tpu.memref_slice %arg17[%add3A_75, %dma_start3A_116] : memref<7680x128xf32, #tpu.memory_space<hbm>> -> memref<48x128xf32, #tpu.memory_space<hbm>>
      tpu.enqueue_dma source(%arg33 : memref<48x128xf32, #tpu.memory_space<vmem>>) target(%dma_start3A_117 : memref<48x128xf32, #tpu.memory_space<hbm>>) target_semaphore(%run_scoped3A : memref<!tpu.dma_semaphore, #tpu.memory_space<semaphore_mem>>)
      %dma_wait3A_118 = arith.constant 0 : i32
      %dma_wait3A_119 = tpu.memref_slice %arg17[%add3A_75, %dma_wait3A_118] : memref<7680x128xf32, #tpu.memory_space<hbm>> -> memref<48x128xf32, #tpu.memory_space<hbm>>
      %dma_wait3A_120 = arith.constant 0 : i32
      %dma_wait3A_121 = tpu.memref_slice %arg17[%add3A_75, %dma_wait3A_120] : memref<7680x128xf32, #tpu.memory_space<hbm>> -> memref<48x128xf32, #tpu.memory_space<hbm>>
      tpu.wait_dma2 semaphore(%run_scoped3A : memref<!tpu.dma_semaphore, #tpu.memory_space<semaphore_mem>>) src(%arg33 : memref<48x128xf32, #tpu.memory_space<vmem>>) dst(%dma_wait3A_121 : memref<48x128xf32, #tpu.memory_space<hbm>>)
      tpu.yield
    }) : () -> ()
    %scan3A_82 = arith.constant 0 : i32
    %scan3A_83 = arith.constant 23 : i32
    %scan3A_84 = arith.addi %scan3A_82, %scan3A_83 : i32
    %scan3A_85 = arith.constant 1 : i32
    scf.for %scan3A_114 = %scan3A_82 to %scan3A_84 step %scan3A_85  : i32 {
      %mul3A_115 = arith.constant 1 : i32
      %mul3A_116 = arith.muli %scan3A_114, %mul3A_115 : i32
      %add3A_117 = arith.constant 0 : i32
      %add3A_118 = arith.addi %add3A_117, %mul3A_116 : i32
      %mul3A_119 = arith.constant 2576 : i32
      %mul3A_120 = arith.muli %add3A, %mul3A_119 : i32
      %mul3A_121 = arith.constant 2 : i32
      %mul3A_122 = arith.muli %mul3A_121, %add3A_118 : i32
      %mul3A_123 = arith.constant 56 : i32
      %mul3A_124 = arith.muli %mul3A_122, %mul3A_123 : i32
      %add3A_125 = arith.addi %mul3A_120, %mul3A_124 : i32
      %add3A_126 = arith.constant 56 : i32
      %add3A_127 = arith.addi %add3A_125, %add3A_126 : i32
      "tpu.region"() ({
        %run_scoped3A = tpu.sem_alloc : memref<!tpu.dma_semaphore, #tpu.memory_space<semaphore_mem>>
        %dma_start3A_140 = tpu.memref_slice %arg11[%add3A_125] : memref<82432xi32, #tpu.memory_space<hbm>> -> memref<56xi32, #tpu.memory_space<hbm>>
        %dma_start3A_141 = tpu.memref_slice %arg11[%add3A_125] : memref<82432xi32, #tpu.memory_space<hbm>> -> memref<56xi32, #tpu.memory_space<hbm>>
        tpu.enqueue_dma source(%dma_start3A_141 : memref<56xi32, #tpu.memory_space<hbm>>) target(%arg36 : memref<56xi32, #tpu.memory_space<vmem>>) target_semaphore(%run_scoped3A : memref<!tpu.dma_semaphore, #tpu.memory_space<semaphore_mem>>)
        %dma_wait3A_142 = tpu.memref_slice %arg11[%add3A_125] : memref<82432xi32, #tpu.memory_space<hbm>> -> memref<56xi32, #tpu.memory_space<hbm>>
        %dma_wait3A_143 = tpu.memref_slice %arg11[%add3A_125] : memref<82432xi32, #tpu.memory_space<hbm>> -> memref<56xi32, #tpu.memory_space<hbm>>
        tpu.wait_dma2 semaphore(%run_scoped3A : memref<!tpu.dma_semaphore, #tpu.memory_space<semaphore_mem>>) src(%dma_wait3A_143 : memref<56xi32, #tpu.memory_space<hbm>>) dst(%arg36 : memref<56xi32, #tpu.memory_space<vmem>>)
        tpu.yield
      }) : () -> ()
      %dma_start3A_128 = arith.constant 0 : i32
      %dma_start3A_129 = arith.constant 0 : i32
      %dma_start3A_130 = tpu.memref_slice %arg10[%dma_start3A_128, %dma_start3A_129] : memref<20000x128xf32, #tpu.memory_space<hbm>> -> memref<20000x128xf32, #tpu.memory_space<hbm>>
      tpu.enqueue_indirect_dma source(%dma_start3A_130 : memref<20000x128xf32, #tpu.memory_space<hbm>>) target(%arg37 : memref<56x128xf32, #tpu.memory_space<vmem>>) offsets(%arg36 : memref<56xi32, #tpu.memory_space<vmem>>) semaphore(%arg44 : memref<!tpu.dma_semaphore, #tpu.memory_space<semaphore_mem>>)
      "tpu.region"() ({
        %run_scoped3A = tpu.sem_alloc : memref<!tpu.dma_semaphore, #tpu.memory_space<semaphore_mem>>
        %dma_start3A_140 = tpu.memref_slice %arg11[%add3A_127] : memref<82432xi32, #tpu.memory_space<hbm>> -> memref<56xi32, #tpu.memory_space<hbm>>
        %dma_start3A_141 = tpu.memref_slice %arg11[%add3A_127] : memref<82432xi32, #tpu.memory_space<hbm>> -> memref<56xi32, #tpu.memory_space<hbm>>
        tpu.enqueue_dma source(%dma_start3A_141 : memref<56xi32, #tpu.memory_space<hbm>>) target(%arg38 : memref<56xi32, #tpu.memory_space<vmem>>) target_semaphore(%run_scoped3A : memref<!tpu.dma_semaphore, #tpu.memory_space<semaphore_mem>>)
        %dma_wait3A_142 = tpu.memref_slice %arg11[%add3A_127] : memref<82432xi32, #tpu.memory_space<hbm>> -> memref<56xi32, #tpu.memory_space<hbm>>
        %dma_wait3A_143 = tpu.memref_slice %arg11[%add3A_127] : memref<82432xi32, #tpu.memory_space<hbm>> -> memref<56xi32, #tpu.memory_space<hbm>>
        tpu.wait_dma2 semaphore(%run_scoped3A : memref<!tpu.dma_semaphore, #tpu.memory_space<semaphore_mem>>) src(%dma_wait3A_143 : memref<56xi32, #tpu.memory_space<hbm>>) dst(%arg38 : memref<56xi32, #tpu.memory_space<vmem>>)
        tpu.yield
      }) : () -> ()
      %dma_start3A_131 = arith.constant 0 : i32
      %dma_start3A_132 = arith.constant 0 : i32
      %dma_start3A_133 = tpu.memref_slice %arg10[%dma_start3A_131, %dma_start3A_132] : memref<20000x128xf32, #tpu.memory_space<hbm>> -> memref<20000x128xf32, #tpu.memory_space<hbm>>
      tpu.enqueue_indirect_dma source(%dma_start3A_133 : memref<20000x128xf32, #tpu.memory_space<hbm>>) target(%arg39 : memref<56x128xf32, #tpu.memory_space<vmem>>) offsets(%arg38 : memref<56xi32, #tpu.memory_space<vmem>>) semaphore(%arg45 : memref<!tpu.dma_semaphore, #tpu.memory_space<semaphore_mem>>)
      %dma_wait3A_134 = arith.constant 0 : i32
      %dma_wait3A_135 = arith.constant 0 : i32
      %dma_wait3A_136 = tpu.memref_slice %arg10[%dma_wait3A_134, %dma_wait3A_135] : memref<20000x128xf32, #tpu.memory_space<hbm>> -> memref<20000x128xf32, #tpu.memory_space<hbm>>
      tpu.wait_indirect_dma semaphore(%arg44 : memref<!tpu.dma_semaphore, #tpu.memory_space<semaphore_mem>>) src(%dma_wait3A_136 : memref<20000x128xf32, #tpu.memory_space<hbm>>) dst(%arg37 : memref<56x128xf32, #tpu.memory_space<vmem>>)
      "tpu.region"() ({
        %run_scoped3A = tpu.sem_alloc : memref<!tpu.dma_semaphore, #tpu.memory_space<semaphore_mem>>
        %dma_start3A_140 = arith.constant 0 : i32
        %dma_start3A_141 = tpu.memref_slice %arg18[%add3A_125, %dma_start3A_140] : memref<82432x128xf32, #tpu.memory_space<hbm>> -> memref<56x128xf32, #tpu.memory_space<hbm>>
        %dma_start3A_142 = arith.constant 0 : i32
        %dma_start3A_143 = tpu.memref_slice %arg18[%add3A_125, %dma_start3A_142] : memref<82432x128xf32, #tpu.memory_space<hbm>> -> memref<56x128xf32, #tpu.memory_space<hbm>>
        tpu.enqueue_dma source(%arg37 : memref<56x128xf32, #tpu.memory_space<vmem>>) target(%dma_start3A_143 : memref<56x128xf32, #tpu.memory_space<hbm>>) target_semaphore(%run_scoped3A : memref<!tpu.dma_semaphore, #tpu.memory_space<semaphore_mem>>)
        %dma_wait3A_144 = arith.constant 0 : i32
        %dma_wait3A_145 = tpu.memref_slice %arg18[%add3A_125, %dma_wait3A_144] : memref<82432x128xf32, #tpu.memory_space<hbm>> -> memref<56x128xf32, #tpu.memory_space<hbm>>
        %dma_wait3A_146 = arith.constant 0 : i32
        %dma_wait3A_147 = tpu.memref_slice %arg18[%add3A_125, %dma_wait3A_146] : memref<82432x128xf32, #tpu.memory_space<hbm>> -> memref<56x128xf32, #tpu.memory_space<hbm>>
        tpu.wait_dma2 semaphore(%run_scoped3A : memref<!tpu.dma_semaphore, #tpu.memory_space<semaphore_mem>>) src(%arg37 : memref<56x128xf32, #tpu.memory_space<vmem>>) dst(%dma_wait3A_147 : memref<56x128xf32, #tpu.memory_space<hbm>>)
        tpu.yield
      }) : () -> ()
      %dma_wait3A_137 = arith.constant 0 : i32
      %dma_wait3A_138 = arith.constant 0 : i32
      %dma_wait3A_139 = tpu.memref_slice %arg10[%dma_wait3A_137, %dma_wait3A_138] : memref<20000x128xf32, #tpu.memory_space<hbm>> -> memref<20000x128xf32, #tpu.memory_space<hbm>>
      tpu.wait_indirect_dma semaphore(%arg45 : memref<!tpu.dma_semaphore, #tpu.memory_space<semaphore_mem>>) src(%dma_wait3A_139 : memref<20000x128xf32, #tpu.memory_space<hbm>>) dst(%arg39 : memref<56x128xf32, #tpu.memory_space<vmem>>)
      "tpu.region"() ({
        %run_scoped3A = tpu.sem_alloc : memref<!tpu.dma_semaphore, #tpu.memory_space<semaphore_mem>>
        %dma_start3A_140 = arith.constant 0 : i32
        %dma_start3A_141 = tpu.memref_slice %arg18[%add3A_127, %dma_start3A_140] : memref<82432x128xf32, #tpu.memory_space<hbm>> -> memref<56x128xf32, #tpu.memory_space<hbm>>
        %dma_start3A_142 = arith.constant 0 : i32
        %dma_start3A_143 = tpu.memref_slice %arg18[%add3A_127, %dma_start3A_142] : memref<82432x128xf32, #tpu.memory_space<hbm>> -> memref<56x128xf32, #tpu.memory_space<hbm>>
        tpu.enqueue_dma source(%arg39 : memref<56x128xf32, #tpu.memory_space<vmem>>) target(%dma_start3A_143 : memref<56x128xf32, #tpu.memory_space<hbm>>) target_semaphore(%run_scoped3A : memref<!tpu.dma_semaphore, #tpu.memory_space<semaphore_mem>>)
        %dma_wait3A_144 = arith.constant 0 : i32
        %dma_wait3A_145 = tpu.memref_slice %arg18[%add3A_127, %dma_wait3A_144] : memref<82432x128xf32, #tpu.memory_space<hbm>> -> memref<56x128xf32, #tpu.memory_space<hbm>>
        %dma_wait3A_146 = arith.constant 0 : i32
        %dma_wait3A_147 = tpu.memref_slice %arg18[%add3A_127, %dma_wait3A_146] : memref<82432x128xf32, #tpu.memory_space<hbm>> -> memref<56x128xf32, #tpu.memory_space<hbm>>
        tpu.wait_dma2 semaphore(%run_scoped3A : memref<!tpu.dma_semaphore, #tpu.memory_space<semaphore_mem>>) src(%arg39 : memref<56x128xf32, #tpu.memory_space<vmem>>) dst(%dma_wait3A_147 : memref<56x128xf32, #tpu.memory_space<hbm>>)
        tpu.yield
      }) : () -> ()
    }
    %scan3A_86 = arith.constant 23 : i32
    %scan3A_87 = arith.constant 0 : i32
    %mul3A_88 = arith.constant 1 : i32
    %mul3A_89 = arith.muli %scan3A_87, %mul3A_88 : i32
    %add3A_90 = arith.constant 0 : i32
    %add3A_91 = arith.addi %add3A_90, %mul3A_89 : i32
    %mul3A_92 = arith.constant 80 : i32
    %mul3A_93 = arith.muli %add3A, %mul3A_92 : i32
    %mul3A_94 = arith.constant 2 : i32
    %mul3A_95 = arith.muli %mul3A_94, %add3A_91 : i32
    %mul3A_96 = arith.constant 40 : i32
    %mul3A_97 = arith.muli %mul3A_95, %mul3A_96 : i32
    %add3A_98 = arith.addi %mul3A_93, %mul3A_97 : i32
    %add3A_99 = arith.constant 40 : i32
    %add3A_100 = arith.addi %add3A_98, %add3A_99 : i32
    "tpu.region"() ({
      %run_scoped3A = tpu.sem_alloc : memref<!tpu.dma_semaphore, #tpu.memory_space<semaphore_mem>>
      %dma_start3A_114 = tpu.memref_slice %arg13[%add3A_98] : memref<2560xi32, #tpu.memory_space<hbm>> -> memref<40xi32, #tpu.memory_space<hbm>>
      %dma_start3A_115 = tpu.memref_slice %arg13[%add3A_98] : memref<2560xi32, #tpu.memory_space<hbm>> -> memref<40xi32, #tpu.memory_space<hbm>>
      tpu.enqueue_dma source(%dma_start3A_115 : memref<40xi32, #tpu.memory_space<hbm>>) target(%arg40 : memref<40xi32, #tpu.memory_space<vmem>>) target_semaphore(%run_scoped3A : memref<!tpu.dma_semaphore, #tpu.memory_space<semaphore_mem>>)
      %dma_wait3A_116 = tpu.memref_slice %arg13[%add3A_98] : memref<2560xi32, #tpu.memory_space<hbm>> -> memref<40xi32, #tpu.memory_space<hbm>>
      %dma_wait3A_117 = tpu.memref_slice %arg13[%add3A_98] : memref<2560xi32, #tpu.memory_space<hbm>> -> memref<40xi32, #tpu.memory_space<hbm>>
      tpu.wait_dma2 semaphore(%run_scoped3A : memref<!tpu.dma_semaphore, #tpu.memory_space<semaphore_mem>>) src(%dma_wait3A_117 : memref<40xi32, #tpu.memory_space<hbm>>) dst(%arg40 : memref<40xi32, #tpu.memory_space<vmem>>)
      tpu.yield
    }) : () -> ()
    %dma_start3A_101 = arith.constant 0 : i32
    %dma_start3A_102 = arith.constant 0 : i32
    %dma_start3A_103 = tpu.memref_slice %arg12[%dma_start3A_101, %dma_start3A_102] : memref<20000x128xf32, #tpu.memory_space<hbm>> -> memref<20000x128xf32, #tpu.memory_space<hbm>>
    tpu.enqueue_indirect_dma source(%dma_start3A_103 : memref<20000x128xf32, #tpu.memory_space<hbm>>) target(%arg41 : memref<40x128xf32, #tpu.memory_space<vmem>>) offsets(%arg40 : memref<40xi32, #tpu.memory_space<vmem>>) semaphore(%arg44 : memref<!tpu.dma_semaphore, #tpu.memory_space<semaphore_mem>>)
    "tpu.region"() ({
      %run_scoped3A = tpu.sem_alloc : memref<!tpu.dma_semaphore, #tpu.memory_space<semaphore_mem>>
      %dma_start3A_114 = tpu.memref_slice %arg13[%add3A_100] : memref<2560xi32, #tpu.memory_space<hbm>> -> memref<40xi32, #tpu.memory_space<hbm>>
      %dma_start3A_115 = tpu.memref_slice %arg13[%add3A_100] : memref<2560xi32, #tpu.memory_space<hbm>> -> memref<40xi32, #tpu.memory_space<hbm>>
      tpu.enqueue_dma source(%dma_start3A_115 : memref<40xi32, #tpu.memory_space<hbm>>) target(%arg42 : memref<40xi32, #tpu.memory_space<vmem>>) target_semaphore(%run_scoped3A : memref<!tpu.dma_semaphore, #tpu.memory_space<semaphore_mem>>)
      %dma_wait3A_116 = tpu.memref_slice %arg13[%add3A_100] : memref<2560xi32, #tpu.memory_space<hbm>> -> memref<40xi32, #tpu.memory_space<hbm>>
      %dma_wait3A_117 = tpu.memref_slice %arg13[%add3A_100] : memref<2560xi32, #tpu.memory_space<hbm>> -> memref<40xi32, #tpu.memory_space<hbm>>
      tpu.wait_dma2 semaphore(%run_scoped3A : memref<!tpu.dma_semaphore, #tpu.memory_space<semaphore_mem>>) src(%dma_wait3A_117 : memref<40xi32, #tpu.memory_space<hbm>>) dst(%arg42 : memref<40xi32, #tpu.memory_space<vmem>>)
      tpu.yield
    }) : () -> ()
    %dma_start3A_104 = arith.constant 0 : i32
    %dma_start3A_105 = arith.constant 0 : i32
    %dma_start3A_106 = tpu.memref_slice %arg12[%dma_start3A_104, %dma_start3A_105] : memref<20000x128xf32, #tpu.memory_space<hbm>> -> memref<20000x128xf32, #tpu.memory_space<hbm>>
    tpu.enqueue_indirect_dma source(%dma_start3A_106 : memref<20000x128xf32, #tpu.memory_space<hbm>>) target(%arg43 : memref<40x128xf32, #tpu.memory_space<vmem>>) offsets(%arg42 : memref<40xi32, #tpu.memory_space<vmem>>) semaphore(%arg45 : memref<!tpu.dma_semaphore, #tpu.memory_space<semaphore_mem>>)
    %dma_wait3A_107 = arith.constant 0 : i32
    %dma_wait3A_108 = arith.constant 0 : i32
    %dma_wait3A_109 = tpu.memref_slice %arg12[%dma_wait3A_107, %dma_wait3A_108] : memref<20000x128xf32, #tpu.memory_space<hbm>> -> memref<20000x128xf32, #tpu.memory_space<hbm>>
    tpu.wait_indirect_dma semaphore(%arg44 : memref<!tpu.dma_semaphore, #tpu.memory_space<semaphore_mem>>) src(%dma_wait3A_109 : memref<20000x128xf32, #tpu.memory_space<hbm>>) dst(%arg41 : memref<40x128xf32, #tpu.memory_space<vmem>>)
    "tpu.region"() ({
      %run_scoped3A = tpu.sem_alloc : memref<!tpu.dma_semaphore, #tpu.memory_space<semaphore_mem>>
      %dma_start3A_114 = arith.constant 0 : i32
      %dma_start3A_115 = tpu.memref_slice %arg19[%add3A_98, %dma_start3A_114] : memref<2560x128xf32, #tpu.memory_space<hbm>> -> memref<40x128xf32, #tpu.memory_space<hbm>>
      %dma_start3A_116 = arith.constant 0 : i32
      %dma_start3A_117 = tpu.memref_slice %arg19[%add3A_98, %dma_start3A_116] : memref<2560x128xf32, #tpu.memory_space<hbm>> -> memref<40x128xf32, #tpu.memory_space<hbm>>
      tpu.enqueue_dma source(%arg41 : memref<40x128xf32, #tpu.memory_space<vmem>>) target(%dma_start3A_117 : memref<40x128xf32, #tpu.memory_space<hbm>>) target_semaphore(%run_scoped3A : memref<!tpu.dma_semaphore, #tpu.memory_space<semaphore_mem>>)
      %dma_wait3A_118 = arith.constant 0 : i32
      %dma_wait3A_119 = tpu.memref_slice %arg19[%add3A_98, %dma_wait3A_118] : memref<2560x128xf32, #tpu.memory_space<hbm>> -> memref<40x128xf32, #tpu.memory_space<hbm>>
      %dma_wait3A_120 = arith.constant 0 : i32
      %dma_wait3A_121 = tpu.memref_slice %arg19[%add3A_98, %dma_wait3A_120] : memref<2560x128xf32, #tpu.memory_space<hbm>> -> memref<40x128xf32, #tpu.memory_space<hbm>>
      tpu.wait_dma2 semaphore(%run_scoped3A : memref<!tpu.dma_semaphore, #tpu.memory_space<semaphore_mem>>) src(%arg41 : memref<40x128xf32, #tpu.memory_space<vmem>>) dst(%dma_wait3A_121 : memref<40x128xf32, #tpu.memory_space<hbm>>)
      tpu.yield
    }) : () -> ()
    %dma_wait3A_110 = arith.constant 0 : i32
    %dma_wait3A_111 = arith.constant 0 : i32
    %dma_wait3A_112 = tpu.memref_slice %arg12[%dma_wait3A_110, %dma_wait3A_111] : memref<20000x128xf32, #tpu.memory_space<hbm>> -> memref<20000x128xf32, #tpu.memory_space<hbm>>
    tpu.wait_indirect_dma semaphore(%arg45 : memref<!tpu.dma_semaphore, #tpu.memory_space<semaphore_mem>>) src(%dma_wait3A_112 : memref<20000x128xf32, #tpu.memory_space<hbm>>) dst(%arg43 : memref<40x128xf32, #tpu.memory_space<vmem>>)
    "tpu.region"() ({
      %run_scoped3A = tpu.sem_alloc : memref<!tpu.dma_semaphore, #tpu.memory_space<semaphore_mem>>
      %dma_start3A_114 = arith.constant 0 : i32
      %dma_start3A_115 = tpu.memref_slice %arg19[%add3A_100, %dma_start3A_114] : memref<2560x128xf32, #tpu.memory_space<hbm>> -> memref<40x128xf32, #tpu.memory_space<hbm>>
      %dma_start3A_116 = arith.constant 0 : i32
      %dma_start3A_117 = tpu.memref_slice %arg19[%add3A_100, %dma_start3A_116] : memref<2560x128xf32, #tpu.memory_space<hbm>> -> memref<40x128xf32, #tpu.memory_space<hbm>>
      tpu.enqueue_dma source(%arg43 : memref<40x128xf32, #tpu.memory_space<vmem>>) target(%dma_start3A_117 : memref<40x128xf32, #tpu.memory_space<hbm>>) target_semaphore(%run_scoped3A : memref<!tpu.dma_semaphore, #tpu.memory_space<semaphore_mem>>)
      %dma_wait3A_118 = arith.constant 0 : i32
      %dma_wait3A_119 = tpu.memref_slice %arg19[%add3A_100, %dma_wait3A_118] : memref<2560x128xf32, #tpu.memory_space<hbm>> -> memref<40x128xf32, #tpu.memory_space<hbm>>
      %dma_wait3A_120 = arith.constant 0 : i32
      %dma_wait3A_121 = tpu.memref_slice %arg19[%add3A_100, %dma_wait3A_120] : memref<2560x128xf32, #tpu.memory_space<hbm>> -> memref<40x128xf32, #tpu.memory_space<hbm>>
      tpu.wait_dma2 semaphore(%run_scoped3A : memref<!tpu.dma_semaphore, #tpu.memory_space<semaphore_mem>>) src(%arg43 : memref<40x128xf32, #tpu.memory_space<vmem>>) dst(%dma_wait3A_121 : memref<40x128xf32, #tpu.memory_space<hbm>>)
      tpu.yield
    }) : () -> ()
    %scan3A_113 = arith.constant 1 : i32
    return
  }
}

#map = affine_map<(d0, d1) -> (0, 0)>
#map1 = affine_map<(d0, d1) -> (0)>
module attributes {stable_mosaic.version = 14 : i64} {
  func.func @gather_kernel(%arg0: i32, %arg1: i32, %arg2: memref<20000x128xf32, #tpu.memory_space<hbm>>, %arg3: memref<38912xi32, #tpu.memory_space<hbm>>, %arg4: memref<20000x128xf32, #tpu.memory_space<hbm>>, %arg5: memref<38912xi32, #tpu.memory_space<hbm>>, %arg6: memref<38912x128xf32, #tpu.memory_space<hbm>>, %arg7: memref<38912x128xf32, #tpu.memory_space<hbm>>, %arg8: memref<64xi32, #tpu.memory_space<vmem>>, %arg9: memref<64x128xf32, #tpu.memory_space<vmem>>, %arg10: memref<64xi32, #tpu.memory_space<vmem>>, %arg11: memref<64x128xf32, #tpu.memory_space<vmem>>, %arg12: memref<64xi32, #tpu.memory_space<vmem>>, %arg13: memref<64x128xf32, #tpu.memory_space<vmem>>, %arg14: memref<64xi32, #tpu.memory_space<vmem>>, %arg15: memref<64x128xf32, #tpu.memory_space<vmem>>, %arg16: memref<!tpu.dma_semaphore, #tpu.memory_space<semaphore_mem>>, %arg17: memref<!tpu.dma_semaphore, #tpu.memory_space<semaphore_mem>>) attributes {dimension_semantics = [#tpu.dimension_semantics<core_parallel>, #tpu.dimension_semantics<subcore_parallel>], iteration_bounds = array<i64: 2, 16>, scalar_prefetch = 0 : i64, scratch_operands = 10 : i64, tpu.core_type = #tpu.core_type<sc_vector_subcore>, window_params = [{transform_indices = #map}, {transform_indices = #map1}, {transform_indices = #map}, {transform_indices = #map1}, {transform_indices = #map}, {transform_indices = #map}]} {
    %mul3A = arith.constant 2 : i32
    %mul3A_0 = arith.muli %arg1, %mul3A : i32
    %add3A = arith.addi %mul3A_0, %arg0 : i32
    %scan3A = arith.constant 0 : i32
    %scan3A_1 = arith.constant 9 : i32
    %scan3A_2 = arith.addi %scan3A, %scan3A_1 : i32
    %scan3A_3 = arith.constant 1 : i32
    scf.for %scan3A_28 = %scan3A to %scan3A_2 step %scan3A_3  : i32 {
      %mul3A_29 = arith.constant 1 : i32
      %mul3A_30 = arith.muli %scan3A_28, %mul3A_29 : i32
      %add3A_31 = arith.constant 0 : i32
      %add3A_32 = arith.addi %add3A_31, %mul3A_30 : i32
      %mul3A_33 = arith.constant 1216 : i32
      %mul3A_34 = arith.muli %add3A, %mul3A_33 : i32
      %mul3A_35 = arith.constant 2 : i32
      %mul3A_36 = arith.muli %mul3A_35, %add3A_32 : i32
      %mul3A_37 = arith.constant 64 : i32
      %mul3A_38 = arith.muli %mul3A_36, %mul3A_37 : i32
      %add3A_39 = arith.addi %mul3A_34, %mul3A_38 : i32
      %add3A_40 = arith.constant 64 : i32
      %add3A_41 = arith.addi %add3A_39, %add3A_40 : i32
      "tpu.region"() ({
        %run_scoped3A = tpu.sem_alloc : memref<!tpu.dma_semaphore, #tpu.memory_space<semaphore_mem>>
        %dma_start3A_54 = tpu.memref_slice %arg3[%add3A_39] : memref<38912xi32, #tpu.memory_space<hbm>> -> memref<64xi32, #tpu.memory_space<hbm>>
        %dma_start3A_55 = tpu.memref_slice %arg3[%add3A_39] : memref<38912xi32, #tpu.memory_space<hbm>> -> memref<64xi32, #tpu.memory_space<hbm>>
        tpu.enqueue_dma source(%dma_start3A_55 : memref<64xi32, #tpu.memory_space<hbm>>) target(%arg8 : memref<64xi32, #tpu.memory_space<vmem>>) target_semaphore(%run_scoped3A : memref<!tpu.dma_semaphore, #tpu.memory_space<semaphore_mem>>)
        %dma_wait3A_56 = tpu.memref_slice %arg3[%add3A_39] : memref<38912xi32, #tpu.memory_space<hbm>> -> memref<64xi32, #tpu.memory_space<hbm>>
        %dma_wait3A_57 = tpu.memref_slice %arg3[%add3A_39] : memref<38912xi32, #tpu.memory_space<hbm>> -> memref<64xi32, #tpu.memory_space<hbm>>
        tpu.wait_dma2 semaphore(%run_scoped3A : memref<!tpu.dma_semaphore, #tpu.memory_space<semaphore_mem>>) src(%dma_wait3A_57 : memref<64xi32, #tpu.memory_space<hbm>>) dst(%arg8 : memref<64xi32, #tpu.memory_space<vmem>>)
        tpu.yield
      }) : () -> ()
      %dma_start3A_42 = arith.constant 0 : i32
      %dma_start3A_43 = arith.constant 0 : i32
      %dma_start3A_44 = tpu.memref_slice %arg2[%dma_start3A_42, %dma_start3A_43] : memref<20000x128xf32, #tpu.memory_space<hbm>> -> memref<20000x128xf32, #tpu.memory_space<hbm>>
      tpu.enqueue_indirect_dma source(%dma_start3A_44 : memref<20000x128xf32, #tpu.memory_space<hbm>>) target(%arg9 : memref<64x128xf32, #tpu.memory_space<vmem>>) offsets(%arg8 : memref<64xi32, #tpu.memory_space<vmem>>) semaphore(%arg16 : memref<!tpu.dma_semaphore, #tpu.memory_space<semaphore_mem>>)
      "tpu.region"() ({
        %run_scoped3A = tpu.sem_alloc : memref<!tpu.dma_semaphore, #tpu.memory_space<semaphore_mem>>
        %dma_start3A_54 = tpu.memref_slice %arg3[%add3A_41] : memref<38912xi32, #tpu.memory_space<hbm>> -> memref<64xi32, #tpu.memory_space<hbm>>
        %dma_start3A_55 = tpu.memref_slice %arg3[%add3A_41] : memref<38912xi32, #tpu.memory_space<hbm>> -> memref<64xi32, #tpu.memory_space<hbm>>
        tpu.enqueue_dma source(%dma_start3A_55 : memref<64xi32, #tpu.memory_space<hbm>>) target(%arg10 : memref<64xi32, #tpu.memory_space<vmem>>) target_semaphore(%run_scoped3A : memref<!tpu.dma_semaphore, #tpu.memory_space<semaphore_mem>>)
        %dma_wait3A_56 = tpu.memref_slice %arg3[%add3A_41] : memref<38912xi32, #tpu.memory_space<hbm>> -> memref<64xi32, #tpu.memory_space<hbm>>
        %dma_wait3A_57 = tpu.memref_slice %arg3[%add3A_41] : memref<38912xi32, #tpu.memory_space<hbm>> -> memref<64xi32, #tpu.memory_space<hbm>>
        tpu.wait_dma2 semaphore(%run_scoped3A : memref<!tpu.dma_semaphore, #tpu.memory_space<semaphore_mem>>) src(%dma_wait3A_57 : memref<64xi32, #tpu.memory_space<hbm>>) dst(%arg10 : memref<64xi32, #tpu.memory_space<vmem>>)
        tpu.yield
      }) : () -> ()
      %dma_start3A_45 = arith.constant 0 : i32
      %dma_start3A_46 = arith.constant 0 : i32
      %dma_start3A_47 = tpu.memref_slice %arg2[%dma_start3A_45, %dma_start3A_46] : memref<20000x128xf32, #tpu.memory_space<hbm>> -> memref<20000x128xf32, #tpu.memory_space<hbm>>
      tpu.enqueue_indirect_dma source(%dma_start3A_47 : memref<20000x128xf32, #tpu.memory_space<hbm>>) target(%arg11 : memref<64x128xf32, #tpu.memory_space<vmem>>) offsets(%arg10 : memref<64xi32, #tpu.memory_space<vmem>>) semaphore(%arg17 : memref<!tpu.dma_semaphore, #tpu.memory_space<semaphore_mem>>)
      %dma_wait3A_48 = arith.constant 0 : i32
      %dma_wait3A_49 = arith.constant 0 : i32
      %dma_wait3A_50 = tpu.memref_slice %arg2[%dma_wait3A_48, %dma_wait3A_49] : memref<20000x128xf32, #tpu.memory_space<hbm>> -> memref<20000x128xf32, #tpu.memory_space<hbm>>
      tpu.wait_indirect_dma semaphore(%arg16 : memref<!tpu.dma_semaphore, #tpu.memory_space<semaphore_mem>>) src(%dma_wait3A_50 : memref<20000x128xf32, #tpu.memory_space<hbm>>) dst(%arg9 : memref<64x128xf32, #tpu.memory_space<vmem>>)
      "tpu.region"() ({
        %run_scoped3A = tpu.sem_alloc : memref<!tpu.dma_semaphore, #tpu.memory_space<semaphore_mem>>
        %dma_start3A_54 = arith.constant 0 : i32
        %dma_start3A_55 = tpu.memref_slice %arg6[%add3A_39, %dma_start3A_54] : memref<38912x128xf32, #tpu.memory_space<hbm>> -> memref<64x128xf32, #tpu.memory_space<hbm>>
        %dma_start3A_56 = arith.constant 0 : i32
        %dma_start3A_57 = tpu.memref_slice %arg6[%add3A_39, %dma_start3A_56] : memref<38912x128xf32, #tpu.memory_space<hbm>> -> memref<64x128xf32, #tpu.memory_space<hbm>>
        tpu.enqueue_dma source(%arg9 : memref<64x128xf32, #tpu.memory_space<vmem>>) target(%dma_start3A_57 : memref<64x128xf32, #tpu.memory_space<hbm>>) target_semaphore(%run_scoped3A : memref<!tpu.dma_semaphore, #tpu.memory_space<semaphore_mem>>)
        %dma_wait3A_58 = arith.constant 0 : i32
        %dma_wait3A_59 = tpu.memref_slice %arg6[%add3A_39, %dma_wait3A_58] : memref<38912x128xf32, #tpu.memory_space<hbm>> -> memref<64x128xf32, #tpu.memory_space<hbm>>
        %dma_wait3A_60 = arith.constant 0 : i32
        %dma_wait3A_61 = tpu.memref_slice %arg6[%add3A_39, %dma_wait3A_60] : memref<38912x128xf32, #tpu.memory_space<hbm>> -> memref<64x128xf32, #tpu.memory_space<hbm>>
        tpu.wait_dma2 semaphore(%run_scoped3A : memref<!tpu.dma_semaphore, #tpu.memory_space<semaphore_mem>>) src(%arg9 : memref<64x128xf32, #tpu.memory_space<vmem>>) dst(%dma_wait3A_61 : memref<64x128xf32, #tpu.memory_space<hbm>>)
        tpu.yield
      }) : () -> ()
      %dma_wait3A_51 = arith.constant 0 : i32
      %dma_wait3A_52 = arith.constant 0 : i32
      %dma_wait3A_53 = tpu.memref_slice %arg2[%dma_wait3A_51, %dma_wait3A_52] : memref<20000x128xf32, #tpu.memory_space<hbm>> -> memref<20000x128xf32, #tpu.memory_space<hbm>>
      tpu.wait_indirect_dma semaphore(%arg17 : memref<!tpu.dma_semaphore, #tpu.memory_space<semaphore_mem>>) src(%dma_wait3A_53 : memref<20000x128xf32, #tpu.memory_space<hbm>>) dst(%arg11 : memref<64x128xf32, #tpu.memory_space<vmem>>)
      "tpu.region"() ({
        %run_scoped3A = tpu.sem_alloc : memref<!tpu.dma_semaphore, #tpu.memory_space<semaphore_mem>>
        %dma_start3A_54 = arith.constant 0 : i32
        %dma_start3A_55 = tpu.memref_slice %arg6[%add3A_41, %dma_start3A_54] : memref<38912x128xf32, #tpu.memory_space<hbm>> -> memref<64x128xf32, #tpu.memory_space<hbm>>
        %dma_start3A_56 = arith.constant 0 : i32
        %dma_start3A_57 = tpu.memref_slice %arg6[%add3A_41, %dma_start3A_56] : memref<38912x128xf32, #tpu.memory_space<hbm>> -> memref<64x128xf32, #tpu.memory_space<hbm>>
        tpu.enqueue_dma source(%arg11 : memref<64x128xf32, #tpu.memory_space<vmem>>) target(%dma_start3A_57 : memref<64x128xf32, #tpu.memory_space<hbm>>) target_semaphore(%run_scoped3A : memref<!tpu.dma_semaphore, #tpu.memory_space<semaphore_mem>>)
        %dma_wait3A_58 = arith.constant 0 : i32
        %dma_wait3A_59 = tpu.memref_slice %arg6[%add3A_41, %dma_wait3A_58] : memref<38912x128xf32, #tpu.memory_space<hbm>> -> memref<64x128xf32, #tpu.memory_space<hbm>>
        %dma_wait3A_60 = arith.constant 0 : i32
        %dma_wait3A_61 = tpu.memref_slice %arg6[%add3A_41, %dma_wait3A_60] : memref<38912x128xf32, #tpu.memory_space<hbm>> -> memref<64x128xf32, #tpu.memory_space<hbm>>
        tpu.wait_dma2 semaphore(%run_scoped3A : memref<!tpu.dma_semaphore, #tpu.memory_space<semaphore_mem>>) src(%arg11 : memref<64x128xf32, #tpu.memory_space<vmem>>) dst(%dma_wait3A_61 : memref<64x128xf32, #tpu.memory_space<hbm>>)
        tpu.yield
      }) : () -> ()
    }
    %scan3A_4 = arith.constant 9 : i32
    %mul3A_5 = arith.constant 1216 : i32
    %mul3A_6 = arith.muli %add3A, %mul3A_5 : i32
    %add3A_7 = arith.constant 1152 : i32
    %add3A_8 = arith.addi %mul3A_6, %add3A_7 : i32
    "tpu.region"() ({
      %run_scoped3A = tpu.sem_alloc : memref<!tpu.dma_semaphore, #tpu.memory_space<semaphore_mem>>
      %dma_start3A_28 = tpu.memref_slice %arg3[%add3A_8] : memref<38912xi32, #tpu.memory_space<hbm>> -> memref<64xi32, #tpu.memory_space<hbm>>
      %dma_start3A_29 = tpu.memref_slice %arg3[%add3A_8] : memref<38912xi32, #tpu.memory_space<hbm>> -> memref<64xi32, #tpu.memory_space<hbm>>
      tpu.enqueue_dma source(%dma_start3A_29 : memref<64xi32, #tpu.memory_space<hbm>>) target(%arg8 : memref<64xi32, #tpu.memory_space<vmem>>) target_semaphore(%run_scoped3A : memref<!tpu.dma_semaphore, #tpu.memory_space<semaphore_mem>>)
      %dma_wait3A_30 = tpu.memref_slice %arg3[%add3A_8] : memref<38912xi32, #tpu.memory_space<hbm>> -> memref<64xi32, #tpu.memory_space<hbm>>
      %dma_wait3A_31 = tpu.memref_slice %arg3[%add3A_8] : memref<38912xi32, #tpu.memory_space<hbm>> -> memref<64xi32, #tpu.memory_space<hbm>>
      tpu.wait_dma2 semaphore(%run_scoped3A : memref<!tpu.dma_semaphore, #tpu.memory_space<semaphore_mem>>) src(%dma_wait3A_31 : memref<64xi32, #tpu.memory_space<hbm>>) dst(%arg8 : memref<64xi32, #tpu.memory_space<vmem>>)
      tpu.yield
    }) : () -> ()
    %dma_start3A = arith.constant 0 : i32
    %dma_start3A_9 = arith.constant 0 : i32
    %dma_start3A_10 = tpu.memref_slice %arg2[%dma_start3A, %dma_start3A_9] : memref<20000x128xf32, #tpu.memory_space<hbm>> -> memref<20000x128xf32, #tpu.memory_space<hbm>>
    tpu.enqueue_indirect_dma source(%dma_start3A_10 : memref<20000x128xf32, #tpu.memory_space<hbm>>) target(%arg9 : memref<64x128xf32, #tpu.memory_space<vmem>>) offsets(%arg8 : memref<64xi32, #tpu.memory_space<vmem>>) semaphore(%arg16 : memref<!tpu.dma_semaphore, #tpu.memory_space<semaphore_mem>>)
    %dma_wait3A = arith.constant 0 : i32
    %dma_wait3A_11 = arith.constant 0 : i32
    %dma_wait3A_12 = tpu.memref_slice %arg2[%dma_wait3A, %dma_wait3A_11] : memref<20000x128xf32, #tpu.memory_space<hbm>> -> memref<20000x128xf32, #tpu.memory_space<hbm>>
    tpu.wait_indirect_dma semaphore(%arg16 : memref<!tpu.dma_semaphore, #tpu.memory_space<semaphore_mem>>) src(%dma_wait3A_12 : memref<20000x128xf32, #tpu.memory_space<hbm>>) dst(%arg9 : memref<64x128xf32, #tpu.memory_space<vmem>>)
    "tpu.region"() ({
      %run_scoped3A = tpu.sem_alloc : memref<!tpu.dma_semaphore, #tpu.memory_space<semaphore_mem>>
      %dma_start3A_28 = arith.constant 0 : i32
      %dma_start3A_29 = tpu.memref_slice %arg6[%add3A_8, %dma_start3A_28] : memref<38912x128xf32, #tpu.memory_space<hbm>> -> memref<64x128xf32, #tpu.memory_space<hbm>>
      %dma_start3A_30 = arith.constant 0 : i32
      %dma_start3A_31 = tpu.memref_slice %arg6[%add3A_8, %dma_start3A_30] : memref<38912x128xf32, #tpu.memory_space<hbm>> -> memref<64x128xf32, #tpu.memory_space<hbm>>
      tpu.enqueue_dma source(%arg9 : memref<64x128xf32, #tpu.memory_space<vmem>>) target(%dma_start3A_31 : memref<64x128xf32, #tpu.memory_space<hbm>>) target_semaphore(%run_scoped3A : memref<!tpu.dma_semaphore, #tpu.memory_space<semaphore_mem>>)
      %dma_wait3A_32 = arith.constant 0 : i32
      %dma_wait3A_33 = tpu.memref_slice %arg6[%add3A_8, %dma_wait3A_32] : memref<38912x128xf32, #tpu.memory_space<hbm>> -> memref<64x128xf32, #tpu.memory_space<hbm>>
      %dma_wait3A_34 = arith.constant 0 : i32
      %dma_wait3A_35 = tpu.memref_slice %arg6[%add3A_8, %dma_wait3A_34] : memref<38912x128xf32, #tpu.memory_space<hbm>> -> memref<64x128xf32, #tpu.memory_space<hbm>>
      tpu.wait_dma2 semaphore(%run_scoped3A : memref<!tpu.dma_semaphore, #tpu.memory_space<semaphore_mem>>) src(%arg9 : memref<64x128xf32, #tpu.memory_space<vmem>>) dst(%dma_wait3A_35 : memref<64x128xf32, #tpu.memory_space<hbm>>)
      tpu.yield
    }) : () -> ()
    %scan3A_13 = arith.constant 0 : i32
    %scan3A_14 = arith.constant 9 : i32
    %scan3A_15 = arith.addi %scan3A_13, %scan3A_14 : i32
    %scan3A_16 = arith.constant 1 : i32
    scf.for %scan3A_28 = %scan3A_13 to %scan3A_15 step %scan3A_16  : i32 {
      %mul3A_29 = arith.constant 1 : i32
      %mul3A_30 = arith.muli %scan3A_28, %mul3A_29 : i32
      %add3A_31 = arith.constant 0 : i32
      %add3A_32 = arith.addi %add3A_31, %mul3A_30 : i32
      %mul3A_33 = arith.constant 1216 : i32
      %mul3A_34 = arith.muli %add3A, %mul3A_33 : i32
      %mul3A_35 = arith.constant 2 : i32
      %mul3A_36 = arith.muli %mul3A_35, %add3A_32 : i32
      %mul3A_37 = arith.constant 64 : i32
      %mul3A_38 = arith.muli %mul3A_36, %mul3A_37 : i32
      %add3A_39 = arith.addi %mul3A_34, %mul3A_38 : i32
      %add3A_40 = arith.constant 64 : i32
      %add3A_41 = arith.addi %add3A_39, %add3A_40 : i32
      "tpu.region"() ({
        %run_scoped3A = tpu.sem_alloc : memref<!tpu.dma_semaphore, #tpu.memory_space<semaphore_mem>>
        %dma_start3A_54 = tpu.memref_slice %arg5[%add3A_39] : memref<38912xi32, #tpu.memory_space<hbm>> -> memref<64xi32, #tpu.memory_space<hbm>>
        %dma_start3A_55 = tpu.memref_slice %arg5[%add3A_39] : memref<38912xi32, #tpu.memory_space<hbm>> -> memref<64xi32, #tpu.memory_space<hbm>>
        tpu.enqueue_dma source(%dma_start3A_55 : memref<64xi32, #tpu.memory_space<hbm>>) target(%arg12 : memref<64xi32, #tpu.memory_space<vmem>>) target_semaphore(%run_scoped3A : memref<!tpu.dma_semaphore, #tpu.memory_space<semaphore_mem>>)
        %dma_wait3A_56 = tpu.memref_slice %arg5[%add3A_39] : memref<38912xi32, #tpu.memory_space<hbm>> -> memref<64xi32, #tpu.memory_space<hbm>>
        %dma_wait3A_57 = tpu.memref_slice %arg5[%add3A_39] : memref<38912xi32, #tpu.memory_space<hbm>> -> memref<64xi32, #tpu.memory_space<hbm>>
        tpu.wait_dma2 semaphore(%run_scoped3A : memref<!tpu.dma_semaphore, #tpu.memory_space<semaphore_mem>>) src(%dma_wait3A_57 : memref<64xi32, #tpu.memory_space<hbm>>) dst(%arg12 : memref<64xi32, #tpu.memory_space<vmem>>)
        tpu.yield
      }) : () -> ()
      %dma_start3A_42 = arith.constant 0 : i32
      %dma_start3A_43 = arith.constant 0 : i32
      %dma_start3A_44 = tpu.memref_slice %arg4[%dma_start3A_42, %dma_start3A_43] : memref<20000x128xf32, #tpu.memory_space<hbm>> -> memref<20000x128xf32, #tpu.memory_space<hbm>>
      tpu.enqueue_indirect_dma source(%dma_start3A_44 : memref<20000x128xf32, #tpu.memory_space<hbm>>) target(%arg13 : memref<64x128xf32, #tpu.memory_space<vmem>>) offsets(%arg12 : memref<64xi32, #tpu.memory_space<vmem>>) semaphore(%arg16 : memref<!tpu.dma_semaphore, #tpu.memory_space<semaphore_mem>>)
      "tpu.region"() ({
        %run_scoped3A = tpu.sem_alloc : memref<!tpu.dma_semaphore, #tpu.memory_space<semaphore_mem>>
        %dma_start3A_54 = tpu.memref_slice %arg5[%add3A_41] : memref<38912xi32, #tpu.memory_space<hbm>> -> memref<64xi32, #tpu.memory_space<hbm>>
        %dma_start3A_55 = tpu.memref_slice %arg5[%add3A_41] : memref<38912xi32, #tpu.memory_space<hbm>> -> memref<64xi32, #tpu.memory_space<hbm>>
        tpu.enqueue_dma source(%dma_start3A_55 : memref<64xi32, #tpu.memory_space<hbm>>) target(%arg14 : memref<64xi32, #tpu.memory_space<vmem>>) target_semaphore(%run_scoped3A : memref<!tpu.dma_semaphore, #tpu.memory_space<semaphore_mem>>)
        %dma_wait3A_56 = tpu.memref_slice %arg5[%add3A_41] : memref<38912xi32, #tpu.memory_space<hbm>> -> memref<64xi32, #tpu.memory_space<hbm>>
        %dma_wait3A_57 = tpu.memref_slice %arg5[%add3A_41] : memref<38912xi32, #tpu.memory_space<hbm>> -> memref<64xi32, #tpu.memory_space<hbm>>
        tpu.wait_dma2 semaphore(%run_scoped3A : memref<!tpu.dma_semaphore, #tpu.memory_space<semaphore_mem>>) src(%dma_wait3A_57 : memref<64xi32, #tpu.memory_space<hbm>>) dst(%arg14 : memref<64xi32, #tpu.memory_space<vmem>>)
        tpu.yield
      }) : () -> ()
      %dma_start3A_45 = arith.constant 0 : i32
      %dma_start3A_46 = arith.constant 0 : i32
      %dma_start3A_47 = tpu.memref_slice %arg4[%dma_start3A_45, %dma_start3A_46] : memref<20000x128xf32, #tpu.memory_space<hbm>> -> memref<20000x128xf32, #tpu.memory_space<hbm>>
      tpu.enqueue_indirect_dma source(%dma_start3A_47 : memref<20000x128xf32, #tpu.memory_space<hbm>>) target(%arg15 : memref<64x128xf32, #tpu.memory_space<vmem>>) offsets(%arg14 : memref<64xi32, #tpu.memory_space<vmem>>) semaphore(%arg17 : memref<!tpu.dma_semaphore, #tpu.memory_space<semaphore_mem>>)
      %dma_wait3A_48 = arith.constant 0 : i32
      %dma_wait3A_49 = arith.constant 0 : i32
      %dma_wait3A_50 = tpu.memref_slice %arg4[%dma_wait3A_48, %dma_wait3A_49] : memref<20000x128xf32, #tpu.memory_space<hbm>> -> memref<20000x128xf32, #tpu.memory_space<hbm>>
      tpu.wait_indirect_dma semaphore(%arg16 : memref<!tpu.dma_semaphore, #tpu.memory_space<semaphore_mem>>) src(%dma_wait3A_50 : memref<20000x128xf32, #tpu.memory_space<hbm>>) dst(%arg13 : memref<64x128xf32, #tpu.memory_space<vmem>>)
      "tpu.region"() ({
        %run_scoped3A = tpu.sem_alloc : memref<!tpu.dma_semaphore, #tpu.memory_space<semaphore_mem>>
        %dma_start3A_54 = arith.constant 0 : i32
        %dma_start3A_55 = tpu.memref_slice %arg7[%add3A_39, %dma_start3A_54] : memref<38912x128xf32, #tpu.memory_space<hbm>> -> memref<64x128xf32, #tpu.memory_space<hbm>>
        %dma_start3A_56 = arith.constant 0 : i32
        %dma_start3A_57 = tpu.memref_slice %arg7[%add3A_39, %dma_start3A_56] : memref<38912x128xf32, #tpu.memory_space<hbm>> -> memref<64x128xf32, #tpu.memory_space<hbm>>
        tpu.enqueue_dma source(%arg13 : memref<64x128xf32, #tpu.memory_space<vmem>>) target(%dma_start3A_57 : memref<64x128xf32, #tpu.memory_space<hbm>>) target_semaphore(%run_scoped3A : memref<!tpu.dma_semaphore, #tpu.memory_space<semaphore_mem>>)
        %dma_wait3A_58 = arith.constant 0 : i32
        %dma_wait3A_59 = tpu.memref_slice %arg7[%add3A_39, %dma_wait3A_58] : memref<38912x128xf32, #tpu.memory_space<hbm>> -> memref<64x128xf32, #tpu.memory_space<hbm>>
        %dma_wait3A_60 = arith.constant 0 : i32
        %dma_wait3A_61 = tpu.memref_slice %arg7[%add3A_39, %dma_wait3A_60] : memref<38912x128xf32, #tpu.memory_space<hbm>> -> memref<64x128xf32, #tpu.memory_space<hbm>>
        tpu.wait_dma2 semaphore(%run_scoped3A : memref<!tpu.dma_semaphore, #tpu.memory_space<semaphore_mem>>) src(%arg13 : memref<64x128xf32, #tpu.memory_space<vmem>>) dst(%dma_wait3A_61 : memref<64x128xf32, #tpu.memory_space<hbm>>)
        tpu.yield
      }) : () -> ()
      %dma_wait3A_51 = arith.constant 0 : i32
      %dma_wait3A_52 = arith.constant 0 : i32
      %dma_wait3A_53 = tpu.memref_slice %arg4[%dma_wait3A_51, %dma_wait3A_52] : memref<20000x128xf32, #tpu.memory_space<hbm>> -> memref<20000x128xf32, #tpu.memory_space<hbm>>
      tpu.wait_indirect_dma semaphore(%arg17 : memref<!tpu.dma_semaphore, #tpu.memory_space<semaphore_mem>>) src(%dma_wait3A_53 : memref<20000x128xf32, #tpu.memory_space<hbm>>) dst(%arg15 : memref<64x128xf32, #tpu.memory_space<vmem>>)
      "tpu.region"() ({
        %run_scoped3A = tpu.sem_alloc : memref<!tpu.dma_semaphore, #tpu.memory_space<semaphore_mem>>
        %dma_start3A_54 = arith.constant 0 : i32
        %dma_start3A_55 = tpu.memref_slice %arg7[%add3A_41, %dma_start3A_54] : memref<38912x128xf32, #tpu.memory_space<hbm>> -> memref<64x128xf32, #tpu.memory_space<hbm>>
        %dma_start3A_56 = arith.constant 0 : i32
        %dma_start3A_57 = tpu.memref_slice %arg7[%add3A_41, %dma_start3A_56] : memref<38912x128xf32, #tpu.memory_space<hbm>> -> memref<64x128xf32, #tpu.memory_space<hbm>>
        tpu.enqueue_dma source(%arg15 : memref<64x128xf32, #tpu.memory_space<vmem>>) target(%dma_start3A_57 : memref<64x128xf32, #tpu.memory_space<hbm>>) target_semaphore(%run_scoped3A : memref<!tpu.dma_semaphore, #tpu.memory_space<semaphore_mem>>)
        %dma_wait3A_58 = arith.constant 0 : i32
        %dma_wait3A_59 = tpu.memref_slice %arg7[%add3A_41, %dma_wait3A_58] : memref<38912x128xf32, #tpu.memory_space<hbm>> -> memref<64x128xf32, #tpu.memory_space<hbm>>
        %dma_wait3A_60 = arith.constant 0 : i32
        %dma_wait3A_61 = tpu.memref_slice %arg7[%add3A_41, %dma_wait3A_60] : memref<38912x128xf32, #tpu.memory_space<hbm>> -> memref<64x128xf32, #tpu.memory_space<hbm>>
        tpu.wait_dma2 semaphore(%run_scoped3A : memref<!tpu.dma_semaphore, #tpu.memory_space<semaphore_mem>>) src(%arg15 : memref<64x128xf32, #tpu.memory_space<vmem>>) dst(%dma_wait3A_61 : memref<64x128xf32, #tpu.memory_space<hbm>>)
        tpu.yield
      }) : () -> ()
    }
    %scan3A_17 = arith.constant 9 : i32
    %mul3A_18 = arith.constant 1216 : i32
    %mul3A_19 = arith.muli %add3A, %mul3A_18 : i32
    %add3A_20 = arith.constant 1152 : i32
    %add3A_21 = arith.addi %mul3A_19, %add3A_20 : i32
    "tpu.region"() ({
      %run_scoped3A = tpu.sem_alloc : memref<!tpu.dma_semaphore, #tpu.memory_space<semaphore_mem>>
      %dma_start3A_28 = tpu.memref_slice %arg5[%add3A_21] : memref<38912xi32, #tpu.memory_space<hbm>> -> memref<64xi32, #tpu.memory_space<hbm>>
      %dma_start3A_29 = tpu.memref_slice %arg5[%add3A_21] : memref<38912xi32, #tpu.memory_space<hbm>> -> memref<64xi32, #tpu.memory_space<hbm>>
      tpu.enqueue_dma source(%dma_start3A_29 : memref<64xi32, #tpu.memory_space<hbm>>) target(%arg12 : memref<64xi32, #tpu.memory_space<vmem>>) target_semaphore(%run_scoped3A : memref<!tpu.dma_semaphore, #tpu.memory_space<semaphore_mem>>)
      %dma_wait3A_30 = tpu.memref_slice %arg5[%add3A_21] : memref<38912xi32, #tpu.memory_space<hbm>> -> memref<64xi32, #tpu.memory_space<hbm>>
      %dma_wait3A_31 = tpu.memref_slice %arg5[%add3A_21] : memref<38912xi32, #tpu.memory_space<hbm>> -> memref<64xi32, #tpu.memory_space<hbm>>
      tpu.wait_dma2 semaphore(%run_scoped3A : memref<!tpu.dma_semaphore, #tpu.memory_space<semaphore_mem>>) src(%dma_wait3A_31 : memref<64xi32, #tpu.memory_space<hbm>>) dst(%arg12 : memref<64xi32, #tpu.memory_space<vmem>>)
      tpu.yield
    }) : () -> ()
    %dma_start3A_22 = arith.constant 0 : i32
    %dma_start3A_23 = arith.constant 0 : i32
    %dma_start3A_24 = tpu.memref_slice %arg4[%dma_start3A_22, %dma_start3A_23] : memref<20000x128xf32, #tpu.memory_space<hbm>> -> memref<20000x128xf32, #tpu.memory_space<hbm>>
    tpu.enqueue_indirect_dma source(%dma_start3A_24 : memref<20000x128xf32, #tpu.memory_space<hbm>>) target(%arg13 : memref<64x128xf32, #tpu.memory_space<vmem>>) offsets(%arg12 : memref<64xi32, #tpu.memory_space<vmem>>) semaphore(%arg16 : memref<!tpu.dma_semaphore, #tpu.memory_space<semaphore_mem>>)
    %dma_wait3A_25 = arith.constant 0 : i32
    %dma_wait3A_26 = arith.constant 0 : i32
    %dma_wait3A_27 = tpu.memref_slice %arg4[%dma_wait3A_25, %dma_wait3A_26] : memref<20000x128xf32, #tpu.memory_space<hbm>> -> memref<20000x128xf32, #tpu.memory_space<hbm>>
    tpu.wait_indirect_dma semaphore(%arg16 : memref<!tpu.dma_semaphore, #tpu.memory_space<semaphore_mem>>) src(%dma_wait3A_27 : memref<20000x128xf32, #tpu.memory_space<hbm>>) dst(%arg13 : memref<64x128xf32, #tpu.memory_space<vmem>>)
    "tpu.region"() ({
      %run_scoped3A = tpu.sem_alloc : memref<!tpu.dma_semaphore, #tpu.memory_space<semaphore_mem>>
      %dma_start3A_28 = arith.constant 0 : i32
      %dma_start3A_29 = tpu.memref_slice %arg7[%add3A_21, %dma_start3A_28] : memref<38912x128xf32, #tpu.memory_space<hbm>> -> memref<64x128xf32, #tpu.memory_space<hbm>>
      %dma_start3A_30 = arith.constant 0 : i32
      %dma_start3A_31 = tpu.memref_slice %arg7[%add3A_21, %dma_start3A_30] : memref<38912x128xf32, #tpu.memory_space<hbm>> -> memref<64x128xf32, #tpu.memory_space<hbm>>
      tpu.enqueue_dma source(%arg13 : memref<64x128xf32, #tpu.memory_space<vmem>>) target(%dma_start3A_31 : memref<64x128xf32, #tpu.memory_space<hbm>>) target_semaphore(%run_scoped3A : memref<!tpu.dma_semaphore, #tpu.memory_space<semaphore_mem>>)
      %dma_wait3A_32 = arith.constant 0 : i32
      %dma_wait3A_33 = tpu.memref_slice %arg7[%add3A_21, %dma_wait3A_32] : memref<38912x128xf32, #tpu.memory_space<hbm>> -> memref<64x128xf32, #tpu.memory_space<hbm>>
      %dma_wait3A_34 = arith.constant 0 : i32
      %dma_wait3A_35 = tpu.memref_slice %arg7[%add3A_21, %dma_wait3A_34] : memref<38912x128xf32, #tpu.memory_space<hbm>> -> memref<64x128xf32, #tpu.memory_space<hbm>>
      tpu.wait_dma2 semaphore(%run_scoped3A : memref<!tpu.dma_semaphore, #tpu.memory_space<semaphore_mem>>) src(%arg13 : memref<64x128xf32, #tpu.memory_space<vmem>>) dst(%dma_wait3A_35 : memref<64x128xf32, #tpu.memory_space<hbm>>)
      tpu.yield
    }) : () -> ()
    return
  }
}

#map = affine_map<(d0, d1) -> (0, 0)>
#map1 = affine_map<(d0, d1) -> (0)>
module attributes {stable_mosaic.version = 14 : i64} {
  func.func @gather_kernel(%arg0: i32, %arg1: i32, %arg2: memref<20000x128xi32, #tpu.memory_space<hbm>>, %arg3: memref<10240xi32, #tpu.memory_space<hbm>>, %arg4: memref<20000x128xf32, #tpu.memory_space<hbm>>, %arg5: memref<10240xi32, #tpu.memory_space<hbm>>, %arg6: memref<10240x128xi32, #tpu.memory_space<hbm>>, %arg7: memref<10240x128xf32, #tpu.memory_space<hbm>>, %arg8: memref<80xi32, #tpu.memory_space<vmem>>, %arg9: memref<80x128xi32, #tpu.memory_space<vmem>>, %arg10: memref<80xi32, #tpu.memory_space<vmem>>, %arg11: memref<80x128xi32, #tpu.memory_space<vmem>>, %arg12: memref<80xi32, #tpu.memory_space<vmem>>, %arg13: memref<80x128xf32, #tpu.memory_space<vmem>>, %arg14: memref<80xi32, #tpu.memory_space<vmem>>, %arg15: memref<80x128xf32, #tpu.memory_space<vmem>>, %arg16: memref<!tpu.dma_semaphore, #tpu.memory_space<semaphore_mem>>, %arg17: memref<!tpu.dma_semaphore, #tpu.memory_space<semaphore_mem>>) attributes {dimension_semantics = [#tpu.dimension_semantics<core_parallel>, #tpu.dimension_semantics<subcore_parallel>], iteration_bounds = array<i64: 2, 16>, scalar_prefetch = 0 : i64, scratch_operands = 10 : i64, tpu.core_type = #tpu.core_type<sc_vector_subcore>, window_params = [{transform_indices = #map}, {transform_indices = #map1}, {transform_indices = #map}, {transform_indices = #map1}, {transform_indices = #map}, {transform_indices = #map}]} {
    %mul3A = arith.constant 2 : i32
    %mul3A_0 = arith.muli %arg1, %mul3A : i32
    %add3A = arith.addi %mul3A_0, %arg0 : i32
    %scan3A = arith.constant 0 : i32
    %scan3A_1 = arith.constant 2 : i32
    %scan3A_2 = arith.addi %scan3A, %scan3A_1 : i32
    %scan3A_3 = arith.constant 1 : i32
    scf.for %scan3A_10 = %scan3A to %scan3A_2 step %scan3A_3  : i32 {
      %mul3A_11 = arith.constant 1 : i32
      %mul3A_12 = arith.muli %scan3A_10, %mul3A_11 : i32
      %add3A_13 = arith.constant 0 : i32
      %add3A_14 = arith.addi %add3A_13, %mul3A_12 : i32
      %mul3A_15 = arith.constant 320 : i32
      %mul3A_16 = arith.muli %add3A, %mul3A_15 : i32
      %mul3A_17 = arith.constant 2 : i32
      %mul3A_18 = arith.muli %mul3A_17, %add3A_14 : i32
      %mul3A_19 = arith.constant 80 : i32
      %mul3A_20 = arith.muli %mul3A_18, %mul3A_19 : i32
      %add3A_21 = arith.addi %mul3A_16, %mul3A_20 : i32
      %add3A_22 = arith.constant 80 : i32
      %add3A_23 = arith.addi %add3A_21, %add3A_22 : i32
      "tpu.region"() ({
        %run_scoped3A = tpu.sem_alloc : memref<!tpu.dma_semaphore, #tpu.memory_space<semaphore_mem>>
        %dma_start3A_34 = tpu.memref_slice %arg3[%add3A_21] : memref<10240xi32, #tpu.memory_space<hbm>> -> memref<80xi32, #tpu.memory_space<hbm>>
        %dma_start3A_35 = tpu.memref_slice %arg3[%add3A_21] : memref<10240xi32, #tpu.memory_space<hbm>> -> memref<80xi32, #tpu.memory_space<hbm>>
        tpu.enqueue_dma source(%dma_start3A_35 : memref<80xi32, #tpu.memory_space<hbm>>) target(%arg8 : memref<80xi32, #tpu.memory_space<vmem>>) target_semaphore(%run_scoped3A : memref<!tpu.dma_semaphore, #tpu.memory_space<semaphore_mem>>)
        %dma_wait3A_36 = tpu.memref_slice %arg3[%add3A_21] : memref<10240xi32, #tpu.memory_space<hbm>> -> memref<80xi32, #tpu.memory_space<hbm>>
        %dma_wait3A_37 = tpu.memref_slice %arg3[%add3A_21] : memref<10240xi32, #tpu.memory_space<hbm>> -> memref<80xi32, #tpu.memory_space<hbm>>
        tpu.wait_dma2 semaphore(%run_scoped3A : memref<!tpu.dma_semaphore, #tpu.memory_space<semaphore_mem>>) src(%dma_wait3A_37 : memref<80xi32, #tpu.memory_space<hbm>>) dst(%arg8 : memref<80xi32, #tpu.memory_space<vmem>>)
        tpu.yield
      }) : () -> ()
      %dma_start3A = arith.constant 0 : i32
      %dma_start3A_24 = arith.constant 0 : i32
      %dma_start3A_25 = tpu.memref_slice %arg2[%dma_start3A, %dma_start3A_24] : memref<20000x128xi32, #tpu.memory_space<hbm>> -> memref<20000x128xi32, #tpu.memory_space<hbm>>
      tpu.enqueue_indirect_dma source(%dma_start3A_25 : memref<20000x128xi32, #tpu.memory_space<hbm>>) target(%arg9 : memref<80x128xi32, #tpu.memory_space<vmem>>) offsets(%arg8 : memref<80xi32, #tpu.memory_space<vmem>>) semaphore(%arg16 : memref<!tpu.dma_semaphore, #tpu.memory_space<semaphore_mem>>)
      "tpu.region"() ({
        %run_scoped3A = tpu.sem_alloc : memref<!tpu.dma_semaphore, #tpu.memory_space<semaphore_mem>>
        %dma_start3A_34 = tpu.memref_slice %arg3[%add3A_23] : memref<10240xi32, #tpu.memory_space<hbm>> -> memref<80xi32, #tpu.memory_space<hbm>>
        %dma_start3A_35 = tpu.memref_slice %arg3[%add3A_23] : memref<10240xi32, #tpu.memory_space<hbm>> -> memref<80xi32, #tpu.memory_space<hbm>>
        tpu.enqueue_dma source(%dma_start3A_35 : memref<80xi32, #tpu.memory_space<hbm>>) target(%arg10 : memref<80xi32, #tpu.memory_space<vmem>>) target_semaphore(%run_scoped3A : memref<!tpu.dma_semaphore, #tpu.memory_space<semaphore_mem>>)
        %dma_wait3A_36 = tpu.memref_slice %arg3[%add3A_23] : memref<10240xi32, #tpu.memory_space<hbm>> -> memref<80xi32, #tpu.memory_space<hbm>>
        %dma_wait3A_37 = tpu.memref_slice %arg3[%add3A_23] : memref<10240xi32, #tpu.memory_space<hbm>> -> memref<80xi32, #tpu.memory_space<hbm>>
        tpu.wait_dma2 semaphore(%run_scoped3A : memref<!tpu.dma_semaphore, #tpu.memory_space<semaphore_mem>>) src(%dma_wait3A_37 : memref<80xi32, #tpu.memory_space<hbm>>) dst(%arg10 : memref<80xi32, #tpu.memory_space<vmem>>)
        tpu.yield
      }) : () -> ()
      %dma_start3A_26 = arith.constant 0 : i32
      %dma_start3A_27 = arith.constant 0 : i32
      %dma_start3A_28 = tpu.memref_slice %arg2[%dma_start3A_26, %dma_start3A_27] : memref<20000x128xi32, #tpu.memory_space<hbm>> -> memref<20000x128xi32, #tpu.memory_space<hbm>>
      tpu.enqueue_indirect_dma source(%dma_start3A_28 : memref<20000x128xi32, #tpu.memory_space<hbm>>) target(%arg11 : memref<80x128xi32, #tpu.memory_space<vmem>>) offsets(%arg10 : memref<80xi32, #tpu.memory_space<vmem>>) semaphore(%arg17 : memref<!tpu.dma_semaphore, #tpu.memory_space<semaphore_mem>>)
      %dma_wait3A = arith.constant 0 : i32
      %dma_wait3A_29 = arith.constant 0 : i32
      %dma_wait3A_30 = tpu.memref_slice %arg2[%dma_wait3A, %dma_wait3A_29] : memref<20000x128xi32, #tpu.memory_space<hbm>> -> memref<20000x128xi32, #tpu.memory_space<hbm>>
      tpu.wait_indirect_dma semaphore(%arg16 : memref<!tpu.dma_semaphore, #tpu.memory_space<semaphore_mem>>) src(%dma_wait3A_30 : memref<20000x128xi32, #tpu.memory_space<hbm>>) dst(%arg9 : memref<80x128xi32, #tpu.memory_space<vmem>>)
      "tpu.region"() ({
        %run_scoped3A = tpu.sem_alloc : memref<!tpu.dma_semaphore, #tpu.memory_space<semaphore_mem>>
        %dma_start3A_34 = arith.constant 0 : i32
        %dma_start3A_35 = tpu.memref_slice %arg6[%add3A_21, %dma_start3A_34] : memref<10240x128xi32, #tpu.memory_space<hbm>> -> memref<80x128xi32, #tpu.memory_space<hbm>>
        %dma_start3A_36 = arith.constant 0 : i32
        %dma_start3A_37 = tpu.memref_slice %arg6[%add3A_21, %dma_start3A_36] : memref<10240x128xi32, #tpu.memory_space<hbm>> -> memref<80x128xi32, #tpu.memory_space<hbm>>
        tpu.enqueue_dma source(%arg9 : memref<80x128xi32, #tpu.memory_space<vmem>>) target(%dma_start3A_37 : memref<80x128xi32, #tpu.memory_space<hbm>>) target_semaphore(%run_scoped3A : memref<!tpu.dma_semaphore, #tpu.memory_space<semaphore_mem>>)
        %dma_wait3A_38 = arith.constant 0 : i32
        %dma_wait3A_39 = tpu.memref_slice %arg6[%add3A_21, %dma_wait3A_38] : memref<10240x128xi32, #tpu.memory_space<hbm>> -> memref<80x128xi32, #tpu.memory_space<hbm>>
        %dma_wait3A_40 = arith.constant 0 : i32
        %dma_wait3A_41 = tpu.memref_slice %arg6[%add3A_21, %dma_wait3A_40] : memref<10240x128xi32, #tpu.memory_space<hbm>> -> memref<80x128xi32, #tpu.memory_space<hbm>>
        tpu.wait_dma2 semaphore(%run_scoped3A : memref<!tpu.dma_semaphore, #tpu.memory_space<semaphore_mem>>) src(%arg9 : memref<80x128xi32, #tpu.memory_space<vmem>>) dst(%dma_wait3A_41 : memref<80x128xi32, #tpu.memory_space<hbm>>)
        tpu.yield
      }) : () -> ()
      %dma_wait3A_31 = arith.constant 0 : i32
      %dma_wait3A_32 = arith.constant 0 : i32
      %dma_wait3A_33 = tpu.memref_slice %arg2[%dma_wait3A_31, %dma_wait3A_32] : memref<20000x128xi32, #tpu.memory_space<hbm>> -> memref<20000x128xi32, #tpu.memory_space<hbm>>
      tpu.wait_indirect_dma semaphore(%arg17 : memref<!tpu.dma_semaphore, #tpu.memory_space<semaphore_mem>>) src(%dma_wait3A_33 : memref<20000x128xi32, #tpu.memory_space<hbm>>) dst(%arg11 : memref<80x128xi32, #tpu.memory_space<vmem>>)
      "tpu.region"() ({
        %run_scoped3A = tpu.sem_alloc : memref<!tpu.dma_semaphore, #tpu.memory_space<semaphore_mem>>
        %dma_start3A_34 = arith.constant 0 : i32
        %dma_start3A_35 = tpu.memref_slice %arg6[%add3A_23, %dma_start3A_34] : memref<10240x128xi32, #tpu.memory_space<hbm>> -> memref<80x128xi32, #tpu.memory_space<hbm>>
        %dma_start3A_36 = arith.constant 0 : i32
        %dma_start3A_37 = tpu.memref_slice %arg6[%add3A_23, %dma_start3A_36] : memref<10240x128xi32, #tpu.memory_space<hbm>> -> memref<80x128xi32, #tpu.memory_space<hbm>>
        tpu.enqueue_dma source(%arg11 : memref<80x128xi32, #tpu.memory_space<vmem>>) target(%dma_start3A_37 : memref<80x128xi32, #tpu.memory_space<hbm>>) target_semaphore(%run_scoped3A : memref<!tpu.dma_semaphore, #tpu.memory_space<semaphore_mem>>)
        %dma_wait3A_38 = arith.constant 0 : i32
        %dma_wait3A_39 = tpu.memref_slice %arg6[%add3A_23, %dma_wait3A_38] : memref<10240x128xi32, #tpu.memory_space<hbm>> -> memref<80x128xi32, #tpu.memory_space<hbm>>
        %dma_wait3A_40 = arith.constant 0 : i32
        %dma_wait3A_41 = tpu.memref_slice %arg6[%add3A_23, %dma_wait3A_40] : memref<10240x128xi32, #tpu.memory_space<hbm>> -> memref<80x128xi32, #tpu.memory_space<hbm>>
        tpu.wait_dma2 semaphore(%run_scoped3A : memref<!tpu.dma_semaphore, #tpu.memory_space<semaphore_mem>>) src(%arg11 : memref<80x128xi32, #tpu.memory_space<vmem>>) dst(%dma_wait3A_41 : memref<80x128xi32, #tpu.memory_space<hbm>>)
        tpu.yield
      }) : () -> ()
    }
    %scan3A_4 = arith.constant 2 : i32
    %scan3A_5 = arith.constant 0 : i32
    %scan3A_6 = arith.constant 2 : i32
    %scan3A_7 = arith.addi %scan3A_5, %scan3A_6 : i32
    %scan3A_8 = arith.constant 1 : i32
    scf.for %scan3A_10 = %scan3A_5 to %scan3A_7 step %scan3A_8  : i32 {
      %mul3A_11 = arith.constant 1 : i32
      %mul3A_12 = arith.muli %scan3A_10, %mul3A_11 : i32
      %add3A_13 = arith.constant 0 : i32
      %add3A_14 = arith.addi %add3A_13, %mul3A_12 : i32
      %mul3A_15 = arith.constant 320 : i32
      %mul3A_16 = arith.muli %add3A, %mul3A_15 : i32
      %mul3A_17 = arith.constant 2 : i32
      %mul3A_18 = arith.muli %mul3A_17, %add3A_14 : i32
      %mul3A_19 = arith.constant 80 : i32
      %mul3A_20 = arith.muli %mul3A_18, %mul3A_19 : i32
      %add3A_21 = arith.addi %mul3A_16, %mul3A_20 : i32
      %add3A_22 = arith.constant 80 : i32
      %add3A_23 = arith.addi %add3A_21, %add3A_22 : i32
      "tpu.region"() ({
        %run_scoped3A = tpu.sem_alloc : memref<!tpu.dma_semaphore, #tpu.memory_space<semaphore_mem>>
        %dma_start3A_34 = tpu.memref_slice %arg5[%add3A_21] : memref<10240xi32, #tpu.memory_space<hbm>> -> memref<80xi32, #tpu.memory_space<hbm>>
        %dma_start3A_35 = tpu.memref_slice %arg5[%add3A_21] : memref<10240xi32, #tpu.memory_space<hbm>> -> memref<80xi32, #tpu.memory_space<hbm>>
        tpu.enqueue_dma source(%dma_start3A_35 : memref<80xi32, #tpu.memory_space<hbm>>) target(%arg12 : memref<80xi32, #tpu.memory_space<vmem>>) target_semaphore(%run_scoped3A : memref<!tpu.dma_semaphore, #tpu.memory_space<semaphore_mem>>)
        %dma_wait3A_36 = tpu.memref_slice %arg5[%add3A_21] : memref<10240xi32, #tpu.memory_space<hbm>> -> memref<80xi32, #tpu.memory_space<hbm>>
        %dma_wait3A_37 = tpu.memref_slice %arg5[%add3A_21] : memref<10240xi32, #tpu.memory_space<hbm>> -> memref<80xi32, #tpu.memory_space<hbm>>
        tpu.wait_dma2 semaphore(%run_scoped3A : memref<!tpu.dma_semaphore, #tpu.memory_space<semaphore_mem>>) src(%dma_wait3A_37 : memref<80xi32, #tpu.memory_space<hbm>>) dst(%arg12 : memref<80xi32, #tpu.memory_space<vmem>>)
        tpu.yield
      }) : () -> ()
      %dma_start3A = arith.constant 0 : i32
      %dma_start3A_24 = arith.constant 0 : i32
      %dma_start3A_25 = tpu.memref_slice %arg4[%dma_start3A, %dma_start3A_24] : memref<20000x128xf32, #tpu.memory_space<hbm>> -> memref<20000x128xf32, #tpu.memory_space<hbm>>
      tpu.enqueue_indirect_dma source(%dma_start3A_25 : memref<20000x128xf32, #tpu.memory_space<hbm>>) target(%arg13 : memref<80x128xf32, #tpu.memory_space<vmem>>) offsets(%arg12 : memref<80xi32, #tpu.memory_space<vmem>>) semaphore(%arg16 : memref<!tpu.dma_semaphore, #tpu.memory_space<semaphore_mem>>)
      "tpu.region"() ({
        %run_scoped3A = tpu.sem_alloc : memref<!tpu.dma_semaphore, #tpu.memory_space<semaphore_mem>>
        %dma_start3A_34 = tpu.memref_slice %arg5[%add3A_23] : memref<10240xi32, #tpu.memory_space<hbm>> -> memref<80xi32, #tpu.memory_space<hbm>>
        %dma_start3A_35 = tpu.memref_slice %arg5[%add3A_23] : memref<10240xi32, #tpu.memory_space<hbm>> -> memref<80xi32, #tpu.memory_space<hbm>>
        tpu.enqueue_dma source(%dma_start3A_35 : memref<80xi32, #tpu.memory_space<hbm>>) target(%arg14 : memref<80xi32, #tpu.memory_space<vmem>>) target_semaphore(%run_scoped3A : memref<!tpu.dma_semaphore, #tpu.memory_space<semaphore_mem>>)
        %dma_wait3A_36 = tpu.memref_slice %arg5[%add3A_23] : memref<10240xi32, #tpu.memory_space<hbm>> -> memref<80xi32, #tpu.memory_space<hbm>>
        %dma_wait3A_37 = tpu.memref_slice %arg5[%add3A_23] : memref<10240xi32, #tpu.memory_space<hbm>> -> memref<80xi32, #tpu.memory_space<hbm>>
        tpu.wait_dma2 semaphore(%run_scoped3A : memref<!tpu.dma_semaphore, #tpu.memory_space<semaphore_mem>>) src(%dma_wait3A_37 : memref<80xi32, #tpu.memory_space<hbm>>) dst(%arg14 : memref<80xi32, #tpu.memory_space<vmem>>)
        tpu.yield
      }) : () -> ()
      %dma_start3A_26 = arith.constant 0 : i32
      %dma_start3A_27 = arith.constant 0 : i32
      %dma_start3A_28 = tpu.memref_slice %arg4[%dma_start3A_26, %dma_start3A_27] : memref<20000x128xf32, #tpu.memory_space<hbm>> -> memref<20000x128xf32, #tpu.memory_space<hbm>>
      tpu.enqueue_indirect_dma source(%dma_start3A_28 : memref<20000x128xf32, #tpu.memory_space<hbm>>) target(%arg15 : memref<80x128xf32, #tpu.memory_space<vmem>>) offsets(%arg14 : memref<80xi32, #tpu.memory_space<vmem>>) semaphore(%arg17 : memref<!tpu.dma_semaphore, #tpu.memory_space<semaphore_mem>>)
      %dma_wait3A = arith.constant 0 : i32
      %dma_wait3A_29 = arith.constant 0 : i32
      %dma_wait3A_30 = tpu.memref_slice %arg4[%dma_wait3A, %dma_wait3A_29] : memref<20000x128xf32, #tpu.memory_space<hbm>> -> memref<20000x128xf32, #tpu.memory_space<hbm>>
      tpu.wait_indirect_dma semaphore(%arg16 : memref<!tpu.dma_semaphore, #tpu.memory_space<semaphore_mem>>) src(%dma_wait3A_30 : memref<20000x128xf32, #tpu.memory_space<hbm>>) dst(%arg13 : memref<80x128xf32, #tpu.memory_space<vmem>>)
      "tpu.region"() ({
        %run_scoped3A = tpu.sem_alloc : memref<!tpu.dma_semaphore, #tpu.memory_space<semaphore_mem>>
        %dma_start3A_34 = arith.constant 0 : i32
        %dma_start3A_35 = tpu.memref_slice %arg7[%add3A_21, %dma_start3A_34] : memref<10240x128xf32, #tpu.memory_space<hbm>> -> memref<80x128xf32, #tpu.memory_space<hbm>>
        %dma_start3A_36 = arith.constant 0 : i32
        %dma_start3A_37 = tpu.memref_slice %arg7[%add3A_21, %dma_start3A_36] : memref<10240x128xf32, #tpu.memory_space<hbm>> -> memref<80x128xf32, #tpu.memory_space<hbm>>
        tpu.enqueue_dma source(%arg13 : memref<80x128xf32, #tpu.memory_space<vmem>>) target(%dma_start3A_37 : memref<80x128xf32, #tpu.memory_space<hbm>>) target_semaphore(%run_scoped3A : memref<!tpu.dma_semaphore, #tpu.memory_space<semaphore_mem>>)
        %dma_wait3A_38 = arith.constant 0 : i32
        %dma_wait3A_39 = tpu.memref_slice %arg7[%add3A_21, %dma_wait3A_38] : memref<10240x128xf32, #tpu.memory_space<hbm>> -> memref<80x128xf32, #tpu.memory_space<hbm>>
        %dma_wait3A_40 = arith.constant 0 : i32
        %dma_wait3A_41 = tpu.memref_slice %arg7[%add3A_21, %dma_wait3A_40] : memref<10240x128xf32, #tpu.memory_space<hbm>> -> memref<80x128xf32, #tpu.memory_space<hbm>>
        tpu.wait_dma2 semaphore(%run_scoped3A : memref<!tpu.dma_semaphore, #tpu.memory_space<semaphore_mem>>) src(%arg13 : memref<80x128xf32, #tpu.memory_space<vmem>>) dst(%dma_wait3A_41 : memref<80x128xf32, #tpu.memory_space<hbm>>)
        tpu.yield
      }) : () -> ()
      %dma_wait3A_31 = arith.constant 0 : i32
      %dma_wait3A_32 = arith.constant 0 : i32
      %dma_wait3A_33 = tpu.memref_slice %arg4[%dma_wait3A_31, %dma_wait3A_32] : memref<20000x128xf32, #tpu.memory_space<hbm>> -> memref<20000x128xf32, #tpu.memory_space<hbm>>
      tpu.wait_indirect_dma semaphore(%arg17 : memref<!tpu.dma_semaphore, #tpu.memory_space<semaphore_mem>>) src(%dma_wait3A_33 : memref<20000x128xf32, #tpu.memory_space<hbm>>) dst(%arg15 : memref<80x128xf32, #tpu.memory_space<vmem>>)
      "tpu.region"() ({
        %run_scoped3A = tpu.sem_alloc : memref<!tpu.dma_semaphore, #tpu.memory_space<semaphore_mem>>
        %dma_start3A_34 = arith.constant 0 : i32
        %dma_start3A_35 = tpu.memref_slice %arg7[%add3A_23, %dma_start3A_34] : memref<10240x128xf32, #tpu.memory_space<hbm>> -> memref<80x128xf32, #tpu.memory_space<hbm>>
        %dma_start3A_36 = arith.constant 0 : i32
        %dma_start3A_37 = tpu.memref_slice %arg7[%add3A_23, %dma_start3A_36] : memref<10240x128xf32, #tpu.memory_space<hbm>> -> memref<80x128xf32, #tpu.memory_space<hbm>>
        tpu.enqueue_dma source(%arg15 : memref<80x128xf32, #tpu.memory_space<vmem>>) target(%dma_start3A_37 : memref<80x128xf32, #tpu.memory_space<hbm>>) target_semaphore(%run_scoped3A : memref<!tpu.dma_semaphore, #tpu.memory_space<semaphore_mem>>)
        %dma_wait3A_38 = arith.constant 0 : i32
        %dma_wait3A_39 = tpu.memref_slice %arg7[%add3A_23, %dma_wait3A_38] : memref<10240x128xf32, #tpu.memory_space<hbm>> -> memref<80x128xf32, #tpu.memory_space<hbm>>
        %dma_wait3A_40 = arith.constant 0 : i32
        %dma_wait3A_41 = tpu.memref_slice %arg7[%add3A_23, %dma_wait3A_40] : memref<10240x128xf32, #tpu.memory_space<hbm>> -> memref<80x128xf32, #tpu.memory_space<hbm>>
        tpu.wait_dma2 semaphore(%run_scoped3A : memref<!tpu.dma_semaphore, #tpu.memory_space<semaphore_mem>>) src(%arg15 : memref<80x128xf32, #tpu.memory_space<vmem>>) dst(%dma_wait3A_41 : memref<80x128xf32, #tpu.memory_space<hbm>>)
        tpu.yield
      }) : () -> ()
    }
    %scan3A_9 = arith.constant 2 : i32
    return
  }
}

module attributes {stable_mosaic.version = 14 : i64} {
  func.func @body(%arg0: i32, %arg1: memref<2000x4x128xf32, #tpu.memory_space<vmem>>, %arg2: memref<2000x128xf32, #tpu.memory_space<vmem>>, %arg3: memref<128x128xf32, #tpu.memory_space<vmem>>, %arg4: memref<1x128xf32, #tpu.memory_space<vmem>>, %arg5: memref<2000x128xf32, #tpu.memory_space<vmem>>) attributes {dimension_semantics = [#tpu.dimension_semantics<arbitrary>], iteration_bounds = array<i64: 10>, scalar_prefetch = 0 : i64, scratch_operands = 0 : i64, tpu.core_type = #tpu.core_type<tc>, window_params = [{transform_indices = @transform_0, window_bounds = array<i64: 2000, 4, 128>}, {transform_indices = @transform_1, window_bounds = array<i64: 2000, 128>}, {pipeline_mode = #tpu.pipeline_mode<synchronous>, transform_indices = @transform_2, window_bounds = array<i64: 128, 128>}, {pipeline_mode = #tpu.pipeline_mode<synchronous>, transform_indices = @transform_3, window_bounds = array<i64: 1, 128>}, {transform_indices = @transform_4, window_bounds = array<i64: 2000, 128>}]} {
    %get3A = arith.constant 0 : index
    %get3A_0 = arith.constant 0 : index
    %get3A_1 = arith.constant 0 : index
    %get3A_2 = vector.load %arg1[%get3A, %get3A_0, %get3A_1] : memref<2000x4x128xf32, #tpu.memory_space<vmem>>, vector<2000x1x128xf32>
    %get3A_3 = vector.shape_cast %get3A_2 : vector<2000x1x128xf32> to vector<2000x128xf32>
    %get3A_4 = arith.constant 0 : index
    %get3A_5 = arith.constant 1 : index
    %get3A_6 = arith.constant 0 : index
    %get3A_7 = vector.load %arg1[%get3A_4, %get3A_5, %get3A_6] : memref<2000x4x128xf32, #tpu.memory_space<vmem>>, vector<2000x1x128xf32>
    %get3A_8 = vector.shape_cast %get3A_7 : vector<2000x1x128xf32> to vector<2000x128xf32>
    %add3A = arith.addf %get3A_3, %get3A_8 : vector<2000x128xf32>
    %get3A_9 = arith.constant 0 : index
    %get3A_10 = arith.constant 2 : index
    %get3A_11 = arith.constant 0 : index
    %get3A_12 = vector.load %arg1[%get3A_9, %get3A_10, %get3A_11] : memref<2000x4x128xf32, #tpu.memory_space<vmem>>, vector<2000x1x128xf32>
    %get3A_13 = vector.shape_cast %get3A_12 : vector<2000x1x128xf32> to vector<2000x128xf32>
    %add3A_14 = arith.addf %add3A, %get3A_13 : vector<2000x128xf32>
    %get3A_15 = arith.constant 0 : index
    %get3A_16 = arith.constant 3 : index
    %get3A_17 = arith.constant 0 : index
    %get3A_18 = vector.load %arg1[%get3A_15, %get3A_16, %get3A_17] : memref<2000x4x128xf32, #tpu.memory_space<vmem>>, vector<2000x1x128xf32>
    %get3A_19 = vector.shape_cast %get3A_18 : vector<2000x1x128xf32> to vector<2000x128xf32>
    %add3A_20 = arith.addf %add3A_14, %get3A_19 : vector<2000x128xf32>
    %mul3A = arith.constant 2.500000e-01 : f32
    %mul3A_21 = vector.broadcast %mul3A : f32 to vector<2000x128xf32>
    %mul3A_22 = arith.mulf %add3A_20, %mul3A_21 : vector<2000x128xf32>
    %get3A_23 = arith.constant 0 : index
    %get3A_24 = arith.constant 0 : index
    %get3A_25 = vector.load %arg2[%get3A_23, %get3A_24] : memref<2000x128xf32, #tpu.memory_space<vmem>>, vector<2000x128xf32>
    %add3A_26 = arith.addf %mul3A_22, %get3A_25 : vector<2000x128xf32>
    %get3A_27 = arith.constant 0 : index
    %get3A_28 = arith.constant 0 : index
    %get3A_29 = vector.load %arg3[%get3A_27, %get3A_28] : memref<128x128xf32, #tpu.memory_space<vmem>>, vector<128x128xf32>
    %dot_general3A = arith.constant dense<0.000000e+00> : vector<2000x128xf32>
    %dot_general3A_30 = tpu.matmul %add3A_26, %get3A_29, %dot_general3A {dimension_numbers = #tpu.dot_dimension_numbers<[1], [0], [0], [1], [0, 0, 1, 1], [], []>, transpose_lhs_hint = false} : vector<2000x128xf32>, vector<128x128xf32>, vector<2000x128xf32> -> vector<2000x128xf32>
    %get3A_31 = arith.constant 0 : index
    %get3A_32 = arith.constant 0 : index
    %get3A_33 = vector.load %arg4[%get3A_31, %get3A_32] : memref<1x128xf32, #tpu.memory_space<vmem>>, vector<1x128xf32>
    %add3A_34 = vector.broadcast %get3A_33 : vector<1x128xf32> to vector<2000x128xf32>
    %add3A_35 = arith.addf %dot_general3A_30, %add3A_34 : vector<2000x128xf32>
    %tanh3A = math.tanh %add3A_35 : vector<2000x128xf32>
    %swap3A = arith.constant 0 : index
    %swap3A_36 = arith.constant 0 : index
    %swap3A_37 = vector.load %arg5[%swap3A, %swap3A_36] : memref<2000x128xf32, #tpu.memory_space<vmem>>, vector<2000x128xf32>
    tpu.vector_store %arg5[%swap3A, %swap3A_36], %tanh3A {strides = array<i32>} : memref<2000x128xf32, #tpu.memory_space<vmem>>, vector<2000x128xf32>,
    return
  }
  func.func @transform_0(%arg0: i32) -> (i32, i32, i32) {
    %c0_i32 = arith.constant 0 : i32
    %c0_i32_0 = arith.constant 0 : i32
    %c0_i32_1 = arith.constant 0 : i32
    return %arg0, %c0_i32, %c0_i32_0 : i32, i32, i32
  }
  func.func @transform_1(%arg0: i32) -> (i32, i32) {
    %c0_i32 = arith.constant 0 : i32
    %c0_i32_0 = arith.constant 0 : i32
    return %arg0, %c0_i32 : i32, i32
  }
  func.func @transform_2(%arg0: i32) -> (i32, i32) {
    %c0_i32 = arith.constant 0 : i32
    %c0_i32_0 = arith.constant 0 : i32
    %c0_i32_1 = arith.constant 0 : i32
    return %c0_i32, %c0_i32_0 : i32, i32
  }
  func.func @transform_3(%arg0: i32) -> (i32, i32) {
    %c0_i32 = arith.constant 0 : i32
    %c0_i32_0 = arith.constant 0 : i32
    %c0_i32_1 = arith.constant 0 : i32
    return %c0_i32, %c0_i32_0 : i32, i32
  }
  func.func @transform_4(%arg0: i32) -> (i32, i32) {
    %c0_i32 = arith.constant 0 : i32
    %c0_i32_0 = arith.constant 0 : i32
    return %arg0, %c0_i32 : i32, i32
  }
}

module attributes {stable_mosaic.version = 14 : i64} {
  func.func @step(%arg0: i32, %arg1: memref<1x512x128xf32, #tpu.memory_space<vmem>>, %arg2: memref<1x512x16xi32, #tpu.memory_space<vmem>>, %arg3: memref<512x128xf32, #tpu.memory_space<vmem>>, %arg4: memref<128x128xf32, #tpu.memory_space<vmem>>, %arg5: memref<1x128xf32, #tpu.memory_space<vmem>>, %arg6: memref<512x128xf32, #tpu.memory_space<vmem>>, %arg7: memref<512x128xf32, #tpu.memory_space<vmem>>) attributes {dimension_semantics = [#tpu.dimension_semantics<arbitrary>], iteration_bounds = array<i64: 10>, scalar_prefetch = 0 : i64, scratch_operands = 0 : i64, tpu.core_type = #tpu.core_type<tc>, window_params = [{transform_indices = @transform_0, window_bounds = array<i64: 1, 512, 128>}, {transform_indices = @transform_1, window_bounds = array<i64: 1, 512, 16>}, {pipeline_mode = #tpu.pipeline_mode<synchronous>, transform_indices = @transform_2, window_bounds = array<i64: 512, 128>}, {pipeline_mode = #tpu.pipeline_mode<synchronous>, transform_indices = @transform_3, window_bounds = array<i64: 128, 128>}, {pipeline_mode = #tpu.pipeline_mode<synchronous>, transform_indices = @transform_4, window_bounds = array<i64: 1, 128>}, {pipeline_mode = #tpu.pipeline_mode<synchronous>, transform_indices = @transform_5, window_bounds = array<i64: 512, 128>}, {pipeline_mode = #tpu.pipeline_mode<synchronous>, transform_indices = @transform_6, window_bounds = array<i64: 512, 128>}]} {
    %iota3A = tpu.iota {dimensions = array<i32: 1>} : vector<1x512xi32>
    %get3A = arith.constant 0 : index
    %get3A_0 = arith.constant 0 : index
    %get3A_1 = arith.constant 0 : index
    %get3A_2 = vector.load %arg1[%get3A, %get3A_0, %get3A_1] : memref<1x512x128xf32, #tpu.memory_space<vmem>>, vector<1x512x128xf32>
    %get3A_3 = vector.shape_cast %get3A_2 : vector<1x512x128xf32> to vector<512x128xf32>
    %get3A_4 = arith.constant 0 : index
    %get3A_5 = arith.constant 0 : index
    %get3A_6 = arith.constant 0 : index
    %get3A_7 = vector.load %arg2[%get3A_4, %get3A_5, %get3A_6] : memref<1x512x16xi32, #tpu.memory_space<vmem>>, vector<1x512x16xi32>
    %get3A_8 = vector.shape_cast %get3A_7 : vector<1x512x16xi32> to vector<512x16xi32>
    %broadcast_in_dim3A = arith.constant 0.000000e+00 : f32
    %broadcast_in_dim3A_9 = vector.broadcast %broadcast_in_dim3A : f32 to vector<512x512xf32>
    %slice3A = vector.extract_strided_slice %get3A_8 {offsets = [0, 0], sizes = [512, 1], strides = [1, 1]} : vector<512x16xi32> to vector<512x1xi32>
    %eq3A = vector.broadcast %slice3A : vector<512x1xi32> to vector<512x512xi32>
    %eq3A_10 = vector.broadcast %iota3A : vector<1x512xi32> to vector<512x512xi32>
    %eq3A_11 = arith.cmpi eq, %eq3A, %eq3A_10 : vector<512x512xi32>
    %convert_element_type3A = arith.extui %eq3A_11 : vector<512x512xi1> to vector<512x512xi32>
    %convert_element_type3A_12 = arith.sitofp %convert_element_type3A : vector<512x512xi32> to vector<512x512xf32>
    %add3A = arith.addf %broadcast_in_dim3A_9, %convert_element_type3A_12 : vector<512x512xf32>
    %slice3A_13 = vector.extract_strided_slice %get3A_8 {offsets = [0, 1], sizes = [512, 1], strides = [1, 1]} : vector<512x16xi32> to vector<512x1xi32>
    %eq3A_14 = vector.broadcast %slice3A_13 : vector<512x1xi32> to vector<512x512xi32>
    %eq3A_15 = vector.broadcast %iota3A : vector<1x512xi32> to vector<512x512xi32>
    %eq3A_16 = arith.cmpi eq, %eq3A_14, %eq3A_15 : vector<512x512xi32>
    %convert_element_type3A_17 = arith.extui %eq3A_16 : vector<512x512xi1> to vector<512x512xi32>
    %convert_element_type3A_18 = arith.sitofp %convert_element_type3A_17 : vector<512x512xi32> to vector<512x512xf32>
    %add3A_19 = arith.addf %add3A, %convert_element_type3A_18 : vector<512x512xf32>
    %slice3A_20 = vector.extract_strided_slice %get3A_8 {offsets = [0, 2], sizes = [512, 1], strides = [1, 1]} : vector<512x16xi32> to vector<512x1xi32>
    %eq3A_21 = vector.broadcast %slice3A_20 : vector<512x1xi32> to vector<512x512xi32>
    %eq3A_22 = vector.broadcast %iota3A : vector<1x512xi32> to vector<512x512xi32>
    %eq3A_23 = arith.cmpi eq, %eq3A_21, %eq3A_22 : vector<512x512xi32>
    %convert_element_type3A_24 = arith.extui %eq3A_23 : vector<512x512xi1> to vector<512x512xi32>
    %convert_element_type3A_25 = arith.sitofp %convert_element_type3A_24 : vector<512x512xi32> to vector<512x512xf32>
    %add3A_26 = arith.addf %add3A_19, %convert_element_type3A_25 : vector<512x512xf32>
    %slice3A_27 = vector.extract_strided_slice %get3A_8 {offsets = [0, 3], sizes = [512, 1], strides = [1, 1]} : vector<512x16xi32> to vector<512x1xi32>
    %eq3A_28 = vector.broadcast %slice3A_27 : vector<512x1xi32> to vector<512x512xi32>
    %eq3A_29 = vector.broadcast %iota3A : vector<1x512xi32> to vector<512x512xi32>
    %eq3A_30 = arith.cmpi eq, %eq3A_28, %eq3A_29 : vector<512x512xi32>
    %convert_element_type3A_31 = arith.extui %eq3A_30 : vector<512x512xi1> to vector<512x512xi32>
    %convert_element_type3A_32 = arith.sitofp %convert_element_type3A_31 : vector<512x512xi32> to vector<512x512xf32>
    %add3A_33 = arith.addf %add3A_26, %convert_element_type3A_32 : vector<512x512xf32>
    %get3A_34 = arith.constant 0 : index
    %get3A_35 = arith.constant 0 : index
    %get3A_36 = vector.load %arg3[%get3A_34, %get3A_35] : memref<512x128xf32, #tpu.memory_space<vmem>>, vector<512x128xf32>
    %dot_general3A = arith.constant dense<0.000000e+00> : vector<512x128xf32>
    %dot_general3A_37 = tpu.matmul %add3A_33, %get3A_36, %dot_general3A {dimension_numbers = #tpu.dot_dimension_numbers<[1], [0], [0], [1], [0, 0, 1, 1], [], []>, transpose_lhs_hint = false} : vector<512x512xf32>, vector<512x128xf32>, vector<512x128xf32> -> vector<512x128xf32>
    %mul3A = arith.constant 2.500000e-01 : f32
    %mul3A_38 = vector.broadcast %mul3A : f32 to vector<512x128xf32>
    %mul3A_39 = arith.mulf %dot_general3A_37, %mul3A_38 : vector<512x128xf32>
    %add3A_40 = arith.addf %mul3A_39, %get3A_3 : vector<512x128xf32>
    %get3A_41 = arith.constant 0 : index
    %get3A_42 = arith.constant 0 : index
    %get3A_43 = vector.load %arg4[%get3A_41, %get3A_42] : memref<128x128xf32, #tpu.memory_space<vmem>>, vector<128x128xf32>
    %dot_general3A_44 = arith.constant dense<0.000000e+00> : vector<512x128xf32>
    %dot_general3A_45 = tpu.matmul %add3A_40, %get3A_43, %dot_general3A_44 {dimension_numbers = #tpu.dot_dimension_numbers<[1], [0], [0], [1], [0, 0, 1, 1], [], []>, transpose_lhs_hint = false} : vector<512x128xf32>, vector<128x128xf32>, vector<512x128xf32> -> vector<512x128xf32>
    %get3A_46 = arith.constant 0 : index
    %get3A_47 = arith.constant 0 : index
    %get3A_48 = vector.load %arg5[%get3A_46, %get3A_47] : memref<1x128xf32, #tpu.memory_space<vmem>>, vector<1x128xf32>
    %add3A_49 = vector.broadcast %get3A_48 : vector<1x128xf32> to vector<512x128xf32>
    %add3A_50 = arith.addf %dot_general3A_45, %add3A_49 : vector<512x128xf32>
    %tanh3A = math.tanh %add3A_50 : vector<512x128xf32>
    %eq3A_51 = arith.constant 0 : i32
    %eq3A_52 = arith.cmpi eq, %arg0, %eq3A_51 : i32
    %convert_element_type3A_53 = arith.extui %eq3A_52 : i1 to i32
    %cond3A = arith.constant 0 : i32
    %cond3A_54 = arith.cmpi ne, %convert_element_type3A_53, %cond3A : i32
    scf.if %cond3A_54 {
      %broadcast_in_dim3A_68 = arith.constant 0.000000e+00 : f32
      %broadcast_in_dim3A_69 = vector.broadcast %broadcast_in_dim3A_68 : f32 to vector<512x128xf32>
      %swap3A_70 = arith.constant 0 : index
      %swap3A_71 = arith.constant 0 : index
      %swap3A_72 = vector.load %arg6[%swap3A_70, %swap3A_71] : memref<512x128xf32, #tpu.memory_space<vmem>>, vector<512x128xf32>
      tpu.vector_store %arg6[%swap3A_70, %swap3A_71], %broadcast_in_dim3A_69 {strides = array<i32>} : memref<512x128xf32, #tpu.memory_space<vmem>>, vector<512x128xf32>,
      %broadcast_in_dim3A_73 = arith.constant 0.000000e+00 : f32
      %broadcast_in_dim3A_74 = vector.broadcast %broadcast_in_dim3A_73 : f32 to vector<512x128xf32>
      %swap3A_75 = arith.constant 0 : index
      %swap3A_76 = arith.constant 0 : index
      %swap3A_77 = vector.load %arg7[%swap3A_75, %swap3A_76] : memref<512x128xf32, #tpu.memory_space<vmem>>, vector<512x128xf32>
      tpu.vector_store %arg7[%swap3A_75, %swap3A_76], %broadcast_in_dim3A_74 {strides = array<i32>} : memref<512x128xf32, #tpu.memory_space<vmem>>, vector<512x128xf32>,
    } else {
    }
    %get3A_55 = arith.constant 0 : index
    %get3A_56 = arith.constant 0 : index
    %get3A_57 = vector.load %arg6[%get3A_55, %get3A_56] : memref<512x128xf32, #tpu.memory_space<vmem>>, vector<512x128xf32>
    %add3A_58 = arith.addf %get3A_57, %tanh3A : vector<512x128xf32>
    %swap3A = arith.constant 0 : index
    %swap3A_59 = arith.constant 0 : index
    %swap3A_60 = vector.load %arg6[%swap3A, %swap3A_59] : memref<512x128xf32, #tpu.memory_space<vmem>>, vector<512x128xf32>
    tpu.vector_store %arg6[%swap3A, %swap3A_59], %add3A_58 {strides = array<i32>} : memref<512x128xf32, #tpu.memory_space<vmem>>, vector<512x128xf32>,
    %get3A_61 = arith.constant 0 : index
    %get3A_62 = arith.constant 0 : index
    %get3A_63 = vector.load %arg7[%get3A_61, %get3A_62] : memref<512x128xf32, #tpu.memory_space<vmem>>, vector<512x128xf32>
    %add3A_64 = arith.addf %get3A_63, %get3A_3 : vector<512x128xf32>
    %swap3A_65 = arith.constant 0 : index
    %swap3A_66 = arith.constant 0 : index
    %swap3A_67 = vector.load %arg7[%swap3A_65, %swap3A_66] : memref<512x128xf32, #tpu.memory_space<vmem>>, vector<512x128xf32>
    tpu.vector_store %arg7[%swap3A_65, %swap3A_66], %add3A_64 {strides = array<i32>} : memref<512x128xf32, #tpu.memory_space<vmem>>, vector<512x128xf32>,
    return
  }
  func.func @transform_0(%arg0: i32) -> (i32, i32, i32) {
    %c0_i32 = arith.constant 0 : i32
    %c0_i32_0 = arith.constant 0 : i32
    %c0_i32_1 = arith.constant 0 : i32
    return %arg0, %c0_i32, %c0_i32_0 : i32, i32, i32
  }
  func.func @transform_1(%arg0: i32) -> (i32, i32, i32) {
    %c0_i32 = arith.constant 0 : i32
    %c0_i32_0 = arith.constant 0 : i32
    %c0_i32_1 = arith.constant 0 : i32
    return %arg0, %c0_i32, %c0_i32_0 : i32, i32, i32
  }
  func.func @transform_2(%arg0: i32) -> (i32, i32) {
    %c0_i32 = arith.constant 0 : i32
    %c0_i32_0 = arith.constant 0 : i32
    %c0_i32_1 = arith.constant 0 : i32
    return %c0_i32, %c0_i32_0 : i32, i32
  }
  func.func @transform_3(%arg0: i32) -> (i32, i32) {
    %c0_i32 = arith.constant 0 : i32
    %c0_i32_0 = arith.constant 0 : i32
    %c0_i32_1 = arith.constant 0 : i32
    return %c0_i32, %c0_i32_0 : i32, i32
  }
  func.func @transform_4(%arg0: i32) -> (i32, i32) {
    %c0_i32 = arith.constant 0 : i32
    %c0_i32_0 = arith.constant 0 : i32
    %c0_i32_1 = arith.constant 0 : i32
    return %c0_i32, %c0_i32_0 : i32, i32
  }
  func.func @transform_5(%arg0: i32) -> (i32, i32) {
    %c0_i32 = arith.constant 0 : i32
    %c0_i32_0 = arith.constant 0 : i32
    %c0_i32_1 = arith.constant 0 : i32
    return %c0_i32, %c0_i32_0 : i32, i32
  }
  func.func @transform_6(%arg0: i32) -> (i32, i32) {
    %c0_i32 = arith.constant 0 : i32
    %c0_i32_0 = arith.constant 0 : i32
    %c0_i32_1 = arith.constant 0 : i32
    return %c0_i32, %c0_i32_0 : i32, i32
  }
}

module attributes {stable_mosaic.version = 14 : i64} {
  func.func @fin(%arg0: memref<512x128xf32, #tpu.memory_space<vmem>>, %arg1: memref<512x128xf32, #tpu.memory_space<vmem>>, %arg2: memref<512x128xf32, #tpu.memory_space<vmem>>, %arg3: memref<128x128xf32, #tpu.memory_space<vmem>>, %arg4: memref<1x128xf32, #tpu.memory_space<vmem>>, %arg5: memref<512x128xf32, #tpu.memory_space<vmem>>, %arg6: memref<512x128xf32, #tpu.memory_space<vmem>>) attributes {dimension_semantics = [], scalar_prefetch = 0 : i64, scratch_operands = 0 : i64, tpu.core_type = #tpu.core_type<tc>} {
    %get3A = arith.constant 0 : index
    %get3A_0 = arith.constant 0 : index
    %get3A_1 = vector.load %arg1[%get3A, %get3A_0] : memref<512x128xf32, #tpu.memory_space<vmem>>, vector<512x128xf32>
    %mul3A = arith.constant 1.000000e-01 : f32
    %mul3A_2 = vector.broadcast %mul3A : f32 to vector<512x128xf32>
    %mul3A_3 = arith.mulf %get3A_1, %mul3A_2 : vector<512x128xf32>
    %get3A_4 = arith.constant 0 : index
    %get3A_5 = arith.constant 0 : index
    %get3A_6 = vector.load %arg2[%get3A_4, %get3A_5] : memref<512x128xf32, #tpu.memory_space<vmem>>, vector<512x128xf32>
    %add3A = arith.addf %mul3A_3, %get3A_6 : vector<512x128xf32>
    %get3A_7 = arith.constant 0 : index
    %get3A_8 = arith.constant 0 : index
    %get3A_9 = vector.load %arg3[%get3A_7, %get3A_8] : memref<128x128xf32, #tpu.memory_space<vmem>>, vector<128x128xf32>
    %dot_general3A = arith.constant dense<0.000000e+00> : vector<512x128xf32>
    %dot_general3A_10 = tpu.matmul %add3A, %get3A_9, %dot_general3A {dimension_numbers = #tpu.dot_dimension_numbers<[1], [0], [0], [1], [0, 0, 1, 1], [], []>, transpose_lhs_hint = false} : vector<512x128xf32>, vector<128x128xf32>, vector<512x128xf32> -> vector<512x128xf32>
    %get3A_11 = arith.constant 0 : index
    %get3A_12 = arith.constant 0 : index
    %get3A_13 = vector.load %arg4[%get3A_11, %get3A_12] : memref<1x128xf32, #tpu.memory_space<vmem>>, vector<1x128xf32>
    %add3A_14 = vector.broadcast %get3A_13 : vector<1x128xf32> to vector<512x128xf32>
    %add3A_15 = arith.addf %dot_general3A_10, %add3A_14 : vector<512x128xf32>
    %tanh3A = math.tanh %add3A_15 : vector<512x128xf32>
    %get3A_16 = arith.constant 0 : index
    %get3A_17 = arith.constant 0 : index
    %get3A_18 = vector.load %arg0[%get3A_16, %get3A_17] : memref<512x128xf32, #tpu.memory_space<vmem>>, vector<512x128xf32>
    %mul3A_19 = arith.constant 1.000000e-01 : f32
    %mul3A_20 = vector.broadcast %mul3A_19 : f32 to vector<512x128xf32>
    %mul3A_21 = arith.mulf %get3A_18, %mul3A_20 : vector<512x128xf32>
    %add3A_22 = arith.addf %mul3A_21, %tanh3A : vector<512x128xf32>
    %get3A_23 = arith.constant 0 : index
    %get3A_24 = arith.constant 0 : index
    %get3A_25 = vector.load %arg3[%get3A_23, %get3A_24] : memref<128x128xf32, #tpu.memory_space<vmem>>, vector<128x128xf32>
    %dot_general3A_26 = arith.constant dense<0.000000e+00> : vector<512x128xf32>
    %dot_general3A_27 = tpu.matmul %add3A_22, %get3A_25, %dot_general3A_26 {dimension_numbers = #tpu.dot_dimension_numbers<[1], [0], [0], [1], [0, 0, 1, 1], [], []>, transpose_lhs_hint = false} : vector<512x128xf32>, vector<128x128xf32>, vector<512x128xf32> -> vector<512x128xf32>
    %get3A_28 = arith.constant 0 : index
    %get3A_29 = arith.constant 0 : index
    %get3A_30 = vector.load %arg4[%get3A_28, %get3A_29] : memref<1x128xf32, #tpu.memory_space<vmem>>, vector<1x128xf32>
    %add3A_31 = vector.broadcast %get3A_30 : vector<1x128xf32> to vector<512x128xf32>
    %add3A_32 = arith.addf %dot_general3A_27, %add3A_31 : vector<512x128xf32>
    %tanh3A_33 = math.tanh %add3A_32 : vector<512x128xf32>
    %swap3A = arith.constant 0 : index
    %swap3A_34 = arith.constant 0 : index
    %swap3A_35 = vector.load %arg5[%swap3A, %swap3A_34] : memref<512x128xf32, #tpu.memory_space<vmem>>, vector<512x128xf32>
    tpu.vector_store %arg5[%swap3A, %swap3A_34], %tanh3A {strides = array<i32>} : memref<512x128xf32, #tpu.memory_space<vmem>>, vector<512x128xf32>,
    %swap3A_36 = arith.constant 0 : index
    %swap3A_37 = arith.constant 0 : index
    %swap3A_38 = vector.load %arg6[%swap3A_36, %swap3A_37] : memref<512x128xf32, #tpu.memory_space<vmem>>, vector<512x128xf32>
    tpu.vector_store %arg6[%swap3A_36, %swap3A_37], %tanh3A_33 {strides = array<i32>} : memref<512x128xf32, #tpu.memory_space<vmem>>, vector<512x128xf32>,
    return
  }
}

module attributes {stable_mosaic.version = 14 : i64} {
  func.func @body(%arg0: i32, %arg1: memref<608x16xi32, #tpu.memory_space<vmem>>, %arg2: memref<608x16xi32, #tpu.memory_space<vmem>>, %arg3: memref<608x128xf32, #tpu.memory_space<vmem>>, %arg4: memref<608x128xf32, #tpu.memory_space<vmem>>, %arg5: memref<608x128xf32, #tpu.memory_space<vmem>>, %arg6: memref<608x128xf32, #tpu.memory_space<vmem>>, %arg7: memref<4x608x128xf32, #tpu.memory_space<vmem>>, %arg8: memref<16x608x128xf32, #tpu.memory_space<vmem>>, %arg9: memref<16x608x128xf32, #tpu.memory_space<vmem>>, %arg10: memref<608x1xf32, #tpu.memory_space<vmem>>, %arg11: memref<608x1xf32, #tpu.memory_space<vmem>>, %arg12: memref<512x384xf32, #tpu.memory_space<vmem>>, %arg13: memref<512x128xf32, #tpu.memory_space<vmem>>, %arg14: memref<2x128xf32, #tpu.memory_space<vmem>>, %arg15: memref<128x128xf32, #tpu.memory_space<vmem>>, %arg16: memref<1x128xf32, #tpu.memory_space<vmem>>, %arg17: memref<128x128xf32, #tpu.memory_space<vmem>>, %arg18: memref<1x128xf32, #tpu.memory_space<vmem>>, %arg19: memref<128x128xf32, #tpu.memory_space<vmem>>, %arg20: memref<1x128xf32, #tpu.memory_space<vmem>>, %arg21: memref<256x256xf32, #tpu.memory_space<vmem>>, %arg22: memref<1x256xf32, #tpu.memory_space<vmem>>, %arg23: memref<256x512xf32, #tpu.memory_space<vmem>>, %arg24: memref<1x512xf32, #tpu.memory_space<vmem>>, %arg25: memref<128x128xf32, #tpu.memory_space<vmem>>, %arg26: memref<1x128xf32, #tpu.memory_space<vmem>>, %arg27: memref<1x1xf32, #tpu.memory_space<vmem>>, %arg28: memref<1x1xf32, #tpu.memory_space<vmem>>, %arg29: memref<608x512xf32, #tpu.memory_space<vmem>>, %arg30: memref<5x608x128xf32, #tpu.memory_space<vmem>>, %arg31: memref<5x608x128xf32, #tpu.memory_space<vmem>>) attributes {dimension_semantics = [#tpu.dimension_semantics<arbitrary>], iteration_bounds = array<i64: 4>, scalar_prefetch = 0 : i64, scratch_operands = 0 : i64, tpu.core_type = #tpu.core_type<tc>, window_params = [{transform_indices = @transform_0, window_bounds = array<i64: 608, 16>}, {transform_indices = @transform_1, window_bounds = array<i64: 608, 16>}, {transform_indices = @transform_2, window_bounds = array<i64: 608, 128>}, {transform_indices = @transform_3, window_bounds = array<i64: 608, 128>}, {transform_indices = @transform_4, window_bounds = array<i64: 608, 128>}, {transform_indices = @transform_5, window_bounds = array<i64: 608, 128>}, {transform_indices = @transform_6, window_bounds = array<i64: 4, 608, 128>}, {transform_indices = @transform_7, window_bounds = array<i64: 16, 608, 128>}, {transform_indices = @transform_8, window_bounds = array<i64: 16, 608, 128>}, {transform_indices = @transform_9, window_bounds = array<i64: 608, 1>}, {transform_indices = @transform_10, window_bounds = array<i64: 608, 1>}, {pipeline_mode = #tpu.pipeline_mode<synchronous>, transform_indices = @transform_11, window_bounds = array<i64: 512, 384>}, {pipeline_mode = #tpu.pipeline_mode<synchronous>, transform_indices = @transform_12, window_bounds = array<i64: 512, 128>}, {pipeline_mode = #tpu.pipeline_mode<synchronous>, transform_indices = @transform_13, window_bounds = array<i64: 2, 128>}, {pipeline_mode = #tpu.pipeline_mode<synchronous>, transform_indices = @transform_14, window_bounds = array<i64: 128, 128>}, {pipeline_mode = #tpu.pipeline_mode<synchronous>, transform_indices = @transform_15, window_bounds = array<i64: 1, 128>}, {pipeline_mode = #tpu.pipeline_mode<synchronous>, transform_indices = @transform_16, window_bounds = array<i64: 128, 128>}, {pipeline_mode = #tpu.pipeline_mode<synchronous>, transform_indices = @transform_17, window_bounds = array<i64: 1, 128>}, {pipeline_mode = #tpu.pipeline_mode<synchronous>, transform_indices = @transform_18, window_bounds = array<i64: 128, 128>}, {pipeline_mode = #tpu.pipeline_mode<synchronous>, transform_indices = @transform_19, window_bounds = array<i64: 1, 128>}, {pipeline_mode = #tpu.pipeline_mode<synchronous>, transform_indices = @transform_20, window_bounds = array<i64: 256, 256>}, {pipeline_mode = #tpu.pipeline_mode<synchronous>, transform_indices = @transform_21, window_bounds = array<i64: 1, 256>}, {pipeline_mode = #tpu.pipeline_mode<synchronous>, transform_indices = @transform_22, window_bounds = array<i64: 256, 512>}, {pipeline_mode = #tpu.pipeline_mode<synchronous>, transform_indices = @transform_23, window_bounds = array<i64: 1, 512>}, {pipeline_mode = #tpu.pipeline_mode<synchronous>, transform_indices = @transform_24, window_bounds = array<i64: 128, 128>}, {pipeline_mode = #tpu.pipeline_mode<synchronous>, transform_indices = @transform_25, window_bounds = array<i64: 1, 128>}, {pipeline_mode = #tpu.pipeline_mode<synchronous>, transform_indices = @transform_26, window_bounds = array<i64: 1, 1>}, {pipeline_mode = #tpu.pipeline_mode<synchronous>, transform_indices = @transform_27, window_bounds = array<i64: 1, 1>}, {transform_indices = @transform_28, window_bounds = array<i64: 608, 512>}, {transform_indices = @transform_29, window_bounds = array<i64: 5, 608, 128>}, {transform_indices = @transform_30, window_bounds = array<i64: 5, 608, 128>}]} {
    %iota3A = tpu.iota {dimensions = array<i32: 1>} : vector<1x512xi32>
    %broadcast_in_dim3A = arith.constant 0.000000e+00 : f32
    %broadcast_in_dim3A_0 = vector.broadcast %broadcast_in_dim3A : f32 to vector<608x512xf32>
    %get3A = arith.constant 0 : index
    %get3A_1 = arith.constant 0 : index
    %get3A_2 = vector.load %arg1[%get3A, %get3A_1] : memref<608x16xi32, #tpu.memory_space<vmem>>, vector<608x1xi32>
    %eq3A = vector.broadcast %get3A_2 : vector<608x1xi32> to vector<608x512xi32>
    %eq3A_3 = vector.broadcast %iota3A : vector<1x512xi32> to vector<608x512xi32>
    %eq3A_4 = arith.cmpi eq, %eq3A, %eq3A_3 : vector<608x512xi32>
    %convert_element_type3A = arith.extui %eq3A_4 : vector<608x512xi1> to vector<608x512xi32>
    %convert_element_type3A_5 = arith.sitofp %convert_element_type3A : vector<608x512xi32> to vector<608x512xf32>
    %add3A = arith.addf %broadcast_in_dim3A_0, %convert_element_type3A_5 : vector<608x512xf32>
    %get3A_6 = arith.constant 0 : index
    %get3A_7 = arith.constant 1 : index
    %get3A_8 = vector.load %arg1[%get3A_6, %get3A_7] : memref<608x16xi32, #tpu.memory_space<vmem>>, vector<608x1xi32>
    %eq3A_9 = vector.broadcast %get3A_8 : vector<608x1xi32> to vector<608x512xi32>
    %eq3A_10 = vector.broadcast %iota3A : vector<1x512xi32> to vector<608x512xi32>
    %eq3A_11 = arith.cmpi eq, %eq3A_9, %eq3A_10 : vector<608x512xi32>
    %convert_element_type3A_12 = arith.extui %eq3A_11 : vector<608x512xi1> to vector<608x512xi32>
    %convert_element_type3A_13 = arith.sitofp %convert_element_type3A_12 : vector<608x512xi32> to vector<608x512xf32>
    %add3A_14 = arith.addf %add3A, %convert_element_type3A_13 : vector<608x512xf32>
    %get3A_15 = arith.constant 0 : index
    %get3A_16 = arith.constant 2 : index
    %get3A_17 = vector.load %arg1[%get3A_15, %get3A_16] : memref<608x16xi32, #tpu.memory_space<vmem>>, vector<608x1xi32>
    %eq3A_18 = vector.broadcast %get3A_17 : vector<608x1xi32> to vector<608x512xi32>
    %eq3A_19 = vector.broadcast %iota3A : vector<1x512xi32> to vector<608x512xi32>
    %eq3A_20 = arith.cmpi eq, %eq3A_18, %eq3A_19 : vector<608x512xi32>
    %convert_element_type3A_21 = arith.extui %eq3A_20 : vector<608x512xi1> to vector<608x512xi32>
    %convert_element_type3A_22 = arith.sitofp %convert_element_type3A_21 : vector<608x512xi32> to vector<608x512xf32>
    %add3A_23 = arith.addf %add3A_14, %convert_element_type3A_22 : vector<608x512xf32>
    %get3A_24 = arith.constant 0 : index
    %get3A_25 = arith.constant 3 : index
    %get3A_26 = vector.load %arg1[%get3A_24, %get3A_25] : memref<608x16xi32, #tpu.memory_space<vmem>>, vector<608x1xi32>
    %eq3A_27 = vector.broadcast %get3A_26 : vector<608x1xi32> to vector<608x512xi32>
    %eq3A_28 = vector.broadcast %iota3A : vector<1x512xi32> to vector<608x512xi32>
    %eq3A_29 = arith.cmpi eq, %eq3A_27, %eq3A_28 : vector<608x512xi32>
    %convert_element_type3A_30 = arith.extui %eq3A_29 : vector<608x512xi1> to vector<608x512xi32>
    %convert_element_type3A_31 = arith.sitofp %convert_element_type3A_30 : vector<608x512xi32> to vector<608x512xf32>
    %add3A_32 = arith.addf %add3A_23, %convert_element_type3A_31 : vector<608x512xf32>
    %get3A_33 = arith.constant 0 : index
    %get3A_34 = arith.constant 0 : index
    %get3A_35 = vector.load %arg12[%get3A_33, %get3A_34] : memref<512x384xf32, #tpu.memory_space<vmem>>, vector<512x384xf32>
    %dot_general3A = arith.constant dense<0.000000e+00> : vector<608x384xf32>
    %dot_general3A_36 = tpu.matmul %add3A_32, %get3A_35, %dot_general3A {dimension_numbers = #tpu.dot_dimension_numbers<[1], [0], [0], [1], [0, 0, 1, 1], [], []>, transpose_lhs_hint = false} : vector<608x512xf32>, vector<512x384xf32>, vector<608x384xf32> -> vector<608x384xf32>
    %mul3A = arith.constant 2.500000e-01 : f32
    %mul3A_37 = vector.broadcast %mul3A : f32 to vector<608x384xf32>
    %mul3A_38 = arith.mulf %dot_general3A_36, %mul3A_37 : vector<608x384xf32>
    %slice3A = vector.extract_strided_slice %mul3A_38 {offsets = [0, 0], sizes = [608, 128], strides = [1, 1]} : vector<608x384xf32> to vector<608x128xf32>
    %slice3A_39 = vector.extract_strided_slice %mul3A_38 {offsets = [0, 128], sizes = [608, 128], strides = [1, 1]} : vector<608x384xf32> to vector<608x128xf32>
    %slice3A_40 = vector.extract_strided_slice %mul3A_38 {offsets = [0, 256], sizes = [608, 128], strides = [1, 1]} : vector<608x384xf32> to vector<608x128xf32>
    %get3A_41 = arith.constant 0 : index
    %get3A_42 = arith.constant 0 : index
    %get3A_43 = vector.load %arg3[%get3A_41, %get3A_42] : memref<608x128xf32, #tpu.memory_space<vmem>>, vector<608x128xf32>
    %add3A_44 = arith.addf %slice3A, %get3A_43 : vector<608x128xf32>
    %get3A_45 = arith.constant 0 : index
    %get3A_46 = arith.constant 0 : index
    %get3A_47 = vector.load %arg15[%get3A_45, %get3A_46] : memref<128x128xf32, #tpu.memory_space<vmem>>, vector<128x128xf32>
    %dot_general3A_48 = arith.constant dense<0.000000e+00> : vector<608x128xf32>
    %dot_general3A_49 = tpu.matmul %add3A_44, %get3A_47, %dot_general3A_48 {dimension_numbers = #tpu.dot_dimension_numbers<[1], [0], [0], [1], [0, 0, 1, 1], [], []>, transpose_lhs_hint = false} : vector<608x128xf32>, vector<128x128xf32>, vector<608x128xf32> -> vector<608x128xf32>
    %get3A_50 = arith.constant 0 : index
    %get3A_51 = arith.constant 0 : index
    %get3A_52 = vector.load %arg16[%get3A_50, %get3A_51] : memref<1x128xf32, #tpu.memory_space<vmem>>, vector<1x128xf32>
    %add3A_53 = vector.broadcast %get3A_52 : vector<1x128xf32> to vector<608x128xf32>
    %add3A_54 = arith.addf %dot_general3A_49, %add3A_53 : vector<608x128xf32>
    %tanh3A = math.tanh %add3A_54 : vector<608x128xf32>
    %add3A_55 = arith.addf %slice3A_39, %tanh3A : vector<608x128xf32>
    %get3A_56 = arith.constant 0 : index
    %get3A_57 = arith.constant 0 : index
    %get3A_58 = vector.load %arg15[%get3A_56, %get3A_57] : memref<128x128xf32, #tpu.memory_space<vmem>>, vector<128x128xf32>
    %dot_general3A_59 = arith.constant dense<0.000000e+00> : vector<608x128xf32>
    %dot_general3A_60 = tpu.matmul %add3A_55, %get3A_58, %dot_general3A_59 {dimension_numbers = #tpu.dot_dimension_numbers<[1], [0], [0], [1], [0, 0, 1, 1], [], []>, transpose_lhs_hint = false} : vector<608x128xf32>, vector<128x128xf32>, vector<608x128xf32> -> vector<608x128xf32>
    %get3A_61 = arith.constant 0 : index
    %get3A_62 = arith.constant 0 : index
    %get3A_63 = vector.load %arg16[%get3A_61, %get3A_62] : memref<1x128xf32, #tpu.memory_space<vmem>>, vector<1x128xf32>
    %add3A_64 = vector.broadcast %get3A_63 : vector<1x128xf32> to vector<608x128xf32>
    %add3A_65 = arith.addf %dot_general3A_60, %add3A_64 : vector<608x128xf32>
    %tanh3A_66 = math.tanh %add3A_65 : vector<608x128xf32>
    %add3A_67 = arith.addf %slice3A_40, %tanh3A_66 : vector<608x128xf32>
    %get3A_68 = arith.constant 0 : index
    %get3A_69 = arith.constant 0 : index
    %get3A_70 = vector.load %arg15[%get3A_68, %get3A_69] : memref<128x128xf32, #tpu.memory_space<vmem>>, vector<128x128xf32>
    %dot_general3A_71 = arith.constant dense<0.000000e+00> : vector<608x128xf32>
    %dot_general3A_72 = tpu.matmul %add3A_67, %get3A_70, %dot_general3A_71 {dimension_numbers = #tpu.dot_dimension_numbers<[1], [0], [0], [1], [0, 0, 1, 1], [], []>, transpose_lhs_hint = false} : vector<608x128xf32>, vector<128x128xf32>, vector<608x128xf32> -> vector<608x128xf32>
    %get3A_73 = arith.constant 0 : index
    %get3A_74 = arith.constant 0 : index
    %get3A_75 = vector.load %arg16[%get3A_73, %get3A_74] : memref<1x128xf32, #tpu.memory_space<vmem>>, vector<1x128xf32>
    %add3A_76 = vector.broadcast %get3A_75 : vector<1x128xf32> to vector<608x128xf32>
    %add3A_77 = arith.addf %dot_general3A_72, %add3A_76 : vector<608x128xf32>
    %tanh3A_78 = math.tanh %add3A_77 : vector<608x128xf32>
    %get3A_79 = arith.constant 0 : index
    %get3A_80 = arith.constant 0 : index
    %get3A_81 = vector.load %arg19[%get3A_79, %get3A_80] : memref<128x128xf32, #tpu.memory_space<vmem>>, vector<128x128xf32>
    %dot_general3A_82 = arith.constant dense<0.000000e+00> : vector<608x128xf32>
    %dot_general3A_83 = tpu.matmul %tanh3A_78, %get3A_81, %dot_general3A_82 {dimension_numbers = #tpu.dot_dimension_numbers<[1], [0], [0], [1], [0, 0, 1, 1], [], []>, transpose_lhs_hint = false} : vector<608x128xf32>, vector<128x128xf32>, vector<608x128xf32> -> vector<608x128xf32>
    %get3A_84 = arith.constant 0 : index
    %get3A_85 = arith.constant 0 : index
    %get3A_86 = vector.load %arg20[%get3A_84, %get3A_85] : memref<1x128xf32, #tpu.memory_space<vmem>>, vector<1x128xf32>
    %add3A_87 = vector.broadcast %get3A_86 : vector<1x128xf32> to vector<608x128xf32>
    %add3A_88 = arith.addf %dot_general3A_83, %add3A_87 : vector<608x128xf32>
    %tanh3A_89 = math.tanh %add3A_88 : vector<608x128xf32>
    %get3A_90 = arith.constant 0 : index
    %get3A_91 = arith.constant 0 : index
    %get3A_92 = arith.constant 0 : index
    %get3A_93 = vector.load %arg7[%get3A_90, %get3A_91, %get3A_92] : memref<4x608x128xf32, #tpu.memory_space<vmem>>, vector<1x608x128xf32>
    %get3A_94 = vector.shape_cast %get3A_93 : vector<1x608x128xf32> to vector<608x128xf32>
    %get3A_95 = arith.constant 1 : index
    %get3A_96 = arith.constant 0 : index
    %get3A_97 = arith.constant 0 : index
    %get3A_98 = vector.load %arg7[%get3A_95, %get3A_96, %get3A_97] : memref<4x608x128xf32, #tpu.memory_space<vmem>>, vector<1x608x128xf32>
    %get3A_99 = vector.shape_cast %get3A_98 : vector<1x608x128xf32> to vector<608x128xf32>
    %get3A_100 = arith.constant 2 : index
    %get3A_101 = arith.constant 0 : index
    %get3A_102 = arith.constant 0 : index
    %get3A_103 = vector.load %arg7[%get3A_100, %get3A_101, %get3A_102] : memref<4x608x128xf32, #tpu.memory_space<vmem>>, vector<1x608x128xf32>
    %get3A_104 = vector.shape_cast %get3A_103 : vector<1x608x128xf32> to vector<608x128xf32>
    %get3A_105 = arith.constant 3 : index
    %get3A_106 = arith.constant 0 : index
    %get3A_107 = arith.constant 0 : index
    %get3A_108 = vector.load %arg7[%get3A_105, %get3A_106, %get3A_107] : memref<4x608x128xf32, #tpu.memory_space<vmem>>, vector<1x608x128xf32>
    %get3A_109 = vector.shape_cast %get3A_108 : vector<1x608x128xf32> to vector<608x128xf32>
    %get3A_110 = arith.constant 0 : index
    %get3A_111 = arith.constant 0 : index
    %get3A_112 = arith.constant 0 : index
    %get3A_113 = vector.load %arg8[%get3A_110, %get3A_111, %get3A_112] : memref<16x608x128xf32, #tpu.memory_space<vmem>>, vector<1x608x128xf32>
    %get3A_114 = vector.shape_cast %get3A_113 : vector<1x608x128xf32> to vector<608x128xf32>
    %get3A_115 = arith.constant 1 : index
    %get3A_116 = arith.constant 0 : index
    %get3A_117 = arith.constant 0 : index
    %get3A_118 = vector.load %arg8[%get3A_115, %get3A_116, %get3A_117] : memref<16x608x128xf32, #tpu.memory_space<vmem>>, vector<1x608x128xf32>
    %get3A_119 = vector.shape_cast %get3A_118 : vector<1x608x128xf32> to vector<608x128xf32>
    %add3A_120 = arith.addf %get3A_114, %get3A_119 : vector<608x128xf32>
    %get3A_121 = arith.constant 2 : index
    %get3A_122 = arith.constant 0 : index
    %get3A_123 = arith.constant 0 : index
    %get3A_124 = vector.load %arg8[%get3A_121, %get3A_122, %get3A_123] : memref<16x608x128xf32, #tpu.memory_space<vmem>>, vector<1x608x128xf32>
    %get3A_125 = vector.shape_cast %get3A_124 : vector<1x608x128xf32> to vector<608x128xf32>
    %add3A_126 = arith.addf %add3A_120, %get3A_125 : vector<608x128xf32>
    %get3A_127 = arith.constant 3 : index
    %get3A_128 = arith.constant 0 : index
    %get3A_129 = arith.constant 0 : index
    %get3A_130 = vector.load %arg8[%get3A_127, %get3A_128, %get3A_129] : memref<16x608x128xf32, #tpu.memory_space<vmem>>, vector<1x608x128xf32>
    %get3A_131 = vector.shape_cast %get3A_130 : vector<1x608x128xf32> to vector<608x128xf32>
    %add3A_132 = arith.addf %add3A_126, %get3A_131 : vector<608x128xf32>
    %mul3A_133 = arith.constant 2.500000e-01 : f32
    %mul3A_134 = vector.broadcast %mul3A_133 : f32 to vector<608x128xf32>
    %mul3A_135 = arith.mulf %add3A_132, %mul3A_134 : vector<608x128xf32>
    %get3A_136 = arith.constant 4 : index
    %get3A_137 = arith.constant 0 : index
    %get3A_138 = arith.constant 0 : index
    %get3A_139 = vector.load %arg8[%get3A_136, %get3A_137, %get3A_138] : memref<16x608x128xf32, #tpu.memory_space<vmem>>, vector<1x608x128xf32>
    %get3A_140 = vector.shape_cast %get3A_139 : vector<1x608x128xf32> to vector<608x128xf32>
    %get3A_141 = arith.constant 5 : index
    %get3A_142 = arith.constant 0 : index
    %get3A_143 = arith.constant 0 : index
    %get3A_144 = vector.load %arg8[%get3A_141, %get3A_142, %get3A_143] : memref<16x608x128xf32, #tpu.memory_space<vmem>>, vector<1x608x128xf32>
    %get3A_145 = vector.shape_cast %get3A_144 : vector<1x608x128xf32> to vector<608x128xf32>
    %add3A_146 = arith.addf %get3A_140, %get3A_145 : vector<608x128xf32>
    %get3A_147 = arith.constant 6 : index
    %get3A_148 = arith.constant 0 : index
    %get3A_149 = arith.constant 0 : index
    %get3A_150 = vector.load %arg8[%get3A_147, %get3A_148, %get3A_149] : memref<16x608x128xf32, #tpu.memory_space<vmem>>, vector<1x608x128xf32>
    %get3A_151 = vector.shape_cast %get3A_150 : vector<1x608x128xf32> to vector<608x128xf32>
    %add3A_152 = arith.addf %add3A_146, %get3A_151 : vector<608x128xf32>
    %get3A_153 = arith.constant 7 : index
    %get3A_154 = arith.constant 0 : index
    %get3A_155 = arith.constant 0 : index
    %get3A_156 = vector.load %arg8[%get3A_153, %get3A_154, %get3A_155] : memref<16x608x128xf32, #tpu.memory_space<vmem>>, vector<1x608x128xf32>
    %get3A_157 = vector.shape_cast %get3A_156 : vector<1x608x128xf32> to vector<608x128xf32>
    %add3A_158 = arith.addf %add3A_152, %get3A_157 : vector<608x128xf32>
    %mul3A_159 = arith.constant 2.500000e-01 : f32
    %mul3A_160 = vector.broadcast %mul3A_159 : f32 to vector<608x128xf32>
    %mul3A_161 = arith.mulf %add3A_158, %mul3A_160 : vector<608x128xf32>
    %get3A_162 = arith.constant 8 : index
    %get3A_163 = arith.constant 0 : index
    %get3A_164 = arith.constant 0 : index
    %get3A_165 = vector.load %arg8[%get3A_162, %get3A_163, %get3A_164] : memref<16x608x128xf32, #tpu.memory_space<vmem>>, vector<1x608x128xf32>
    %get3A_166 = vector.shape_cast %get3A_165 : vector<1x608x128xf32> to vector<608x128xf32>
    %get3A_167 = arith.constant 9 : index
    %get3A_168 = arith.constant 0 : index
    %get3A_169 = arith.constant 0 : index
    %get3A_170 = vector.load %arg8[%get3A_167, %get3A_168, %get3A_169] : memref<16x608x128xf32, #tpu.memory_space<vmem>>, vector<1x608x128xf32>
    %get3A_171 = vector.shape_cast %get3A_170 : vector<1x608x128xf32> to vector<608x128xf32>
    %add3A_172 = arith.addf %get3A_166, %get3A_171 : vector<608x128xf32>
    %get3A_173 = arith.constant 10 : index
    %get3A_174 = arith.constant 0 : index
    %get3A_175 = arith.constant 0 : index
    %get3A_176 = vector.load %arg8[%get3A_173, %get3A_174, %get3A_175] : memref<16x608x128xf32, #tpu.memory_space<vmem>>, vector<1x608x128xf32>
    %get3A_177 = vector.shape_cast %get3A_176 : vector<1x608x128xf32> to vector<608x128xf32>
    %add3A_178 = arith.addf %add3A_172, %get3A_177 : vector<608x128xf32>
    %get3A_179 = arith.constant 11 : index
    %get3A_180 = arith.constant 0 : index
    %get3A_181 = arith.constant 0 : index
    %get3A_182 = vector.load %arg8[%get3A_179, %get3A_180, %get3A_181] : memref<16x608x128xf32, #tpu.memory_space<vmem>>, vector<1x608x128xf32>
    %get3A_183 = vector.shape_cast %get3A_182 : vector<1x608x128xf32> to vector<608x128xf32>
    %add3A_184 = arith.addf %add3A_178, %get3A_183 : vector<608x128xf32>
    %mul3A_185 = arith.constant 2.500000e-01 : f32
    %mul3A_186 = vector.broadcast %mul3A_185 : f32 to vector<608x128xf32>
    %mul3A_187 = arith.mulf %add3A_184, %mul3A_186 : vector<608x128xf32>
    %get3A_188 = arith.constant 12 : index
    %get3A_189 = arith.constant 0 : index
    %get3A_190 = arith.constant 0 : index
    %get3A_191 = vector.load %arg8[%get3A_188, %get3A_189, %get3A_190] : memref<16x608x128xf32, #tpu.memory_space<vmem>>, vector<1x608x128xf32>
    %get3A_192 = vector.shape_cast %get3A_191 : vector<1x608x128xf32> to vector<608x128xf32>
    %get3A_193 = arith.constant 13 : index
    %get3A_194 = arith.constant 0 : index
    %get3A_195 = arith.constant 0 : index
    %get3A_196 = vector.load %arg8[%get3A_193, %get3A_194, %get3A_195] : memref<16x608x128xf32, #tpu.memory_space<vmem>>, vector<1x608x128xf32>
    %get3A_197 = vector.shape_cast %get3A_196 : vector<1x608x128xf32> to vector<608x128xf32>
    %add3A_198 = arith.addf %get3A_192, %get3A_197 : vector<608x128xf32>
    %get3A_199 = arith.constant 14 : index
    %get3A_200 = arith.constant 0 : index
    %get3A_201 = arith.constant 0 : index
    %get3A_202 = vector.load %arg8[%get3A_199, %get3A_200, %get3A_201] : memref<16x608x128xf32, #tpu.memory_space<vmem>>, vector<1x608x128xf32>
    %get3A_203 = vector.shape_cast %get3A_202 : vector<1x608x128xf32> to vector<608x128xf32>
    %add3A_204 = arith.addf %add3A_198, %get3A_203 : vector<608x128xf32>
    %get3A_205 = arith.constant 15 : index
    %get3A_206 = arith.constant 0 : index
    %get3A_207 = arith.constant 0 : index
    %get3A_208 = vector.load %arg8[%get3A_205, %get3A_206, %get3A_207] : memref<16x608x128xf32, #tpu.memory_space<vmem>>, vector<1x608x128xf32>
    %get3A_209 = vector.shape_cast %get3A_208 : vector<1x608x128xf32> to vector<608x128xf32>
    %add3A_210 = arith.addf %add3A_204, %get3A_209 : vector<608x128xf32>
    %mul3A_211 = arith.constant 2.500000e-01 : f32
    %mul3A_212 = vector.broadcast %mul3A_211 : f32 to vector<608x128xf32>
    %mul3A_213 = arith.mulf %add3A_210, %mul3A_212 : vector<608x128xf32>
    %add3A_214 = arith.addf %mul3A_135, %get3A_94 : vector<608x128xf32>
    %add3A_215 = arith.addf %mul3A_161, %get3A_99 : vector<608x128xf32>
    %add3A_216 = arith.addf %mul3A_187, %get3A_104 : vector<608x128xf32>
    %add3A_217 = arith.addf %mul3A_213, %get3A_109 : vector<608x128xf32>
    %concatenate3A = tpu.concatenate %add3A_214, %add3A_215, %add3A_216, %add3A_217 in 0 : vector<608x128xf32>, vector<608x128xf32>, vector<608x128xf32>, vector<608x128xf32> -> vector<2432x128xf32>
    %get3A_218 = arith.constant 0 : index
    %get3A_219 = arith.constant 0 : index
    %get3A_220 = vector.load %arg17[%get3A_218, %get3A_219] : memref<128x128xf32, #tpu.memory_space<vmem>>, vector<128x128xf32>
    %dot_general3A_221 = arith.constant dense<0.000000e+00> : vector<2432x128xf32>
    %dot_general3A_222 = tpu.matmul %concatenate3A, %get3A_220, %dot_general3A_221 {dimension_numbers = #tpu.dot_dimension_numbers<[1], [0], [0], [1], [0, 0, 1, 1], [], []>, transpose_lhs_hint = false} : vector<2432x128xf32>, vector<128x128xf32>, vector<2432x128xf32> -> vector<2432x128xf32>
    %get3A_223 = arith.constant 0 : index
    %get3A_224 = arith.constant 0 : index
    %get3A_225 = vector.load %arg18[%get3A_223, %get3A_224] : memref<1x128xf32, #tpu.memory_space<vmem>>, vector<1x128xf32>
    %add3A_226 = vector.broadcast %get3A_225 : vector<1x128xf32> to vector<2432x128xf32>
    %add3A_227 = arith.addf %dot_general3A_222, %add3A_226 : vector<2432x128xf32>
    %tanh3A_228 = math.tanh %add3A_227 : vector<2432x128xf32>
    %slice3A_229 = vector.extract_strided_slice %tanh3A_228 {offsets = [0, 0], sizes = [608, 128], strides = [1, 1]} : vector<2432x128xf32> to vector<608x128xf32>
    %slice3A_230 = vector.extract_strided_slice %tanh3A_228 {offsets = [608, 0], sizes = [608, 128], strides = [1, 1]} : vector<2432x128xf32> to vector<608x128xf32>
    %slice3A_231 = vector.extract_strided_slice %tanh3A_228 {offsets = [1216, 0], sizes = [608, 128], strides = [1, 1]} : vector<2432x128xf32> to vector<608x128xf32>
    %slice3A_232 = vector.extract_strided_slice %tanh3A_228 {offsets = [1824, 0], sizes = [608, 128], strides = [1, 1]} : vector<2432x128xf32> to vector<608x128xf32>
    %get3A_233 = arith.constant 0 : index
    %get3A_234 = arith.constant 0 : index
    %get3A_235 = arith.constant 0 : index
    %get3A_236 = vector.load %arg9[%get3A_233, %get3A_234, %get3A_235] : memref<16x608x128xf32, #tpu.memory_space<vmem>>, vector<1x608x128xf32>
    %get3A_237 = vector.shape_cast %get3A_236 : vector<1x608x128xf32> to vector<608x128xf32>
    %get3A_238 = arith.constant 1 : index
    %get3A_239 = arith.constant 0 : index
    %get3A_240 = arith.constant 0 : index
    %get3A_241 = vector.load %arg9[%get3A_238, %get3A_239, %get3A_240] : memref<16x608x128xf32, #tpu.memory_space<vmem>>, vector<1x608x128xf32>
    %get3A_242 = vector.shape_cast %get3A_241 : vector<1x608x128xf32> to vector<608x128xf32>
    %add3A_243 = arith.addf %get3A_237, %get3A_242 : vector<608x128xf32>
    %get3A_244 = arith.constant 2 : index
    %get3A_245 = arith.constant 0 : index
    %get3A_246 = arith.constant 0 : index
    %get3A_247 = vector.load %arg9[%get3A_244, %get3A_245, %get3A_246] : memref<16x608x128xf32, #tpu.memory_space<vmem>>, vector<1x608x128xf32>
    %get3A_248 = vector.shape_cast %get3A_247 : vector<1x608x128xf32> to vector<608x128xf32>
    %add3A_249 = arith.addf %add3A_243, %get3A_248 : vector<608x128xf32>
    %get3A_250 = arith.constant 3 : index
    %get3A_251 = arith.constant 0 : index
    %get3A_252 = arith.constant 0 : index
    %get3A_253 = vector.load %arg9[%get3A_250, %get3A_251, %get3A_252] : memref<16x608x128xf32, #tpu.memory_space<vmem>>, vector<1x608x128xf32>
    %get3A_254 = vector.shape_cast %get3A_253 : vector<1x608x128xf32> to vector<608x128xf32>
    %add3A_255 = arith.addf %add3A_249, %get3A_254 : vector<608x128xf32>
    %mul3A_256 = arith.constant 2.500000e-01 : f32
    %mul3A_257 = vector.broadcast %mul3A_256 : f32 to vector<608x128xf32>
    %mul3A_258 = arith.mulf %add3A_255, %mul3A_257 : vector<608x128xf32>
    %get3A_259 = arith.constant 4 : index
    %get3A_260 = arith.constant 0 : index
    %get3A_261 = arith.constant 0 : index
    %get3A_262 = vector.load %arg9[%get3A_259, %get3A_260, %get3A_261] : memref<16x608x128xf32, #tpu.memory_space<vmem>>, vector<1x608x128xf32>
    %get3A_263 = vector.shape_cast %get3A_262 : vector<1x608x128xf32> to vector<608x128xf32>
    %get3A_264 = arith.constant 5 : index
    %get3A_265 = arith.constant 0 : index
    %get3A_266 = arith.constant 0 : index
    %get3A_267 = vector.load %arg9[%get3A_264, %get3A_265, %get3A_266] : memref<16x608x128xf32, #tpu.memory_space<vmem>>, vector<1x608x128xf32>
    %get3A_268 = vector.shape_cast %get3A_267 : vector<1x608x128xf32> to vector<608x128xf32>
    %add3A_269 = arith.addf %get3A_263, %get3A_268 : vector<608x128xf32>
    %get3A_270 = arith.constant 6 : index
    %get3A_271 = arith.constant 0 : index
    %get3A_272 = arith.constant 0 : index
    %get3A_273 = vector.load %arg9[%get3A_270, %get3A_271, %get3A_272] : memref<16x608x128xf32, #tpu.memory_space<vmem>>, vector<1x608x128xf32>
    %get3A_274 = vector.shape_cast %get3A_273 : vector<1x608x128xf32> to vector<608x128xf32>
    %add3A_275 = arith.addf %add3A_269, %get3A_274 : vector<608x128xf32>
    %get3A_276 = arith.constant 7 : index
    %get3A_277 = arith.constant 0 : index
    %get3A_278 = arith.constant 0 : index
    %get3A_279 = vector.load %arg9[%get3A_276, %get3A_277, %get3A_278] : memref<16x608x128xf32, #tpu.memory_space<vmem>>, vector<1x608x128xf32>
    %get3A_280 = vector.shape_cast %get3A_279 : vector<1x608x128xf32> to vector<608x128xf32>
    %add3A_281 = arith.addf %add3A_275, %get3A_280 : vector<608x128xf32>
    %mul3A_282 = arith.constant 2.500000e-01 : f32
    %mul3A_283 = vector.broadcast %mul3A_282 : f32 to vector<608x128xf32>
    %mul3A_284 = arith.mulf %add3A_281, %mul3A_283 : vector<608x128xf32>
    %get3A_285 = arith.constant 8 : index
    %get3A_286 = arith.constant 0 : index
    %get3A_287 = arith.constant 0 : index
    %get3A_288 = vector.load %arg9[%get3A_285, %get3A_286, %get3A_287] : memref<16x608x128xf32, #tpu.memory_space<vmem>>, vector<1x608x128xf32>
    %get3A_289 = vector.shape_cast %get3A_288 : vector<1x608x128xf32> to vector<608x128xf32>
    %get3A_290 = arith.constant 9 : index
    %get3A_291 = arith.constant 0 : index
    %get3A_292 = arith.constant 0 : index
    %get3A_293 = vector.load %arg9[%get3A_290, %get3A_291, %get3A_292] : memref<16x608x128xf32, #tpu.memory_space<vmem>>, vector<1x608x128xf32>
    %get3A_294 = vector.shape_cast %get3A_293 : vector<1x608x128xf32> to vector<608x128xf32>
    %add3A_295 = arith.addf %get3A_289, %get3A_294 : vector<608x128xf32>
    %get3A_296 = arith.constant 10 : index
    %get3A_297 = arith.constant 0 : index
    %get3A_298 = arith.constant 0 : index
    %get3A_299 = vector.load %arg9[%get3A_296, %get3A_297, %get3A_298] : memref<16x608x128xf32, #tpu.memory_space<vmem>>, vector<1x608x128xf32>
    %get3A_300 = vector.shape_cast %get3A_299 : vector<1x608x128xf32> to vector<608x128xf32>
    %add3A_301 = arith.addf %add3A_295, %get3A_300 : vector<608x128xf32>
    %get3A_302 = arith.constant 11 : index
    %get3A_303 = arith.constant 0 : index
    %get3A_304 = arith.constant 0 : index
    %get3A_305 = vector.load %arg9[%get3A_302, %get3A_303, %get3A_304] : memref<16x608x128xf32, #tpu.memory_space<vmem>>, vector<1x608x128xf32>
    %get3A_306 = vector.shape_cast %get3A_305 : vector<1x608x128xf32> to vector<608x128xf32>
    %add3A_307 = arith.addf %add3A_301, %get3A_306 : vector<608x128xf32>
    %mul3A_308 = arith.constant 2.500000e-01 : f32
    %mul3A_309 = vector.broadcast %mul3A_308 : f32 to vector<608x128xf32>
    %mul3A_310 = arith.mulf %add3A_307, %mul3A_309 : vector<608x128xf32>
    %get3A_311 = arith.constant 12 : index
    %get3A_312 = arith.constant 0 : index
    %get3A_313 = arith.constant 0 : index
    %get3A_314 = vector.load %arg9[%get3A_311, %get3A_312, %get3A_313] : memref<16x608x128xf32, #tpu.memory_space<vmem>>, vector<1x608x128xf32>
    %get3A_315 = vector.shape_cast %get3A_314 : vector<1x608x128xf32> to vector<608x128xf32>
    %get3A_316 = arith.constant 13 : index
    %get3A_317 = arith.constant 0 : index
    %get3A_318 = arith.constant 0 : index
    %get3A_319 = vector.load %arg9[%get3A_316, %get3A_317, %get3A_318] : memref<16x608x128xf32, #tpu.memory_space<vmem>>, vector<1x608x128xf32>
    %get3A_320 = vector.shape_cast %get3A_319 : vector<1x608x128xf32> to vector<608x128xf32>
    %add3A_321 = arith.addf %get3A_315, %get3A_320 : vector<608x128xf32>
    %get3A_322 = arith.constant 14 : index
    %get3A_323 = arith.constant 0 : index
    %get3A_324 = arith.constant 0 : index
    %get3A_325 = vector.load %arg9[%get3A_322, %get3A_323, %get3A_324] : memref<16x608x128xf32, #tpu.memory_space<vmem>>, vector<1x608x128xf32>
    %get3A_326 = vector.shape_cast %get3A_325 : vector<1x608x128xf32> to vector<608x128xf32>
    %add3A_327 = arith.addf %add3A_321, %get3A_326 : vector<608x128xf32>
    %get3A_328 = arith.constant 15 : index
    %get3A_329 = arith.constant 0 : index
    %get3A_330 = arith.constant 0 : index
    %get3A_331 = vector.load %arg9[%get3A_328, %get3A_329, %get3A_330] : memref<16x608x128xf32, #tpu.memory_space<vmem>>, vector<1x608x128xf32>
    %get3A_332 = vector.shape_cast %get3A_331 : vector<1x608x128xf32> to vector<608x128xf32>
    %add3A_333 = arith.addf %add3A_327, %get3A_332 : vector<608x128xf32>
    %mul3A_334 = arith.constant 2.500000e-01 : f32
    %mul3A_335 = vector.broadcast %mul3A_334 : f32 to vector<608x128xf32>
    %mul3A_336 = arith.mulf %add3A_333, %mul3A_335 : vector<608x128xf32>
    %add3A_337 = arith.addf %mul3A_258, %slice3A_229 : vector<608x128xf32>
    %add3A_338 = arith.addf %mul3A_284, %slice3A_230 : vector<608x128xf32>
    %add3A_339 = arith.addf %mul3A_310, %slice3A_231 : vector<608x128xf32>
    %add3A_340 = arith.addf %mul3A_336, %slice3A_232 : vector<608x128xf32>
    %concatenate3A_341 = tpu.concatenate %add3A_337, %add3A_338, %add3A_339, %add3A_340 in 0 : vector<608x128xf32>, vector<608x128xf32>, vector<608x128xf32>, vector<608x128xf32> -> vector<2432x128xf32>
    %get3A_342 = arith.constant 0 : index
    %get3A_343 = arith.constant 0 : index
    %get3A_344 = vector.load %arg17[%get3A_342, %get3A_343] : memref<128x128xf32, #tpu.memory_space<vmem>>, vector<128x128xf32>
    %dot_general3A_345 = arith.constant dense<0.000000e+00> : vector<2432x128xf32>
    %dot_general3A_346 = tpu.matmul %concatenate3A_341, %get3A_344, %dot_general3A_345 {dimension_numbers = #tpu.dot_dimension_numbers<[1], [0], [0], [1], [0, 0, 1, 1], [], []>, transpose_lhs_hint = false} : vector<2432x128xf32>, vector<128x128xf32>, vector<2432x128xf32> -> vector<2432x128xf32>
    %get3A_347 = arith.constant 0 : index
    %get3A_348 = arith.constant 0 : index
    %get3A_349 = vector.load %arg18[%get3A_347, %get3A_348] : memref<1x128xf32, #tpu.memory_space<vmem>>, vector<1x128xf32>
    %add3A_350 = vector.broadcast %get3A_349 : vector<1x128xf32> to vector<2432x128xf32>
    %add3A_351 = arith.addf %dot_general3A_346, %add3A_350 : vector<2432x128xf32>
    %tanh3A_352 = math.tanh %add3A_351 : vector<2432x128xf32>
    %slice3A_353 = vector.extract_strided_slice %tanh3A_352 {offsets = [0, 0], sizes = [608, 128], strides = [1, 1]} : vector<2432x128xf32> to vector<608x128xf32>
    %slice3A_354 = vector.extract_strided_slice %tanh3A_352 {offsets = [608, 0], sizes = [608, 128], strides = [1, 1]} : vector<2432x128xf32> to vector<608x128xf32>
    %slice3A_355 = vector.extract_strided_slice %tanh3A_352 {offsets = [1216, 0], sizes = [608, 128], strides = [1, 1]} : vector<2432x128xf32> to vector<608x128xf32>
    %slice3A_356 = vector.extract_strided_slice %tanh3A_352 {offsets = [1824, 0], sizes = [608, 128], strides = [1, 1]} : vector<2432x128xf32> to vector<608x128xf32>
    %add3A_357 = arith.addf %get3A_94, %get3A_99 : vector<608x128xf32>
    %add3A_358 = arith.addf %add3A_357, %get3A_104 : vector<608x128xf32>
    %add3A_359 = arith.addf %add3A_358, %get3A_109 : vector<608x128xf32>
    %mul3A_360 = arith.constant 2.500000e-01 : f32
    %mul3A_361 = vector.broadcast %mul3A_360 : f32 to vector<608x128xf32>
    %mul3A_362 = arith.mulf %add3A_359, %mul3A_361 : vector<608x128xf32>
    %get3A_363 = arith.constant 0 : index
    %get3A_364 = arith.constant 0 : index
    %get3A_365 = vector.load %arg6[%get3A_363, %get3A_364] : memref<608x128xf32, #tpu.memory_space<vmem>>, vector<608x128xf32>
    %add3A_366 = arith.addf %mul3A_362, %get3A_365 : vector<608x128xf32>
    %get3A_367 = arith.constant 0 : index
    %get3A_368 = arith.constant 0 : index
    %get3A_369 = vector.load %arg15[%get3A_367, %get3A_368] : memref<128x128xf32, #tpu.memory_space<vmem>>, vector<128x128xf32>
    %dot_general3A_370 = arith.constant dense<0.000000e+00> : vector<608x128xf32>
    %dot_general3A_371 = tpu.matmul %add3A_366, %get3A_369, %dot_general3A_370 {dimension_numbers = #tpu.dot_dimension_numbers<[1], [0], [0], [1], [0, 0, 1, 1], [], []>, transpose_lhs_hint = false} : vector<608x128xf32>, vector<128x128xf32>, vector<608x128xf32> -> vector<608x128xf32>
    %get3A_372 = arith.constant 0 : index
    %get3A_373 = arith.constant 0 : index
    %get3A_374 = vector.load %arg16[%get3A_372, %get3A_373] : memref<1x128xf32, #tpu.memory_space<vmem>>, vector<1x128xf32>
    %add3A_375 = vector.broadcast %get3A_374 : vector<1x128xf32> to vector<608x128xf32>
    %add3A_376 = arith.addf %dot_general3A_371, %add3A_375 : vector<608x128xf32>
    %tanh3A_377 = math.tanh %add3A_376 : vector<608x128xf32>
    %add3A_378 = arith.addf %slice3A_229, %slice3A_230 : vector<608x128xf32>
    %add3A_379 = arith.addf %add3A_378, %slice3A_231 : vector<608x128xf32>
    %add3A_380 = arith.addf %add3A_379, %slice3A_232 : vector<608x128xf32>
    %mul3A_381 = arith.constant 2.500000e-01 : f32
    %mul3A_382 = vector.broadcast %mul3A_381 : f32 to vector<608x128xf32>
    %mul3A_383 = arith.mulf %add3A_380, %mul3A_382 : vector<608x128xf32>
    %add3A_384 = arith.addf %mul3A_383, %tanh3A_377 : vector<608x128xf32>
    %get3A_385 = arith.constant 0 : index
    %get3A_386 = arith.constant 0 : index
    %get3A_387 = vector.load %arg15[%get3A_385, %get3A_386] : memref<128x128xf32, #tpu.memory_space<vmem>>, vector<128x128xf32>
    %dot_general3A_388 = arith.constant dense<0.000000e+00> : vector<608x128xf32>
    %dot_general3A_389 = tpu.matmul %add3A_384, %get3A_387, %dot_general3A_388 {dimension_numbers = #tpu.dot_dimension_numbers<[1], [0], [0], [1], [0, 0, 1, 1], [], []>, transpose_lhs_hint = false} : vector<608x128xf32>, vector<128x128xf32>, vector<608x128xf32> -> vector<608x128xf32>
    %get3A_390 = arith.constant 0 : index
    %get3A_391 = arith.constant 0 : index
    %get3A_392 = vector.load %arg16[%get3A_390, %get3A_391] : memref<1x128xf32, #tpu.memory_space<vmem>>, vector<1x128xf32>
    %add3A_393 = vector.broadcast %get3A_392 : vector<1x128xf32> to vector<608x128xf32>
    %add3A_394 = arith.addf %dot_general3A_389, %add3A_393 : vector<608x128xf32>
    %tanh3A_395 = math.tanh %add3A_394 : vector<608x128xf32>
    %add3A_396 = arith.addf %slice3A_353, %slice3A_354 : vector<608x128xf32>
    %add3A_397 = arith.addf %add3A_396, %slice3A_355 : vector<608x128xf32>
    %add3A_398 = arith.addf %add3A_397, %slice3A_356 : vector<608x128xf32>
    %mul3A_399 = arith.constant 2.500000e-01 : f32
    %mul3A_400 = vector.broadcast %mul3A_399 : f32 to vector<608x128xf32>
    %mul3A_401 = arith.mulf %add3A_398, %mul3A_400 : vector<608x128xf32>
    %add3A_402 = arith.addf %mul3A_401, %tanh3A_395 : vector<608x128xf32>
    %get3A_403 = arith.constant 0 : index
    %get3A_404 = arith.constant 0 : index
    %get3A_405 = vector.load %arg15[%get3A_403, %get3A_404] : memref<128x128xf32, #tpu.memory_space<vmem>>, vector<128x128xf32>
    %dot_general3A_406 = arith.constant dense<0.000000e+00> : vector<608x128xf32>
    %dot_general3A_407 = tpu.matmul %add3A_402, %get3A_405, %dot_general3A_406 {dimension_numbers = #tpu.dot_dimension_numbers<[1], [0], [0], [1], [0, 0, 1, 1], [], []>, transpose_lhs_hint = false} : vector<608x128xf32>, vector<128x128xf32>, vector<608x128xf32> -> vector<608x128xf32>
    %get3A_408 = arith.constant 0 : index
    %get3A_409 = arith.constant 0 : index
    %get3A_410 = vector.load %arg16[%get3A_408, %get3A_409] : memref<1x128xf32, #tpu.memory_space<vmem>>, vector<1x128xf32>
    %add3A_411 = vector.broadcast %get3A_410 : vector<1x128xf32> to vector<608x128xf32>
    %add3A_412 = arith.addf %dot_general3A_407, %add3A_411 : vector<608x128xf32>
    %tanh3A_413 = math.tanh %add3A_412 : vector<608x128xf32>
    %get3A_414 = arith.constant 0 : index
    %get3A_415 = arith.constant 0 : index
    %get3A_416 = vector.load %arg19[%get3A_414, %get3A_415] : memref<128x128xf32, #tpu.memory_space<vmem>>, vector<128x128xf32>
    %dot_general3A_417 = arith.constant dense<0.000000e+00> : vector<608x128xf32>
    %dot_general3A_418 = tpu.matmul %tanh3A_413, %get3A_416, %dot_general3A_417 {dimension_numbers = #tpu.dot_dimension_numbers<[1], [0], [0], [1], [0, 0, 1, 1], [], []>, transpose_lhs_hint = false} : vector<608x128xf32>, vector<128x128xf32>, vector<608x128xf32> -> vector<608x128xf32>
    %get3A_419 = arith.constant 0 : index
    %get3A_420 = arith.constant 0 : index
    %get3A_421 = vector.load %arg20[%get3A_419, %get3A_420] : memref<1x128xf32, #tpu.memory_space<vmem>>, vector<1x128xf32>
    %add3A_422 = vector.broadcast %get3A_421 : vector<1x128xf32> to vector<608x128xf32>
    %add3A_423 = arith.addf %dot_general3A_418, %add3A_422 : vector<608x128xf32>
    %tanh3A_424 = math.tanh %add3A_423 : vector<608x128xf32>
    %get3A_425 = arith.constant 0 : index
    %get3A_426 = arith.constant 0 : index
    %get3A_427 = vector.load %arg11[%get3A_425, %get3A_426] : memref<608x1xf32, #tpu.memory_space<vmem>>, vector<608x1xf32>
    %gt3A = arith.constant 5.000000e-01 : f32
    %gt3A_428 = vector.broadcast %gt3A : f32 to vector<608x1xf32>
    %gt3A_429 = arith.cmpf ogt, %get3A_427, %gt3A_428 : vector<608x1xf32>
    %broadcast_in_dim3A_430 = vector.shape_cast %gt3A_429 : vector<608x1xi1> to vector<608x1xi1>
    %broadcast_in_dim3A_431 = vector.broadcast %broadcast_in_dim3A_430 : vector<608x1xi1> to vector<608x128xi1>
    %select_n3A = arith.select %broadcast_in_dim3A_431, %tanh3A_89, %get3A_43 : vector<608x128xi1>, vector<608x128xf32>
    %gt3A_432 = arith.constant 5.000000e-01 : f32
    %gt3A_433 = vector.broadcast %gt3A_432 : f32 to vector<608x1xf32>
    %gt3A_434 = arith.cmpf ogt, %get3A_427, %gt3A_433 : vector<608x1xf32>
    %get3A_435 = arith.constant 0 : index
    %get3A_436 = arith.constant 0 : index
    %get3A_437 = vector.load %arg5[%get3A_435, %get3A_436] : memref<608x128xf32, #tpu.memory_space<vmem>>, vector<608x128xf32>
    %broadcast_in_dim3A_438 = vector.shape_cast %gt3A_434 : vector<608x1xi1> to vector<608x1xi1>
    %broadcast_in_dim3A_439 = vector.broadcast %broadcast_in_dim3A_438 : vector<608x1xi1> to vector<608x128xi1>
    %select_n3A_440 = arith.select %broadcast_in_dim3A_439, %tanh3A_424, %get3A_437 : vector<608x128xi1>, vector<608x128xf32>
    %get3A_441 = arith.constant 0 : index
    %get3A_442 = arith.constant 0 : index
    %get3A_443 = vector.load %arg27[%get3A_441, %get3A_442] : memref<1x1xf32, #tpu.memory_space<vmem>>, vector<1x1xf32>
    %get3A_444 = vector.extract %get3A_443[0, 0] : f32 from vector<1x1xf32>
    %mul3A_445 = vector.broadcast %get3A_444 : f32 to vector<608x128xf32>
    %mul3A_446 = arith.mulf %mul3A_445, %select_n3A : vector<608x128xf32>
    %get3A_447 = arith.constant 0 : index
    %get3A_448 = arith.constant 0 : index
    %get3A_449 = vector.load %arg28[%get3A_447, %get3A_448] : memref<1x1xf32, #tpu.memory_space<vmem>>, vector<1x1xf32>
    %get3A_450 = vector.extract %get3A_449[0, 0] : f32 from vector<1x1xf32>
    %mul3A_451 = vector.broadcast %get3A_450 : f32 to vector<608x128xf32>
    %mul3A_452 = arith.mulf %mul3A_451, %select_n3A_440 : vector<608x128xf32>
    %add3A_453 = arith.addf %mul3A_446, %mul3A_452 : vector<608x128xf32>
    %get3A_454 = arith.constant 0 : index
    %get3A_455 = arith.constant 0 : index
    %get3A_456 = vector.load %arg10[%get3A_454, %get3A_455] : memref<608x1xf32, #tpu.memory_space<vmem>>, vector<608x1xf32>
    %gt3A_457 = arith.constant 5.000000e-01 : f32
    %gt3A_458 = vector.broadcast %gt3A_457 : f32 to vector<608x1xf32>
    %gt3A_459 = arith.cmpf ogt, %get3A_456, %gt3A_458 : vector<608x1xf32>
    %get3A_460 = arith.constant 1 : index
    %get3A_461 = arith.constant 0 : index
    %get3A_462 = vector.load %arg14[%get3A_460, %get3A_461] : memref<2x128xf32, #tpu.memory_space<vmem>>, vector<1x128xf32>
    %get3A_463 = arith.constant 0 : index
    %get3A_464 = arith.constant 0 : index
    %get3A_465 = vector.load %arg14[%get3A_463, %get3A_464] : memref<2x128xf32, #tpu.memory_space<vmem>>, vector<1x128xf32>
    %broadcast_in_dim3A_466 = vector.shape_cast %gt3A_459 : vector<608x1xi1> to vector<608x1xi1>
    %broadcast_in_dim3A_467 = vector.broadcast %broadcast_in_dim3A_466 : vector<608x1xi1> to vector<608x128xi1>
    %broadcast_in_dim3A_468 = vector.shape_cast %get3A_462 : vector<1x128xf32> to vector<1x128xf32>
    %broadcast_in_dim3A_469 = vector.broadcast %broadcast_in_dim3A_468 : vector<1x128xf32> to vector<608x128xf32>
    %broadcast_in_dim3A_470 = vector.shape_cast %get3A_465 : vector<1x128xf32> to vector<1x128xf32>
    %broadcast_in_dim3A_471 = vector.broadcast %broadcast_in_dim3A_470 : vector<1x128xf32> to vector<608x128xf32>
    %select_n3A_472 = arith.select %broadcast_in_dim3A_467, %broadcast_in_dim3A_469, %broadcast_in_dim3A_471 : vector<608x128xi1>, vector<608x128xf32>
    %concatenate3A_473 = tpu.concatenate %add3A_453, %select_n3A_472 in 1 : vector<608x128xf32>, vector<608x128xf32> -> vector<608x256xf32>
    %get3A_474 = arith.constant 0 : index
    %get3A_475 = arith.constant 0 : index
    %get3A_476 = vector.load %arg21[%get3A_474, %get3A_475] : memref<256x256xf32, #tpu.memory_space<vmem>>, vector<256x256xf32>
    %dot_general3A_477 = arith.constant dense<0.000000e+00> : vector<608x256xf32>
    %dot_general3A_478 = tpu.matmul %concatenate3A_473, %get3A_476, %dot_general3A_477 {dimension_numbers = #tpu.dot_dimension_numbers<[1], [0], [0], [1], [0, 0, 1, 1], [], []>, transpose_lhs_hint = false} : vector<608x256xf32>, vector<256x256xf32>, vector<608x256xf32> -> vector<608x256xf32>
    %get3A_479 = arith.constant 0 : index
    %get3A_480 = arith.constant 0 : index
    %get3A_481 = vector.load %arg22[%get3A_479, %get3A_480] : memref<1x256xf32, #tpu.memory_space<vmem>>, vector<1x256xf32>
    %add3A_482 = vector.broadcast %get3A_481 : vector<1x256xf32> to vector<608x256xf32>
    %add3A_483 = arith.addf %dot_general3A_478, %add3A_482 : vector<608x256xf32>
    %max3A = arith.constant 0.000000e+00 : f32
    %max3A_484 = vector.broadcast %max3A : f32 to vector<608x256xf32>
    %max3A_485 = arith.maximumf %add3A_483, %max3A_484 : vector<608x256xf32>
    %get3A_486 = arith.constant 0 : index
    %get3A_487 = arith.constant 0 : index
    %get3A_488 = vector.load %arg23[%get3A_486, %get3A_487] : memref<256x512xf32, #tpu.memory_space<vmem>>, vector<256x512xf32>
    %dot_general3A_489 = arith.constant dense<0.000000e+00> : vector<608x512xf32>
    %dot_general3A_490 = tpu.matmul %max3A_485, %get3A_488, %dot_general3A_489 {dimension_numbers = #tpu.dot_dimension_numbers<[1], [0], [0], [1], [0, 0, 1, 1], [], []>, transpose_lhs_hint = false} : vector<608x256xf32>, vector<256x512xf32>, vector<608x512xf32> -> vector<608x512xf32>
    %get3A_491 = arith.constant 0 : index
    %get3A_492 = arith.constant 0 : index
    %get3A_493 = vector.load %arg24[%get3A_491, %get3A_492] : memref<1x512xf32, #tpu.memory_space<vmem>>, vector<1x512xf32>
    %add3A_494 = vector.broadcast %get3A_493 : vector<1x512xf32> to vector<608x512xf32>
    %add3A_495 = arith.addf %dot_general3A_490, %add3A_494 : vector<608x512xf32>
    %swap3A = arith.constant 0 : index
    %swap3A_496 = arith.constant 0 : index
    %swap3A_497 = vector.load %arg29[%swap3A, %swap3A_496] : memref<608x512xf32, #tpu.memory_space<vmem>>, vector<608x512xf32>
    tpu.vector_store %arg29[%swap3A, %swap3A_496], %add3A_495 {strides = array<i32>} : memref<608x512xf32, #tpu.memory_space<vmem>>, vector<608x512xf32>,
    %get3A_498 = arith.constant 0 : index
    %get3A_499 = arith.constant 0 : index
    %get3A_500 = vector.load %arg4[%get3A_498, %get3A_499] : memref<608x128xf32, #tpu.memory_space<vmem>>, vector<608x128xf32>
    %swap3A_501 = arith.constant 0 : index
    %swap3A_502 = arith.constant 0 : index
    %swap3A_503 = arith.constant 0 : index
    %swap3A_504 = vector.load %arg30[%swap3A_501, %swap3A_502, %swap3A_503] : memref<5x608x128xf32, #tpu.memory_space<vmem>>, vector<1x608x128xf32>
    %swap3A_505 = vector.shape_cast %swap3A_504 : vector<1x608x128xf32> to vector<608x128xf32>
    %swap3A_506 = vector.shape_cast %get3A_500 : vector<608x128xf32> to vector<1x608x128xf32>
    tpu.vector_store %arg30[%swap3A_501, %swap3A_502, %swap3A_503], %swap3A_506 {strides = array<i32>} : memref<5x608x128xf32, #tpu.memory_space<vmem>>, vector<1x608x128xf32>,
    %get3A_507 = arith.constant 0 : index
    %get3A_508 = arith.constant 0 : index
    %get3A_509 = vector.load %arg25[%get3A_507, %get3A_508] : memref<128x128xf32, #tpu.memory_space<vmem>>, vector<128x128xf32>
    %dot_general3A_510 = arith.constant dense<0.000000e+00> : vector<608x128xf32>
    %dot_general3A_511 = tpu.matmul %get3A_500, %get3A_509, %dot_general3A_510 {dimension_numbers = #tpu.dot_dimension_numbers<[1], [0], [0], [1], [0, 0, 1, 1], [], []>, transpose_lhs_hint = false} : vector<608x128xf32>, vector<128x128xf32>, vector<608x128xf32> -> vector<608x128xf32>
    %get3A_512 = arith.constant 0 : index
    %get3A_513 = arith.constant 0 : index
    %get3A_514 = vector.load %arg26[%get3A_512, %get3A_513] : memref<1x128xf32, #tpu.memory_space<vmem>>, vector<1x128xf32>
    %add3A_515 = vector.broadcast %get3A_514 : vector<1x128xf32> to vector<608x128xf32>
    %add3A_516 = arith.addf %dot_general3A_511, %add3A_515 : vector<608x128xf32>
    %tanh3A_517 = math.tanh %add3A_516 : vector<608x128xf32>
    %swap3A_518 = arith.constant 0 : index
    %swap3A_519 = arith.constant 0 : index
    %swap3A_520 = arith.constant 0 : index
    %swap3A_521 = vector.load %arg31[%swap3A_518, %swap3A_519, %swap3A_520] : memref<5x608x128xf32, #tpu.memory_space<vmem>>, vector<1x608x128xf32>
    %swap3A_522 = vector.shape_cast %swap3A_521 : vector<1x608x128xf32> to vector<608x128xf32>
    %swap3A_523 = vector.shape_cast %tanh3A_517 : vector<608x128xf32> to vector<1x608x128xf32>
    tpu.vector_store %arg31[%swap3A_518, %swap3A_519, %swap3A_520], %swap3A_523 {strides = array<i32>} : memref<5x608x128xf32, #tpu.memory_space<vmem>>, vector<1x608x128xf32>,
    %get3A_524 = arith.constant 0 : index
    %get3A_525 = arith.constant 0 : index
    %get3A_526 = vector.load %arg2[%get3A_524, %get3A_525] : memref<608x16xi32, #tpu.memory_space<vmem>>, vector<608x1xi32>
    %eq3A_527 = vector.broadcast %get3A_526 : vector<608x1xi32> to vector<608x512xi32>
    %eq3A_528 = vector.broadcast %iota3A : vector<1x512xi32> to vector<608x512xi32>
    %eq3A_529 = arith.cmpi eq, %eq3A_527, %eq3A_528 : vector<608x512xi32>
    %convert_element_type3A_530 = arith.extui %eq3A_529 : vector<608x512xi1> to vector<608x512xi32>
    %convert_element_type3A_531 = arith.sitofp %convert_element_type3A_530 : vector<608x512xi32> to vector<608x512xf32>
    %get3A_532 = arith.constant 0 : index
    %get3A_533 = arith.constant 0 : index
    %get3A_534 = vector.load %arg13[%get3A_532, %get3A_533] : memref<512x128xf32, #tpu.memory_space<vmem>>, vector<512x128xf32>
    %dot_general3A_535 = arith.constant dense<0.000000e+00> : vector<608x128xf32>
    %dot_general3A_536 = tpu.matmul %convert_element_type3A_531, %get3A_534, %dot_general3A_535 {dimension_numbers = #tpu.dot_dimension_numbers<[1], [0], [0], [1], [0, 0, 1, 1], [], []>, transpose_lhs_hint = false} : vector<608x512xf32>, vector<512x128xf32>, vector<608x128xf32> -> vector<608x128xf32>
    %swap3A_537 = arith.constant 1 : index
    %swap3A_538 = arith.constant 0 : index
    %swap3A_539 = arith.constant 0 : index
    %swap3A_540 = vector.load %arg30[%swap3A_537, %swap3A_538, %swap3A_539] : memref<5x608x128xf32, #tpu.memory_space<vmem>>, vector<1x608x128xf32>
    %swap3A_541 = vector.shape_cast %swap3A_540 : vector<1x608x128xf32> to vector<608x128xf32>
    %swap3A_542 = vector.shape_cast %dot_general3A_536 : vector<608x128xf32> to vector<1x608x128xf32>
    tpu.vector_store %arg30[%swap3A_537, %swap3A_538, %swap3A_539], %swap3A_542 {strides = array<i32>} : memref<5x608x128xf32, #tpu.memory_space<vmem>>, vector<1x608x128xf32>,
    %get3A_543 = arith.constant 0 : index
    %get3A_544 = arith.constant 0 : index
    %get3A_545 = vector.load %arg25[%get3A_543, %get3A_544] : memref<128x128xf32, #tpu.memory_space<vmem>>, vector<128x128xf32>
    %dot_general3A_546 = arith.constant dense<0.000000e+00> : vector<608x128xf32>
    %dot_general3A_547 = tpu.matmul %dot_general3A_536, %get3A_545, %dot_general3A_546 {dimension_numbers = #tpu.dot_dimension_numbers<[1], [0], [0], [1], [0, 0, 1, 1], [], []>, transpose_lhs_hint = false} : vector<608x128xf32>, vector<128x128xf32>, vector<608x128xf32> -> vector<608x128xf32>
    %get3A_548 = arith.constant 0 : index
    %get3A_549 = arith.constant 0 : index
    %get3A_550 = vector.load %arg26[%get3A_548, %get3A_549] : memref<1x128xf32, #tpu.memory_space<vmem>>, vector<1x128xf32>
    %add3A_551 = vector.broadcast %get3A_550 : vector<1x128xf32> to vector<608x128xf32>
    %add3A_552 = arith.addf %dot_general3A_547, %add3A_551 : vector<608x128xf32>
    %tanh3A_553 = math.tanh %add3A_552 : vector<608x128xf32>
    %swap3A_554 = arith.constant 1 : index
    %swap3A_555 = arith.constant 0 : index
    %swap3A_556 = arith.constant 0 : index
    %swap3A_557 = vector.load %arg31[%swap3A_554, %swap3A_555, %swap3A_556] : memref<5x608x128xf32, #tpu.memory_space<vmem>>, vector<1x608x128xf32>
    %swap3A_558 = vector.shape_cast %swap3A_557 : vector<1x608x128xf32> to vector<608x128xf32>
    %swap3A_559 = vector.shape_cast %tanh3A_553 : vector<608x128xf32> to vector<1x608x128xf32>
    tpu.vector_store %arg31[%swap3A_554, %swap3A_555, %swap3A_556], %swap3A_559 {strides = array<i32>} : memref<5x608x128xf32, #tpu.memory_space<vmem>>, vector<1x608x128xf32>,
    %get3A_560 = arith.constant 0 : index
    %get3A_561 = arith.constant 1 : index
    %get3A_562 = vector.load %arg2[%get3A_560, %get3A_561] : memref<608x16xi32, #tpu.memory_space<vmem>>, vector<608x1xi32>
    %eq3A_563 = vector.broadcast %get3A_562 : vector<608x1xi32> to vector<608x512xi32>
    %eq3A_564 = vector.broadcast %iota3A : vector<1x512xi32> to vector<608x512xi32>
    %eq3A_565 = arith.cmpi eq, %eq3A_563, %eq3A_564 : vector<608x512xi32>
    %convert_element_type3A_566 = arith.extui %eq3A_565 : vector<608x512xi1> to vector<608x512xi32>
    %convert_element_type3A_567 = arith.sitofp %convert_element_type3A_566 : vector<608x512xi32> to vector<608x512xf32>
    %get3A_568 = arith.constant 0 : index
    %get3A_569 = arith.constant 0 : index
    %get3A_570 = vector.load %arg13[%get3A_568, %get3A_569] : memref<512x128xf32, #tpu.memory_space<vmem>>, vector<512x128xf32>
    %dot_general3A_571 = arith.constant dense<0.000000e+00> : vector<608x128xf32>
    %dot_general3A_572 = tpu.matmul %convert_element_type3A_567, %get3A_570, %dot_general3A_571 {dimension_numbers = #tpu.dot_dimension_numbers<[1], [0], [0], [1], [0, 0, 1, 1], [], []>, transpose_lhs_hint = false} : vector<608x512xf32>, vector<512x128xf32>, vector<608x128xf32> -> vector<608x128xf32>
    %swap3A_573 = arith.constant 2 : index
    %swap3A_574 = arith.constant 0 : index
    %swap3A_575 = arith.constant 0 : index
    %swap3A_576 = vector.load %arg30[%swap3A_573, %swap3A_574, %swap3A_575] : memref<5x608x128xf32, #tpu.memory_space<vmem>>, vector<1x608x128xf32>
    %swap3A_577 = vector.shape_cast %swap3A_576 : vector<1x608x128xf32> to vector<608x128xf32>
    %swap3A_578 = vector.shape_cast %dot_general3A_572 : vector<608x128xf32> to vector<1x608x128xf32>
    tpu.vector_store %arg30[%swap3A_573, %swap3A_574, %swap3A_575], %swap3A_578 {strides = array<i32>} : memref<5x608x128xf32, #tpu.memory_space<vmem>>, vector<1x608x128xf32>,
    %get3A_579 = arith.constant 0 : index
    %get3A_580 = arith.constant 0 : index
    %get3A_581 = vector.load %arg25[%get3A_579, %get3A_580] : memref<128x128xf32, #tpu.memory_space<vmem>>, vector<128x128xf32>
    %dot_general3A_582 = arith.constant dense<0.000000e+00> : vector<608x128xf32>
    %dot_general3A_583 = tpu.matmul %dot_general3A_572, %get3A_581, %dot_general3A_582 {dimension_numbers = #tpu.dot_dimension_numbers<[1], [0], [0], [1], [0, 0, 1, 1], [], []>, transpose_lhs_hint = false} : vector<608x128xf32>, vector<128x128xf32>, vector<608x128xf32> -> vector<608x128xf32>
    %get3A_584 = arith.constant 0 : index
    %get3A_585 = arith.constant 0 : index
    %get3A_586 = vector.load %arg26[%get3A_584, %get3A_585] : memref<1x128xf32, #tpu.memory_space<vmem>>, vector<1x128xf32>
    %add3A_587 = vector.broadcast %get3A_586 : vector<1x128xf32> to vector<608x128xf32>
    %add3A_588 = arith.addf %dot_general3A_583, %add3A_587 : vector<608x128xf32>
    %tanh3A_589 = math.tanh %add3A_588 : vector<608x128xf32>
    %swap3A_590 = arith.constant 2 : index
    %swap3A_591 = arith.constant 0 : index
    %swap3A_592 = arith.constant 0 : index
    %swap3A_593 = vector.load %arg31[%swap3A_590, %swap3A_591, %swap3A_592] : memref<5x608x128xf32, #tpu.memory_space<vmem>>, vector<1x608x128xf32>
    %swap3A_594 = vector.shape_cast %swap3A_593 : vector<1x608x128xf32> to vector<608x128xf32>
    %swap3A_595 = vector.shape_cast %tanh3A_589 : vector<608x128xf32> to vector<1x608x128xf32>
    tpu.vector_store %arg31[%swap3A_590, %swap3A_591, %swap3A_592], %swap3A_595 {strides = array<i32>} : memref<5x608x128xf32, #tpu.memory_space<vmem>>, vector<1x608x128xf32>,
    %get3A_596 = arith.constant 0 : index
    %get3A_597 = arith.constant 2 : index
    %get3A_598 = vector.load %arg2[%get3A_596, %get3A_597] : memref<608x16xi32, #tpu.memory_space<vmem>>, vector<608x1xi32>
    %eq3A_599 = vector.broadcast %get3A_598 : vector<608x1xi32> to vector<608x512xi32>
    %eq3A_600 = vector.broadcast %iota3A : vector<1x512xi32> to vector<608x512xi32>
    %eq3A_601 = arith.cmpi eq, %eq3A_599, %eq3A_600 : vector<608x512xi32>
    %convert_element_type3A_602 = arith.extui %eq3A_601 : vector<608x512xi1> to vector<608x512xi32>
    %convert_element_type3A_603 = arith.sitofp %convert_element_type3A_602 : vector<608x512xi32> to vector<608x512xf32>
    %get3A_604 = arith.constant 0 : index
    %get3A_605 = arith.constant 0 : index
    %get3A_606 = vector.load %arg13[%get3A_604, %get3A_605] : memref<512x128xf32, #tpu.memory_space<vmem>>, vector<512x128xf32>
    %dot_general3A_607 = arith.constant dense<0.000000e+00> : vector<608x128xf32>
    %dot_general3A_608 = tpu.matmul %convert_element_type3A_603, %get3A_606, %dot_general3A_607 {dimension_numbers = #tpu.dot_dimension_numbers<[1], [0], [0], [1], [0, 0, 1, 1], [], []>, transpose_lhs_hint = false} : vector<608x512xf32>, vector<512x128xf32>, vector<608x128xf32> -> vector<608x128xf32>
    %swap3A_609 = arith.constant 3 : index
    %swap3A_610 = arith.constant 0 : index
    %swap3A_611 = arith.constant 0 : index
    %swap3A_612 = vector.load %arg30[%swap3A_609, %swap3A_610, %swap3A_611] : memref<5x608x128xf32, #tpu.memory_space<vmem>>, vector<1x608x128xf32>
    %swap3A_613 = vector.shape_cast %swap3A_612 : vector<1x608x128xf32> to vector<608x128xf32>
    %swap3A_614 = vector.shape_cast %dot_general3A_608 : vector<608x128xf32> to vector<1x608x128xf32>
    tpu.vector_store %arg30[%swap3A_609, %swap3A_610, %swap3A_611], %swap3A_614 {strides = array<i32>} : memref<5x608x128xf32, #tpu.memory_space<vmem>>, vector<1x608x128xf32>,
    %get3A_615 = arith.constant 0 : index
    %get3A_616 = arith.constant 0 : index
    %get3A_617 = vector.load %arg25[%get3A_615, %get3A_616] : memref<128x128xf32, #tpu.memory_space<vmem>>, vector<128x128xf32>
    %dot_general3A_618 = arith.constant dense<0.000000e+00> : vector<608x128xf32>
    %dot_general3A_619 = tpu.matmul %dot_general3A_608, %get3A_617, %dot_general3A_618 {dimension_numbers = #tpu.dot_dimension_numbers<[1], [0], [0], [1], [0, 0, 1, 1], [], []>, transpose_lhs_hint = false} : vector<608x128xf32>, vector<128x128xf32>, vector<608x128xf32> -> vector<608x128xf32>
    %get3A_620 = arith.constant 0 : index
    %get3A_621 = arith.constant 0 : index
    %get3A_622 = vector.load %arg26[%get3A_620, %get3A_621] : memref<1x128xf32, #tpu.memory_space<vmem>>, vector<1x128xf32>
    %add3A_623 = vector.broadcast %get3A_622 : vector<1x128xf32> to vector<608x128xf32>
    %add3A_624 = arith.addf %dot_general3A_619, %add3A_623 : vector<608x128xf32>
    %tanh3A_625 = math.tanh %add3A_624 : vector<608x128xf32>
    %swap3A_626 = arith.constant 3 : index
    %swap3A_627 = arith.constant 0 : index
    %swap3A_628 = arith.constant 0 : index
    %swap3A_629 = vector.load %arg31[%swap3A_626, %swap3A_627, %swap3A_628] : memref<5x608x128xf32, #tpu.memory_space<vmem>>, vector<1x608x128xf32>
    %swap3A_630 = vector.shape_cast %swap3A_629 : vector<1x608x128xf32> to vector<608x128xf32>
    %swap3A_631 = vector.shape_cast %tanh3A_625 : vector<608x128xf32> to vector<1x608x128xf32>
    tpu.vector_store %arg31[%swap3A_626, %swap3A_627, %swap3A_628], %swap3A_631 {strides = array<i32>} : memref<5x608x128xf32, #tpu.memory_space<vmem>>, vector<1x608x128xf32>,
    %get3A_632 = arith.constant 0 : index
    %get3A_633 = arith.constant 3 : index
    %get3A_634 = vector.load %arg2[%get3A_632, %get3A_633] : memref<608x16xi32, #tpu.memory_space<vmem>>, vector<608x1xi32>
    %eq3A_635 = vector.broadcast %get3A_634 : vector<608x1xi32> to vector<608x512xi32>
    %eq3A_636 = vector.broadcast %iota3A : vector<1x512xi32> to vector<608x512xi32>
    %eq3A_637 = arith.cmpi eq, %eq3A_635, %eq3A_636 : vector<608x512xi32>
    %convert_element_type3A_638 = arith.extui %eq3A_637 : vector<608x512xi1> to vector<608x512xi32>
    %convert_element_type3A_639 = arith.sitofp %convert_element_type3A_638 : vector<608x512xi32> to vector<608x512xf32>
    %get3A_640 = arith.constant 0 : index
    %get3A_641 = arith.constant 0 : index
    %get3A_642 = vector.load %arg13[%get3A_640, %get3A_641] : memref<512x128xf32, #tpu.memory_space<vmem>>, vector<512x128xf32>
    %dot_general3A_643 = arith.constant dense<0.000000e+00> : vector<608x128xf32>
    %dot_general3A_644 = tpu.matmul %convert_element_type3A_639, %get3A_642, %dot_general3A_643 {dimension_numbers = #tpu.dot_dimension_numbers<[1], [0], [0], [1], [0, 0, 1, 1], [], []>, transpose_lhs_hint = false} : vector<608x512xf32>, vector<512x128xf32>, vector<608x128xf32> -> vector<608x128xf32>
    %swap3A_645 = arith.constant 4 : index
    %swap3A_646 = arith.constant 0 : index
    %swap3A_647 = arith.constant 0 : index
    %swap3A_648 = vector.load %arg30[%swap3A_645, %swap3A_646, %swap3A_647] : memref<5x608x128xf32, #tpu.memory_space<vmem>>, vector<1x608x128xf32>
    %swap3A_649 = vector.shape_cast %swap3A_648 : vector<1x608x128xf32> to vector<608x128xf32>
    %swap3A_650 = vector.shape_cast %dot_general3A_644 : vector<608x128xf32> to vector<1x608x128xf32>
    tpu.vector_store %arg30[%swap3A_645, %swap3A_646, %swap3A_647], %swap3A_650 {strides = array<i32>} : memref<5x608x128xf32, #tpu.memory_space<vmem>>, vector<1x608x128xf32>,
    %get3A_651 = arith.constant 0 : index
    %get3A_652 = arith.constant 0 : index
    %get3A_653 = vector.load %arg25[%get3A_651, %get3A_652] : memref<128x128xf32, #tpu.memory_space<vmem>>, vector<128x128xf32>
    %dot_general3A_654 = arith.constant dense<0.000000e+00> : vector<608x128xf32>
    %dot_general3A_655 = tpu.matmul %dot_general3A_644, %get3A_653, %dot_general3A_654 {dimension_numbers = #tpu.dot_dimension_numbers<[1], [0], [0], [1], [0, 0, 1, 1], [], []>, transpose_lhs_hint = false} : vector<608x128xf32>, vector<128x128xf32>, vector<608x128xf32> -> vector<608x128xf32>
    %get3A_656 = arith.constant 0 : index
    %get3A_657 = arith.constant 0 : index
    %get3A_658 = vector.load %arg26[%get3A_656, %get3A_657] : memref<1x128xf32, #tpu.memory_space<vmem>>, vector<1x128xf32>
    %add3A_659 = vector.broadcast %get3A_658 : vector<1x128xf32> to vector<608x128xf32>
    %add3A_660 = arith.addf %dot_general3A_655, %add3A_659 : vector<608x128xf32>
    %tanh3A_661 = math.tanh %add3A_660 : vector<608x128xf32>
    %swap3A_662 = arith.constant 4 : index
    %swap3A_663 = arith.constant 0 : index
    %swap3A_664 = arith.constant 0 : index
    %swap3A_665 = vector.load %arg31[%swap3A_662, %swap3A_663, %swap3A_664] : memref<5x608x128xf32, #tpu.memory_space<vmem>>, vector<1x608x128xf32>
    %swap3A_666 = vector.shape_cast %swap3A_665 : vector<1x608x128xf32> to vector<608x128xf32>
    %swap3A_667 = vector.shape_cast %tanh3A_661 : vector<608x128xf32> to vector<1x608x128xf32>
    tpu.vector_store %arg31[%swap3A_662, %swap3A_663, %swap3A_664], %swap3A_667 {strides = array<i32>} : memref<5x608x128xf32, #tpu.memory_space<vmem>>, vector<1x608x128xf32>,
    return
  }
  func.func @transform_0(%arg0: i32) -> (i32, i32) {
    %c0_i32 = arith.constant 0 : i32
    %c0_i32_0 = arith.constant 0 : i32
    return %arg0, %c0_i32 : i32, i32
  }
  func.func @transform_1(%arg0: i32) -> (i32, i32) {
    %c0_i32 = arith.constant 0 : i32
    %c0_i32_0 = arith.constant 0 : i32
    return %arg0, %c0_i32 : i32, i32
  }
  func.func @transform_2(%arg0: i32) -> (i32, i32) {
    %c0_i32 = arith.constant 0 : i32
    %c0_i32_0 = arith.constant 0 : i32
    return %arg0, %c0_i32 : i32, i32
  }
  func.func @transform_3(%arg0: i32) -> (i32, i32) {
    %c0_i32 = arith.constant 0 : i32
    %c0_i32_0 = arith.constant 0 : i32
    return %arg0, %c0_i32 : i32, i32
  }
  func.func @transform_4(%arg0: i32) -> (i32, i32) {
    %c0_i32 = arith.constant 0 : i32
    %c0_i32_0 = arith.constant 0 : i32
    return %arg0, %c0_i32 : i32, i32
  }
  func.func @transform_5(%arg0: i32) -> (i32, i32) {
    %c0_i32 = arith.constant 0 : i32
    %c0_i32_0 = arith.constant 0 : i32
    return %arg0, %c0_i32 : i32, i32
  }
  func.func @transform_6(%arg0: i32) -> (i32, i32, i32) {
    %c0_i32 = arith.constant 0 : i32
    %c0_i32_0 = arith.constant 0 : i32
    %c0_i32_1 = arith.constant 0 : i32
    return %c0_i32, %arg0, %c0_i32_0 : i32, i32, i32
  }
  func.func @transform_7(%arg0: i32) -> (i32, i32, i32) {
    %c0_i32 = arith.constant 0 : i32
    %c0_i32_0 = arith.constant 0 : i32
    %c0_i32_1 = arith.constant 0 : i32
    return %c0_i32, %arg0, %c0_i32_0 : i32, i32, i32
  }
  func.func @transform_8(%arg0: i32) -> (i32, i32, i32) {
    %c0_i32 = arith.constant 0 : i32
    %c0_i32_0 = arith.constant 0 : i32
    %c0_i32_1 = arith.constant 0 : i32
    return %c0_i32, %arg0, %c0_i32_0 : i32, i32, i32
  }
  func.func @transform_9(%arg0: i32) -> (i32, i32) {
    %c0_i32 = arith.constant 0 : i32
    %c0_i32_0 = arith.constant 0 : i32
    return %arg0, %c0_i32 : i32, i32
  }
  func.func @transform_10(%arg0: i32) -> (i32, i32) {
    %c0_i32 = arith.constant 0 : i32
    %c0_i32_0 = arith.constant 0 : i32
    return %arg0, %c0_i32 : i32, i32
  }
  func.func @transform_11(%arg0: i32) -> (i32, i32) {
    %c0_i32 = arith.constant 0 : i32
    %c0_i32_0 = arith.constant 0 : i32
    %c0_i32_1 = arith.constant 0 : i32
    return %c0_i32, %c0_i32_0 : i32, i32
  }
  func.func @transform_12(%arg0: i32) -> (i32, i32) {
    %c0_i32 = arith.constant 0 : i32
    %c0_i32_0 = arith.constant 0 : i32
    %c0_i32_1 = arith.constant 0 : i32
    return %c0_i32, %c0_i32_0 : i32, i32
  }
  func.func @transform_13(%arg0: i32) -> (i32, i32) {
    %c0_i32 = arith.constant 0 : i32
    %c0_i32_0 = arith.constant 0 : i32
    %c0_i32_1 = arith.constant 0 : i32
    return %c0_i32, %c0_i32_0 : i32, i32
  }
  func.func @transform_14(%arg0: i32) -> (i32, i32) {
    %c0_i32 = arith.constant 0 : i32
    %c0_i32_0 = arith.constant 0 : i32
    %c0_i32_1 = arith.constant 0 : i32
    return %c0_i32, %c0_i32_0 : i32, i32
  }
  func.func @transform_15(%arg0: i32) -> (i32, i32) {
    %c0_i32 = arith.constant 0 : i32
    %c0_i32_0 = arith.constant 0 : i32
    %c0_i32_1 = arith.constant 0 : i32
    return %c0_i32, %c0_i32_0 : i32, i32
  }
  func.func @transform_16(%arg0: i32) -> (i32, i32) {
    %c0_i32 = arith.constant 0 : i32
    %c0_i32_0 = arith.constant 0 : i32
    %c0_i32_1 = arith.constant 0 : i32
    return %c0_i32, %c0_i32_0 : i32, i32
  }
  func.func @transform_17(%arg0: i32) -> (i32, i32) {
    %c0_i32 = arith.constant 0 : i32
    %c0_i32_0 = arith.constant 0 : i32
    %c0_i32_1 = arith.constant 0 : i32
    return %c0_i32, %c0_i32_0 : i32, i32
  }
  func.func @transform_18(%arg0: i32) -> (i32, i32) {
    %c0_i32 = arith.constant 0 : i32
    %c0_i32_0 = arith.constant 0 : i32
    %c0_i32_1 = arith.constant 0 : i32
    return %c0_i32, %c0_i32_0 : i32, i32
  }
  func.func @transform_19(%arg0: i32) -> (i32, i32) {
    %c0_i32 = arith.constant 0 : i32
    %c0_i32_0 = arith.constant 0 : i32
    %c0_i32_1 = arith.constant 0 : i32
    return %c0_i32, %c0_i32_0 : i32, i32
  }
  func.func @transform_20(%arg0: i32) -> (i32, i32) {
    %c0_i32 = arith.constant 0 : i32
    %c0_i32_0 = arith.constant 0 : i32
    %c0_i32_1 = arith.constant 0 : i32
    return %c0_i32, %c0_i32_0 : i32, i32
  }
  func.func @transform_21(%arg0: i32) -> (i32, i32) {
    %c0_i32 = arith.constant 0 : i32
    %c0_i32_0 = arith.constant 0 : i32
    %c0_i32_1 = arith.constant 0 : i32
    return %c0_i32, %c0_i32_0 : i32, i32
  }
  func.func @transform_22(%arg0: i32) -> (i32, i32) {
    %c0_i32 = arith.constant 0 : i32
    %c0_i32_0 = arith.constant 0 : i32
    %c0_i32_1 = arith.constant 0 : i32
    return %c0_i32, %c0_i32_0 : i32, i32
  }
  func.func @transform_23(%arg0: i32) -> (i32, i32) {
    %c0_i32 = arith.constant 0 : i32
    %c0_i32_0 = arith.constant 0 : i32
    %c0_i32_1 = arith.constant 0 : i32
    return %c0_i32, %c0_i32_0 : i32, i32
  }
  func.func @transform_24(%arg0: i32) -> (i32, i32) {
    %c0_i32 = arith.constant 0 : i32
    %c0_i32_0 = arith.constant 0 : i32
    %c0_i32_1 = arith.constant 0 : i32
    return %c0_i32, %c0_i32_0 : i32, i32
  }
  func.func @transform_25(%arg0: i32) -> (i32, i32) {
    %c0_i32 = arith.constant 0 : i32
    %c0_i32_0 = arith.constant 0 : i32
    %c0_i32_1 = arith.constant 0 : i32
    return %c0_i32, %c0_i32_0 : i32, i32
  }
  func.func @transform_26(%arg0: i32) -> (i32, i32) {
    %c0_i32 = arith.constant 0 : i32
    %c0_i32_0 = arith.constant 0 : i32
    %c0_i32_1 = arith.constant 0 : i32
    return %c0_i32, %c0_i32_0 : i32, i32
  }
  func.func @transform_27(%arg0: i32) -> (i32, i32) {
    %c0_i32 = arith.constant 0 : i32
    %c0_i32_0 = arith.constant 0 : i32
    %c0_i32_1 = arith.constant 0 : i32
    return %c0_i32, %c0_i32_0 : i32, i32
  }
  func.func @transform_28(%arg0: i32) -> (i32, i32) {
    %c0_i32 = arith.constant 0 : i32
    %c0_i32_0 = arith.constant 0 : i32
    return %arg0, %c0_i32 : i32, i32
  }
  func.func @transform_29(%arg0: i32) -> (i32, i32, i32) {
    %c0_i32 = arith.constant 0 : i32
    %c0_i32_0 = arith.constant 0 : i32
    %c0_i32_1 = arith.constant 0 : i32
    return %c0_i32, %arg0, %c0_i32_0 : i32, i32, i32
  }
  func.func @transform_30(%arg0: i32) -> (i32, i32, i32) {
    %c0_i32 = arith.constant 0 : i32
    %c0_i32_0 = arith.constant 0 : i32
    %c0_i32_1 = arith.constant 0 : i32
    return %c0_i32, %arg0, %c0_i32_0 : i32, i32, i32
  }
}

module attributes {stable_mosaic.version = 14 : i64} {
  func.func @body(%arg0: memref<128x19x512xf32, #tpu.memory_space<vmem>>, %arg1: memref<128x512xf32, #tpu.memory_space<vmem>>, %arg2: memref<1x512xf32, #tpu.memory_space<vmem>>, %arg3: memref<128x128xf32, #tpu.memory_space<vmem>>, %arg4: memref<128x128xf32, #tpu.memory_space<vmem>>, %arg5: memref<128x128xf32, #tpu.memory_space<vmem>>, %arg6: memref<1x128xf32, #tpu.memory_space<vmem>>, %arg7: memref<128x19x128xf32, #tpu.memory_space<vmem>>, %arg8: memref<128x19x128xf32, #tpu.memory_space<vmem>>) attributes {dimension_semantics = [], scalar_prefetch = 0 : i64, scratch_operands = 0 : i64, tpu.core_type = #tpu.core_type<tc>} {
    %get3A = arith.constant 0 : index
    %get3A_0 = arith.constant 0 : index
    %get3A_1 = vector.load %arg3[%get3A, %get3A_0] : memref<128x128xf32, #tpu.memory_space<vmem>>, vector<128x128xf32>
    %get3A_2 = arith.constant 0 : index
    %get3A_3 = arith.constant 0 : index
    %get3A_4 = vector.load %arg4[%get3A_2, %get3A_3] : memref<128x128xf32, #tpu.memory_space<vmem>>, vector<128x128xf32>
    %get3A_5 = arith.constant 0 : index
    %get3A_6 = arith.constant 0 : index
    %get3A_7 = arith.constant 0 : index
    %get3A_8 = vector.load %arg0[%get3A_5, %get3A_6, %get3A_7] : memref<128x19x512xf32, #tpu.memory_space<vmem>>, vector<128x1x512xf32>
    %get3A_9 = vector.shape_cast %get3A_8 : vector<128x1x512xf32> to vector<128x512xf32>
    %get3A_10 = arith.constant 0 : index
    %get3A_11 = arith.constant 0 : index
    %get3A_12 = vector.load %arg1[%get3A_10, %get3A_11] : memref<128x512xf32, #tpu.memory_space<vmem>>, vector<128x512xf32>
    %dot_general3A = arith.constant dense<0.000000e+00> : vector<128x512xf32>
    %dot_general3A_13 = tpu.matmul %get3A_1, %get3A_12, %dot_general3A {dimension_numbers = #tpu.dot_dimension_numbers<[1], [0], [0], [1], [0, 0, 1, 1], [], []>, transpose_lhs_hint = false} : vector<128x128xf32>, vector<128x512xf32>, vector<128x512xf32> -> vector<128x512xf32>
    %add3A = arith.addf %get3A_9, %dot_general3A_13 : vector<128x512xf32>
    %get3A_14 = arith.constant 0 : index
    %get3A_15 = arith.constant 0 : index
    %get3A_16 = vector.load %arg2[%get3A_14, %get3A_15] : memref<1x512xf32, #tpu.memory_space<vmem>>, vector<1x512xf32>
    %add3A_17 = vector.broadcast %get3A_16 : vector<1x512xf32> to vector<128x512xf32>
    %add3A_18 = arith.addf %add3A, %add3A_17 : vector<128x512xf32>
    %slice3A = vector.extract_strided_slice %add3A_18 {offsets = [0, 0], sizes = [128, 128], strides = [1, 1]} : vector<128x512xf32> to vector<128x128xf32>
    %slice3A_19 = vector.extract_strided_slice %add3A_18 {offsets = [0, 128], sizes = [128, 128], strides = [1, 1]} : vector<128x512xf32> to vector<128x128xf32>
    %slice3A_20 = vector.extract_strided_slice %add3A_18 {offsets = [0, 256], sizes = [128, 128], strides = [1, 1]} : vector<128x512xf32> to vector<128x128xf32>
    %slice3A_21 = vector.extract_strided_slice %add3A_18 {offsets = [0, 384], sizes = [128, 128], strides = [1, 1]} : vector<128x512xf32> to vector<128x128xf32>
    %logistic3A = arith.negf %slice3A_19 : vector<128x128xf32>
    %logistic3A_22 = math.exp %logistic3A : vector<128x128xf32>
    %logistic3A_23 = arith.constant 1.000000e+00 : f32
    %logistic3A_24 = vector.broadcast %logistic3A_23 : f32 to vector<128x128xf32>
    %logistic3A_25 = arith.addf %logistic3A_24, %logistic3A_22 : vector<128x128xf32>
    %logistic3A_26 = arith.divf %logistic3A_24, %logistic3A_25 : vector<128x128xf32>
    %mul3A = arith.mulf %logistic3A_26, %get3A_4 : vector<128x128xf32>
    %logistic3A_27 = arith.negf %slice3A : vector<128x128xf32>
    %logistic3A_28 = math.exp %logistic3A_27 : vector<128x128xf32>
    %logistic3A_29 = arith.constant 1.000000e+00 : f32
    %logistic3A_30 = vector.broadcast %logistic3A_29 : f32 to vector<128x128xf32>
    %logistic3A_31 = arith.addf %logistic3A_30, %logistic3A_28 : vector<128x128xf32>
    %logistic3A_32 = arith.divf %logistic3A_30, %logistic3A_31 : vector<128x128xf32>
    %tanh3A = math.tanh %slice3A_20 : vector<128x128xf32>
    %mul3A_33 = arith.mulf %logistic3A_32, %tanh3A : vector<128x128xf32>
    %add3A_34 = arith.addf %mul3A, %mul3A_33 : vector<128x128xf32>
    %logistic3A_35 = arith.negf %slice3A_21 : vector<128x128xf32>
    %logistic3A_36 = math.exp %logistic3A_35 : vector<128x128xf32>
    %logistic3A_37 = arith.constant 1.000000e+00 : f32
    %logistic3A_38 = vector.broadcast %logistic3A_37 : f32 to vector<128x128xf32>
    %logistic3A_39 = arith.addf %logistic3A_38, %logistic3A_36 : vector<128x128xf32>
    %logistic3A_40 = arith.divf %logistic3A_38, %logistic3A_39 : vector<128x128xf32>
    %tanh3A_41 = math.tanh %add3A_34 : vector<128x128xf32>
    %mul3A_42 = arith.mulf %logistic3A_40, %tanh3A_41 : vector<128x128xf32>
    %broadcast_in_dim3A = vector.shape_cast %mul3A_42 : vector<128x128xf32> to vector<128x1x128xf32>
    %swap3A = arith.constant 0 : index
    %swap3A_43 = arith.constant 0 : index
    %swap3A_44 = arith.constant 0 : index
    %swap3A_45 = vector.load %arg7[%swap3A, %swap3A_43, %swap3A_44] : memref<128x19x128xf32, #tpu.memory_space<vmem>>, vector<128x1x128xf32>
    tpu.vector_store %arg7[%swap3A, %swap3A_43, %swap3A_44], %broadcast_in_dim3A {strides = array<i32>} : memref<128x19x128xf32, #tpu.memory_space<vmem>>, vector<128x1x128xf32>,
    %get3A_46 = arith.constant 0 : index
    %get3A_47 = arith.constant 0 : index
    %get3A_48 = vector.load %arg5[%get3A_46, %get3A_47] : memref<128x128xf32, #tpu.memory_space<vmem>>, vector<128x128xf32>
    %dot_general3A_49 = arith.constant dense<0.000000e+00> : vector<128x128xf32>
    %dot_general3A_50 = tpu.matmul %mul3A_42, %get3A_48, %dot_general3A_49 {dimension_numbers = #tpu.dot_dimension_numbers<[1], [0], [0], [1], [0, 0, 1, 1], [], []>, transpose_lhs_hint = false} : vector<128x128xf32>, vector<128x128xf32>, vector<128x128xf32> -> vector<128x128xf32>
    %get3A_51 = arith.constant 0 : index
    %get3A_52 = arith.constant 0 : index
    %get3A_53 = vector.load %arg6[%get3A_51, %get3A_52] : memref<1x128xf32, #tpu.memory_space<vmem>>, vector<1x128xf32>
    %add3A_54 = vector.broadcast %get3A_53 : vector<1x128xf32> to vector<128x128xf32>
    %add3A_55 = arith.addf %dot_general3A_50, %add3A_54 : vector<128x128xf32>
    %tanh3A_56 = math.tanh %add3A_55 : vector<128x128xf32>
    %broadcast_in_dim3A_57 = vector.shape_cast %tanh3A_56 : vector<128x128xf32> to vector<128x1x128xf32>
    %swap3A_58 = arith.constant 0 : index
    %swap3A_59 = arith.constant 0 : index
    %swap3A_60 = arith.constant 0 : index
    %swap3A_61 = vector.load %arg8[%swap3A_58, %swap3A_59, %swap3A_60] : memref<128x19x128xf32, #tpu.memory_space<vmem>>, vector<128x1x128xf32>
    tpu.vector_store %arg8[%swap3A_58, %swap3A_59, %swap3A_60], %broadcast_in_dim3A_57 {strides = array<i32>} : memref<128x19x128xf32, #tpu.memory_space<vmem>>, vector<128x1x128xf32>,
    %get3A_62 = arith.constant 0 : index
    %get3A_63 = arith.constant 1 : index
    %get3A_64 = arith.constant 0 : index
    %get3A_65 = vector.load %arg0[%get3A_62, %get3A_63, %get3A_64] : memref<128x19x512xf32, #tpu.memory_space<vmem>>, vector<128x1x512xf32>
    %get3A_66 = vector.shape_cast %get3A_65 : vector<128x1x512xf32> to vector<128x512xf32>
    %get3A_67 = arith.constant 0 : index
    %get3A_68 = arith.constant 0 : index
    %get3A_69 = vector.load %arg1[%get3A_67, %get3A_68] : memref<128x512xf32, #tpu.memory_space<vmem>>, vector<128x512xf32>
    %dot_general3A_70 = arith.constant dense<0.000000e+00> : vector<128x512xf32>
    %dot_general3A_71 = tpu.matmul %mul3A_42, %get3A_69, %dot_general3A_70 {dimension_numbers = #tpu.dot_dimension_numbers<[1], [0], [0], [1], [0, 0, 1, 1], [], []>, transpose_lhs_hint = false} : vector<128x128xf32>, vector<128x512xf32>, vector<128x512xf32> -> vector<128x512xf32>
    %add3A_72 = arith.addf %get3A_66, %dot_general3A_71 : vector<128x512xf32>
    %get3A_73 = arith.constant 0 : index
    %get3A_74 = arith.constant 0 : index
    %get3A_75 = vector.load %arg2[%get3A_73, %get3A_74] : memref<1x512xf32, #tpu.memory_space<vmem>>, vector<1x512xf32>
    %add3A_76 = vector.broadcast %get3A_75 : vector<1x512xf32> to vector<128x512xf32>
    %add3A_77 = arith.addf %add3A_72, %add3A_76 : vector<128x512xf32>
    %slice3A_78 = vector.extract_strided_slice %add3A_77 {offsets = [0, 0], sizes = [128, 128], strides = [1, 1]} : vector<128x512xf32> to vector<128x128xf32>
    %slice3A_79 = vector.extract_strided_slice %add3A_77 {offsets = [0, 128], sizes = [128, 128], strides = [1, 1]} : vector<128x512xf32> to vector<128x128xf32>
    %slice3A_80 = vector.extract_strided_slice %add3A_77 {offsets = [0, 256], sizes = [128, 128], strides = [1, 1]} : vector<128x512xf32> to vector<128x128xf32>
    %slice3A_81 = vector.extract_strided_slice %add3A_77 {offsets = [0, 384], sizes = [128, 128], strides = [1, 1]} : vector<128x512xf32> to vector<128x128xf32>
    %logistic3A_82 = arith.negf %slice3A_79 : vector<128x128xf32>
    %logistic3A_83 = math.exp %logistic3A_82 : vector<128x128xf32>
    %logistic3A_84 = arith.constant 1.000000e+00 : f32
    %logistic3A_85 = vector.broadcast %logistic3A_84 : f32 to vector<128x128xf32>
    %logistic3A_86 = arith.addf %logistic3A_85, %logistic3A_83 : vector<128x128xf32>
    %logistic3A_87 = arith.divf %logistic3A_85, %logistic3A_86 : vector<128x128xf32>
    %mul3A_88 = arith.mulf %logistic3A_87, %add3A_34 : vector<128x128xf32>
    %logistic3A_89 = arith.negf %slice3A_78 : vector<128x128xf32>
    %logistic3A_90 = math.exp %logistic3A_89 : vector<128x128xf32>
    %logistic3A_91 = arith.constant 1.000000e+00 : f32
    %logistic3A_92 = vector.broadcast %logistic3A_91 : f32 to vector<128x128xf32>
    %logistic3A_93 = arith.addf %logistic3A_92, %logistic3A_90 : vector<128x128xf32>
    %logistic3A_94 = arith.divf %logistic3A_92, %logistic3A_93 : vector<128x128xf32>
    %tanh3A_95 = math.tanh %slice3A_80 : vector<128x128xf32>
    %mul3A_96 = arith.mulf %logistic3A_94, %tanh3A_95 : vector<128x128xf32>
    %add3A_97 = arith.addf %mul3A_88, %mul3A_96 : vector<128x128xf32>
    %logistic3A_98 = arith.negf %slice3A_81 : vector<128x128xf32>
    %logistic3A_99 = math.exp %logistic3A_98 : vector<128x128xf32>
    %logistic3A_100 = arith.constant 1.000000e+00 : f32
    %logistic3A_101 = vector.broadcast %logistic3A_100 : f32 to vector<128x128xf32>
    %logistic3A_102 = arith.addf %logistic3A_101, %logistic3A_99 : vector<128x128xf32>
    %logistic3A_103 = arith.divf %logistic3A_101, %logistic3A_102 : vector<128x128xf32>
    %tanh3A_104 = math.tanh %add3A_97 : vector<128x128xf32>
    %mul3A_105 = arith.mulf %logistic3A_103, %tanh3A_104 : vector<128x128xf32>
    %broadcast_in_dim3A_106 = vector.shape_cast %mul3A_105 : vector<128x128xf32> to vector<128x1x128xf32>
    %swap3A_107 = arith.constant 0 : index
    %swap3A_108 = arith.constant 1 : index
    %swap3A_109 = arith.constant 0 : index
    %swap3A_110 = vector.load %arg7[%swap3A_107, %swap3A_108, %swap3A_109] : memref<128x19x128xf32, #tpu.memory_space<vmem>>, vector<128x1x128xf32>
    tpu.vector_store %arg7[%swap3A_107, %swap3A_108, %swap3A_109], %broadcast_in_dim3A_106 {strides = array<i32>} : memref<128x19x128xf32, #tpu.memory_space<vmem>>, vector<128x1x128xf32>,
    %get3A_111 = arith.constant 0 : index
    %get3A_112 = arith.constant 0 : index
    %get3A_113 = vector.load %arg5[%get3A_111, %get3A_112] : memref<128x128xf32, #tpu.memory_space<vmem>>, vector<128x128xf32>
    %dot_general3A_114 = arith.constant dense<0.000000e+00> : vector<128x128xf32>
    %dot_general3A_115 = tpu.matmul %mul3A_105, %get3A_113, %dot_general3A_114 {dimension_numbers = #tpu.dot_dimension_numbers<[1], [0], [0], [1], [0, 0, 1, 1], [], []>, transpose_lhs_hint = false} : vector<128x128xf32>, vector<128x128xf32>, vector<128x128xf32> -> vector<128x128xf32>
    %get3A_116 = arith.constant 0 : index
    %get3A_117 = arith.constant 0 : index
    %get3A_118 = vector.load %arg6[%get3A_116, %get3A_117] : memref<1x128xf32, #tpu.memory_space<vmem>>, vector<1x128xf32>
    %add3A_119 = vector.broadcast %get3A_118 : vector<1x128xf32> to vector<128x128xf32>
    %add3A_120 = arith.addf %dot_general3A_115, %add3A_119 : vector<128x128xf32>
    %tanh3A_121 = math.tanh %add3A_120 : vector<128x128xf32>
    %broadcast_in_dim3A_122 = vector.shape_cast %tanh3A_121 : vector<128x128xf32> to vector<128x1x128xf32>
    %swap3A_123 = arith.constant 0 : index
    %swap3A_124 = arith.constant 1 : index
    %swap3A_125 = arith.constant 0 : index
    %swap3A_126 = vector.load %arg8[%swap3A_123, %swap3A_124, %swap3A_125] : memref<128x19x128xf32, #tpu.memory_space<vmem>>, vector<128x1x128xf32>
    tpu.vector_store %arg8[%swap3A_123, %swap3A_124, %swap3A_125], %broadcast_in_dim3A_122 {strides = array<i32>} : memref<128x19x128xf32, #tpu.memory_space<vmem>>, vector<128x1x128xf32>,
    %get3A_127 = arith.constant 0 : index
    %get3A_128 = arith.constant 2 : index
    %get3A_129 = arith.constant 0 : index
    %get3A_130 = vector.load %arg0[%get3A_127, %get3A_128, %get3A_129] : memref<128x19x512xf32, #tpu.memory_space<vmem>>, vector<128x1x512xf32>
    %get3A_131 = vector.shape_cast %get3A_130 : vector<128x1x512xf32> to vector<128x512xf32>
    %get3A_132 = arith.constant 0 : index
    %get3A_133 = arith.constant 0 : index
    %get3A_134 = vector.load %arg1[%get3A_132, %get3A_133] : memref<128x512xf32, #tpu.memory_space<vmem>>, vector<128x512xf32>
    %dot_general3A_135 = arith.constant dense<0.000000e+00> : vector<128x512xf32>
    %dot_general3A_136 = tpu.matmul %mul3A_105, %get3A_134, %dot_general3A_135 {dimension_numbers = #tpu.dot_dimension_numbers<[1], [0], [0], [1], [0, 0, 1, 1], [], []>, transpose_lhs_hint = false} : vector<128x128xf32>, vector<128x512xf32>, vector<128x512xf32> -> vector<128x512xf32>
    %add3A_137 = arith.addf %get3A_131, %dot_general3A_136 : vector<128x512xf32>
    %get3A_138 = arith.constant 0 : index
    %get3A_139 = arith.constant 0 : index
    %get3A_140 = vector.load %arg2[%get3A_138, %get3A_139] : memref<1x512xf32, #tpu.memory_space<vmem>>, vector<1x512xf32>
    %add3A_141 = vector.broadcast %get3A_140 : vector<1x512xf32> to vector<128x512xf32>
    %add3A_142 = arith.addf %add3A_137, %add3A_141 : vector<128x512xf32>
    %slice3A_143 = vector.extract_strided_slice %add3A_142 {offsets = [0, 0], sizes = [128, 128], strides = [1, 1]} : vector<128x512xf32> to vector<128x128xf32>
    %slice3A_144 = vector.extract_strided_slice %add3A_142 {offsets = [0, 128], sizes = [128, 128], strides = [1, 1]} : vector<128x512xf32> to vector<128x128xf32>
    %slice3A_145 = vector.extract_strided_slice %add3A_142 {offsets = [0, 256], sizes = [128, 128], strides = [1, 1]} : vector<128x512xf32> to vector<128x128xf32>
    %slice3A_146 = vector.extract_strided_slice %add3A_142 {offsets = [0, 384], sizes = [128, 128], strides = [1, 1]} : vector<128x512xf32> to vector<128x128xf32>
    %logistic3A_147 = arith.negf %slice3A_144 : vector<128x128xf32>
    %logistic3A_148 = math.exp %logistic3A_147 : vector<128x128xf32>
    %logistic3A_149 = arith.constant 1.000000e+00 : f32
    %logistic3A_150 = vector.broadcast %logistic3A_149 : f32 to vector<128x128xf32>
    %logistic3A_151 = arith.addf %logistic3A_150, %logistic3A_148 : vector<128x128xf32>
    %logistic3A_152 = arith.divf %logistic3A_150, %logistic3A_151 : vector<128x128xf32>
    %mul3A_153 = arith.mulf %logistic3A_152, %add3A_97 : vector<128x128xf32>
    %logistic3A_154 = arith.negf %slice3A_143 : vector<128x128xf32>
    %logistic3A_155 = math.exp %logistic3A_154 : vector<128x128xf32>
    %logistic3A_156 = arith.constant 1.000000e+00 : f32
    %logistic3A_157 = vector.broadcast %logistic3A_156 : f32 to vector<128x128xf32>
    %logistic3A_158 = arith.addf %logistic3A_157, %logistic3A_155 : vector<128x128xf32>
    %logistic3A_159 = arith.divf %logistic3A_157, %logistic3A_158 : vector<128x128xf32>
    %tanh3A_160 = math.tanh %slice3A_145 : vector<128x128xf32>
    %mul3A_161 = arith.mulf %logistic3A_159, %tanh3A_160 : vector<128x128xf32>
    %add3A_162 = arith.addf %mul3A_153, %mul3A_161 : vector<128x128xf32>
    %logistic3A_163 = arith.negf %slice3A_146 : vector<128x128xf32>
    %logistic3A_164 = math.exp %logistic3A_163 : vector<128x128xf32>
    %logistic3A_165 = arith.constant 1.000000e+00 : f32
    %logistic3A_166 = vector.broadcast %logistic3A_165 : f32 to vector<128x128xf32>
    %logistic3A_167 = arith.addf %logistic3A_166, %logistic3A_164 : vector<128x128xf32>
    %logistic3A_168 = arith.divf %logistic3A_166, %logistic3A_167 : vector<128x128xf32>
    %tanh3A_169 = math.tanh %add3A_162 : vector<128x128xf32>
    %mul3A_170 = arith.mulf %logistic3A_168, %tanh3A_169 : vector<128x128xf32>
    %broadcast_in_dim3A_171 = vector.shape_cast %mul3A_170 : vector<128x128xf32> to vector<128x1x128xf32>
    %swap3A_172 = arith.constant 0 : index
    %swap3A_173 = arith.constant 2 : index
    %swap3A_174 = arith.constant 0 : index
    %swap3A_175 = vector.load %arg7[%swap3A_172, %swap3A_173, %swap3A_174] : memref<128x19x128xf32, #tpu.memory_space<vmem>>, vector<128x1x128xf32>
    tpu.vector_store %arg7[%swap3A_172, %swap3A_173, %swap3A_174], %broadcast_in_dim3A_171 {strides = array<i32>} : memref<128x19x128xf32, #tpu.memory_space<vmem>>, vector<128x1x128xf32>,
    %get3A_176 = arith.constant 0 : index
    %get3A_177 = arith.constant 0 : index
    %get3A_178 = vector.load %arg5[%get3A_176, %get3A_177] : memref<128x128xf32, #tpu.memory_space<vmem>>, vector<128x128xf32>
    %dot_general3A_179 = arith.constant dense<0.000000e+00> : vector<128x128xf32>
    %dot_general3A_180 = tpu.matmul %mul3A_170, %get3A_178, %dot_general3A_179 {dimension_numbers = #tpu.dot_dimension_numbers<[1], [0], [0], [1], [0, 0, 1, 1], [], []>, transpose_lhs_hint = false} : vector<128x128xf32>, vector<128x128xf32>, vector<128x128xf32> -> vector<128x128xf32>
    %get3A_181 = arith.constant 0 : index
    %get3A_182 = arith.constant 0 : index
    %get3A_183 = vector.load %arg6[%get3A_181, %get3A_182] : memref<1x128xf32, #tpu.memory_space<vmem>>, vector<1x128xf32>
    %add3A_184 = vector.broadcast %get3A_183 : vector<1x128xf32> to vector<128x128xf32>
    %add3A_185 = arith.addf %dot_general3A_180, %add3A_184 : vector<128x128xf32>
    %tanh3A_186 = math.tanh %add3A_185 : vector<128x128xf32>
    %broadcast_in_dim3A_187 = vector.shape_cast %tanh3A_186 : vector<128x128xf32> to vector<128x1x128xf32>
    %swap3A_188 = arith.constant 0 : index
    %swap3A_189 = arith.constant 2 : index
    %swap3A_190 = arith.constant 0 : index
    %swap3A_191 = vector.load %arg8[%swap3A_188, %swap3A_189, %swap3A_190] : memref<128x19x128xf32, #tpu.memory_space<vmem>>, vector<128x1x128xf32>
    tpu.vector_store %arg8[%swap3A_188, %swap3A_189, %swap3A_190], %broadcast_in_dim3A_187 {strides = array<i32>} : memref<128x19x128xf32, #tpu.memory_space<vmem>>, vector<128x1x128xf32>,
    %get3A_192 = arith.constant 0 : index
    %get3A_193 = arith.constant 3 : index
    %get3A_194 = arith.constant 0 : index
    %get3A_195 = vector.load %arg0[%get3A_192, %get3A_193, %get3A_194] : memref<128x19x512xf32, #tpu.memory_space<vmem>>, vector<128x1x512xf32>
    %get3A_196 = vector.shape_cast %get3A_195 : vector<128x1x512xf32> to vector<128x512xf32>
    %get3A_197 = arith.constant 0 : index
    %get3A_198 = arith.constant 0 : index
    %get3A_199 = vector.load %arg1[%get3A_197, %get3A_198] : memref<128x512xf32, #tpu.memory_space<vmem>>, vector<128x512xf32>
    %dot_general3A_200 = arith.constant dense<0.000000e+00> : vector<128x512xf32>
    %dot_general3A_201 = tpu.matmul %mul3A_170, %get3A_199, %dot_general3A_200 {dimension_numbers = #tpu.dot_dimension_numbers<[1], [0], [0], [1], [0, 0, 1, 1], [], []>, transpose_lhs_hint = false} : vector<128x128xf32>, vector<128x512xf32>, vector<128x512xf32> -> vector<128x512xf32>
    %add3A_202 = arith.addf %get3A_196, %dot_general3A_201 : vector<128x512xf32>
    %get3A_203 = arith.constant 0 : index
    %get3A_204 = arith.constant 0 : index
    %get3A_205 = vector.load %arg2[%get3A_203, %get3A_204] : memref<1x512xf32, #tpu.memory_space<vmem>>, vector<1x512xf32>
    %add3A_206 = vector.broadcast %get3A_205 : vector<1x512xf32> to vector<128x512xf32>
    %add3A_207 = arith.addf %add3A_202, %add3A_206 : vector<128x512xf32>
    %slice3A_208 = vector.extract_strided_slice %add3A_207 {offsets = [0, 0], sizes = [128, 128], strides = [1, 1]} : vector<128x512xf32> to vector<128x128xf32>
    %slice3A_209 = vector.extract_strided_slice %add3A_207 {offsets = [0, 128], sizes = [128, 128], strides = [1, 1]} : vector<128x512xf32> to vector<128x128xf32>
    %slice3A_210 = vector.extract_strided_slice %add3A_207 {offsets = [0, 256], sizes = [128, 128], strides = [1, 1]} : vector<128x512xf32> to vector<128x128xf32>
    %slice3A_211 = vector.extract_strided_slice %add3A_207 {offsets = [0, 384], sizes = [128, 128], strides = [1, 1]} : vector<128x512xf32> to vector<128x128xf32>
    %logistic3A_212 = arith.negf %slice3A_209 : vector<128x128xf32>
    %logistic3A_213 = math.exp %logistic3A_212 : vector<128x128xf32>
    %logistic3A_214 = arith.constant 1.000000e+00 : f32
    %logistic3A_215 = vector.broadcast %logistic3A_214 : f32 to vector<128x128xf32>
    %logistic3A_216 = arith.addf %logistic3A_215, %logistic3A_213 : vector<128x128xf32>
    %logistic3A_217 = arith.divf %logistic3A_215, %logistic3A_216 : vector<128x128xf32>
    %mul3A_218 = arith.mulf %logistic3A_217, %add3A_162 : vector<128x128xf32>
    %logistic3A_219 = arith.negf %slice3A_208 : vector<128x128xf32>
    %logistic3A_220 = math.exp %logistic3A_219 : vector<128x128xf32>
    %logistic3A_221 = arith.constant 1.000000e+00 : f32
    %logistic3A_222 = vector.broadcast %logistic3A_221 : f32 to vector<128x128xf32>
    %logistic3A_223 = arith.addf %logistic3A_222, %logistic3A_220 : vector<128x128xf32>
    %logistic3A_224 = arith.divf %logistic3A_222, %logistic3A_223 : vector<128x128xf32>
    %tanh3A_225 = math.tanh %slice3A_210 : vector<128x128xf32>
    %mul3A_226 = arith.mulf %logistic3A_224, %tanh3A_225 : vector<128x128xf32>
    %add3A_227 = arith.addf %mul3A_218, %mul3A_226 : vector<128x128xf32>
    %logistic3A_228 = arith.negf %slice3A_211 : vector<128x128xf32>
    %logistic3A_229 = math.exp %logistic3A_228 : vector<128x128xf32>
    %logistic3A_230 = arith.constant 1.000000e+00 : f32
    %logistic3A_231 = vector.broadcast %logistic3A_230 : f32 to vector<128x128xf32>
    %logistic3A_232 = arith.addf %logistic3A_231, %logistic3A_229 : vector<128x128xf32>
    %logistic3A_233 = arith.divf %logistic3A_231, %logistic3A_232 : vector<128x128xf32>
    %tanh3A_234 = math.tanh %add3A_227 : vector<128x128xf32>
    %mul3A_235 = arith.mulf %logistic3A_233, %tanh3A_234 : vector<128x128xf32>
    %broadcast_in_dim3A_236 = vector.shape_cast %mul3A_235 : vector<128x128xf32> to vector<128x1x128xf32>
    %swap3A_237 = arith.constant 0 : index
    %swap3A_238 = arith.constant 3 : index
    %swap3A_239 = arith.constant 0 : index
    %swap3A_240 = vector.load %arg7[%swap3A_237, %swap3A_238, %swap3A_239] : memref<128x19x128xf32, #tpu.memory_space<vmem>>, vector<128x1x128xf32>
    tpu.vector_store %arg7[%swap3A_237, %swap3A_238, %swap3A_239], %broadcast_in_dim3A_236 {strides = array<i32>} : memref<128x19x128xf32, #tpu.memory_space<vmem>>, vector<128x1x128xf32>,
    %get3A_241 = arith.constant 0 : index
    %get3A_242 = arith.constant 0 : index
    %get3A_243 = vector.load %arg5[%get3A_241, %get3A_242] : memref<128x128xf32, #tpu.memory_space<vmem>>, vector<128x128xf32>
    %dot_general3A_244 = arith.constant dense<0.000000e+00> : vector<128x128xf32>
    %dot_general3A_245 = tpu.matmul %mul3A_235, %get3A_243, %dot_general3A_244 {dimension_numbers = #tpu.dot_dimension_numbers<[1], [0], [0], [1], [0, 0, 1, 1], [], []>, transpose_lhs_hint = false} : vector<128x128xf32>, vector<128x128xf32>, vector<128x128xf32> -> vector<128x128xf32>
    %get3A_246 = arith.constant 0 : index
    %get3A_247 = arith.constant 0 : index
    %get3A_248 = vector.load %arg6[%get3A_246, %get3A_247] : memref<1x128xf32, #tpu.memory_space<vmem>>, vector<1x128xf32>
    %add3A_249 = vector.broadcast %get3A_248 : vector<1x128xf32> to vector<128x128xf32>
    %add3A_250 = arith.addf %dot_general3A_245, %add3A_249 : vector<128x128xf32>
    %tanh3A_251 = math.tanh %add3A_250 : vector<128x128xf32>
    %broadcast_in_dim3A_252 = vector.shape_cast %tanh3A_251 : vector<128x128xf32> to vector<128x1x128xf32>
    %swap3A_253 = arith.constant 0 : index
    %swap3A_254 = arith.constant 3 : index
    %swap3A_255 = arith.constant 0 : index
    %swap3A_256 = vector.load %arg8[%swap3A_253, %swap3A_254, %swap3A_255] : memref<128x19x128xf32, #tpu.memory_space<vmem>>, vector<128x1x128xf32>
    tpu.vector_store %arg8[%swap3A_253, %swap3A_254, %swap3A_255], %broadcast_in_dim3A_252 {strides = array<i32>} : memref<128x19x128xf32, #tpu.memory_space<vmem>>, vector<128x1x128xf32>,
    %get3A_257 = arith.constant 0 : index
    %get3A_258 = arith.constant 4 : index
    %get3A_259 = arith.constant 0 : index
    %get3A_260 = vector.load %arg0[%get3A_257, %get3A_258, %get3A_259] : memref<128x19x512xf32, #tpu.memory_space<vmem>>, vector<128x1x512xf32>
    %get3A_261 = vector.shape_cast %get3A_260 : vector<128x1x512xf32> to vector<128x512xf32>
    %get3A_262 = arith.constant 0 : index
    %get3A_263 = arith.constant 0 : index
    %get3A_264 = vector.load %arg1[%get3A_262, %get3A_263] : memref<128x512xf32, #tpu.memory_space<vmem>>, vector<128x512xf32>
    %dot_general3A_265 = arith.constant dense<0.000000e+00> : vector<128x512xf32>
    %dot_general3A_266 = tpu.matmul %mul3A_235, %get3A_264, %dot_general3A_265 {dimension_numbers = #tpu.dot_dimension_numbers<[1], [0], [0], [1], [0, 0, 1, 1], [], []>, transpose_lhs_hint = false} : vector<128x128xf32>, vector<128x512xf32>, vector<128x512xf32> -> vector<128x512xf32>
    %add3A_267 = arith.addf %get3A_261, %dot_general3A_266 : vector<128x512xf32>
    %get3A_268 = arith.constant 0 : index
    %get3A_269 = arith.constant 0 : index
    %get3A_270 = vector.load %arg2[%get3A_268, %get3A_269] : memref<1x512xf32, #tpu.memory_space<vmem>>, vector<1x512xf32>
    %add3A_271 = vector.broadcast %get3A_270 : vector<1x512xf32> to vector<128x512xf32>
    %add3A_272 = arith.addf %add3A_267, %add3A_271 : vector<128x512xf32>
    %slice3A_273 = vector.extract_strided_slice %add3A_272 {offsets = [0, 0], sizes = [128, 128], strides = [1, 1]} : vector<128x512xf32> to vector<128x128xf32>
    %slice3A_274 = vector.extract_strided_slice %add3A_272 {offsets = [0, 128], sizes = [128, 128], strides = [1, 1]} : vector<128x512xf32> to vector<128x128xf32>
    %slice3A_275 = vector.extract_strided_slice %add3A_272 {offsets = [0, 256], sizes = [128, 128], strides = [1, 1]} : vector<128x512xf32> to vector<128x128xf32>
    %slice3A_276 = vector.extract_strided_slice %add3A_272 {offsets = [0, 384], sizes = [128, 128], strides = [1, 1]} : vector<128x512xf32> to vector<128x128xf32>
    %logistic3A_277 = arith.negf %slice3A_274 : vector<128x128xf32>
    %logistic3A_278 = math.exp %logistic3A_277 : vector<128x128xf32>
    %logistic3A_279 = arith.constant 1.000000e+00 : f32
    %logistic3A_280 = vector.broadcast %logistic3A_279 : f32 to vector<128x128xf32>
    %logistic3A_281 = arith.addf %logistic3A_280, %logistic3A_278 : vector<128x128xf32>
    %logistic3A_282 = arith.divf %logistic3A_280, %logistic3A_281 : vector<128x128xf32>
    %mul3A_283 = arith.mulf %logistic3A_282, %add3A_227 : vector<128x128xf32>
    %logistic3A_284 = arith.negf %slice3A_273 : vector<128x128xf32>
    %logistic3A_285 = math.exp %logistic3A_284 : vector<128x128xf32>
    %logistic3A_286 = arith.constant 1.000000e+00 : f32
    %logistic3A_287 = vector.broadcast %logistic3A_286 : f32 to vector<128x128xf32>
    %logistic3A_288 = arith.addf %logistic3A_287, %logistic3A_285 : vector<128x128xf32>
    %logistic3A_289 = arith.divf %logistic3A_287, %logistic3A_288 : vector<128x128xf32>
    %tanh3A_290 = math.tanh %slice3A_275 : vector<128x128xf32>
    %mul3A_291 = arith.mulf %logistic3A_289, %tanh3A_290 : vector<128x128xf32>
    %add3A_292 = arith.addf %mul3A_283, %mul3A_291 : vector<128x128xf32>
    %logistic3A_293 = arith.negf %slice3A_276 : vector<128x128xf32>
    %logistic3A_294 = math.exp %logistic3A_293 : vector<128x128xf32>
    %logistic3A_295 = arith.constant 1.000000e+00 : f32
    %logistic3A_296 = vector.broadcast %logistic3A_295 : f32 to vector<128x128xf32>
    %logistic3A_297 = arith.addf %logistic3A_296, %logistic3A_294 : vector<128x128xf32>
    %logistic3A_298 = arith.divf %logistic3A_296, %logistic3A_297 : vector<128x128xf32>
    %tanh3A_299 = math.tanh %add3A_292 : vector<128x128xf32>
    %mul3A_300 = arith.mulf %logistic3A_298, %tanh3A_299 : vector<128x128xf32>
    %broadcast_in_dim3A_301 = vector.shape_cast %mul3A_300 : vector<128x128xf32> to vector<128x1x128xf32>
    %swap3A_302 = arith.constant 0 : index
    %swap3A_303 = arith.constant 4 : index
    %swap3A_304 = arith.constant 0 : index
    %swap3A_305 = vector.load %arg7[%swap3A_302, %swap3A_303, %swap3A_304] : memref<128x19x128xf32, #tpu.memory_space<vmem>>, vector<128x1x128xf32>
    tpu.vector_store %arg7[%swap3A_302, %swap3A_303, %swap3A_304], %broadcast_in_dim3A_301 {strides = array<i32>} : memref<128x19x128xf32, #tpu.memory_space<vmem>>, vector<128x1x128xf32>,
    %get3A_306 = arith.constant 0 : index
    %get3A_307 = arith.constant 0 : index
    %get3A_308 = vector.load %arg5[%get3A_306, %get3A_307] : memref<128x128xf32, #tpu.memory_space<vmem>>, vector<128x128xf32>
    %dot_general3A_309 = arith.constant dense<0.000000e+00> : vector<128x128xf32>
    %dot_general3A_310 = tpu.matmul %mul3A_300, %get3A_308, %dot_general3A_309 {dimension_numbers = #tpu.dot_dimension_numbers<[1], [0], [0], [1], [0, 0, 1, 1], [], []>, transpose_lhs_hint = false} : vector<128x128xf32>, vector<128x128xf32>, vector<128x128xf32> -> vector<128x128xf32>
    %get3A_311 = arith.constant 0 : index
    %get3A_312 = arith.constant 0 : index
    %get3A_313 = vector.load %arg6[%get3A_311, %get3A_312] : memref<1x128xf32, #tpu.memory_space<vmem>>, vector<1x128xf32>
    %add3A_314 = vector.broadcast %get3A_313 : vector<1x128xf32> to vector<128x128xf32>
    %add3A_315 = arith.addf %dot_general3A_310, %add3A_314 : vector<128x128xf32>
    %tanh3A_316 = math.tanh %add3A_315 : vector<128x128xf32>
    %broadcast_in_dim3A_317 = vector.shape_cast %tanh3A_316 : vector<128x128xf32> to vector<128x1x128xf32>
    %swap3A_318 = arith.constant 0 : index
    %swap3A_319 = arith.constant 4 : index
    %swap3A_320 = arith.constant 0 : index
    %swap3A_321 = vector.load %arg8[%swap3A_318, %swap3A_319, %swap3A_320] : memref<128x19x128xf32, #tpu.memory_space<vmem>>, vector<128x1x128xf32>
    tpu.vector_store %arg8[%swap3A_318, %swap3A_319, %swap3A_320], %broadcast_in_dim3A_317 {strides = array<i32>} : memref<128x19x128xf32, #tpu.memory_space<vmem>>, vector<128x1x128xf32>,
    %get3A_322 = arith.constant 0 : index
    %get3A_323 = arith.constant 5 : index
    %get3A_324 = arith.constant 0 : index
    %get3A_325 = vector.load %arg0[%get3A_322, %get3A_323, %get3A_324] : memref<128x19x512xf32, #tpu.memory_space<vmem>>, vector<128x1x512xf32>
    %get3A_326 = vector.shape_cast %get3A_325 : vector<128x1x512xf32> to vector<128x512xf32>
    %get3A_327 = arith.constant 0 : index
    %get3A_328 = arith.constant 0 : index
    %get3A_329 = vector.load %arg1[%get3A_327, %get3A_328] : memref<128x512xf32, #tpu.memory_space<vmem>>, vector<128x512xf32>
    %dot_general3A_330 = arith.constant dense<0.000000e+00> : vector<128x512xf32>
    %dot_general3A_331 = tpu.matmul %mul3A_300, %get3A_329, %dot_general3A_330 {dimension_numbers = #tpu.dot_dimension_numbers<[1], [0], [0], [1], [0, 0, 1, 1], [], []>, transpose_lhs_hint = false} : vector<128x128xf32>, vector<128x512xf32>, vector<128x512xf32> -> vector<128x512xf32>
    %add3A_332 = arith.addf %get3A_326, %dot_general3A_331 : vector<128x512xf32>
    %get3A_333 = arith.constant 0 : index
    %get3A_334 = arith.constant 0 : index
    %get3A_335 = vector.load %arg2[%get3A_333, %get3A_334] : memref<1x512xf32, #tpu.memory_space<vmem>>, vector<1x512xf32>
    %add3A_336 = vector.broadcast %get3A_335 : vector<1x512xf32> to vector<128x512xf32>
    %add3A_337 = arith.addf %add3A_332, %add3A_336 : vector<128x512xf32>
    %slice3A_338 = vector.extract_strided_slice %add3A_337 {offsets = [0, 0], sizes = [128, 128], strides = [1, 1]} : vector<128x512xf32> to vector<128x128xf32>
    %slice3A_339 = vector.extract_strided_slice %add3A_337 {offsets = [0, 128], sizes = [128, 128], strides = [1, 1]} : vector<128x512xf32> to vector<128x128xf32>
    %slice3A_340 = vector.extract_strided_slice %add3A_337 {offsets = [0, 256], sizes = [128, 128], strides = [1, 1]} : vector<128x512xf32> to vector<128x128xf32>
    %slice3A_341 = vector.extract_strided_slice %add3A_337 {offsets = [0, 384], sizes = [128, 128], strides = [1, 1]} : vector<128x512xf32> to vector<128x128xf32>
    %logistic3A_342 = arith.negf %slice3A_339 : vector<128x128xf32>
    %logistic3A_343 = math.exp %logistic3A_342 : vector<128x128xf32>
    %logistic3A_344 = arith.constant 1.000000e+00 : f32
    %logistic3A_345 = vector.broadcast %logistic3A_344 : f32 to vector<128x128xf32>
    %logistic3A_346 = arith.addf %logistic3A_345, %logistic3A_343 : vector<128x128xf32>
    %logistic3A_347 = arith.divf %logistic3A_345, %logistic3A_346 : vector<128x128xf32>
    %mul3A_348 = arith.mulf %logistic3A_347, %add3A_292 : vector<128x128xf32>
    %logistic3A_349 = arith.negf %slice3A_338 : vector<128x128xf32>
    %logistic3A_350 = math.exp %logistic3A_349 : vector<128x128xf32>
    %logistic3A_351 = arith.constant 1.000000e+00 : f32
    %logistic3A_352 = vector.broadcast %logistic3A_351 : f32 to vector<128x128xf32>
    %logistic3A_353 = arith.addf %logistic3A_352, %logistic3A_350 : vector<128x128xf32>
    %logistic3A_354 = arith.divf %logistic3A_352, %logistic3A_353 : vector<128x128xf32>
    %tanh3A_355 = math.tanh %slice3A_340 : vector<128x128xf32>
    %mul3A_356 = arith.mulf %logistic3A_354, %tanh3A_355 : vector<128x128xf32>
    %add3A_357 = arith.addf %mul3A_348, %mul3A_356 : vector<128x128xf32>
    %logistic3A_358 = arith.negf %slice3A_341 : vector<128x128xf32>
    %logistic3A_359 = math.exp %logistic3A_358 : vector<128x128xf32>
    %logistic3A_360 = arith.constant 1.000000e+00 : f32
    %logistic3A_361 = vector.broadcast %logistic3A_360 : f32 to vector<128x128xf32>
    %logistic3A_362 = arith.addf %logistic3A_361, %logistic3A_359 : vector<128x128xf32>
    %logistic3A_363 = arith.divf %logistic3A_361, %logistic3A_362 : vector<128x128xf32>
    %tanh3A_364 = math.tanh %add3A_357 : vector<128x128xf32>
    %mul3A_365 = arith.mulf %logistic3A_363, %tanh3A_364 : vector<128x128xf32>
    %broadcast_in_dim3A_366 = vector.shape_cast %mul3A_365 : vector<128x128xf32> to vector<128x1x128xf32>
    %swap3A_367 = arith.constant 0 : index
    %swap3A_368 = arith.constant 5 : index
    %swap3A_369 = arith.constant 0 : index
    %swap3A_370 = vector.load %arg7[%swap3A_367, %swap3A_368, %swap3A_369] : memref<128x19x128xf32, #tpu.memory_space<vmem>>, vector<128x1x128xf32>
    tpu.vector_store %arg7[%swap3A_367, %swap3A_368, %swap3A_369], %broadcast_in_dim3A_366 {strides = array<i32>} : memref<128x19x128xf32, #tpu.memory_space<vmem>>, vector<128x1x128xf32>,
    %get3A_371 = arith.constant 0 : index
    %get3A_372 = arith.constant 0 : index
    %get3A_373 = vector.load %arg5[%get3A_371, %get3A_372] : memref<128x128xf32, #tpu.memory_space<vmem>>, vector<128x128xf32>
    %dot_general3A_374 = arith.constant dense<0.000000e+00> : vector<128x128xf32>
    %dot_general3A_375 = tpu.matmul %mul3A_365, %get3A_373, %dot_general3A_374 {dimension_numbers = #tpu.dot_dimension_numbers<[1], [0], [0], [1], [0, 0, 1, 1], [], []>, transpose_lhs_hint = false} : vector<128x128xf32>, vector<128x128xf32>, vector<128x128xf32> -> vector<128x128xf32>
    %get3A_376 = arith.constant 0 : index
    %get3A_377 = arith.constant 0 : index
    %get3A_378 = vector.load %arg6[%get3A_376, %get3A_377] : memref<1x128xf32, #tpu.memory_space<vmem>>, vector<1x128xf32>
    %add3A_379 = vector.broadcast %get3A_378 : vector<1x128xf32> to vector<128x128xf32>
    %add3A_380 = arith.addf %dot_general3A_375, %add3A_379 : vector<128x128xf32>
    %tanh3A_381 = math.tanh %add3A_380 : vector<128x128xf32>
    %broadcast_in_dim3A_382 = vector.shape_cast %tanh3A_381 : vector<128x128xf32> to vector<128x1x128xf32>
    %swap3A_383 = arith.constant 0 : index
    %swap3A_384 = arith.constant 5 : index
    %swap3A_385 = arith.constant 0 : index
    %swap3A_386 = vector.load %arg8[%swap3A_383, %swap3A_384, %swap3A_385] : memref<128x19x128xf32, #tpu.memory_space<vmem>>, vector<128x1x128xf32>
    tpu.vector_store %arg8[%swap3A_383, %swap3A_384, %swap3A_385], %broadcast_in_dim3A_382 {strides = array<i32>} : memref<128x19x128xf32, #tpu.memory_space<vmem>>, vector<128x1x128xf32>,
    %get3A_387 = arith.constant 0 : index
    %get3A_388 = arith.constant 6 : index
    %get3A_389 = arith.constant 0 : index
    %get3A_390 = vector.load %arg0[%get3A_387, %get3A_388, %get3A_389] : memref<128x19x512xf32, #tpu.memory_space<vmem>>, vector<128x1x512xf32>
    %get3A_391 = vector.shape_cast %get3A_390 : vector<128x1x512xf32> to vector<128x512xf32>
    %get3A_392 = arith.constant 0 : index
    %get3A_393 = arith.constant 0 : index
    %get3A_394 = vector.load %arg1[%get3A_392, %get3A_393] : memref<128x512xf32, #tpu.memory_space<vmem>>, vector<128x512xf32>
    %dot_general3A_395 = arith.constant dense<0.000000e+00> : vector<128x512xf32>
    %dot_general3A_396 = tpu.matmul %mul3A_365, %get3A_394, %dot_general3A_395 {dimension_numbers = #tpu.dot_dimension_numbers<[1], [0], [0], [1], [0, 0, 1, 1], [], []>, transpose_lhs_hint = false} : vector<128x128xf32>, vector<128x512xf32>, vector<128x512xf32> -> vector<128x512xf32>
    %add3A_397 = arith.addf %get3A_391, %dot_general3A_396 : vector<128x512xf32>
    %get3A_398 = arith.constant 0 : index
    %get3A_399 = arith.constant 0 : index
    %get3A_400 = vector.load %arg2[%get3A_398, %get3A_399] : memref<1x512xf32, #tpu.memory_space<vmem>>, vector<1x512xf32>
    %add3A_401 = vector.broadcast %get3A_400 : vector<1x512xf32> to vector<128x512xf32>
    %add3A_402 = arith.addf %add3A_397, %add3A_401 : vector<128x512xf32>
    %slice3A_403 = vector.extract_strided_slice %add3A_402 {offsets = [0, 0], sizes = [128, 128], strides = [1, 1]} : vector<128x512xf32> to vector<128x128xf32>
    %slice3A_404 = vector.extract_strided_slice %add3A_402 {offsets = [0, 128], sizes = [128, 128], strides = [1, 1]} : vector<128x512xf32> to vector<128x128xf32>
    %slice3A_405 = vector.extract_strided_slice %add3A_402 {offsets = [0, 256], sizes = [128, 128], strides = [1, 1]} : vector<128x512xf32> to vector<128x128xf32>
    %slice3A_406 = vector.extract_strided_slice %add3A_402 {offsets = [0, 384], sizes = [128, 128], strides = [1, 1]} : vector<128x512xf32> to vector<128x128xf32>
    %logistic3A_407 = arith.negf %slice3A_404 : vector<128x128xf32>
    %logistic3A_408 = math.exp %logistic3A_407 : vector<128x128xf32>
    %logistic3A_409 = arith.constant 1.000000e+00 : f32
    %logistic3A_410 = vector.broadcast %logistic3A_409 : f32 to vector<128x128xf32>
    %logistic3A_411 = arith.addf %logistic3A_410, %logistic3A_408 : vector<128x128xf32>
    %logistic3A_412 = arith.divf %logistic3A_410, %logistic3A_411 : vector<128x128xf32>
    %mul3A_413 = arith.mulf %logistic3A_412, %add3A_357 : vector<128x128xf32>
    %logistic3A_414 = arith.negf %slice3A_403 : vector<128x128xf32>
    %logistic3A_415 = math.exp %logistic3A_414 : vector<128x128xf32>
    %logistic3A_416 = arith.constant 1.000000e+00 : f32
    %logistic3A_417 = vector.broadcast %logistic3A_416 : f32 to vector<128x128xf32>
    %logistic3A_418 = arith.addf %logistic3A_417, %logistic3A_415 : vector<128x128xf32>
    %logistic3A_419 = arith.divf %logistic3A_417, %logistic3A_418 : vector<128x128xf32>
    %tanh3A_420 = math.tanh %slice3A_405 : vector<128x128xf32>
    %mul3A_421 = arith.mulf %logistic3A_419, %tanh3A_420 : vector<128x128xf32>
    %add3A_422 = arith.addf %mul3A_413, %mul3A_421 : vector<128x128xf32>
    %logistic3A_423 = arith.negf %slice3A_406 : vector<128x128xf32>
    %logistic3A_424 = math.exp %logistic3A_423 : vector<128x128xf32>
    %logistic3A_425 = arith.constant 1.000000e+00 : f32
    %logistic3A_426 = vector.broadcast %logistic3A_425 : f32 to vector<128x128xf32>
    %logistic3A_427 = arith.addf %logistic3A_426, %logistic3A_424 : vector<128x128xf32>
    %logistic3A_428 = arith.divf %logistic3A_426, %logistic3A_427 : vector<128x128xf32>
    %tanh3A_429 = math.tanh %add3A_422 : vector<128x128xf32>
    %mul3A_430 = arith.mulf %logistic3A_428, %tanh3A_429 : vector<128x128xf32>
    %broadcast_in_dim3A_431 = vector.shape_cast %mul3A_430 : vector<128x128xf32> to vector<128x1x128xf32>
    %swap3A_432 = arith.constant 0 : index
    %swap3A_433 = arith.constant 6 : index
    %swap3A_434 = arith.constant 0 : index
    %swap3A_435 = vector.load %arg7[%swap3A_432, %swap3A_433, %swap3A_434] : memref<128x19x128xf32, #tpu.memory_space<vmem>>, vector<128x1x128xf32>
    tpu.vector_store %arg7[%swap3A_432, %swap3A_433, %swap3A_434], %broadcast_in_dim3A_431 {strides = array<i32>} : memref<128x19x128xf32, #tpu.memory_space<vmem>>, vector<128x1x128xf32>,
    %get3A_436 = arith.constant 0 : index
    %get3A_437 = arith.constant 0 : index
    %get3A_438 = vector.load %arg5[%get3A_436, %get3A_437] : memref<128x128xf32, #tpu.memory_space<vmem>>, vector<128x128xf32>
    %dot_general3A_439 = arith.constant dense<0.000000e+00> : vector<128x128xf32>
    %dot_general3A_440 = tpu.matmul %mul3A_430, %get3A_438, %dot_general3A_439 {dimension_numbers = #tpu.dot_dimension_numbers<[1], [0], [0], [1], [0, 0, 1, 1], [], []>, transpose_lhs_hint = false} : vector<128x128xf32>, vector<128x128xf32>, vector<128x128xf32> -> vector<128x128xf32>
    %get3A_441 = arith.constant 0 : index
    %get3A_442 = arith.constant 0 : index
    %get3A_443 = vector.load %arg6[%get3A_441, %get3A_442] : memref<1x128xf32, #tpu.memory_space<vmem>>, vector<1x128xf32>
    %add3A_444 = vector.broadcast %get3A_443 : vector<1x128xf32> to vector<128x128xf32>
    %add3A_445 = arith.addf %dot_general3A_440, %add3A_444 : vector<128x128xf32>
    %tanh3A_446 = math.tanh %add3A_445 : vector<128x128xf32>
    %broadcast_in_dim3A_447 = vector.shape_cast %tanh3A_446 : vector<128x128xf32> to vector<128x1x128xf32>
    %swap3A_448 = arith.constant 0 : index
    %swap3A_449 = arith.constant 6 : index
    %swap3A_450 = arith.constant 0 : index
    %swap3A_451 = vector.load %arg8[%swap3A_448, %swap3A_449, %swap3A_450] : memref<128x19x128xf32, #tpu.memory_space<vmem>>, vector<128x1x128xf32>
    tpu.vector_store %arg8[%swap3A_448, %swap3A_449, %swap3A_450], %broadcast_in_dim3A_447 {strides = array<i32>} : memref<128x19x128xf32, #tpu.memory_space<vmem>>, vector<128x1x128xf32>,
    %get3A_452 = arith.constant 0 : index
    %get3A_453 = arith.constant 7 : index
    %get3A_454 = arith.constant 0 : index
    %get3A_455 = vector.load %arg0[%get3A_452, %get3A_453, %get3A_454] : memref<128x19x512xf32, #tpu.memory_space<vmem>>, vector<128x1x512xf32>
    %get3A_456 = vector.shape_cast %get3A_455 : vector<128x1x512xf32> to vector<128x512xf32>
    %get3A_457 = arith.constant 0 : index
    %get3A_458 = arith.constant 0 : index
    %get3A_459 = vector.load %arg1[%get3A_457, %get3A_458] : memref<128x512xf32, #tpu.memory_space<vmem>>, vector<128x512xf32>
    %dot_general3A_460 = arith.constant dense<0.000000e+00> : vector<128x512xf32>
    %dot_general3A_461 = tpu.matmul %mul3A_430, %get3A_459, %dot_general3A_460 {dimension_numbers = #tpu.dot_dimension_numbers<[1], [0], [0], [1], [0, 0, 1, 1], [], []>, transpose_lhs_hint = false} : vector<128x128xf32>, vector<128x512xf32>, vector<128x512xf32> -> vector<128x512xf32>
    %add3A_462 = arith.addf %get3A_456, %dot_general3A_461 : vector<128x512xf32>
    %get3A_463 = arith.constant 0 : index
    %get3A_464 = arith.constant 0 : index
    %get3A_465 = vector.load %arg2[%get3A_463, %get3A_464] : memref<1x512xf32, #tpu.memory_space<vmem>>, vector<1x512xf32>
    %add3A_466 = vector.broadcast %get3A_465 : vector<1x512xf32> to vector<128x512xf32>
    %add3A_467 = arith.addf %add3A_462, %add3A_466 : vector<128x512xf32>
    %slice3A_468 = vector.extract_strided_slice %add3A_467 {offsets = [0, 0], sizes = [128, 128], strides = [1, 1]} : vector<128x512xf32> to vector<128x128xf32>
    %slice3A_469 = vector.extract_strided_slice %add3A_467 {offsets = [0, 128], sizes = [128, 128], strides = [1, 1]} : vector<128x512xf32> to vector<128x128xf32>
    %slice3A_470 = vector.extract_strided_slice %add3A_467 {offsets = [0, 256], sizes = [128, 128], strides = [1, 1]} : vector<128x512xf32> to vector<128x128xf32>
    %slice3A_471 = vector.extract_strided_slice %add3A_467 {offsets = [0, 384], sizes = [128, 128], strides = [1, 1]} : vector<128x512xf32> to vector<128x128xf32>
    %logistic3A_472 = arith.negf %slice3A_469 : vector<128x128xf32>
    %logistic3A_473 = math.exp %logistic3A_472 : vector<128x128xf32>
    %logistic3A_474 = arith.constant 1.000000e+00 : f32
    %logistic3A_475 = vector.broadcast %logistic3A_474 : f32 to vector<128x128xf32>
    %logistic3A_476 = arith.addf %logistic3A_475, %logistic3A_473 : vector<128x128xf32>
    %logistic3A_477 = arith.divf %logistic3A_475, %logistic3A_476 : vector<128x128xf32>
    %mul3A_478 = arith.mulf %logistic3A_477, %add3A_422 : vector<128x128xf32>
    %logistic3A_479 = arith.negf %slice3A_468 : vector<128x128xf32>
    %logistic3A_480 = math.exp %logistic3A_479 : vector<128x128xf32>
    %logistic3A_481 = arith.constant 1.000000e+00 : f32
    %logistic3A_482 = vector.broadcast %logistic3A_481 : f32 to vector<128x128xf32>
    %logistic3A_483 = arith.addf %logistic3A_482, %logistic3A_480 : vector<128x128xf32>
    %logistic3A_484 = arith.divf %logistic3A_482, %logistic3A_483 : vector<128x128xf32>
    %tanh3A_485 = math.tanh %slice3A_470 : vector<128x128xf32>
    %mul3A_486 = arith.mulf %logistic3A_484, %tanh3A_485 : vector<128x128xf32>
    %add3A_487 = arith.addf %mul3A_478, %mul3A_486 : vector<128x128xf32>
    %logistic3A_488 = arith.negf %slice3A_471 : vector<128x128xf32>
    %logistic3A_489 = math.exp %logistic3A_488 : vector<128x128xf32>
    %logistic3A_490 = arith.constant 1.000000e+00 : f32
    %logistic3A_491 = vector.broadcast %logistic3A_490 : f32 to vector<128x128xf32>
    %logistic3A_492 = arith.addf %logistic3A_491, %logistic3A_489 : vector<128x128xf32>
    %logistic3A_493 = arith.divf %logistic3A_491, %logistic3A_492 : vector<128x128xf32>
    %tanh3A_494 = math.tanh %add3A_487 : vector<128x128xf32>
    %mul3A_495 = arith.mulf %logistic3A_493, %tanh3A_494 : vector<128x128xf32>
    %broadcast_in_dim3A_496 = vector.shape_cast %mul3A_495 : vector<128x128xf32> to vector<128x1x128xf32>
    %swap3A_497 = arith.constant 0 : index
    %swap3A_498 = arith.constant 7 : index
    %swap3A_499 = arith.constant 0 : index
    %swap3A_500 = vector.load %arg7[%swap3A_497, %swap3A_498, %swap3A_499] : memref<128x19x128xf32, #tpu.memory_space<vmem>>, vector<128x1x128xf32>
    tpu.vector_store %arg7[%swap3A_497, %swap3A_498, %swap3A_499], %broadcast_in_dim3A_496 {strides = array<i32>} : memref<128x19x128xf32, #tpu.memory_space<vmem>>, vector<128x1x128xf32>,
    %get3A_501 = arith.constant 0 : index
    %get3A_502 = arith.constant 0 : index
    %get3A_503 = vector.load %arg5[%get3A_501, %get3A_502] : memref<128x128xf32, #tpu.memory_space<vmem>>, vector<128x128xf32>
    %dot_general3A_504 = arith.constant dense<0.000000e+00> : vector<128x128xf32>
    %dot_general3A_505 = tpu.matmul %mul3A_495, %get3A_503, %dot_general3A_504 {dimension_numbers = #tpu.dot_dimension_numbers<[1], [0], [0], [1], [0, 0, 1, 1], [], []>, transpose_lhs_hint = false} : vector<128x128xf32>, vector<128x128xf32>, vector<128x128xf32> -> vector<128x128xf32>
    %get3A_506 = arith.constant 0 : index
    %get3A_507 = arith.constant 0 : index
    %get3A_508 = vector.load %arg6[%get3A_506, %get3A_507] : memref<1x128xf32, #tpu.memory_space<vmem>>, vector<1x128xf32>
    %add3A_509 = vector.broadcast %get3A_508 : vector<1x128xf32> to vector<128x128xf32>
    %add3A_510 = arith.addf %dot_general3A_505, %add3A_509 : vector<128x128xf32>
    %tanh3A_511 = math.tanh %add3A_510 : vector<128x128xf32>
    %broadcast_in_dim3A_512 = vector.shape_cast %tanh3A_511 : vector<128x128xf32> to vector<128x1x128xf32>
    %swap3A_513 = arith.constant 0 : index
    %swap3A_514 = arith.constant 7 : index
    %swap3A_515 = arith.constant 0 : index
    %swap3A_516 = vector.load %arg8[%swap3A_513, %swap3A_514, %swap3A_515] : memref<128x19x128xf32, #tpu.memory_space<vmem>>, vector<128x1x128xf32>
    tpu.vector_store %arg8[%swap3A_513, %swap3A_514, %swap3A_515], %broadcast_in_dim3A_512 {strides = array<i32>} : memref<128x19x128xf32, #tpu.memory_space<vmem>>, vector<128x1x128xf32>,
    %get3A_517 = arith.constant 0 : index
    %get3A_518 = arith.constant 8 : index
    %get3A_519 = arith.constant 0 : index
    %get3A_520 = vector.load %arg0[%get3A_517, %get3A_518, %get3A_519] : memref<128x19x512xf32, #tpu.memory_space<vmem>>, vector<128x1x512xf32>
    %get3A_521 = vector.shape_cast %get3A_520 : vector<128x1x512xf32> to vector<128x512xf32>
    %get3A_522 = arith.constant 0 : index
    %get3A_523 = arith.constant 0 : index
    %get3A_524 = vector.load %arg1[%get3A_522, %get3A_523] : memref<128x512xf32, #tpu.memory_space<vmem>>, vector<128x512xf32>
    %dot_general3A_525 = arith.constant dense<0.000000e+00> : vector<128x512xf32>
    %dot_general3A_526 = tpu.matmul %mul3A_495, %get3A_524, %dot_general3A_525 {dimension_numbers = #tpu.dot_dimension_numbers<[1], [0], [0], [1], [0, 0, 1, 1], [], []>, transpose_lhs_hint = false} : vector<128x128xf32>, vector<128x512xf32>, vector<128x512xf32> -> vector<128x512xf32>
    %add3A_527 = arith.addf %get3A_521, %dot_general3A_526 : vector<128x512xf32>
    %get3A_528 = arith.constant 0 : index
    %get3A_529 = arith.constant 0 : index
    %get3A_530 = vector.load %arg2[%get3A_528, %get3A_529] : memref<1x512xf32, #tpu.memory_space<vmem>>, vector<1x512xf32>
    %add3A_531 = vector.broadcast %get3A_530 : vector<1x512xf32> to vector<128x512xf32>
    %add3A_532 = arith.addf %add3A_527, %add3A_531 : vector<128x512xf32>
    %slice3A_533 = vector.extract_strided_slice %add3A_532 {offsets = [0, 0], sizes = [128, 128], strides = [1, 1]} : vector<128x512xf32> to vector<128x128xf32>
    %slice3A_534 = vector.extract_strided_slice %add3A_532 {offsets = [0, 128], sizes = [128, 128], strides = [1, 1]} : vector<128x512xf32> to vector<128x128xf32>
    %slice3A_535 = vector.extract_strided_slice %add3A_532 {offsets = [0, 256], sizes = [128, 128], strides = [1, 1]} : vector<128x512xf32> to vector<128x128xf32>
    %slice3A_536 = vector.extract_strided_slice %add3A_532 {offsets = [0, 384], sizes = [128, 128], strides = [1, 1]} : vector<128x512xf32> to vector<128x128xf32>
    %logistic3A_537 = arith.negf %slice3A_534 : vector<128x128xf32>
    %logistic3A_538 = math.exp %logistic3A_537 : vector<128x128xf32>
    %logistic3A_539 = arith.constant 1.000000e+00 : f32
    %logistic3A_540 = vector.broadcast %logistic3A_539 : f32 to vector<128x128xf32>
    %logistic3A_541 = arith.addf %logistic3A_540, %logistic3A_538 : vector<128x128xf32>
    %logistic3A_542 = arith.divf %logistic3A_540, %logistic3A_541 : vector<128x128xf32>
    %mul3A_543 = arith.mulf %logistic3A_542, %add3A_487 : vector<128x128xf32>
    %logistic3A_544 = arith.negf %slice3A_533 : vector<128x128xf32>
    %logistic3A_545 = math.exp %logistic3A_544 : vector<128x128xf32>
    %logistic3A_546 = arith.constant 1.000000e+00 : f32
    %logistic3A_547 = vector.broadcast %logistic3A_546 : f32 to vector<128x128xf32>
    %logistic3A_548 = arith.addf %logistic3A_547, %logistic3A_545 : vector<128x128xf32>
    %logistic3A_549 = arith.divf %logistic3A_547, %logistic3A_548 : vector<128x128xf32>
    %tanh3A_550 = math.tanh %slice3A_535 : vector<128x128xf32>
    %mul3A_551 = arith.mulf %logistic3A_549, %tanh3A_550 : vector<128x128xf32>
    %add3A_552 = arith.addf %mul3A_543, %mul3A_551 : vector<128x128xf32>
    %logistic3A_553 = arith.negf %slice3A_536 : vector<128x128xf32>
    %logistic3A_554 = math.exp %logistic3A_553 : vector<128x128xf32>
    %logistic3A_555 = arith.constant 1.000000e+00 : f32
    %logistic3A_556 = vector.broadcast %logistic3A_555 : f32 to vector<128x128xf32>
    %logistic3A_557 = arith.addf %logistic3A_556, %logistic3A_554 : vector<128x128xf32>
    %logistic3A_558 = arith.divf %logistic3A_556, %logistic3A_557 : vector<128x128xf32>
    %tanh3A_559 = math.tanh %add3A_552 : vector<128x128xf32>
    %mul3A_560 = arith.mulf %logistic3A_558, %tanh3A_559 : vector<128x128xf32>
    %broadcast_in_dim3A_561 = vector.shape_cast %mul3A_560 : vector<128x128xf32> to vector<128x1x128xf32>
    %swap3A_562 = arith.constant 0 : index
    %swap3A_563 = arith.constant 8 : index
    %swap3A_564 = arith.constant 0 : index
    %swap3A_565 = vector.load %arg7[%swap3A_562, %swap3A_563, %swap3A_564] : memref<128x19x128xf32, #tpu.memory_space<vmem>>, vector<128x1x128xf32>
    tpu.vector_store %arg7[%swap3A_562, %swap3A_563, %swap3A_564], %broadcast_in_dim3A_561 {strides = array<i32>} : memref<128x19x128xf32, #tpu.memory_space<vmem>>, vector<128x1x128xf32>,
    %get3A_566 = arith.constant 0 : index
    %get3A_567 = arith.constant 0 : index
    %get3A_568 = vector.load %arg5[%get3A_566, %get3A_567] : memref<128x128xf32, #tpu.memory_space<vmem>>, vector<128x128xf32>
    %dot_general3A_569 = arith.constant dense<0.000000e+00> : vector<128x128xf32>
    %dot_general3A_570 = tpu.matmul %mul3A_560, %get3A_568, %dot_general3A_569 {dimension_numbers = #tpu.dot_dimension_numbers<[1], [0], [0], [1], [0, 0, 1, 1], [], []>, transpose_lhs_hint = false} : vector<128x128xf32>, vector<128x128xf32>, vector<128x128xf32> -> vector<128x128xf32>
    %get3A_571 = arith.constant 0 : index
    %get3A_572 = arith.constant 0 : index
    %get3A_573 = vector.load %arg6[%get3A_571, %get3A_572] : memref<1x128xf32, #tpu.memory_space<vmem>>, vector<1x128xf32>
    %add3A_574 = vector.broadcast %get3A_573 : vector<1x128xf32> to vector<128x128xf32>
    %add3A_575 = arith.addf %dot_general3A_570, %add3A_574 : vector<128x128xf32>
    %tanh3A_576 = math.tanh %add3A_575 : vector<128x128xf32>
    %broadcast_in_dim3A_577 = vector.shape_cast %tanh3A_576 : vector<128x128xf32> to vector<128x1x128xf32>
    %swap3A_578 = arith.constant 0 : index
    %swap3A_579 = arith.constant 8 : index
    %swap3A_580 = arith.constant 0 : index
    %swap3A_581 = vector.load %arg8[%swap3A_578, %swap3A_579, %swap3A_580] : memref<128x19x128xf32, #tpu.memory_space<vmem>>, vector<128x1x128xf32>
    tpu.vector_store %arg8[%swap3A_578, %swap3A_579, %swap3A_580], %broadcast_in_dim3A_577 {strides = array<i32>} : memref<128x19x128xf32, #tpu.memory_space<vmem>>, vector<128x1x128xf32>,
    %get3A_582 = arith.constant 0 : index
    %get3A_583 = arith.constant 9 : index
    %get3A_584 = arith.constant 0 : index
    %get3A_585 = vector.load %arg0[%get3A_582, %get3A_583, %get3A_584] : memref<128x19x512xf32, #tpu.memory_space<vmem>>, vector<128x1x512xf32>
    %get3A_586 = vector.shape_cast %get3A_585 : vector<128x1x512xf32> to vector<128x512xf32>
    %get3A_587 = arith.constant 0 : index
    %get3A_588 = arith.constant 0 : index
    %get3A_589 = vector.load %arg1[%get3A_587, %get3A_588] : memref<128x512xf32, #tpu.memory_space<vmem>>, vector<128x512xf32>
    %dot_general3A_590 = arith.constant dense<0.000000e+00> : vector<128x512xf32>
    %dot_general3A_591 = tpu.matmul %mul3A_560, %get3A_589, %dot_general3A_590 {dimension_numbers = #tpu.dot_dimension_numbers<[1], [0], [0], [1], [0, 0, 1, 1], [], []>, transpose_lhs_hint = false} : vector<128x128xf32>, vector<128x512xf32>, vector<128x512xf32> -> vector<128x512xf32>
    %add3A_592 = arith.addf %get3A_586, %dot_general3A_591 : vector<128x512xf32>
    %get3A_593 = arith.constant 0 : index
    %get3A_594 = arith.constant 0 : index
    %get3A_595 = vector.load %arg2[%get3A_593, %get3A_594] : memref<1x512xf32, #tpu.memory_space<vmem>>, vector<1x512xf32>
    %add3A_596 = vector.broadcast %get3A_595 : vector<1x512xf32> to vector<128x512xf32>
    %add3A_597 = arith.addf %add3A_592, %add3A_596 : vector<128x512xf32>
    %slice3A_598 = vector.extract_strided_slice %add3A_597 {offsets = [0, 0], sizes = [128, 128], strides = [1, 1]} : vector<128x512xf32> to vector<128x128xf32>
    %slice3A_599 = vector.extract_strided_slice %add3A_597 {offsets = [0, 128], sizes = [128, 128], strides = [1, 1]} : vector<128x512xf32> to vector<128x128xf32>
    %slice3A_600 = vector.extract_strided_slice %add3A_597 {offsets = [0, 256], sizes = [128, 128], strides = [1, 1]} : vector<128x512xf32> to vector<128x128xf32>
    %slice3A_601 = vector.extract_strided_slice %add3A_597 {offsets = [0, 384], sizes = [128, 128], strides = [1, 1]} : vector<128x512xf32> to vector<128x128xf32>
    %logistic3A_602 = arith.negf %slice3A_599 : vector<128x128xf32>
    %logistic3A_603 = math.exp %logistic3A_602 : vector<128x128xf32>
    %logistic3A_604 = arith.constant 1.000000e+00 : f32
    %logistic3A_605 = vector.broadcast %logistic3A_604 : f32 to vector<128x128xf32>
    %logistic3A_606 = arith.addf %logistic3A_605, %logistic3A_603 : vector<128x128xf32>
    %logistic3A_607 = arith.divf %logistic3A_605, %logistic3A_606 : vector<128x128xf32>
    %mul3A_608 = arith.mulf %logistic3A_607, %add3A_552 : vector<128x128xf32>
    %logistic3A_609 = arith.negf %slice3A_598 : vector<128x128xf32>
    %logistic3A_610 = math.exp %logistic3A_609 : vector<128x128xf32>
    %logistic3A_611 = arith.constant 1.000000e+00 : f32
    %logistic3A_612 = vector.broadcast %logistic3A_611 : f32 to vector<128x128xf32>
    %logistic3A_613 = arith.addf %logistic3A_612, %logistic3A_610 : vector<128x128xf32>
    %logistic3A_614 = arith.divf %logistic3A_612, %logistic3A_613 : vector<128x128xf32>
    %tanh3A_615 = math.tanh %slice3A_600 : vector<128x128xf32>
    %mul3A_616 = arith.mulf %logistic3A_614, %tanh3A_615 : vector<128x128xf32>
    %add3A_617 = arith.addf %mul3A_608, %mul3A_616 : vector<128x128xf32>
    %logistic3A_618 = arith.negf %slice3A_601 : vector<128x128xf32>
    %logistic3A_619 = math.exp %logistic3A_618 : vector<128x128xf32>
    %logistic3A_620 = arith.constant 1.000000e+00 : f32
    %logistic3A_621 = vector.broadcast %logistic3A_620 : f32 to vector<128x128xf32>
    %logistic3A_622 = arith.addf %logistic3A_621, %logistic3A_619 : vector<128x128xf32>
    %logistic3A_623 = arith.divf %logistic3A_621, %logistic3A_622 : vector<128x128xf32>
    %tanh3A_624 = math.tanh %add3A_617 : vector<128x128xf32>
    %mul3A_625 = arith.mulf %logistic3A_623, %tanh3A_624 : vector<128x128xf32>
    %broadcast_in_dim3A_626 = vector.shape_cast %mul3A_625 : vector<128x128xf32> to vector<128x1x128xf32>
    %swap3A_627 = arith.constant 0 : index
    %swap3A_628 = arith.constant 9 : index
    %swap3A_629 = arith.constant 0 : index
    %swap3A_630 = vector.load %arg7[%swap3A_627, %swap3A_628, %swap3A_629] : memref<128x19x128xf32, #tpu.memory_space<vmem>>, vector<128x1x128xf32>
    tpu.vector_store %arg7[%swap3A_627, %swap3A_628, %swap3A_629], %broadcast_in_dim3A_626 {strides = array<i32>} : memref<128x19x128xf32, #tpu.memory_space<vmem>>, vector<128x1x128xf32>,
    %get3A_631 = arith.constant 0 : index
    %get3A_632 = arith.constant 0 : index
    %get3A_633 = vector.load %arg5[%get3A_631, %get3A_632] : memref<128x128xf32, #tpu.memory_space<vmem>>, vector<128x128xf32>
    %dot_general3A_634 = arith.constant dense<0.000000e+00> : vector<128x128xf32>
    %dot_general3A_635 = tpu.matmul %mul3A_625, %get3A_633, %dot_general3A_634 {dimension_numbers = #tpu.dot_dimension_numbers<[1], [0], [0], [1], [0, 0, 1, 1], [], []>, transpose_lhs_hint = false} : vector<128x128xf32>, vector<128x128xf32>, vector<128x128xf32> -> vector<128x128xf32>
    %get3A_636 = arith.constant 0 : index
    %get3A_637 = arith.constant 0 : index
    %get3A_638 = vector.load %arg6[%get3A_636, %get3A_637] : memref<1x128xf32, #tpu.memory_space<vmem>>, vector<1x128xf32>
    %add3A_639 = vector.broadcast %get3A_638 : vector<1x128xf32> to vector<128x128xf32>
    %add3A_640 = arith.addf %dot_general3A_635, %add3A_639 : vector<128x128xf32>
    %tanh3A_641 = math.tanh %add3A_640 : vector<128x128xf32>
    %broadcast_in_dim3A_642 = vector.shape_cast %tanh3A_641 : vector<128x128xf32> to vector<128x1x128xf32>
    %swap3A_643 = arith.constant 0 : index
    %swap3A_644 = arith.constant 9 : index
    %swap3A_645 = arith.constant 0 : index
    %swap3A_646 = vector.load %arg8[%swap3A_643, %swap3A_644, %swap3A_645] : memref<128x19x128xf32, #tpu.memory_space<vmem>>, vector<128x1x128xf32>
    tpu.vector_store %arg8[%swap3A_643, %swap3A_644, %swap3A_645], %broadcast_in_dim3A_642 {strides = array<i32>} : memref<128x19x128xf32, #tpu.memory_space<vmem>>, vector<128x1x128xf32>,
    %get3A_647 = arith.constant 0 : index
    %get3A_648 = arith.constant 10 : index
    %get3A_649 = arith.constant 0 : index
    %get3A_650 = vector.load %arg0[%get3A_647, %get3A_648, %get3A_649] : memref<128x19x512xf32, #tpu.memory_space<vmem>>, vector<128x1x512xf32>
    %get3A_651 = vector.shape_cast %get3A_650 : vector<128x1x512xf32> to vector<128x512xf32>
    %get3A_652 = arith.constant 0 : index
    %get3A_653 = arith.constant 0 : index
    %get3A_654 = vector.load %arg1[%get3A_652, %get3A_653] : memref<128x512xf32, #tpu.memory_space<vmem>>, vector<128x512xf32>
    %dot_general3A_655 = arith.constant dense<0.000000e+00> : vector<128x512xf32>
    %dot_general3A_656 = tpu.matmul %mul3A_625, %get3A_654, %dot_general3A_655 {dimension_numbers = #tpu.dot_dimension_numbers<[1], [0], [0], [1], [0, 0, 1, 1], [], []>, transpose_lhs_hint = false} : vector<128x128xf32>, vector<128x512xf32>, vector<128x512xf32> -> vector<128x512xf32>
    %add3A_657 = arith.addf %get3A_651, %dot_general3A_656 : vector<128x512xf32>
    %get3A_658 = arith.constant 0 : index
    %get3A_659 = arith.constant 0 : index
    %get3A_660 = vector.load %arg2[%get3A_658, %get3A_659] : memref<1x512xf32, #tpu.memory_space<vmem>>, vector<1x512xf32>
    %add3A_661 = vector.broadcast %get3A_660 : vector<1x512xf32> to vector<128x512xf32>
    %add3A_662 = arith.addf %add3A_657, %add3A_661 : vector<128x512xf32>
    %slice3A_663 = vector.extract_strided_slice %add3A_662 {offsets = [0, 0], sizes = [128, 128], strides = [1, 1]} : vector<128x512xf32> to vector<128x128xf32>
    %slice3A_664 = vector.extract_strided_slice %add3A_662 {offsets = [0, 128], sizes = [128, 128], strides = [1, 1]} : vector<128x512xf32> to vector<128x128xf32>
    %slice3A_665 = vector.extract_strided_slice %add3A_662 {offsets = [0, 256], sizes = [128, 128], strides = [1, 1]} : vector<128x512xf32> to vector<128x128xf32>
    %slice3A_666 = vector.extract_strided_slice %add3A_662 {offsets = [0, 384], sizes = [128, 128], strides = [1, 1]} : vector<128x512xf32> to vector<128x128xf32>
    %logistic3A_667 = arith.negf %slice3A_664 : vector<128x128xf32>
    %logistic3A_668 = math.exp %logistic3A_667 : vector<128x128xf32>
    %logistic3A_669 = arith.constant 1.000000e+00 : f32
    %logistic3A_670 = vector.broadcast %logistic3A_669 : f32 to vector<128x128xf32>
    %logistic3A_671 = arith.addf %logistic3A_670, %logistic3A_668 : vector<128x128xf32>
    %logistic3A_672 = arith.divf %logistic3A_670, %logistic3A_671 : vector<128x128xf32>
    %mul3A_673 = arith.mulf %logistic3A_672, %add3A_617 : vector<128x128xf32>
    %logistic3A_674 = arith.negf %slice3A_663 : vector<128x128xf32>
    %logistic3A_675 = math.exp %logistic3A_674 : vector<128x128xf32>
    %logistic3A_676 = arith.constant 1.000000e+00 : f32
    %logistic3A_677 = vector.broadcast %logistic3A_676 : f32 to vector<128x128xf32>
    %logistic3A_678 = arith.addf %logistic3A_677, %logistic3A_675 : vector<128x128xf32>
    %logistic3A_679 = arith.divf %logistic3A_677, %logistic3A_678 : vector<128x128xf32>
    %tanh3A_680 = math.tanh %slice3A_665 : vector<128x128xf32>
    %mul3A_681 = arith.mulf %logistic3A_679, %tanh3A_680 : vector<128x128xf32>
    %add3A_682 = arith.addf %mul3A_673, %mul3A_681 : vector<128x128xf32>
    %logistic3A_683 = arith.negf %slice3A_666 : vector<128x128xf32>
    %logistic3A_684 = math.exp %logistic3A_683 : vector<128x128xf32>
    %logistic3A_685 = arith.constant 1.000000e+00 : f32
    %logistic3A_686 = vector.broadcast %logistic3A_685 : f32 to vector<128x128xf32>
    %logistic3A_687 = arith.addf %logistic3A_686, %logistic3A_684 : vector<128x128xf32>
    %logistic3A_688 = arith.divf %logistic3A_686, %logistic3A_687 : vector<128x128xf32>
    %tanh3A_689 = math.tanh %add3A_682 : vector<128x128xf32>
    %mul3A_690 = arith.mulf %logistic3A_688, %tanh3A_689 : vector<128x128xf32>
    %broadcast_in_dim3A_691 = vector.shape_cast %mul3A_690 : vector<128x128xf32> to vector<128x1x128xf32>
    %swap3A_692 = arith.constant 0 : index
    %swap3A_693 = arith.constant 10 : index
    %swap3A_694 = arith.constant 0 : index
    %swap3A_695 = vector.load %arg7[%swap3A_692, %swap3A_693, %swap3A_694] : memref<128x19x128xf32, #tpu.memory_space<vmem>>, vector<128x1x128xf32>
    tpu.vector_store %arg7[%swap3A_692, %swap3A_693, %swap3A_694], %broadcast_in_dim3A_691 {strides = array<i32>} : memref<128x19x128xf32, #tpu.memory_space<vmem>>, vector<128x1x128xf32>,
    %get3A_696 = arith.constant 0 : index
    %get3A_697 = arith.constant 0 : index
    %get3A_698 = vector.load %arg5[%get3A_696, %get3A_697] : memref<128x128xf32, #tpu.memory_space<vmem>>, vector<128x128xf32>
    %dot_general3A_699 = arith.constant dense<0.000000e+00> : vector<128x128xf32>
    %dot_general3A_700 = tpu.matmul %mul3A_690, %get3A_698, %dot_general3A_699 {dimension_numbers = #tpu.dot_dimension_numbers<[1], [0], [0], [1], [0, 0, 1, 1], [], []>, transpose_lhs_hint = false} : vector<128x128xf32>, vector<128x128xf32>, vector<128x128xf32> -> vector<128x128xf32>
    %get3A_701 = arith.constant 0 : index
    %get3A_702 = arith.constant 0 : index
    %get3A_703 = vector.load %arg6[%get3A_701, %get3A_702] : memref<1x128xf32, #tpu.memory_space<vmem>>, vector<1x128xf32>
    %add3A_704 = vector.broadcast %get3A_703 : vector<1x128xf32> to vector<128x128xf32>
    %add3A_705 = arith.addf %dot_general3A_700, %add3A_704 : vector<128x128xf32>
    %tanh3A_706 = math.tanh %add3A_705 : vector<128x128xf32>
    %broadcast_in_dim3A_707 = vector.shape_cast %tanh3A_706 : vector<128x128xf32> to vector<128x1x128xf32>
    %swap3A_708 = arith.constant 0 : index
    %swap3A_709 = arith.constant 10 : index
    %swap3A_710 = arith.constant 0 : index
    %swap3A_711 = vector.load %arg8[%swap3A_708, %swap3A_709, %swap3A_710] : memref<128x19x128xf32, #tpu.memory_space<vmem>>, vector<128x1x128xf32>
    tpu.vector_store %arg8[%swap3A_708, %swap3A_709, %swap3A_710], %broadcast_in_dim3A_707 {strides = array<i32>} : memref<128x19x128xf32, #tpu.memory_space<vmem>>, vector<128x1x128xf32>,
    %get3A_712 = arith.constant 0 : index
    %get3A_713 = arith.constant 11 : index
    %get3A_714 = arith.constant 0 : index
    %get3A_715 = vector.load %arg0[%get3A_712, %get3A_713, %get3A_714] : memref<128x19x512xf32, #tpu.memory_space<vmem>>, vector<128x1x512xf32>
    %get3A_716 = vector.shape_cast %get3A_715 : vector<128x1x512xf32> to vector<128x512xf32>
    %get3A_717 = arith.constant 0 : index
    %get3A_718 = arith.constant 0 : index
    %get3A_719 = vector.load %arg1[%get3A_717, %get3A_718] : memref<128x512xf32, #tpu.memory_space<vmem>>, vector<128x512xf32>
    %dot_general3A_720 = arith.constant dense<0.000000e+00> : vector<128x512xf32>
    %dot_general3A_721 = tpu.matmul %mul3A_690, %get3A_719, %dot_general3A_720 {dimension_numbers = #tpu.dot_dimension_numbers<[1], [0], [0], [1], [0, 0, 1, 1], [], []>, transpose_lhs_hint = false} : vector<128x128xf32>, vector<128x512xf32>, vector<128x512xf32> -> vector<128x512xf32>
    %add3A_722 = arith.addf %get3A_716, %dot_general3A_721 : vector<128x512xf32>
    %get3A_723 = arith.constant 0 : index
    %get3A_724 = arith.constant 0 : index
    %get3A_725 = vector.load %arg2[%get3A_723, %get3A_724] : memref<1x512xf32, #tpu.memory_space<vmem>>, vector<1x512xf32>
    %add3A_726 = vector.broadcast %get3A_725 : vector<1x512xf32> to vector<128x512xf32>
    %add3A_727 = arith.addf %add3A_722, %add3A_726 : vector<128x512xf32>
    %slice3A_728 = vector.extract_strided_slice %add3A_727 {offsets = [0, 0], sizes = [128, 128], strides = [1, 1]} : vector<128x512xf32> to vector<128x128xf32>
    %slice3A_729 = vector.extract_strided_slice %add3A_727 {offsets = [0, 128], sizes = [128, 128], strides = [1, 1]} : vector<128x512xf32> to vector<128x128xf32>
    %slice3A_730 = vector.extract_strided_slice %add3A_727 {offsets = [0, 256], sizes = [128, 128], strides = [1, 1]} : vector<128x512xf32> to vector<128x128xf32>
    %slice3A_731 = vector.extract_strided_slice %add3A_727 {offsets = [0, 384], sizes = [128, 128], strides = [1, 1]} : vector<128x512xf32> to vector<128x128xf32>
    %logistic3A_732 = arith.negf %slice3A_729 : vector<128x128xf32>
    %logistic3A_733 = math.exp %logistic3A_732 : vector<128x128xf32>
    %logistic3A_734 = arith.constant 1.000000e+00 : f32
    %logistic3A_735 = vector.broadcast %logistic3A_734 : f32 to vector<128x128xf32>
    %logistic3A_736 = arith.addf %logistic3A_735, %logistic3A_733 : vector<128x128xf32>
    %logistic3A_737 = arith.divf %logistic3A_735, %logistic3A_736 : vector<128x128xf32>
    %mul3A_738 = arith.mulf %logistic3A_737, %add3A_682 : vector<128x128xf32>
    %logistic3A_739 = arith.negf %slice3A_728 : vector<128x128xf32>
    %logistic3A_740 = math.exp %logistic3A_739 : vector<128x128xf32>
    %logistic3A_741 = arith.constant 1.000000e+00 : f32
    %logistic3A_742 = vector.broadcast %logistic3A_741 : f32 to vector<128x128xf32>
    %logistic3A_743 = arith.addf %logistic3A_742, %logistic3A_740 : vector<128x128xf32>
    %logistic3A_744 = arith.divf %logistic3A_742, %logistic3A_743 : vector<128x128xf32>
    %tanh3A_745 = math.tanh %slice3A_730 : vector<128x128xf32>
    %mul3A_746 = arith.mulf %logistic3A_744, %tanh3A_745 : vector<128x128xf32>
    %add3A_747 = arith.addf %mul3A_738, %mul3A_746 : vector<128x128xf32>
    %logistic3A_748 = arith.negf %slice3A_731 : vector<128x128xf32>
    %logistic3A_749 = math.exp %logistic3A_748 : vector<128x128xf32>
    %logistic3A_750 = arith.constant 1.000000e+00 : f32
    %logistic3A_751 = vector.broadcast %logistic3A_750 : f32 to vector<128x128xf32>
    %logistic3A_752 = arith.addf %logistic3A_751, %logistic3A_749 : vector<128x128xf32>
    %logistic3A_753 = arith.divf %logistic3A_751, %logistic3A_752 : vector<128x128xf32>
    %tanh3A_754 = math.tanh %add3A_747 : vector<128x128xf32>
    %mul3A_755 = arith.mulf %logistic3A_753, %tanh3A_754 : vector<128x128xf32>
    %broadcast_in_dim3A_756 = vector.shape_cast %mul3A_755 : vector<128x128xf32> to vector<128x1x128xf32>
    %swap3A_757 = arith.constant 0 : index
    %swap3A_758 = arith.constant 11 : index
    %swap3A_759 = arith.constant 0 : index
    %swap3A_760 = vector.load %arg7[%swap3A_757, %swap3A_758, %swap3A_759] : memref<128x19x128xf32, #tpu.memory_space<vmem>>, vector<128x1x128xf32>
    tpu.vector_store %arg7[%swap3A_757, %swap3A_758, %swap3A_759], %broadcast_in_dim3A_756 {strides = array<i32>} : memref<128x19x128xf32, #tpu.memory_space<vmem>>, vector<128x1x128xf32>,
    %get3A_761 = arith.constant 0 : index
    %get3A_762 = arith.constant 0 : index
    %get3A_763 = vector.load %arg5[%get3A_761, %get3A_762] : memref<128x128xf32, #tpu.memory_space<vmem>>, vector<128x128xf32>
    %dot_general3A_764 = arith.constant dense<0.000000e+00> : vector<128x128xf32>
    %dot_general3A_765 = tpu.matmul %mul3A_755, %get3A_763, %dot_general3A_764 {dimension_numbers = #tpu.dot_dimension_numbers<[1], [0], [0], [1], [0, 0, 1, 1], [], []>, transpose_lhs_hint = false} : vector<128x128xf32>, vector<128x128xf32>, vector<128x128xf32> -> vector<128x128xf32>
    %get3A_766 = arith.constant 0 : index
    %get3A_767 = arith.constant 0 : index
    %get3A_768 = vector.load %arg6[%get3A_766, %get3A_767] : memref<1x128xf32, #tpu.memory_space<vmem>>, vector<1x128xf32>
    %add3A_769 = vector.broadcast %get3A_768 : vector<1x128xf32> to vector<128x128xf32>
    %add3A_770 = arith.addf %dot_general3A_765, %add3A_769 : vector<128x128xf32>
    %tanh3A_771 = math.tanh %add3A_770 : vector<128x128xf32>
    %broadcast_in_dim3A_772 = vector.shape_cast %tanh3A_771 : vector<128x128xf32> to vector<128x1x128xf32>
    %swap3A_773 = arith.constant 0 : index
    %swap3A_774 = arith.constant 11 : index
    %swap3A_775 = arith.constant 0 : index
    %swap3A_776 = vector.load %arg8[%swap3A_773, %swap3A_774, %swap3A_775] : memref<128x19x128xf32, #tpu.memory_space<vmem>>, vector<128x1x128xf32>
    tpu.vector_store %arg8[%swap3A_773, %swap3A_774, %swap3A_775], %broadcast_in_dim3A_772 {strides = array<i32>} : memref<128x19x128xf32, #tpu.memory_space<vmem>>, vector<128x1x128xf32>,
    %get3A_777 = arith.constant 0 : index
    %get3A_778 = arith.constant 12 : index
    %get3A_779 = arith.constant 0 : index
    %get3A_780 = vector.load %arg0[%get3A_777, %get3A_778, %get3A_779] : memref<128x19x512xf32, #tpu.memory_space<vmem>>, vector<128x1x512xf32>
    %get3A_781 = vector.shape_cast %get3A_780 : vector<128x1x512xf32> to vector<128x512xf32>
    %get3A_782 = arith.constant 0 : index
    %get3A_783 = arith.constant 0 : index
    %get3A_784 = vector.load %arg1[%get3A_782, %get3A_783] : memref<128x512xf32, #tpu.memory_space<vmem>>, vector<128x512xf32>
    %dot_general3A_785 = arith.constant dense<0.000000e+00> : vector<128x512xf32>
    %dot_general3A_786 = tpu.matmul %mul3A_755, %get3A_784, %dot_general3A_785 {dimension_numbers = #tpu.dot_dimension_numbers<[1], [0], [0], [1], [0, 0, 1, 1], [], []>, transpose_lhs_hint = false} : vector<128x128xf32>, vector<128x512xf32>, vector<128x512xf32> -> vector<128x512xf32>
    %add3A_787 = arith.addf %get3A_781, %dot_general3A_786 : vector<128x512xf32>
    %get3A_788 = arith.constant 0 : index
    %get3A_789 = arith.constant 0 : index
    %get3A_790 = vector.load %arg2[%get3A_788, %get3A_789] : memref<1x512xf32, #tpu.memory_space<vmem>>, vector<1x512xf32>
    %add3A_791 = vector.broadcast %get3A_790 : vector<1x512xf32> to vector<128x512xf32>
    %add3A_792 = arith.addf %add3A_787, %add3A_791 : vector<128x512xf32>
    %slice3A_793 = vector.extract_strided_slice %add3A_792 {offsets = [0, 0], sizes = [128, 128], strides = [1, 1]} : vector<128x512xf32> to vector<128x128xf32>
    %slice3A_794 = vector.extract_strided_slice %add3A_792 {offsets = [0, 128], sizes = [128, 128], strides = [1, 1]} : vector<128x512xf32> to vector<128x128xf32>
    %slice3A_795 = vector.extract_strided_slice %add3A_792 {offsets = [0, 256], sizes = [128, 128], strides = [1, 1]} : vector<128x512xf32> to vector<128x128xf32>
    %slice3A_796 = vector.extract_strided_slice %add3A_792 {offsets = [0, 384], sizes = [128, 128], strides = [1, 1]} : vector<128x512xf32> to vector<128x128xf32>
    %logistic3A_797 = arith.negf %slice3A_794 : vector<128x128xf32>
    %logistic3A_798 = math.exp %logistic3A_797 : vector<128x128xf32>
    %logistic3A_799 = arith.constant 1.000000e+00 : f32
    %logistic3A_800 = vector.broadcast %logistic3A_799 : f32 to vector<128x128xf32>
    %logistic3A_801 = arith.addf %logistic3A_800, %logistic3A_798 : vector<128x128xf32>
    %logistic3A_802 = arith.divf %logistic3A_800, %logistic3A_801 : vector<128x128xf32>
    %mul3A_803 = arith.mulf %logistic3A_802, %add3A_747 : vector<128x128xf32>
    %logistic3A_804 = arith.negf %slice3A_793 : vector<128x128xf32>
    %logistic3A_805 = math.exp %logistic3A_804 : vector<128x128xf32>
    %logistic3A_806 = arith.constant 1.000000e+00 : f32
    %logistic3A_807 = vector.broadcast %logistic3A_806 : f32 to vector<128x128xf32>
    %logistic3A_808 = arith.addf %logistic3A_807, %logistic3A_805 : vector<128x128xf32>
    %logistic3A_809 = arith.divf %logistic3A_807, %logistic3A_808 : vector<128x128xf32>
    %tanh3A_810 = math.tanh %slice3A_795 : vector<128x128xf32>
    %mul3A_811 = arith.mulf %logistic3A_809, %tanh3A_810 : vector<128x128xf32>
    %add3A_812 = arith.addf %mul3A_803, %mul3A_811 : vector<128x128xf32>
    %logistic3A_813 = arith.negf %slice3A_796 : vector<128x128xf32>
    %logistic3A_814 = math.exp %logistic3A_813 : vector<128x128xf32>
    %logistic3A_815 = arith.constant 1.000000e+00 : f32
    %logistic3A_816 = vector.broadcast %logistic3A_815 : f32 to vector<128x128xf32>
    %logistic3A_817 = arith.addf %logistic3A_816, %logistic3A_814 : vector<128x128xf32>
    %logistic3A_818 = arith.divf %logistic3A_816, %logistic3A_817 : vector<128x128xf32>
    %tanh3A_819 = math.tanh %add3A_812 : vector<128x128xf32>
    %mul3A_820 = arith.mulf %logistic3A_818, %tanh3A_819 : vector<128x128xf32>
    %broadcast_in_dim3A_821 = vector.shape_cast %mul3A_820 : vector<128x128xf32> to vector<128x1x128xf32>
    %swap3A_822 = arith.constant 0 : index
    %swap3A_823 = arith.constant 12 : index
    %swap3A_824 = arith.constant 0 : index
    %swap3A_825 = vector.load %arg7[%swap3A_822, %swap3A_823, %swap3A_824] : memref<128x19x128xf32, #tpu.memory_space<vmem>>, vector<128x1x128xf32>
    tpu.vector_store %arg7[%swap3A_822, %swap3A_823, %swap3A_824], %broadcast_in_dim3A_821 {strides = array<i32>} : memref<128x19x128xf32, #tpu.memory_space<vmem>>, vector<128x1x128xf32>,
    %get3A_826 = arith.constant 0 : index
    %get3A_827 = arith.constant 0 : index
    %get3A_828 = vector.load %arg5[%get3A_826, %get3A_827] : memref<128x128xf32, #tpu.memory_space<vmem>>, vector<128x128xf32>
    %dot_general3A_829 = arith.constant dense<0.000000e+00> : vector<128x128xf32>
    %dot_general3A_830 = tpu.matmul %mul3A_820, %get3A_828, %dot_general3A_829 {dimension_numbers = #tpu.dot_dimension_numbers<[1], [0], [0], [1], [0, 0, 1, 1], [], []>, transpose_lhs_hint = false} : vector<128x128xf32>, vector<128x128xf32>, vector<128x128xf32> -> vector<128x128xf32>
    %get3A_831 = arith.constant 0 : index
    %get3A_832 = arith.constant 0 : index
    %get3A_833 = vector.load %arg6[%get3A_831, %get3A_832] : memref<1x128xf32, #tpu.memory_space<vmem>>, vector<1x128xf32>
    %add3A_834 = vector.broadcast %get3A_833 : vector<1x128xf32> to vector<128x128xf32>
    %add3A_835 = arith.addf %dot_general3A_830, %add3A_834 : vector<128x128xf32>
    %tanh3A_836 = math.tanh %add3A_835 : vector<128x128xf32>
    %broadcast_in_dim3A_837 = vector.shape_cast %tanh3A_836 : vector<128x128xf32> to vector<128x1x128xf32>
    %swap3A_838 = arith.constant 0 : index
    %swap3A_839 = arith.constant 12 : index
    %swap3A_840 = arith.constant 0 : index
    %swap3A_841 = vector.load %arg8[%swap3A_838, %swap3A_839, %swap3A_840] : memref<128x19x128xf32, #tpu.memory_space<vmem>>, vector<128x1x128xf32>
    tpu.vector_store %arg8[%swap3A_838, %swap3A_839, %swap3A_840], %broadcast_in_dim3A_837 {strides = array<i32>} : memref<128x19x128xf32, #tpu.memory_space<vmem>>, vector<128x1x128xf32>,
    %get3A_842 = arith.constant 0 : index
    %get3A_843 = arith.constant 13 : index
    %get3A_844 = arith.constant 0 : index
    %get3A_845 = vector.load %arg0[%get3A_842, %get3A_843, %get3A_844] : memref<128x19x512xf32, #tpu.memory_space<vmem>>, vector<128x1x512xf32>
    %get3A_846 = vector.shape_cast %get3A_845 : vector<128x1x512xf32> to vector<128x512xf32>
    %get3A_847 = arith.constant 0 : index
    %get3A_848 = arith.constant 0 : index
    %get3A_849 = vector.load %arg1[%get3A_847, %get3A_848] : memref<128x512xf32, #tpu.memory_space<vmem>>, vector<128x512xf32>
    %dot_general3A_850 = arith.constant dense<0.000000e+00> : vector<128x512xf32>
    %dot_general3A_851 = tpu.matmul %mul3A_820, %get3A_849, %dot_general3A_850 {dimension_numbers = #tpu.dot_dimension_numbers<[1], [0], [0], [1], [0, 0, 1, 1], [], []>, transpose_lhs_hint = false} : vector<128x128xf32>, vector<128x512xf32>, vector<128x512xf32> -> vector<128x512xf32>
    %add3A_852 = arith.addf %get3A_846, %dot_general3A_851 : vector<128x512xf32>
    %get3A_853 = arith.constant 0 : index
    %get3A_854 = arith.constant 0 : index
    %get3A_855 = vector.load %arg2[%get3A_853, %get3A_854] : memref<1x512xf32, #tpu.memory_space<vmem>>, vector<1x512xf32>
    %add3A_856 = vector.broadcast %get3A_855 : vector<1x512xf32> to vector<128x512xf32>
    %add3A_857 = arith.addf %add3A_852, %add3A_856 : vector<128x512xf32>
    %slice3A_858 = vector.extract_strided_slice %add3A_857 {offsets = [0, 0], sizes = [128, 128], strides = [1, 1]} : vector<128x512xf32> to vector<128x128xf32>
    %slice3A_859 = vector.extract_strided_slice %add3A_857 {offsets = [0, 128], sizes = [128, 128], strides = [1, 1]} : vector<128x512xf32> to vector<128x128xf32>
    %slice3A_860 = vector.extract_strided_slice %add3A_857 {offsets = [0, 256], sizes = [128, 128], strides = [1, 1]} : vector<128x512xf32> to vector<128x128xf32>
    %slice3A_861 = vector.extract_strided_slice %add3A_857 {offsets = [0, 384], sizes = [128, 128], strides = [1, 1]} : vector<128x512xf32> to vector<128x128xf32>
    %logistic3A_862 = arith.negf %slice3A_859 : vector<128x128xf32>
    %logistic3A_863 = math.exp %logistic3A_862 : vector<128x128xf32>
    %logistic3A_864 = arith.constant 1.000000e+00 : f32
    %logistic3A_865 = vector.broadcast %logistic3A_864 : f32 to vector<128x128xf32>
    %logistic3A_866 = arith.addf %logistic3A_865, %logistic3A_863 : vector<128x128xf32>
    %logistic3A_867 = arith.divf %logistic3A_865, %logistic3A_866 : vector<128x128xf32>
    %mul3A_868 = arith.mulf %logistic3A_867, %add3A_812 : vector<128x128xf32>
    %logistic3A_869 = arith.negf %slice3A_858 : vector<128x128xf32>
    %logistic3A_870 = math.exp %logistic3A_869 : vector<128x128xf32>
    %logistic3A_871 = arith.constant 1.000000e+00 : f32
    %logistic3A_872 = vector.broadcast %logistic3A_871 : f32 to vector<128x128xf32>
    %logistic3A_873 = arith.addf %logistic3A_872, %logistic3A_870 : vector<128x128xf32>
    %logistic3A_874 = arith.divf %logistic3A_872, %logistic3A_873 : vector<128x128xf32>
    %tanh3A_875 = math.tanh %slice3A_860 : vector<128x128xf32>
    %mul3A_876 = arith.mulf %logistic3A_874, %tanh3A_875 : vector<128x128xf32>
    %add3A_877 = arith.addf %mul3A_868, %mul3A_876 : vector<128x128xf32>
    %logistic3A_878 = arith.negf %slice3A_861 : vector<128x128xf32>
    %logistic3A_879 = math.exp %logistic3A_878 : vector<128x128xf32>
    %logistic3A_880 = arith.constant 1.000000e+00 : f32
    %logistic3A_881 = vector.broadcast %logistic3A_880 : f32 to vector<128x128xf32>
    %logistic3A_882 = arith.addf %logistic3A_881, %logistic3A_879 : vector<128x128xf32>
    %logistic3A_883 = arith.divf %logistic3A_881, %logistic3A_882 : vector<128x128xf32>
    %tanh3A_884 = math.tanh %add3A_877 : vector<128x128xf32>
    %mul3A_885 = arith.mulf %logistic3A_883, %tanh3A_884 : vector<128x128xf32>
    %broadcast_in_dim3A_886 = vector.shape_cast %mul3A_885 : vector<128x128xf32> to vector<128x1x128xf32>
    %swap3A_887 = arith.constant 0 : index
    %swap3A_888 = arith.constant 13 : index
    %swap3A_889 = arith.constant 0 : index
    %swap3A_890 = vector.load %arg7[%swap3A_887, %swap3A_888, %swap3A_889] : memref<128x19x128xf32, #tpu.memory_space<vmem>>, vector<128x1x128xf32>
    tpu.vector_store %arg7[%swap3A_887, %swap3A_888, %swap3A_889], %broadcast_in_dim3A_886 {strides = array<i32>} : memref<128x19x128xf32, #tpu.memory_space<vmem>>, vector<128x1x128xf32>,
    %get3A_891 = arith.constant 0 : index
    %get3A_892 = arith.constant 0 : index
    %get3A_893 = vector.load %arg5[%get3A_891, %get3A_892] : memref<128x128xf32, #tpu.memory_space<vmem>>, vector<128x128xf32>
    %dot_general3A_894 = arith.constant dense<0.000000e+00> : vector<128x128xf32>
    %dot_general3A_895 = tpu.matmul %mul3A_885, %get3A_893, %dot_general3A_894 {dimension_numbers = #tpu.dot_dimension_numbers<[1], [0], [0], [1], [0, 0, 1, 1], [], []>, transpose_lhs_hint = false} : vector<128x128xf32>, vector<128x128xf32>, vector<128x128xf32> -> vector<128x128xf32>
    %get3A_896 = arith.constant 0 : index
    %get3A_897 = arith.constant 0 : index
    %get3A_898 = vector.load %arg6[%get3A_896, %get3A_897] : memref<1x128xf32, #tpu.memory_space<vmem>>, vector<1x128xf32>
    %add3A_899 = vector.broadcast %get3A_898 : vector<1x128xf32> to vector<128x128xf32>
    %add3A_900 = arith.addf %dot_general3A_895, %add3A_899 : vector<128x128xf32>
    %tanh3A_901 = math.tanh %add3A_900 : vector<128x128xf32>
    %broadcast_in_dim3A_902 = vector.shape_cast %tanh3A_901 : vector<128x128xf32> to vector<128x1x128xf32>
    %swap3A_903 = arith.constant 0 : index
    %swap3A_904 = arith.constant 13 : index
    %swap3A_905 = arith.constant 0 : index
    %swap3A_906 = vector.load %arg8[%swap3A_903, %swap3A_904, %swap3A_905] : memref<128x19x128xf32, #tpu.memory_space<vmem>>, vector<128x1x128xf32>
    tpu.vector_store %arg8[%swap3A_903, %swap3A_904, %swap3A_905], %broadcast_in_dim3A_902 {strides = array<i32>} : memref<128x19x128xf32, #tpu.memory_space<vmem>>, vector<128x1x128xf32>,
    %get3A_907 = arith.constant 0 : index
    %get3A_908 = arith.constant 14 : index
    %get3A_909 = arith.constant 0 : index
    %get3A_910 = vector.load %arg0[%get3A_907, %get3A_908, %get3A_909] : memref<128x19x512xf32, #tpu.memory_space<vmem>>, vector<128x1x512xf32>
    %get3A_911 = vector.shape_cast %get3A_910 : vector<128x1x512xf32> to vector<128x512xf32>
    %get3A_912 = arith.constant 0 : index
    %get3A_913 = arith.constant 0 : index
    %get3A_914 = vector.load %arg1[%get3A_912, %get3A_913] : memref<128x512xf32, #tpu.memory_space<vmem>>, vector<128x512xf32>
    %dot_general3A_915 = arith.constant dense<0.000000e+00> : vector<128x512xf32>
    %dot_general3A_916 = tpu.matmul %mul3A_885, %get3A_914, %dot_general3A_915 {dimension_numbers = #tpu.dot_dimension_numbers<[1], [0], [0], [1], [0, 0, 1, 1], [], []>, transpose_lhs_hint = false} : vector<128x128xf32>, vector<128x512xf32>, vector<128x512xf32> -> vector<128x512xf32>
    %add3A_917 = arith.addf %get3A_911, %dot_general3A_916 : vector<128x512xf32>
    %get3A_918 = arith.constant 0 : index
    %get3A_919 = arith.constant 0 : index
    %get3A_920 = vector.load %arg2[%get3A_918, %get3A_919] : memref<1x512xf32, #tpu.memory_space<vmem>>, vector<1x512xf32>
    %add3A_921 = vector.broadcast %get3A_920 : vector<1x512xf32> to vector<128x512xf32>
    %add3A_922 = arith.addf %add3A_917, %add3A_921 : vector<128x512xf32>
    %slice3A_923 = vector.extract_strided_slice %add3A_922 {offsets = [0, 0], sizes = [128, 128], strides = [1, 1]} : vector<128x512xf32> to vector<128x128xf32>
    %slice3A_924 = vector.extract_strided_slice %add3A_922 {offsets = [0, 128], sizes = [128, 128], strides = [1, 1]} : vector<128x512xf32> to vector<128x128xf32>
    %slice3A_925 = vector.extract_strided_slice %add3A_922 {offsets = [0, 256], sizes = [128, 128], strides = [1, 1]} : vector<128x512xf32> to vector<128x128xf32>
    %slice3A_926 = vector.extract_strided_slice %add3A_922 {offsets = [0, 384], sizes = [128, 128], strides = [1, 1]} : vector<128x512xf32> to vector<128x128xf32>
    %logistic3A_927 = arith.negf %slice3A_924 : vector<128x128xf32>
    %logistic3A_928 = math.exp %logistic3A_927 : vector<128x128xf32>
    %logistic3A_929 = arith.constant 1.000000e+00 : f32
    %logistic3A_930 = vector.broadcast %logistic3A_929 : f32 to vector<128x128xf32>
    %logistic3A_931 = arith.addf %logistic3A_930, %logistic3A_928 : vector<128x128xf32>
    %logistic3A_932 = arith.divf %logistic3A_930, %logistic3A_931 : vector<128x128xf32>
    %mul3A_933 = arith.mulf %logistic3A_932, %add3A_877 : vector<128x128xf32>
    %logistic3A_934 = arith.negf %slice3A_923 : vector<128x128xf32>
    %logistic3A_935 = math.exp %logistic3A_934 : vector<128x128xf32>
    %logistic3A_936 = arith.constant 1.000000e+00 : f32
    %logistic3A_937 = vector.broadcast %logistic3A_936 : f32 to vector<128x128xf32>
    %logistic3A_938 = arith.addf %logistic3A_937, %logistic3A_935 : vector<128x128xf32>
    %logistic3A_939 = arith.divf %logistic3A_937, %logistic3A_938 : vector<128x128xf32>
    %tanh3A_940 = math.tanh %slice3A_925 : vector<128x128xf32>
    %mul3A_941 = arith.mulf %logistic3A_939, %tanh3A_940 : vector<128x128xf32>
    %add3A_942 = arith.addf %mul3A_933, %mul3A_941 : vector<128x128xf32>
    %logistic3A_943 = arith.negf %slice3A_926 : vector<128x128xf32>
    %logistic3A_944 = math.exp %logistic3A_943 : vector<128x128xf32>
    %logistic3A_945 = arith.constant 1.000000e+00 : f32
    %logistic3A_946 = vector.broadcast %logistic3A_945 : f32 to vector<128x128xf32>
    %logistic3A_947 = arith.addf %logistic3A_946, %logistic3A_944 : vector<128x128xf32>
    %logistic3A_948 = arith.divf %logistic3A_946, %logistic3A_947 : vector<128x128xf32>
    %tanh3A_949 = math.tanh %add3A_942 : vector<128x128xf32>
    %mul3A_950 = arith.mulf %logistic3A_948, %tanh3A_949 : vector<128x128xf32>
    %broadcast_in_dim3A_951 = vector.shape_cast %mul3A_950 : vector<128x128xf32> to vector<128x1x128xf32>
    %swap3A_952 = arith.constant 0 : index
    %swap3A_953 = arith.constant 14 : index
    %swap3A_954 = arith.constant 0 : index
    %swap3A_955 = vector.load %arg7[%swap3A_952, %swap3A_953, %swap3A_954] : memref<128x19x128xf32, #tpu.memory_space<vmem>>, vector<128x1x128xf32>
    tpu.vector_store %arg7[%swap3A_952, %swap3A_953, %swap3A_954], %broadcast_in_dim3A_951 {strides = array<i32>} : memref<128x19x128xf32, #tpu.memory_space<vmem>>, vector<128x1x128xf32>,
    %get3A_956 = arith.constant 0 : index
    %get3A_957 = arith.constant 0 : index
    %get3A_958 = vector.load %arg5[%get3A_956, %get3A_957] : memref<128x128xf32, #tpu.memory_space<vmem>>, vector<128x128xf32>
    %dot_general3A_959 = arith.constant dense<0.000000e+00> : vector<128x128xf32>
    %dot_general3A_960 = tpu.matmul %mul3A_950, %get3A_958, %dot_general3A_959 {dimension_numbers = #tpu.dot_dimension_numbers<[1], [0], [0], [1], [0, 0, 1, 1], [], []>, transpose_lhs_hint = false} : vector<128x128xf32>, vector<128x128xf32>, vector<128x128xf32> -> vector<128x128xf32>
    %get3A_961 = arith.constant 0 : index
    %get3A_962 = arith.constant 0 : index
    %get3A_963 = vector.load %arg6[%get3A_961, %get3A_962] : memref<1x128xf32, #tpu.memory_space<vmem>>, vector<1x128xf32>
    %add3A_964 = vector.broadcast %get3A_963 : vector<1x128xf32> to vector<128x128xf32>
    %add3A_965 = arith.addf %dot_general3A_960, %add3A_964 : vector<128x128xf32>
    %tanh3A_966 = math.tanh %add3A_965 : vector<128x128xf32>
    %broadcast_in_dim3A_967 = vector.shape_cast %tanh3A_966 : vector<128x128xf32> to vector<128x1x128xf32>
    %swap3A_968 = arith.constant 0 : index
    %swap3A_969 = arith.constant 14 : index
    %swap3A_970 = arith.constant 0 : index
    %swap3A_971 = vector.load %arg8[%swap3A_968, %swap3A_969, %swap3A_970] : memref<128x19x128xf32, #tpu.memory_space<vmem>>, vector<128x1x128xf32>
    tpu.vector_store %arg8[%swap3A_968, %swap3A_969, %swap3A_970], %broadcast_in_dim3A_967 {strides = array<i32>} : memref<128x19x128xf32, #tpu.memory_space<vmem>>, vector<128x1x128xf32>,
    %get3A_972 = arith.constant 0 : index
    %get3A_973 = arith.constant 15 : index
    %get3A_974 = arith.constant 0 : index
    %get3A_975 = vector.load %arg0[%get3A_972, %get3A_973, %get3A_974] : memref<128x19x512xf32, #tpu.memory_space<vmem>>, vector<128x1x512xf32>
    %get3A_976 = vector.shape_cast %get3A_975 : vector<128x1x512xf32> to vector<128x512xf32>
    %get3A_977 = arith.constant 0 : index
    %get3A_978 = arith.constant 0 : index
    %get3A_979 = vector.load %arg1[%get3A_977, %get3A_978] : memref<128x512xf32, #tpu.memory_space<vmem>>, vector<128x512xf32>
    %dot_general3A_980 = arith.constant dense<0.000000e+00> : vector<128x512xf32>
    %dot_general3A_981 = tpu.matmul %mul3A_950, %get3A_979, %dot_general3A_980 {dimension_numbers = #tpu.dot_dimension_numbers<[1], [0], [0], [1], [0, 0, 1, 1], [], []>, transpose_lhs_hint = false} : vector<128x128xf32>, vector<128x512xf32>, vector<128x512xf32> -> vector<128x512xf32>
    %add3A_982 = arith.addf %get3A_976, %dot_general3A_981 : vector<128x512xf32>
    %get3A_983 = arith.constant 0 : index
    %get3A_984 = arith.constant 0 : index
    %get3A_985 = vector.load %arg2[%get3A_983, %get3A_984] : memref<1x512xf32, #tpu.memory_space<vmem>>, vector<1x512xf32>
    %add3A_986 = vector.broadcast %get3A_985 : vector<1x512xf32> to vector<128x512xf32>
    %add3A_987 = arith.addf %add3A_982, %add3A_986 : vector<128x512xf32>
    %slice3A_988 = vector.extract_strided_slice %add3A_987 {offsets = [0, 0], sizes = [128, 128], strides = [1, 1]} : vector<128x512xf32> to vector<128x128xf32>
    %slice3A_989 = vector.extract_strided_slice %add3A_987 {offsets = [0, 128], sizes = [128, 128], strides = [1, 1]} : vector<128x512xf32> to vector<128x128xf32>
    %slice3A_990 = vector.extract_strided_slice %add3A_987 {offsets = [0, 256], sizes = [128, 128], strides = [1, 1]} : vector<128x512xf32> to vector<128x128xf32>
    %slice3A_991 = vector.extract_strided_slice %add3A_987 {offsets = [0, 384], sizes = [128, 128], strides = [1, 1]} : vector<128x512xf32> to vector<128x128xf32>
    %logistic3A_992 = arith.negf %slice3A_989 : vector<128x128xf32>
    %logistic3A_993 = math.exp %logistic3A_992 : vector<128x128xf32>
    %logistic3A_994 = arith.constant 1.000000e+00 : f32
    %logistic3A_995 = vector.broadcast %logistic3A_994 : f32 to vector<128x128xf32>
    %logistic3A_996 = arith.addf %logistic3A_995, %logistic3A_993 : vector<128x128xf32>
    %logistic3A_997 = arith.divf %logistic3A_995, %logistic3A_996 : vector<128x128xf32>
    %mul3A_998 = arith.mulf %logistic3A_997, %add3A_942 : vector<128x128xf32>
    %logistic3A_999 = arith.negf %slice3A_988 : vector<128x128xf32>
    %logistic3A_1000 = math.exp %logistic3A_999 : vector<128x128xf32>
    %logistic3A_1001 = arith.constant 1.000000e+00 : f32
    %logistic3A_1002 = vector.broadcast %logistic3A_1001 : f32 to vector<128x128xf32>
    %logistic3A_1003 = arith.addf %logistic3A_1002, %logistic3A_1000 : vector<128x128xf32>
    %logistic3A_1004 = arith.divf %logistic3A_1002, %logistic3A_1003 : vector<128x128xf32>
    %tanh3A_1005 = math.tanh %slice3A_990 : vector<128x128xf32>
    %mul3A_1006 = arith.mulf %logistic3A_1004, %tanh3A_1005 : vector<128x128xf32>
    %add3A_1007 = arith.addf %mul3A_998, %mul3A_1006 : vector<128x128xf32>
    %logistic3A_1008 = arith.negf %slice3A_991 : vector<128x128xf32>
    %logistic3A_1009 = math.exp %logistic3A_1008 : vector<128x128xf32>
    %logistic3A_1010 = arith.constant 1.000000e+00 : f32
    %logistic3A_1011 = vector.broadcast %logistic3A_1010 : f32 to vector<128x128xf32>
    %logistic3A_1012 = arith.addf %logistic3A_1011, %logistic3A_1009 : vector<128x128xf32>
    %logistic3A_1013 = arith.divf %logistic3A_1011, %logistic3A_1012 : vector<128x128xf32>
    %tanh3A_1014 = math.tanh %add3A_1007 : vector<128x128xf32>
    %mul3A_1015 = arith.mulf %logistic3A_1013, %tanh3A_1014 : vector<128x128xf32>
    %broadcast_in_dim3A_1016 = vector.shape_cast %mul3A_1015 : vector<128x128xf32> to vector<128x1x128xf32>
    %swap3A_1017 = arith.constant 0 : index
    %swap3A_1018 = arith.constant 15 : index
    %swap3A_1019 = arith.constant 0 : index
    %swap3A_1020 = vector.load %arg7[%swap3A_1017, %swap3A_1018, %swap3A_1019] : memref<128x19x128xf32, #tpu.memory_space<vmem>>, vector<128x1x128xf32>
    tpu.vector_store %arg7[%swap3A_1017, %swap3A_1018, %swap3A_1019], %broadcast_in_dim3A_1016 {strides = array<i32>} : memref<128x19x128xf32, #tpu.memory_space<vmem>>, vector<128x1x128xf32>,
    %get3A_1021 = arith.constant 0 : index
    %get3A_1022 = arith.constant 0 : index
    %get3A_1023 = vector.load %arg5[%get3A_1021, %get3A_1022] : memref<128x128xf32, #tpu.memory_space<vmem>>, vector<128x128xf32>
    %dot_general3A_1024 = arith.constant dense<0.000000e+00> : vector<128x128xf32>
    %dot_general3A_1025 = tpu.matmul %mul3A_1015, %get3A_1023, %dot_general3A_1024 {dimension_numbers = #tpu.dot_dimension_numbers<[1], [0], [0], [1], [0, 0, 1, 1], [], []>, transpose_lhs_hint = false} : vector<128x128xf32>, vector<128x128xf32>, vector<128x128xf32> -> vector<128x128xf32>
    %get3A_1026 = arith.constant 0 : index
    %get3A_1027 = arith.constant 0 : index
    %get3A_1028 = vector.load %arg6[%get3A_1026, %get3A_1027] : memref<1x128xf32, #tpu.memory_space<vmem>>, vector<1x128xf32>
    %add3A_1029 = vector.broadcast %get3A_1028 : vector<1x128xf32> to vector<128x128xf32>
    %add3A_1030 = arith.addf %dot_general3A_1025, %add3A_1029 : vector<128x128xf32>
    %tanh3A_1031 = math.tanh %add3A_1030 : vector<128x128xf32>
    %broadcast_in_dim3A_1032 = vector.shape_cast %tanh3A_1031 : vector<128x128xf32> to vector<128x1x128xf32>
    %swap3A_1033 = arith.constant 0 : index
    %swap3A_1034 = arith.constant 15 : index
    %swap3A_1035 = arith.constant 0 : index
    %swap3A_1036 = vector.load %arg8[%swap3A_1033, %swap3A_1034, %swap3A_1035] : memref<128x19x128xf32, #tpu.memory_space<vmem>>, vector<128x1x128xf32>
    tpu.vector_store %arg8[%swap3A_1033, %swap3A_1034, %swap3A_1035], %broadcast_in_dim3A_1032 {strides = array<i32>} : memref<128x19x128xf32, #tpu.memory_space<vmem>>, vector<128x1x128xf32>,
    %get3A_1037 = arith.constant 0 : index
    %get3A_1038 = arith.constant 16 : index
    %get3A_1039 = arith.constant 0 : index
    %get3A_1040 = vector.load %arg0[%get3A_1037, %get3A_1038, %get3A_1039] : memref<128x19x512xf32, #tpu.memory_space<vmem>>, vector<128x1x512xf32>
    %get3A_1041 = vector.shape_cast %get3A_1040 : vector<128x1x512xf32> to vector<128x512xf32>
    %get3A_1042 = arith.constant 0 : index
    %get3A_1043 = arith.constant 0 : index
    %get3A_1044 = vector.load %arg1[%get3A_1042, %get3A_1043] : memref<128x512xf32, #tpu.memory_space<vmem>>, vector<128x512xf32>
    %dot_general3A_1045 = arith.constant dense<0.000000e+00> : vector<128x512xf32>
    %dot_general3A_1046 = tpu.matmul %mul3A_1015, %get3A_1044, %dot_general3A_1045 {dimension_numbers = #tpu.dot_dimension_numbers<[1], [0], [0], [1], [0, 0, 1, 1], [], []>, transpose_lhs_hint = false} : vector<128x128xf32>, vector<128x512xf32>, vector<128x512xf32> -> vector<128x512xf32>
    %add3A_1047 = arith.addf %get3A_1041, %dot_general3A_1046 : vector<128x512xf32>
    %get3A_1048 = arith.constant 0 : index
    %get3A_1049 = arith.constant 0 : index
    %get3A_1050 = vector.load %arg2[%get3A_1048, %get3A_1049] : memref<1x512xf32, #tpu.memory_space<vmem>>, vector<1x512xf32>
    %add3A_1051 = vector.broadcast %get3A_1050 : vector<1x512xf32> to vector<128x512xf32>
    %add3A_1052 = arith.addf %add3A_1047, %add3A_1051 : vector<128x512xf32>
    %slice3A_1053 = vector.extract_strided_slice %add3A_1052 {offsets = [0, 0], sizes = [128, 128], strides = [1, 1]} : vector<128x512xf32> to vector<128x128xf32>
    %slice3A_1054 = vector.extract_strided_slice %add3A_1052 {offsets = [0, 128], sizes = [128, 128], strides = [1, 1]} : vector<128x512xf32> to vector<128x128xf32>
    %slice3A_1055 = vector.extract_strided_slice %add3A_1052 {offsets = [0, 256], sizes = [128, 128], strides = [1, 1]} : vector<128x512xf32> to vector<128x128xf32>
    %slice3A_1056 = vector.extract_strided_slice %add3A_1052 {offsets = [0, 384], sizes = [128, 128], strides = [1, 1]} : vector<128x512xf32> to vector<128x128xf32>
    %logistic3A_1057 = arith.negf %slice3A_1054 : vector<128x128xf32>
    %logistic3A_1058 = math.exp %logistic3A_1057 : vector<128x128xf32>
    %logistic3A_1059 = arith.constant 1.000000e+00 : f32
    %logistic3A_1060 = vector.broadcast %logistic3A_1059 : f32 to vector<128x128xf32>
    %logistic3A_1061 = arith.addf %logistic3A_1060, %logistic3A_1058 : vector<128x128xf32>
    %logistic3A_1062 = arith.divf %logistic3A_1060, %logistic3A_1061 : vector<128x128xf32>
    %mul3A_1063 = arith.mulf %logistic3A_1062, %add3A_1007 : vector<128x128xf32>
    %logistic3A_1064 = arith.negf %slice3A_1053 : vector<128x128xf32>
    %logistic3A_1065 = math.exp %logistic3A_1064 : vector<128x128xf32>
    %logistic3A_1066 = arith.constant 1.000000e+00 : f32
    %logistic3A_1067 = vector.broadcast %logistic3A_1066 : f32 to vector<128x128xf32>
    %logistic3A_1068 = arith.addf %logistic3A_1067, %logistic3A_1065 : vector<128x128xf32>
    %logistic3A_1069 = arith.divf %logistic3A_1067, %logistic3A_1068 : vector<128x128xf32>
    %tanh3A_1070 = math.tanh %slice3A_1055 : vector<128x128xf32>
    %mul3A_1071 = arith.mulf %logistic3A_1069, %tanh3A_1070 : vector<128x128xf32>
    %add3A_1072 = arith.addf %mul3A_1063, %mul3A_1071 : vector<128x128xf32>
    %logistic3A_1073 = arith.negf %slice3A_1056 : vector<128x128xf32>
    %logistic3A_1074 = math.exp %logistic3A_1073 : vector<128x128xf32>
    %logistic3A_1075 = arith.constant 1.000000e+00 : f32
    %logistic3A_1076 = vector.broadcast %logistic3A_1075 : f32 to vector<128x128xf32>
    %logistic3A_1077 = arith.addf %logistic3A_1076, %logistic3A_1074 : vector<128x128xf32>
    %logistic3A_1078 = arith.divf %logistic3A_1076, %logistic3A_1077 : vector<128x128xf32>
    %tanh3A_1079 = math.tanh %add3A_1072 : vector<128x128xf32>
    %mul3A_1080 = arith.mulf %logistic3A_1078, %tanh3A_1079 : vector<128x128xf32>
    %broadcast_in_dim3A_1081 = vector.shape_cast %mul3A_1080 : vector<128x128xf32> to vector<128x1x128xf32>
    %swap3A_1082 = arith.constant 0 : index
    %swap3A_1083 = arith.constant 16 : index
    %swap3A_1084 = arith.constant 0 : index
    %swap3A_1085 = vector.load %arg7[%swap3A_1082, %swap3A_1083, %swap3A_1084] : memref<128x19x128xf32, #tpu.memory_space<vmem>>, vector<128x1x128xf32>
    tpu.vector_store %arg7[%swap3A_1082, %swap3A_1083, %swap3A_1084], %broadcast_in_dim3A_1081 {strides = array<i32>} : memref<128x19x128xf32, #tpu.memory_space<vmem>>, vector<128x1x128xf32>,
    %get3A_1086 = arith.constant 0 : index
    %get3A_1087 = arith.constant 0 : index
    %get3A_1088 = vector.load %arg5[%get3A_1086, %get3A_1087] : memref<128x128xf32, #tpu.memory_space<vmem>>, vector<128x128xf32>
    %dot_general3A_1089 = arith.constant dense<0.000000e+00> : vector<128x128xf32>
    %dot_general3A_1090 = tpu.matmul %mul3A_1080, %get3A_1088, %dot_general3A_1089 {dimension_numbers = #tpu.dot_dimension_numbers<[1], [0], [0], [1], [0, 0, 1, 1], [], []>, transpose_lhs_hint = false} : vector<128x128xf32>, vector<128x128xf32>, vector<128x128xf32> -> vector<128x128xf32>
    %get3A_1091 = arith.constant 0 : index
    %get3A_1092 = arith.constant 0 : index
    %get3A_1093 = vector.load %arg6[%get3A_1091, %get3A_1092] : memref<1x128xf32, #tpu.memory_space<vmem>>, vector<1x128xf32>
    %add3A_1094 = vector.broadcast %get3A_1093 : vector<1x128xf32> to vector<128x128xf32>
    %add3A_1095 = arith.addf %dot_general3A_1090, %add3A_1094 : vector<128x128xf32>
    %tanh3A_1096 = math.tanh %add3A_1095 : vector<128x128xf32>
    %broadcast_in_dim3A_1097 = vector.shape_cast %tanh3A_1096 : vector<128x128xf32> to vector<128x1x128xf32>
    %swap3A_1098 = arith.constant 0 : index
    %swap3A_1099 = arith.constant 16 : index
    %swap3A_1100 = arith.constant 0 : index
    %swap3A_1101 = vector.load %arg8[%swap3A_1098, %swap3A_1099, %swap3A_1100] : memref<128x19x128xf32, #tpu.memory_space<vmem>>, vector<128x1x128xf32>
    tpu.vector_store %arg8[%swap3A_1098, %swap3A_1099, %swap3A_1100], %broadcast_in_dim3A_1097 {strides = array<i32>} : memref<128x19x128xf32, #tpu.memory_space<vmem>>, vector<128x1x128xf32>,
    %get3A_1102 = arith.constant 0 : index
    %get3A_1103 = arith.constant 17 : index
    %get3A_1104 = arith.constant 0 : index
    %get3A_1105 = vector.load %arg0[%get3A_1102, %get3A_1103, %get3A_1104] : memref<128x19x512xf32, #tpu.memory_space<vmem>>, vector<128x1x512xf32>
    %get3A_1106 = vector.shape_cast %get3A_1105 : vector<128x1x512xf32> to vector<128x512xf32>
    %get3A_1107 = arith.constant 0 : index
    %get3A_1108 = arith.constant 0 : index
    %get3A_1109 = vector.load %arg1[%get3A_1107, %get3A_1108] : memref<128x512xf32, #tpu.memory_space<vmem>>, vector<128x512xf32>
    %dot_general3A_1110 = arith.constant dense<0.000000e+00> : vector<128x512xf32>
    %dot_general3A_1111 = tpu.matmul %mul3A_1080, %get3A_1109, %dot_general3A_1110 {dimension_numbers = #tpu.dot_dimension_numbers<[1], [0], [0], [1], [0, 0, 1, 1], [], []>, transpose_lhs_hint = false} : vector<128x128xf32>, vector<128x512xf32>, vector<128x512xf32> -> vector<128x512xf32>
    %add3A_1112 = arith.addf %get3A_1106, %dot_general3A_1111 : vector<128x512xf32>
    %get3A_1113 = arith.constant 0 : index
    %get3A_1114 = arith.constant 0 : index
    %get3A_1115 = vector.load %arg2[%get3A_1113, %get3A_1114] : memref<1x512xf32, #tpu.memory_space<vmem>>, vector<1x512xf32>
    %add3A_1116 = vector.broadcast %get3A_1115 : vector<1x512xf32> to vector<128x512xf32>
    %add3A_1117 = arith.addf %add3A_1112, %add3A_1116 : vector<128x512xf32>
    %slice3A_1118 = vector.extract_strided_slice %add3A_1117 {offsets = [0, 0], sizes = [128, 128], strides = [1, 1]} : vector<128x512xf32> to vector<128x128xf32>
    %slice3A_1119 = vector.extract_strided_slice %add3A_1117 {offsets = [0, 128], sizes = [128, 128], strides = [1, 1]} : vector<128x512xf32> to vector<128x128xf32>
    %slice3A_1120 = vector.extract_strided_slice %add3A_1117 {offsets = [0, 256], sizes = [128, 128], strides = [1, 1]} : vector<128x512xf32> to vector<128x128xf32>
    %slice3A_1121 = vector.extract_strided_slice %add3A_1117 {offsets = [0, 384], sizes = [128, 128], strides = [1, 1]} : vector<128x512xf32> to vector<128x128xf32>
    %logistic3A_1122 = arith.negf %slice3A_1119 : vector<128x128xf32>
    %logistic3A_1123 = math.exp %logistic3A_1122 : vector<128x128xf32>
    %logistic3A_1124 = arith.constant 1.000000e+00 : f32
    %logistic3A_1125 = vector.broadcast %logistic3A_1124 : f32 to vector<128x128xf32>
    %logistic3A_1126 = arith.addf %logistic3A_1125, %logistic3A_1123 : vector<128x128xf32>
    %logistic3A_1127 = arith.divf %logistic3A_1125, %logistic3A_1126 : vector<128x128xf32>
    %mul3A_1128 = arith.mulf %logistic3A_1127, %add3A_1072 : vector<128x128xf32>
    %logistic3A_1129 = arith.negf %slice3A_1118 : vector<128x128xf32>
    %logistic3A_1130 = math.exp %logistic3A_1129 : vector<128x128xf32>
    %logistic3A_1131 = arith.constant 1.000000e+00 : f32
    %logistic3A_1132 = vector.broadcast %logistic3A_1131 : f32 to vector<128x128xf32>
    %logistic3A_1133 = arith.addf %logistic3A_1132, %logistic3A_1130 : vector<128x128xf32>
    %logistic3A_1134 = arith.divf %logistic3A_1132, %logistic3A_1133 : vector<128x128xf32>
    %tanh3A_1135 = math.tanh %slice3A_1120 : vector<128x128xf32>
    %mul3A_1136 = arith.mulf %logistic3A_1134, %tanh3A_1135 : vector<128x128xf32>
    %add3A_1137 = arith.addf %mul3A_1128, %mul3A_1136 : vector<128x128xf32>
    %logistic3A_1138 = arith.negf %slice3A_1121 : vector<128x128xf32>
    %logistic3A_1139 = math.exp %logistic3A_1138 : vector<128x128xf32>
    %logistic3A_1140 = arith.constant 1.000000e+00 : f32
    %logistic3A_1141 = vector.broadcast %logistic3A_1140 : f32 to vector<128x128xf32>
    %logistic3A_1142 = arith.addf %logistic3A_1141, %logistic3A_1139 : vector<128x128xf32>
    %logistic3A_1143 = arith.divf %logistic3A_1141, %logistic3A_1142 : vector<128x128xf32>
    %tanh3A_1144 = math.tanh %add3A_1137 : vector<128x128xf32>
    %mul3A_1145 = arith.mulf %logistic3A_1143, %tanh3A_1144 : vector<128x128xf32>
    %broadcast_in_dim3A_1146 = vector.shape_cast %mul3A_1145 : vector<128x128xf32> to vector<128x1x128xf32>
    %swap3A_1147 = arith.constant 0 : index
    %swap3A_1148 = arith.constant 17 : index
    %swap3A_1149 = arith.constant 0 : index
    %swap3A_1150 = vector.load %arg7[%swap3A_1147, %swap3A_1148, %swap3A_1149] : memref<128x19x128xf32, #tpu.memory_space<vmem>>, vector<128x1x128xf32>
    tpu.vector_store %arg7[%swap3A_1147, %swap3A_1148, %swap3A_1149], %broadcast_in_dim3A_1146 {strides = array<i32>} : memref<128x19x128xf32, #tpu.memory_space<vmem>>, vector<128x1x128xf32>,
    %get3A_1151 = arith.constant 0 : index
    %get3A_1152 = arith.constant 0 : index
    %get3A_1153 = vector.load %arg5[%get3A_1151, %get3A_1152] : memref<128x128xf32, #tpu.memory_space<vmem>>, vector<128x128xf32>
    %dot_general3A_1154 = arith.constant dense<0.000000e+00> : vector<128x128xf32>
    %dot_general3A_1155 = tpu.matmul %mul3A_1145, %get3A_1153, %dot_general3A_1154 {dimension_numbers = #tpu.dot_dimension_numbers<[1], [0], [0], [1], [0, 0, 1, 1], [], []>, transpose_lhs_hint = false} : vector<128x128xf32>, vector<128x128xf32>, vector<128x128xf32> -> vector<128x128xf32>
    %get3A_1156 = arith.constant 0 : index
    %get3A_1157 = arith.constant 0 : index
    %get3A_1158 = vector.load %arg6[%get3A_1156, %get3A_1157] : memref<1x128xf32, #tpu.memory_space<vmem>>, vector<1x128xf32>
    %add3A_1159 = vector.broadcast %get3A_1158 : vector<1x128xf32> to vector<128x128xf32>
    %add3A_1160 = arith.addf %dot_general3A_1155, %add3A_1159 : vector<128x128xf32>
    %tanh3A_1161 = math.tanh %add3A_1160 : vector<128x128xf32>
    %broadcast_in_dim3A_1162 = vector.shape_cast %tanh3A_1161 : vector<128x128xf32> to vector<128x1x128xf32>
    %swap3A_1163 = arith.constant 0 : index
    %swap3A_1164 = arith.constant 17 : index
    %swap3A_1165 = arith.constant 0 : index
    %swap3A_1166 = vector.load %arg8[%swap3A_1163, %swap3A_1164, %swap3A_1165] : memref<128x19x128xf32, #tpu.memory_space<vmem>>, vector<128x1x128xf32>
    tpu.vector_store %arg8[%swap3A_1163, %swap3A_1164, %swap3A_1165], %broadcast_in_dim3A_1162 {strides = array<i32>} : memref<128x19x128xf32, #tpu.memory_space<vmem>>, vector<128x1x128xf32>,
    %get3A_1167 = arith.constant 0 : index
    %get3A_1168 = arith.constant 18 : index
    %get3A_1169 = arith.constant 0 : index
    %get3A_1170 = vector.load %arg0[%get3A_1167, %get3A_1168, %get3A_1169] : memref<128x19x512xf32, #tpu.memory_space<vmem>>, vector<128x1x512xf32>
    %get3A_1171 = vector.shape_cast %get3A_1170 : vector<128x1x512xf32> to vector<128x512xf32>
    %get3A_1172 = arith.constant 0 : index
    %get3A_1173 = arith.constant 0 : index
    %get3A_1174 = vector.load %arg1[%get3A_1172, %get3A_1173] : memref<128x512xf32, #tpu.memory_space<vmem>>, vector<128x512xf32>
    %dot_general3A_1175 = arith.constant dense<0.000000e+00> : vector<128x512xf32>
    %dot_general3A_1176 = tpu.matmul %mul3A_1145, %get3A_1174, %dot_general3A_1175 {dimension_numbers = #tpu.dot_dimension_numbers<[1], [0], [0], [1], [0, 0, 1, 1], [], []>, transpose_lhs_hint = false} : vector<128x128xf32>, vector<128x512xf32>, vector<128x512xf32> -> vector<128x512xf32>
    %add3A_1177 = arith.addf %get3A_1171, %dot_general3A_1176 : vector<128x512xf32>
    %get3A_1178 = arith.constant 0 : index
    %get3A_1179 = arith.constant 0 : index
    %get3A_1180 = vector.load %arg2[%get3A_1178, %get3A_1179] : memref<1x512xf32, #tpu.memory_space<vmem>>, vector<1x512xf32>
    %add3A_1181 = vector.broadcast %get3A_1180 : vector<1x512xf32> to vector<128x512xf32>
    %add3A_1182 = arith.addf %add3A_1177, %add3A_1181 : vector<128x512xf32>
    %slice3A_1183 = vector.extract_strided_slice %add3A_1182 {offsets = [0, 0], sizes = [128, 128], strides = [1, 1]} : vector<128x512xf32> to vector<128x128xf32>
    %slice3A_1184 = vector.extract_strided_slice %add3A_1182 {offsets = [0, 128], sizes = [128, 128], strides = [1, 1]} : vector<128x512xf32> to vector<128x128xf32>
    %slice3A_1185 = vector.extract_strided_slice %add3A_1182 {offsets = [0, 256], sizes = [128, 128], strides = [1, 1]} : vector<128x512xf32> to vector<128x128xf32>
    %slice3A_1186 = vector.extract_strided_slice %add3A_1182 {offsets = [0, 384], sizes = [128, 128], strides = [1, 1]} : vector<128x512xf32> to vector<128x128xf32>
    %logistic3A_1187 = arith.negf %slice3A_1184 : vector<128x128xf32>
    %logistic3A_1188 = math.exp %logistic3A_1187 : vector<128x128xf32>
    %logistic3A_1189 = arith.constant 1.000000e+00 : f32
    %logistic3A_1190 = vector.broadcast %logistic3A_1189 : f32 to vector<128x128xf32>
    %logistic3A_1191 = arith.addf %logistic3A_1190, %logistic3A_1188 : vector<128x128xf32>
    %logistic3A_1192 = arith.divf %logistic3A_1190, %logistic3A_1191 : vector<128x128xf32>
    %mul3A_1193 = arith.mulf %logistic3A_1192, %add3A_1137 : vector<128x128xf32>
    %logistic3A_1194 = arith.negf %slice3A_1183 : vector<128x128xf32>
    %logistic3A_1195 = math.exp %logistic3A_1194 : vector<128x128xf32>
    %logistic3A_1196 = arith.constant 1.000000e+00 : f32
    %logistic3A_1197 = vector.broadcast %logistic3A_1196 : f32 to vector<128x128xf32>
    %logistic3A_1198 = arith.addf %logistic3A_1197, %logistic3A_1195 : vector<128x128xf32>
    %logistic3A_1199 = arith.divf %logistic3A_1197, %logistic3A_1198 : vector<128x128xf32>
    %tanh3A_1200 = math.tanh %slice3A_1185 : vector<128x128xf32>
    %mul3A_1201 = arith.mulf %logistic3A_1199, %tanh3A_1200 : vector<128x128xf32>
    %add3A_1202 = arith.addf %mul3A_1193, %mul3A_1201 : vector<128x128xf32>
    %logistic3A_1203 = arith.negf %slice3A_1186 : vector<128x128xf32>
    %logistic3A_1204 = math.exp %logistic3A_1203 : vector<128x128xf32>
    %logistic3A_1205 = arith.constant 1.000000e+00 : f32
    %logistic3A_1206 = vector.broadcast %logistic3A_1205 : f32 to vector<128x128xf32>
    %logistic3A_1207 = arith.addf %logistic3A_1206, %logistic3A_1204 : vector<128x128xf32>
    %logistic3A_1208 = arith.divf %logistic3A_1206, %logistic3A_1207 : vector<128x128xf32>
    %tanh3A_1209 = math.tanh %add3A_1202 : vector<128x128xf32>
    %mul3A_1210 = arith.mulf %logistic3A_1208, %tanh3A_1209 : vector<128x128xf32>
    %broadcast_in_dim3A_1211 = vector.shape_cast %mul3A_1210 : vector<128x128xf32> to vector<128x1x128xf32>
    %swap3A_1212 = arith.constant 0 : index
    %swap3A_1213 = arith.constant 18 : index
    %swap3A_1214 = arith.constant 0 : index
    %swap3A_1215 = vector.load %arg7[%swap3A_1212, %swap3A_1213, %swap3A_1214] : memref<128x19x128xf32, #tpu.memory_space<vmem>>, vector<128x1x128xf32>
    tpu.vector_store %arg7[%swap3A_1212, %swap3A_1213, %swap3A_1214], %broadcast_in_dim3A_1211 {strides = array<i32>} : memref<128x19x128xf32, #tpu.memory_space<vmem>>, vector<128x1x128xf32>,
    %get3A_1216 = arith.constant 0 : index
    %get3A_1217 = arith.constant 0 : index
    %get3A_1218 = vector.load %arg5[%get3A_1216, %get3A_1217] : memref<128x128xf32, #tpu.memory_space<vmem>>, vector<128x128xf32>
    %dot_general3A_1219 = arith.constant dense<0.000000e+00> : vector<128x128xf32>
    %dot_general3A_1220 = tpu.matmul %mul3A_1210, %get3A_1218, %dot_general3A_1219 {dimension_numbers = #tpu.dot_dimension_numbers<[1], [0], [0], [1], [0, 0, 1, 1], [], []>, transpose_lhs_hint = false} : vector<128x128xf32>, vector<128x128xf32>, vector<128x128xf32> -> vector<128x128xf32>
    %get3A_1221 = arith.constant 0 : index
    %get3A_1222 = arith.constant 0 : index
    %get3A_1223 = vector.load %arg6[%get3A_1221, %get3A_1222] : memref<1x128xf32, #tpu.memory_space<vmem>>, vector<1x128xf32>
    %add3A_1224 = vector.broadcast %get3A_1223 : vector<1x128xf32> to vector<128x128xf32>
    %add3A_1225 = arith.addf %dot_general3A_1220, %add3A_1224 : vector<128x128xf32>
    %tanh3A_1226 = math.tanh %add3A_1225 : vector<128x128xf32>
    %broadcast_in_dim3A_1227 = vector.shape_cast %tanh3A_1226 : vector<128x128xf32> to vector<128x1x128xf32>
    %swap3A_1228 = arith.constant 0 : index
    %swap3A_1229 = arith.constant 18 : index
    %swap3A_1230 = arith.constant 0 : index
    %swap3A_1231 = vector.load %arg8[%swap3A_1228, %swap3A_1229, %swap3A_1230] : memref<128x19x128xf32, #tpu.memory_space<vmem>>, vector<128x1x128xf32>
    tpu.vector_store %arg8[%swap3A_1228, %swap3A_1229, %swap3A_1230], %broadcast_in_dim3A_1227 {strides = array<i32>} : memref<128x19x128xf32, #tpu.memory_space<vmem>>, vector<128x1x128xf32>,
    return
  }
}

module attributes {stable_mosaic.version = 14 : i64} {
  func.func @body(%arg0: memref<128x19x128xf32, #tpu.memory_space<vmem>>, %arg1: memref<128x19x128xf32, #tpu.memory_space<vmem>>, %arg2: memref<128x20x128xf32, #tpu.memory_space<vmem>>, %arg3: memref<5x19x128x128xf32, #tpu.memory_space<vmem>>, %arg4: memref<128x95x128xf32, #tpu.memory_space<vmem>>, %arg5: memref<1x128xf32, #tpu.memory_space<vmem>>, %arg6: memref<1x128xf32, #tpu.memory_space<vmem>>, %arg7: memref<1x1xf32, #tpu.memory_space<vmem>>, %arg8: memref<128x19xf32, #tpu.memory_space<vmem>>) attributes {dimension_semantics = [], scalar_prefetch = 0 : i64, scratch_operands = 0 : i64, tpu.core_type = #tpu.core_type<tc>} {
    %get3A = arith.constant 0 : index
    %get3A_0 = arith.constant 0 : index
    %get3A_1 = arith.constant 0 : index
    %get3A_2 = vector.load %arg2[%get3A, %get3A_0, %get3A_1] : memref<128x20x128xf32, #tpu.memory_space<vmem>>, vector<128x20x128xf32>
    %mul3A = arith.mulf %get3A_2, %get3A_2 : vector<128x20x128xf32>
    %reduce_sum3A = arith.constant dense<0.000000e+00> : vector<128x20xf32>
    %reduce_sum3A_3 = vector.multi_reduction <add>, %mul3A, %reduce_sum3A [2] : vector<128x20x128xf32> to vector<128x20xf32>
    %sqrt3A = math.sqrt %reduce_sum3A_3 : vector<128x20xf32>
    %broadcast_in_dim3A = vector.shape_cast %sqrt3A : vector<128x20xf32> to vector<128x20x1xf32>
    %add3A = arith.constant 9.99999993E-9 : f32
    %add3A_4 = vector.broadcast %add3A : f32 to vector<128x20x1xf32>
    %add3A_5 = arith.addf %broadcast_in_dim3A, %add3A_4 : vector<128x20x1xf32>
    %div3A = vector.broadcast %add3A_5 : vector<128x20x1xf32> to vector<128x20x128xf32>
    %div3A_6 = arith.divf %get3A_2, %div3A : vector<128x20x128xf32>
    %get3A_7 = arith.constant 0 : index
    %get3A_8 = arith.constant 0 : index
    %get3A_9 = arith.constant 0 : index
    %get3A_10 = vector.load %arg1[%get3A_7, %get3A_8, %get3A_9] : memref<128x19x128xf32, #tpu.memory_space<vmem>>, vector<128x19x128xf32>
    %get3A_11 = arith.constant 0 : index
    %get3A_12 = arith.constant 0 : index
    %get3A_13 = vector.load %arg6[%get3A_11, %get3A_12] : memref<1x128xf32, #tpu.memory_space<vmem>>, vector<1x128xf32>
    %broadcast_in_dim3A_14 = vector.shape_cast %get3A_13 : vector<1x128xf32> to vector<1x1x128xf32>
    %mul3A_15 = vector.broadcast %broadcast_in_dim3A_14 : vector<1x1x128xf32> to vector<128x19x128xf32>
    %mul3A_16 = arith.mulf %get3A_10, %mul3A_15 : vector<128x19x128xf32>
    %reduce_sum3A_17 = arith.constant dense<0.000000e+00> : vector<128x19xf32>
    %reduce_sum3A_18 = vector.multi_reduction <add>, %mul3A_16, %reduce_sum3A_17 [2] : vector<128x19x128xf32> to vector<128x19xf32>
    %get3A_19 = arith.constant 0 : index
    %get3A_20 = arith.constant 0 : index
    %get3A_21 = arith.constant 0 : index
    %get3A_22 = vector.load %arg4[%get3A_19, %get3A_20, %get3A_21] : memref<128x95x128xf32, #tpu.memory_space<vmem>>, vector<128x95x128xf32>
    %get3A_23 = arith.constant 0 : index
    %get3A_24 = arith.constant 0 : index
    %get3A_25 = vector.load %arg5[%get3A_23, %get3A_24] : memref<1x128xf32, #tpu.memory_space<vmem>>, vector<1x128xf32>
    %broadcast_in_dim3A_26 = vector.shape_cast %get3A_25 : vector<1x128xf32> to vector<1x1x128xf32>
    %mul3A_27 = vector.broadcast %broadcast_in_dim3A_26 : vector<1x1x128xf32> to vector<128x95x128xf32>
    %mul3A_28 = arith.mulf %get3A_22, %mul3A_27 : vector<128x95x128xf32>
    %reduce_sum3A_29 = arith.constant dense<0.000000e+00> : vector<128x95xf32>
    %reduce_sum3A_30 = vector.multi_reduction <add>, %mul3A_28, %reduce_sum3A_29 [2] : vector<128x95x128xf32> to vector<128x95xf32>
    %get3A_31 = arith.constant 0 : index
    %get3A_32 = arith.constant 0 : index
    %get3A_33 = arith.constant 0 : index
    %get3A_34 = vector.load %arg0[%get3A_31, %get3A_32, %get3A_33] : memref<128x19x128xf32, #tpu.memory_space<vmem>>, vector<128x19x128xf32>
    %iota3A = tpu.iota {dimensions = array<i32: 1>} : vector<128x19xi32>
    %iota3A_35 = tpu.iota {dimensions = array<i32: 1>} : vector<1x20xi32>
    %iota3A_36 = tpu.iota {dimensions = array<i32: 1>} : vector<128x95xi32>
    %get3A_37 = arith.constant 0 : index
    %get3A_38 = arith.constant 0 : index
    %get3A_39 = vector.load %arg7[%get3A_37, %get3A_38] : memref<1x1xf32, #tpu.memory_space<vmem>>, vector<1x1xf32>
    %get3A_40 = vector.extract %get3A_39[0, 0] : f32 from vector<1x1xf32>
    %broadcast_in_dim3A_41 = arith.constant 0.000000e+00 : f32
    %broadcast_in_dim3A_42 = vector.broadcast %broadcast_in_dim3A_41 : f32 to vector<128x19xf32>
    %scan3A = arith.constant 0 : i32
    %scan3A_43 = arith.constant 19 : i32
    %scan3A_44 = arith.addi %scan3A, %scan3A_43 : i32
    %scan3A_45 = arith.constant 1 : i32
    %scan3A_46 = scf.for %scan3A_50 = %scan3A to %scan3A_44 step %scan3A_45 iter_args(%scan3A_51 = %broadcast_in_dim3A_42) -> (vector<128x19xf32>)  : i32 {
      %add3A_52 = arith.constant 1 : i32
      %add3A_53 = arith.addi %scan3A_50, %add3A_52 : i32
      %eq3A = vector.broadcast %add3A_53 : i32 to vector<1x20xi32>
      %eq3A_54 = arith.cmpi eq, %iota3A_35, %eq3A : vector<1x20xi32>
      %convert_element_type3A = arith.extui %eq3A_54 : vector<1x20xi1> to vector<1x20xi32>
      %convert_element_type3A_55 = arith.sitofp %convert_element_type3A : vector<1x20xi32> to vector<1x20xf32>
      %broadcast_in_dim3A_56 = vector.shape_cast %convert_element_type3A_55 : vector<1x20xf32> to vector<1x20x1xf32>
      %mul3A_57 = vector.broadcast %broadcast_in_dim3A_56 : vector<1x20x1xf32> to vector<128x20x128xf32>
      %mul3A_58 = arith.mulf %div3A_6, %mul3A_57 : vector<128x20x128xf32>
      %reduce_sum3A_59 = arith.constant dense<0.000000e+00> : vector<128x128xf32>
      %reduce_sum3A_60 = vector.multi_reduction <add>, %mul3A_58, %reduce_sum3A_59 [1] : vector<128x20x128xf32> to vector<128x128xf32>
      %slice3A = vector.extract_strided_slice %div3A_6 {offsets = [0, 0, 0], sizes = [128, 19, 128], strides = [1, 1, 1]} : vector<128x20x128xf32> to vector<128x19x128xf32>
      %broadcast_in_dim3A_61 = vector.shape_cast %reduce_sum3A_60 : vector<128x128xf32> to vector<128x1x128xf32>
      %mul3A_62 = vector.broadcast %broadcast_in_dim3A_61 : vector<128x1x128xf32> to vector<128x19x128xf32>
      %mul3A_63 = arith.mulf %slice3A, %mul3A_62 : vector<128x19x128xf32>
      %reduce_sum3A_64 = arith.constant dense<0.000000e+00> : vector<128x19xf32>
      %reduce_sum3A_65 = vector.multi_reduction <add>, %mul3A_63, %reduce_sum3A_64 [2] : vector<128x19x128xf32> to vector<128x19xf32>
      %lt3A = vector.broadcast %scan3A_50 : i32 to vector<128x19xi32>
      %lt3A_66 = arith.cmpi slt, %iota3A, %lt3A : vector<128x19xi32>
      %jit3A = arith.constant -3.000000e+38 : f32
      %broadcast_in_dim3A_67 = vector.broadcast %jit3A : f32 to vector<128x19xf32>
      %select_n3A = arith.select %lt3A_66, %reduce_sum3A_65, %broadcast_in_dim3A_67 : vector<128x19xi1>, vector<128x19xf32>
      %broadcast_in_dim3A_68 = arith.constant 0.000000e+00 : f32
      %broadcast_in_dim3A_69 = vector.broadcast %broadcast_in_dim3A_68 : f32 to vector<128x19xf32>
      %scan3A_70 = arith.constant 0 : i32
      %scan3A_71 = arith.constant 10 : i32
      %scan3A_72 = arith.addi %scan3A_70, %scan3A_71 : i32
      %scan3A_73 = arith.constant 1 : i32
      %scan3A_74:2 = scf.for %scan3A_400 = %scan3A_70 to %scan3A_72 step %scan3A_73 iter_args(%scan3A_401 = %broadcast_in_dim3A_69, %scan3A_402 = %select_n3A) -> (vector<128x19xf32>, vector<128x19xf32>)  : i32 {
        %reduce_max3A_403 = arith.constant dense<0xFF800000> : vector<128xf32>
        %reduce_max3A_404 = vector.multi_reduction <maximumf>, %scan3A_402, %reduce_max3A_403 [1] : vector<128x19xf32> to vector<128xf32>
        %broadcast_in_dim3A_405 = vector.shape_cast %reduce_max3A_404 : vector<128xf32> to vector<128x1xf32>
        %ge3A = vector.broadcast %broadcast_in_dim3A_405 : vector<128x1xf32> to vector<128x19xf32>
        %ge3A_406 = arith.cmpf oge, %scan3A_402, %ge3A : vector<128x19xf32>
        %jit3A_407 = arith.constant 10000 : i32
        %broadcast_in_dim3A_408 = vector.broadcast %jit3A_407 : i32 to vector<128x19xi32>
        %select_n3A_409 = arith.select %ge3A_406, %iota3A, %broadcast_in_dim3A_408 : vector<128x19xi1>, vector<128x19xi32>
        %reduce_min3A = arith.constant dense<2147483647> : vector<128xi32>
        %reduce_min3A_410 = vector.multi_reduction <minsi>, %select_n3A_409, %reduce_min3A [1] : vector<128x19xi32> to vector<128xi32>
        %broadcast_in_dim3A_411 = vector.shape_cast %reduce_min3A_410 : vector<128xi32> to vector<128x1xi32>
        %eq3A_412 = vector.broadcast %broadcast_in_dim3A_411 : vector<128x1xi32> to vector<128x19xi32>
        %eq3A_413 = arith.cmpi eq, %iota3A, %eq3A_412 : vector<128x19xi32>
        %lt3A_414 = arith.cmpi slt, %scan3A_400, %scan3A_50 : i32
        %and3A = vector.broadcast %lt3A_414 : i1 to vector<128x19xi1>
        %and3A_415 = arith.andi %eq3A_413, %and3A : vector<128x19xi1>
        %jit3A_416 = arith.constant 1.000000e+00 : f32
        %broadcast_in_dim3A_417 = vector.broadcast %jit3A_416 : f32 to vector<128x19xf32>
        %select_n3A_418 = arith.select %and3A_415, %broadcast_in_dim3A_417, %scan3A_401 : vector<128x19xi1>, vector<128x19xf32>
        %jit3A_419 = arith.constant -3.000000e+38 : f32
        %broadcast_in_dim3A_420 = vector.broadcast %jit3A_419 : f32 to vector<128x19xf32>
        %select_n3A_421 = arith.select %and3A_415, %broadcast_in_dim3A_420, %scan3A_402 : vector<128x19xi1>, vector<128x19xf32>
        scf.yield %select_n3A_418, %select_n3A_421 : vector<128x19xf32>, vector<128x19xf32>
      }
      %scan3A_75 = arith.constant 10 : i32
      %eq3A_76 = vector.broadcast %scan3A_50 : i32 to vector<128x19xi32>
      %eq3A_77 = arith.cmpi eq, %iota3A, %eq3A_76 : vector<128x19xi32>
      %convert_element_type3A_78 = arith.extui %eq3A_77 : vector<128x19xi1> to vector<128x19xi32>
      %convert_element_type3A_79 = arith.sitofp %convert_element_type3A_78 : vector<128x19xi32> to vector<128x19xf32>
      %mul3A_80 = arith.mulf %reduce_sum3A_18, %convert_element_type3A_79 : vector<128x19xf32>
      %reduce_sum3A_81 = arith.constant dense<0.000000e+00> : vector<128xf32>
      %reduce_sum3A_82 = vector.multi_reduction <add>, %mul3A_80, %reduce_sum3A_81 [1] : vector<128x19xf32> to vector<128xf32>
      %broadcast_in_dim3A_83 = vector.shape_cast %reduce_sum3A_82 : vector<128xf32> to vector<128x1xf32>
      %broadcast_in_dim3A_84 = arith.constant 0.000000e+00 : f32
      %broadcast_in_dim3A_85 = vector.broadcast %broadcast_in_dim3A_84 : f32 to vector<128x1xf32>
      %broadcast_in_dim3A_86 = arith.constant 0.000000e+00 : f32
      %broadcast_in_dim3A_87 = vector.broadcast %broadcast_in_dim3A_86 : f32 to vector<128x1xf32>
      %add3A_88 = arith.constant 0 : i32
      %add3A_89 = arith.addi %add3A_88, %scan3A_50 : i32
      %eq3A_90 = vector.broadcast %add3A_89 : i32 to vector<128x95xi32>
      %eq3A_91 = arith.cmpi eq, %iota3A_36, %eq3A_90 : vector<128x95xi32>
      %convert_element_type3A_92 = arith.extui %eq3A_91 : vector<128x95xi1> to vector<128x95xi32>
      %convert_element_type3A_93 = arith.sitofp %convert_element_type3A_92 : vector<128x95xi32> to vector<128x95xf32>
      %mul3A_94 = arith.mulf %reduce_sum3A_30, %convert_element_type3A_93 : vector<128x95xf32>
      %reduce_sum3A_95 = arith.constant dense<0.000000e+00> : vector<128xf32>
      %reduce_sum3A_96 = vector.multi_reduction <add>, %mul3A_94, %reduce_sum3A_95 [1] : vector<128x95xf32> to vector<128xf32>
      %broadcast_in_dim3A_97 = vector.shape_cast %reduce_sum3A_96 : vector<128xf32> to vector<128x1xf32>
      %get3A_98 = arith.constant 0 : index
      %get3A_99 = arith.index_cast %scan3A_50 : i32 to index
      %get3A_100 = arith.constant 0 : index
      %get3A_101 = arith.constant 0 : index
      %get3A_102 = vector.load %arg3[%get3A_98, %get3A_99, %get3A_100, %get3A_101] : memref<5x19x128x128xf32, #tpu.memory_space<vmem>>, vector<1x1x128x128xf32>
      %get3A_103 = vector.shape_cast %get3A_102 : vector<1x1x128x128xf32> to vector<1x128x128xf32>
      %squeeze3A = vector.shape_cast %get3A_103 : vector<1x128x128xf32> to vector<128x128xf32>
      %broadcast_in_dim3A_104 = vector.shape_cast %squeeze3A : vector<128x128xf32> to vector<128x1x128xf32>
      %mul3A_105 = vector.broadcast %broadcast_in_dim3A_104 : vector<128x1x128xf32> to vector<128x19x128xf32>
      %mul3A_106 = arith.mulf %get3A_34, %mul3A_105 : vector<128x19x128xf32>
      %reduce_sum3A_107 = arith.constant dense<0.000000e+00> : vector<128x19xf32>
      %reduce_sum3A_108 = vector.multi_reduction <add>, %mul3A_106, %reduce_sum3A_107 [2] : vector<128x19x128xf32> to vector<128x19xf32>
      %logistic3A = arith.negf %reduce_sum3A_108 : vector<128x19xf32>
      %logistic3A_109 = math.exp %logistic3A : vector<128x19xf32>
      %logistic3A_110 = arith.constant 1.000000e+00 : f32
      %logistic3A_111 = vector.broadcast %logistic3A_110 : f32 to vector<128x19xf32>
      %logistic3A_112 = arith.addf %logistic3A_111, %logistic3A_109 : vector<128x19xf32>
      %logistic3A_113 = arith.divf %logistic3A_111, %logistic3A_112 : vector<128x19xf32>
      %mul3A_114 = arith.mulf %logistic3A_113, %convert_element_type3A_79 : vector<128x19xf32>
      %reduce_sum3A_115 = arith.constant dense<0.000000e+00> : vector<128xf32>
      %reduce_sum3A_116 = vector.multi_reduction <add>, %mul3A_114, %reduce_sum3A_115 [1] : vector<128x19xf32> to vector<128xf32>
      %broadcast_in_dim3A_117 = vector.shape_cast %reduce_sum3A_116 : vector<128xf32> to vector<128x1xf32>
      %add3A_118 = arith.addf %broadcast_in_dim3A_97, %broadcast_in_dim3A_83 : vector<128x1xf32>
      %add3A_119 = vector.broadcast %get3A_40 : f32 to vector<128x1xf32>
      %add3A_120 = arith.addf %add3A_118, %add3A_119 : vector<128x1xf32>
      %gt3A = arith.constant 5.000000e-01 : f32
      %gt3A_121 = vector.broadcast %gt3A : f32 to vector<128x19xf32>
      %gt3A_122 = arith.cmpf ogt, %scan3A_74#0, %gt3A_121 : vector<128x19xf32>
      %add3A_123 = vector.broadcast %broadcast_in_dim3A_97 : vector<128x1xf32> to vector<128x19xf32>
      %add3A_124 = arith.addf %add3A_123, %reduce_sum3A_18 : vector<128x19xf32>
      %add3A_125 = vector.broadcast %get3A_40 : f32 to vector<128x19xf32>
      %add3A_126 = arith.addf %add3A_124, %add3A_125 : vector<128x19xf32>
      %jit3A_127 = arith.constant -3.000000e+38 : f32
      %broadcast_in_dim3A_128 = vector.broadcast %jit3A_127 : f32 to vector<128x19xf32>
      %select_n3A_129 = arith.select %gt3A_122, %add3A_126, %broadcast_in_dim3A_128 : vector<128x19xi1>, vector<128x19xf32>
      %concatenate3A = tpu.concatenate %add3A_120, %select_n3A_129 in 1 : vector<128x1xf32>, vector<128x19xf32> -> vector<128x20xf32>
      %concatenate3A_130 = tpu.concatenate %broadcast_in_dim3A_117, %logistic3A_113 in 1 : vector<128x1xf32>, vector<128x19xf32> -> vector<128x20xf32>
      %add3A_131 = arith.constant 19 : i32
      %add3A_132 = arith.addi %add3A_131, %scan3A_50 : i32
      %eq3A_133 = vector.broadcast %add3A_132 : i32 to vector<128x95xi32>
      %eq3A_134 = arith.cmpi eq, %iota3A_36, %eq3A_133 : vector<128x95xi32>
      %convert_element_type3A_135 = arith.extui %eq3A_134 : vector<128x95xi1> to vector<128x95xi32>
      %convert_element_type3A_136 = arith.sitofp %convert_element_type3A_135 : vector<128x95xi32> to vector<128x95xf32>
      %mul3A_137 = arith.mulf %reduce_sum3A_30, %convert_element_type3A_136 : vector<128x95xf32>
      %reduce_sum3A_138 = arith.constant dense<0.000000e+00> : vector<128xf32>
      %reduce_sum3A_139 = vector.multi_reduction <add>, %mul3A_137, %reduce_sum3A_138 [1] : vector<128x95xf32> to vector<128xf32>
      %broadcast_in_dim3A_140 = vector.shape_cast %reduce_sum3A_139 : vector<128xf32> to vector<128x1xf32>
      %get3A_141 = arith.constant 1 : index
      %get3A_142 = arith.index_cast %scan3A_50 : i32 to index
      %get3A_143 = arith.constant 0 : index
      %get3A_144 = arith.constant 0 : index
      %get3A_145 = vector.load %arg3[%get3A_141, %get3A_142, %get3A_143, %get3A_144] : memref<5x19x128x128xf32, #tpu.memory_space<vmem>>, vector<1x1x128x128xf32>
      %get3A_146 = vector.shape_cast %get3A_145 : vector<1x1x128x128xf32> to vector<1x128x128xf32>
      %squeeze3A_147 = vector.shape_cast %get3A_146 : vector<1x128x128xf32> to vector<128x128xf32>
      %broadcast_in_dim3A_148 = vector.shape_cast %squeeze3A_147 : vector<128x128xf32> to vector<128x1x128xf32>
      %mul3A_149 = vector.broadcast %broadcast_in_dim3A_148 : vector<128x1x128xf32> to vector<128x19x128xf32>
      %mul3A_150 = arith.mulf %get3A_34, %mul3A_149 : vector<128x19x128xf32>
      %reduce_sum3A_151 = arith.constant dense<0.000000e+00> : vector<128x19xf32>
      %reduce_sum3A_152 = vector.multi_reduction <add>, %mul3A_150, %reduce_sum3A_151 [2] : vector<128x19x128xf32> to vector<128x19xf32>
      %logistic3A_153 = arith.negf %reduce_sum3A_152 : vector<128x19xf32>
      %logistic3A_154 = math.exp %logistic3A_153 : vector<128x19xf32>
      %logistic3A_155 = arith.constant 1.000000e+00 : f32
      %logistic3A_156 = vector.broadcast %logistic3A_155 : f32 to vector<128x19xf32>
      %logistic3A_157 = arith.addf %logistic3A_156, %logistic3A_154 : vector<128x19xf32>
      %logistic3A_158 = arith.divf %logistic3A_156, %logistic3A_157 : vector<128x19xf32>
      %mul3A_159 = arith.mulf %logistic3A_158, %convert_element_type3A_79 : vector<128x19xf32>
      %reduce_sum3A_160 = arith.constant dense<0.000000e+00> : vector<128xf32>
      %reduce_sum3A_161 = vector.multi_reduction <add>, %mul3A_159, %reduce_sum3A_160 [1] : vector<128x19xf32> to vector<128xf32>
      %broadcast_in_dim3A_162 = vector.shape_cast %reduce_sum3A_161 : vector<128xf32> to vector<128x1xf32>
      %add3A_163 = arith.addf %broadcast_in_dim3A_140, %broadcast_in_dim3A_83 : vector<128x1xf32>
      %add3A_164 = vector.broadcast %get3A_40 : f32 to vector<128x1xf32>
      %add3A_165 = arith.addf %add3A_163, %add3A_164 : vector<128x1xf32>
      %gt3A_166 = arith.constant 5.000000e-01 : f32
      %gt3A_167 = vector.broadcast %gt3A_166 : f32 to vector<128x19xf32>
      %gt3A_168 = arith.cmpf ogt, %scan3A_74#0, %gt3A_167 : vector<128x19xf32>
      %add3A_169 = vector.broadcast %broadcast_in_dim3A_140 : vector<128x1xf32> to vector<128x19xf32>
      %add3A_170 = arith.addf %add3A_169, %reduce_sum3A_18 : vector<128x19xf32>
      %add3A_171 = vector.broadcast %get3A_40 : f32 to vector<128x19xf32>
      %add3A_172 = arith.addf %add3A_170, %add3A_171 : vector<128x19xf32>
      %jit3A_173 = arith.constant -3.000000e+38 : f32
      %broadcast_in_dim3A_174 = vector.broadcast %jit3A_173 : f32 to vector<128x19xf32>
      %select_n3A_175 = arith.select %gt3A_168, %add3A_172, %broadcast_in_dim3A_174 : vector<128x19xi1>, vector<128x19xf32>
      %concatenate3A_176 = tpu.concatenate %add3A_165, %select_n3A_175 in 1 : vector<128x1xf32>, vector<128x19xf32> -> vector<128x20xf32>
      %concatenate3A_177 = tpu.concatenate %broadcast_in_dim3A_162, %logistic3A_158 in 1 : vector<128x1xf32>, vector<128x19xf32> -> vector<128x20xf32>
      %add3A_178 = arith.constant 38 : i32
      %add3A_179 = arith.addi %add3A_178, %scan3A_50 : i32
      %eq3A_180 = vector.broadcast %add3A_179 : i32 to vector<128x95xi32>
      %eq3A_181 = arith.cmpi eq, %iota3A_36, %eq3A_180 : vector<128x95xi32>
      %convert_element_type3A_182 = arith.extui %eq3A_181 : vector<128x95xi1> to vector<128x95xi32>
      %convert_element_type3A_183 = arith.sitofp %convert_element_type3A_182 : vector<128x95xi32> to vector<128x95xf32>
      %mul3A_184 = arith.mulf %reduce_sum3A_30, %convert_element_type3A_183 : vector<128x95xf32>
      %reduce_sum3A_185 = arith.constant dense<0.000000e+00> : vector<128xf32>
      %reduce_sum3A_186 = vector.multi_reduction <add>, %mul3A_184, %reduce_sum3A_185 [1] : vector<128x95xf32> to vector<128xf32>
      %broadcast_in_dim3A_187 = vector.shape_cast %reduce_sum3A_186 : vector<128xf32> to vector<128x1xf32>
      %get3A_188 = arith.constant 2 : index
      %get3A_189 = arith.index_cast %scan3A_50 : i32 to index
      %get3A_190 = arith.constant 0 : index
      %get3A_191 = arith.constant 0 : index
      %get3A_192 = vector.load %arg3[%get3A_188, %get3A_189, %get3A_190, %get3A_191] : memref<5x19x128x128xf32, #tpu.memory_space<vmem>>, vector<1x1x128x128xf32>
      %get3A_193 = vector.shape_cast %get3A_192 : vector<1x1x128x128xf32> to vector<1x128x128xf32>
      %squeeze3A_194 = vector.shape_cast %get3A_193 : vector<1x128x128xf32> to vector<128x128xf32>
      %broadcast_in_dim3A_195 = vector.shape_cast %squeeze3A_194 : vector<128x128xf32> to vector<128x1x128xf32>
      %mul3A_196 = vector.broadcast %broadcast_in_dim3A_195 : vector<128x1x128xf32> to vector<128x19x128xf32>
      %mul3A_197 = arith.mulf %get3A_34, %mul3A_196 : vector<128x19x128xf32>
      %reduce_sum3A_198 = arith.constant dense<0.000000e+00> : vector<128x19xf32>
      %reduce_sum3A_199 = vector.multi_reduction <add>, %mul3A_197, %reduce_sum3A_198 [2] : vector<128x19x128xf32> to vector<128x19xf32>
      %logistic3A_200 = arith.negf %reduce_sum3A_199 : vector<128x19xf32>
      %logistic3A_201 = math.exp %logistic3A_200 : vector<128x19xf32>
      %logistic3A_202 = arith.constant 1.000000e+00 : f32
      %logistic3A_203 = vector.broadcast %logistic3A_202 : f32 to vector<128x19xf32>
      %logistic3A_204 = arith.addf %logistic3A_203, %logistic3A_201 : vector<128x19xf32>
      %logistic3A_205 = arith.divf %logistic3A_203, %logistic3A_204 : vector<128x19xf32>
      %mul3A_206 = arith.mulf %logistic3A_205, %convert_element_type3A_79 : vector<128x19xf32>
      %reduce_sum3A_207 = arith.constant dense<0.000000e+00> : vector<128xf32>
      %reduce_sum3A_208 = vector.multi_reduction <add>, %mul3A_206, %reduce_sum3A_207 [1] : vector<128x19xf32> to vector<128xf32>
      %broadcast_in_dim3A_209 = vector.shape_cast %reduce_sum3A_208 : vector<128xf32> to vector<128x1xf32>
      %add3A_210 = arith.addf %broadcast_in_dim3A_187, %broadcast_in_dim3A_83 : vector<128x1xf32>
      %add3A_211 = vector.broadcast %get3A_40 : f32 to vector<128x1xf32>
      %add3A_212 = arith.addf %add3A_210, %add3A_211 : vector<128x1xf32>
      %gt3A_213 = arith.constant 5.000000e-01 : f32
      %gt3A_214 = vector.broadcast %gt3A_213 : f32 to vector<128x19xf32>
      %gt3A_215 = arith.cmpf ogt, %scan3A_74#0, %gt3A_214 : vector<128x19xf32>
      %add3A_216 = vector.broadcast %broadcast_in_dim3A_187 : vector<128x1xf32> to vector<128x19xf32>
      %add3A_217 = arith.addf %add3A_216, %reduce_sum3A_18 : vector<128x19xf32>
      %add3A_218 = vector.broadcast %get3A_40 : f32 to vector<128x19xf32>
      %add3A_219 = arith.addf %add3A_217, %add3A_218 : vector<128x19xf32>
      %jit3A_220 = arith.constant -3.000000e+38 : f32
      %broadcast_in_dim3A_221 = vector.broadcast %jit3A_220 : f32 to vector<128x19xf32>
      %select_n3A_222 = arith.select %gt3A_215, %add3A_219, %broadcast_in_dim3A_221 : vector<128x19xi1>, vector<128x19xf32>
      %concatenate3A_223 = tpu.concatenate %add3A_212, %select_n3A_222 in 1 : vector<128x1xf32>, vector<128x19xf32> -> vector<128x20xf32>
      %concatenate3A_224 = tpu.concatenate %broadcast_in_dim3A_209, %logistic3A_205 in 1 : vector<128x1xf32>, vector<128x19xf32> -> vector<128x20xf32>
      %add3A_225 = arith.constant 57 : i32
      %add3A_226 = arith.addi %add3A_225, %scan3A_50 : i32
      %eq3A_227 = vector.broadcast %add3A_226 : i32 to vector<128x95xi32>
      %eq3A_228 = arith.cmpi eq, %iota3A_36, %eq3A_227 : vector<128x95xi32>
      %convert_element_type3A_229 = arith.extui %eq3A_228 : vector<128x95xi1> to vector<128x95xi32>
      %convert_element_type3A_230 = arith.sitofp %convert_element_type3A_229 : vector<128x95xi32> to vector<128x95xf32>
      %mul3A_231 = arith.mulf %reduce_sum3A_30, %convert_element_type3A_230 : vector<128x95xf32>
      %reduce_sum3A_232 = arith.constant dense<0.000000e+00> : vector<128xf32>
      %reduce_sum3A_233 = vector.multi_reduction <add>, %mul3A_231, %reduce_sum3A_232 [1] : vector<128x95xf32> to vector<128xf32>
      %broadcast_in_dim3A_234 = vector.shape_cast %reduce_sum3A_233 : vector<128xf32> to vector<128x1xf32>
      %get3A_235 = arith.constant 3 : index
      %get3A_236 = arith.index_cast %scan3A_50 : i32 to index
      %get3A_237 = arith.constant 0 : index
      %get3A_238 = arith.constant 0 : index
      %get3A_239 = vector.load %arg3[%get3A_235, %get3A_236, %get3A_237, %get3A_238] : memref<5x19x128x128xf32, #tpu.memory_space<vmem>>, vector<1x1x128x128xf32>
      %get3A_240 = vector.shape_cast %get3A_239 : vector<1x1x128x128xf32> to vector<1x128x128xf32>
      %squeeze3A_241 = vector.shape_cast %get3A_240 : vector<1x128x128xf32> to vector<128x128xf32>
      %broadcast_in_dim3A_242 = vector.shape_cast %squeeze3A_241 : vector<128x128xf32> to vector<128x1x128xf32>
      %mul3A_243 = vector.broadcast %broadcast_in_dim3A_242 : vector<128x1x128xf32> to vector<128x19x128xf32>
      %mul3A_244 = arith.mulf %get3A_34, %mul3A_243 : vector<128x19x128xf32>
      %reduce_sum3A_245 = arith.constant dense<0.000000e+00> : vector<128x19xf32>
      %reduce_sum3A_246 = vector.multi_reduction <add>, %mul3A_244, %reduce_sum3A_245 [2] : vector<128x19x128xf32> to vector<128x19xf32>
      %logistic3A_247 = arith.negf %reduce_sum3A_246 : vector<128x19xf32>
      %logistic3A_248 = math.exp %logistic3A_247 : vector<128x19xf32>
      %logistic3A_249 = arith.constant 1.000000e+00 : f32
      %logistic3A_250 = vector.broadcast %logistic3A_249 : f32 to vector<128x19xf32>
      %logistic3A_251 = arith.addf %logistic3A_250, %logistic3A_248 : vector<128x19xf32>
      %logistic3A_252 = arith.divf %logistic3A_250, %logistic3A_251 : vector<128x19xf32>
      %mul3A_253 = arith.mulf %logistic3A_252, %convert_element_type3A_79 : vector<128x19xf32>
      %reduce_sum3A_254 = arith.constant dense<0.000000e+00> : vector<128xf32>
      %reduce_sum3A_255 = vector.multi_reduction <add>, %mul3A_253, %reduce_sum3A_254 [1] : vector<128x19xf32> to vector<128xf32>
      %broadcast_in_dim3A_256 = vector.shape_cast %reduce_sum3A_255 : vector<128xf32> to vector<128x1xf32>
      %add3A_257 = arith.addf %broadcast_in_dim3A_234, %broadcast_in_dim3A_83 : vector<128x1xf32>
      %add3A_258 = vector.broadcast %get3A_40 : f32 to vector<128x1xf32>
      %add3A_259 = arith.addf %add3A_257, %add3A_258 : vector<128x1xf32>
      %gt3A_260 = arith.constant 5.000000e-01 : f32
      %gt3A_261 = vector.broadcast %gt3A_260 : f32 to vector<128x19xf32>
      %gt3A_262 = arith.cmpf ogt, %scan3A_74#0, %gt3A_261 : vector<128x19xf32>
      %add3A_263 = vector.broadcast %broadcast_in_dim3A_234 : vector<128x1xf32> to vector<128x19xf32>
      %add3A_264 = arith.addf %add3A_263, %reduce_sum3A_18 : vector<128x19xf32>
      %add3A_265 = vector.broadcast %get3A_40 : f32 to vector<128x19xf32>
      %add3A_266 = arith.addf %add3A_264, %add3A_265 : vector<128x19xf32>
      %jit3A_267 = arith.constant -3.000000e+38 : f32
      %broadcast_in_dim3A_268 = vector.broadcast %jit3A_267 : f32 to vector<128x19xf32>
      %select_n3A_269 = arith.select %gt3A_262, %add3A_266, %broadcast_in_dim3A_268 : vector<128x19xi1>, vector<128x19xf32>
      %concatenate3A_270 = tpu.concatenate %add3A_259, %select_n3A_269 in 1 : vector<128x1xf32>, vector<128x19xf32> -> vector<128x20xf32>
      %concatenate3A_271 = tpu.concatenate %broadcast_in_dim3A_256, %logistic3A_252 in 1 : vector<128x1xf32>, vector<128x19xf32> -> vector<128x20xf32>
      %add3A_272 = arith.constant 76 : i32
      %add3A_273 = arith.addi %add3A_272, %scan3A_50 : i32
      %eq3A_274 = vector.broadcast %add3A_273 : i32 to vector<128x95xi32>
      %eq3A_275 = arith.cmpi eq, %iota3A_36, %eq3A_274 : vector<128x95xi32>
      %convert_element_type3A_276 = arith.extui %eq3A_275 : vector<128x95xi1> to vector<128x95xi32>
      %convert_element_type3A_277 = arith.sitofp %convert_element_type3A_276 : vector<128x95xi32> to vector<128x95xf32>
      %mul3A_278 = arith.mulf %reduce_sum3A_30, %convert_element_type3A_277 : vector<128x95xf32>
      %reduce_sum3A_279 = arith.constant dense<0.000000e+00> : vector<128xf32>
      %reduce_sum3A_280 = vector.multi_reduction <add>, %mul3A_278, %reduce_sum3A_279 [1] : vector<128x95xf32> to vector<128xf32>
      %broadcast_in_dim3A_281 = vector.shape_cast %reduce_sum3A_280 : vector<128xf32> to vector<128x1xf32>
      %get3A_282 = arith.constant 4 : index
      %get3A_283 = arith.index_cast %scan3A_50 : i32 to index
      %get3A_284 = arith.constant 0 : index
      %get3A_285 = arith.constant 0 : index
      %get3A_286 = vector.load %arg3[%get3A_282, %get3A_283, %get3A_284, %get3A_285] : memref<5x19x128x128xf32, #tpu.memory_space<vmem>>, vector<1x1x128x128xf32>
      %get3A_287 = vector.shape_cast %get3A_286 : vector<1x1x128x128xf32> to vector<1x128x128xf32>
      %squeeze3A_288 = vector.shape_cast %get3A_287 : vector<1x128x128xf32> to vector<128x128xf32>
      %broadcast_in_dim3A_289 = vector.shape_cast %squeeze3A_288 : vector<128x128xf32> to vector<128x1x128xf32>
      %mul3A_290 = vector.broadcast %broadcast_in_dim3A_289 : vector<128x1x128xf32> to vector<128x19x128xf32>
      %mul3A_291 = arith.mulf %get3A_34, %mul3A_290 : vector<128x19x128xf32>
      %reduce_sum3A_292 = arith.constant dense<0.000000e+00> : vector<128x19xf32>
      %reduce_sum3A_293 = vector.multi_reduction <add>, %mul3A_291, %reduce_sum3A_292 [2] : vector<128x19x128xf32> to vector<128x19xf32>
      %logistic3A_294 = arith.negf %reduce_sum3A_293 : vector<128x19xf32>
      %logistic3A_295 = math.exp %logistic3A_294 : vector<128x19xf32>
      %logistic3A_296 = arith.constant 1.000000e+00 : f32
      %logistic3A_297 = vector.broadcast %logistic3A_296 : f32 to vector<128x19xf32>
      %logistic3A_298 = arith.addf %logistic3A_297, %logistic3A_295 : vector<128x19xf32>
      %logistic3A_299 = arith.divf %logistic3A_297, %logistic3A_298 : vector<128x19xf32>
      %mul3A_300 = arith.mulf %logistic3A_299, %convert_element_type3A_79 : vector<128x19xf32>
      %reduce_sum3A_301 = arith.constant dense<0.000000e+00> : vector<128xf32>
      %reduce_sum3A_302 = vector.multi_reduction <add>, %mul3A_300, %reduce_sum3A_301 [1] : vector<128x19xf32> to vector<128xf32>
      %broadcast_in_dim3A_303 = vector.shape_cast %reduce_sum3A_302 : vector<128xf32> to vector<128x1xf32>
      %add3A_304 = arith.addf %broadcast_in_dim3A_281, %broadcast_in_dim3A_83 : vector<128x1xf32>
      %add3A_305 = vector.broadcast %get3A_40 : f32 to vector<128x1xf32>
      %add3A_306 = arith.addf %add3A_304, %add3A_305 : vector<128x1xf32>
      %gt3A_307 = arith.constant 5.000000e-01 : f32
      %gt3A_308 = vector.broadcast %gt3A_307 : f32 to vector<128x19xf32>
      %gt3A_309 = arith.cmpf ogt, %scan3A_74#0, %gt3A_308 : vector<128x19xf32>
      %add3A_310 = vector.broadcast %broadcast_in_dim3A_281 : vector<128x1xf32> to vector<128x19xf32>
      %add3A_311 = arith.addf %add3A_310, %reduce_sum3A_18 : vector<128x19xf32>
      %add3A_312 = vector.broadcast %get3A_40 : f32 to vector<128x19xf32>
      %add3A_313 = arith.addf %add3A_311, %add3A_312 : vector<128x19xf32>
      %jit3A_314 = arith.constant -3.000000e+38 : f32
      %broadcast_in_dim3A_315 = vector.broadcast %jit3A_314 : f32 to vector<128x19xf32>
      %select_n3A_316 = arith.select %gt3A_309, %add3A_313, %broadcast_in_dim3A_315 : vector<128x19xi1>, vector<128x19xf32>
      %concatenate3A_317 = tpu.concatenate %add3A_306, %select_n3A_316 in 1 : vector<128x1xf32>, vector<128x19xf32> -> vector<128x20xf32>
      %concatenate3A_318 = tpu.concatenate %broadcast_in_dim3A_303, %logistic3A_299 in 1 : vector<128x1xf32>, vector<128x19xf32> -> vector<128x20xf32>
      %reduce_max3A = arith.constant dense<0xFF800000> : vector<128xf32>
      %reduce_max3A_319 = vector.multi_reduction <maximumf>, %concatenate3A, %reduce_max3A [1] : vector<128x20xf32> to vector<128xf32>
      %broadcast_in_dim3A_320 = vector.shape_cast %reduce_max3A_319 : vector<128xf32> to vector<128x1xf32>
      %reduce_max3A_321 = arith.constant dense<0xFF800000> : vector<128xf32>
      %reduce_max3A_322 = vector.multi_reduction <maximumf>, %concatenate3A_176, %reduce_max3A_321 [1] : vector<128x20xf32> to vector<128xf32>
      %broadcast_in_dim3A_323 = vector.shape_cast %reduce_max3A_322 : vector<128xf32> to vector<128x1xf32>
      %max3A = arith.maximumf %broadcast_in_dim3A_320, %broadcast_in_dim3A_323 : vector<128x1xf32>
      %reduce_max3A_324 = arith.constant dense<0xFF800000> : vector<128xf32>
      %reduce_max3A_325 = vector.multi_reduction <maximumf>, %concatenate3A_223, %reduce_max3A_324 [1] : vector<128x20xf32> to vector<128xf32>
      %broadcast_in_dim3A_326 = vector.shape_cast %reduce_max3A_325 : vector<128xf32> to vector<128x1xf32>
      %max3A_327 = arith.maximumf %max3A, %broadcast_in_dim3A_326 : vector<128x1xf32>
      %reduce_max3A_328 = arith.constant dense<0xFF800000> : vector<128xf32>
      %reduce_max3A_329 = vector.multi_reduction <maximumf>, %concatenate3A_270, %reduce_max3A_328 [1] : vector<128x20xf32> to vector<128xf32>
      %broadcast_in_dim3A_330 = vector.shape_cast %reduce_max3A_329 : vector<128xf32> to vector<128x1xf32>
      %max3A_331 = arith.maximumf %max3A_327, %broadcast_in_dim3A_330 : vector<128x1xf32>
      %reduce_max3A_332 = arith.constant dense<0xFF800000> : vector<128xf32>
      %reduce_max3A_333 = vector.multi_reduction <maximumf>, %concatenate3A_317, %reduce_max3A_332 [1] : vector<128x20xf32> to vector<128xf32>
      %broadcast_in_dim3A_334 = vector.shape_cast %reduce_max3A_333 : vector<128xf32> to vector<128x1xf32>
      %max3A_335 = arith.maximumf %max3A_331, %broadcast_in_dim3A_334 : vector<128x1xf32>
      %sub3A = vector.broadcast %max3A_335 : vector<128x1xf32> to vector<128x20xf32>
      %sub3A_336 = arith.subf %concatenate3A, %sub3A : vector<128x20xf32>
      %exp3A = math.exp %sub3A_336 : vector<128x20xf32>
      %reduce_sum3A_337 = arith.constant dense<0.000000e+00> : vector<128xf32>
      %reduce_sum3A_338 = vector.multi_reduction <add>, %exp3A, %reduce_sum3A_337 [1] : vector<128x20xf32> to vector<128xf32>
      %broadcast_in_dim3A_339 = vector.shape_cast %reduce_sum3A_338 : vector<128xf32> to vector<128x1xf32>
      %add3A_340 = arith.addf %broadcast_in_dim3A_87, %broadcast_in_dim3A_339 : vector<128x1xf32>
      %mul3A_341 = arith.mulf %exp3A, %concatenate3A_130 : vector<128x20xf32>
      %reduce_sum3A_342 = arith.constant dense<0.000000e+00> : vector<128xf32>
      %reduce_sum3A_343 = vector.multi_reduction <add>, %mul3A_341, %reduce_sum3A_342 [1] : vector<128x20xf32> to vector<128xf32>
      %broadcast_in_dim3A_344 = vector.shape_cast %reduce_sum3A_343 : vector<128xf32> to vector<128x1xf32>
      %add3A_345 = arith.addf %broadcast_in_dim3A_85, %broadcast_in_dim3A_344 : vector<128x1xf32>
      %sub3A_346 = vector.broadcast %max3A_335 : vector<128x1xf32> to vector<128x20xf32>
      %sub3A_347 = arith.subf %concatenate3A_176, %sub3A_346 : vector<128x20xf32>
      %exp3A_348 = math.exp %sub3A_347 : vector<128x20xf32>
      %reduce_sum3A_349 = arith.constant dense<0.000000e+00> : vector<128xf32>
      %reduce_sum3A_350 = vector.multi_reduction <add>, %exp3A_348, %reduce_sum3A_349 [1] : vector<128x20xf32> to vector<128xf32>
      %broadcast_in_dim3A_351 = vector.shape_cast %reduce_sum3A_350 : vector<128xf32> to vector<128x1xf32>
      %add3A_352 = arith.addf %add3A_340, %broadcast_in_dim3A_351 : vector<128x1xf32>
      %mul3A_353 = arith.mulf %exp3A_348, %concatenate3A_177 : vector<128x20xf32>
      %reduce_sum3A_354 = arith.constant dense<0.000000e+00> : vector<128xf32>
      %reduce_sum3A_355 = vector.multi_reduction <add>, %mul3A_353, %reduce_sum3A_354 [1] : vector<128x20xf32> to vector<128xf32>
      %broadcast_in_dim3A_356 = vector.shape_cast %reduce_sum3A_355 : vector<128xf32> to vector<128x1xf32>
      %add3A_357 = arith.addf %add3A_345, %broadcast_in_dim3A_356 : vector<128x1xf32>
      %sub3A_358 = vector.broadcast %max3A_335 : vector<128x1xf32> to vector<128x20xf32>
      %sub3A_359 = arith.subf %concatenate3A_223, %sub3A_358 : vector<128x20xf32>
      %exp3A_360 = math.exp %sub3A_359 : vector<128x20xf32>
      %reduce_sum3A_361 = arith.constant dense<0.000000e+00> : vector<128xf32>
      %reduce_sum3A_362 = vector.multi_reduction <add>, %exp3A_360, %reduce_sum3A_361 [1] : vector<128x20xf32> to vector<128xf32>
      %broadcast_in_dim3A_363 = vector.shape_cast %reduce_sum3A_362 : vector<128xf32> to vector<128x1xf32>
      %add3A_364 = arith.addf %add3A_352, %broadcast_in_dim3A_363 : vector<128x1xf32>
      %mul3A_365 = arith.mulf %exp3A_360, %concatenate3A_224 : vector<128x20xf32>
      %reduce_sum3A_366 = arith.constant dense<0.000000e+00> : vector<128xf32>
      %reduce_sum3A_367 = vector.multi_reduction <add>, %mul3A_365, %reduce_sum3A_366 [1] : vector<128x20xf32> to vector<128xf32>
      %broadcast_in_dim3A_368 = vector.shape_cast %reduce_sum3A_367 : vector<128xf32> to vector<128x1xf32>
      %add3A_369 = arith.addf %add3A_357, %broadcast_in_dim3A_368 : vector<128x1xf32>
      %sub3A_370 = vector.broadcast %max3A_335 : vector<128x1xf32> to vector<128x20xf32>
      %sub3A_371 = arith.subf %concatenate3A_270, %sub3A_370 : vector<128x20xf32>
      %exp3A_372 = math.exp %sub3A_371 : vector<128x20xf32>
      %reduce_sum3A_373 = arith.constant dense<0.000000e+00> : vector<128xf32>
      %reduce_sum3A_374 = vector.multi_reduction <add>, %exp3A_372, %reduce_sum3A_373 [1] : vector<128x20xf32> to vector<128xf32>
      %broadcast_in_dim3A_375 = vector.shape_cast %reduce_sum3A_374 : vector<128xf32> to vector<128x1xf32>
      %add3A_376 = arith.addf %add3A_364, %broadcast_in_dim3A_375 : vector<128x1xf32>
      %mul3A_377 = arith.mulf %exp3A_372, %concatenate3A_271 : vector<128x20xf32>
      %reduce_sum3A_378 = arith.constant dense<0.000000e+00> : vector<128xf32>
      %reduce_sum3A_379 = vector.multi_reduction <add>, %mul3A_377, %reduce_sum3A_378 [1] : vector<128x20xf32> to vector<128xf32>
      %broadcast_in_dim3A_380 = vector.shape_cast %reduce_sum3A_379 : vector<128xf32> to vector<128x1xf32>
      %add3A_381 = arith.addf %add3A_369, %broadcast_in_dim3A_380 : vector<128x1xf32>
      %sub3A_382 = vector.broadcast %max3A_335 : vector<128x1xf32> to vector<128x20xf32>
      %sub3A_383 = arith.subf %concatenate3A_317, %sub3A_382 : vector<128x20xf32>
      %exp3A_384 = math.exp %sub3A_383 : vector<128x20xf32>
      %reduce_sum3A_385 = arith.constant dense<0.000000e+00> : vector<128xf32>
      %reduce_sum3A_386 = vector.multi_reduction <add>, %exp3A_384, %reduce_sum3A_385 [1] : vector<128x20xf32> to vector<128xf32>
      %broadcast_in_dim3A_387 = vector.shape_cast %reduce_sum3A_386 : vector<128xf32> to vector<128x1xf32>
      %add3A_388 = arith.addf %add3A_376, %broadcast_in_dim3A_387 : vector<128x1xf32>
      %mul3A_389 = arith.mulf %exp3A_384, %concatenate3A_318 : vector<128x20xf32>
      %reduce_sum3A_390 = arith.constant dense<0.000000e+00> : vector<128xf32>
      %reduce_sum3A_391 = vector.multi_reduction <add>, %mul3A_389, %reduce_sum3A_390 [1] : vector<128x20xf32> to vector<128xf32>
      %broadcast_in_dim3A_392 = vector.shape_cast %reduce_sum3A_391 : vector<128xf32> to vector<128x1xf32>
      %add3A_393 = arith.addf %add3A_381, %broadcast_in_dim3A_392 : vector<128x1xf32>
      %eq3A_394 = vector.broadcast %scan3A_50 : i32 to vector<128x19xi32>
      %eq3A_395 = arith.cmpi eq, %iota3A, %eq3A_394 : vector<128x19xi32>
      %div3A_396 = arith.divf %add3A_393, %add3A_388 : vector<128x1xf32>
      %broadcast_in_dim3A_397 = vector.shape_cast %div3A_396 : vector<128x1xf32> to vector<128x1xf32>
      %broadcast_in_dim3A_398 = vector.broadcast %broadcast_in_dim3A_397 : vector<128x1xf32> to vector<128x19xf32>
      %select_n3A_399 = arith.select %eq3A_395, %broadcast_in_dim3A_398, %scan3A_51 : vector<128x19xi1>, vector<128x19xf32>
      scf.yield %select_n3A_399 : vector<128x19xf32>
    }
    %scan3A_47 = arith.constant 19 : i32
    %swap3A = arith.constant 0 : index
    %swap3A_48 = arith.constant 0 : index
    %swap3A_49 = vector.load %arg8[%swap3A, %swap3A_48] : memref<128x19xf32, #tpu.memory_space<vmem>>, vector<128x19xf32>
    tpu.vector_store %arg8[%swap3A, %swap3A_48], %scan3A_46 {strides = array<i32>} : memref<128x19xf32, #tpu.memory_space<vmem>>, vector<128x19xf32>,
    return
  }
}

</mosaic_0001>

<sc_bundles>
// kernel: kernel.11.cloned.1.call-start
scs
__scs_entry_jumppad:
0x0: {  	(pc) =	sbr.rel $0x88, $3  }
0x1: {  	(tag) =	ssettag $0x0;
	lr =	simm.s32 $0x1  }
0x2: {  	[smem:$0x3F7F] =	sst lr;
	_ =	strace $0xD0000000  }
0x3: {  	_ = 	snop  }
0x4: {  	_ = 	snop  }
0x5: {  	_ = 	snop  }
0x6: {  	_ = 	snop  }
0x7: {  	_ = 	snop  }
__scs_overlays_trampoline_lowered:
0x8: {  	[smem:$0x3F8E] =	sst s0  }
0x9: {  	[smem:$0x3F8F] =	sst s1  }
0xa: {  	[smem:$0x3F90] =	sst s2  }
0xb: {  	[smem:$0x3F91] =	sst s3  }
0xc: {  	[smem:$0x3F92] =	sst s4  }
0xd: {  	[smem:$0x3F93] =	sst s5  }
0xe: {  	[smem:$0x3F94] =	sst s6  }
0xf: {  	[smem:$0x3F95] =	sst s7  }
0x10: {  	[smem:$0x3F96] =	sst s8  }
0x11: {  	[smem:$0x3F97] =	sst s9;
	s0 =	simm.s32 @!p0 $0x0  }
0x12: {  	s1 =	sld [smem:$0x3F7D];
	s0 =	simm.s32 @p0 $0x1  }
0x13: {  	[smem:$0x3F98] =	sst s0;
	s0 =	simm.s32 @!p1 $0x0  }
0x14: {  	s2 =	sld [smem:$0x3F7C];
	s0 =	simm.s32 @p1 $0x1  }
0x15: {  	[smem:$0x3F99] =	sst s0;
	s0 =	simm.s32 @!p2 $0x0  }
0x16: {  	s3 =	sld [smem:$0x3FDB];
	s0 =	simm.s32 @p2 $0x1  }
0x17: {  	s4 =	simm.s32 $0x1BF5;
	[smem:$0x3F9B] =	sst s0  }
0x18: {  	s0 =	sld [smem:$0x3F7E];
	_ =	swait.ge [sflag:s4], $0x0  }
0x19: {  	s7 =	sld [smem:$0x3F7F]  }
0x1a: {  	s8 =	sadd.s32 $0xFFFFE003, lr  }
0x1b: {  	s9 =	sadd.s32 $0xFFFFFEF7, lr;
	s5 =	simm.s32 $0xFFFFFFFF;
	p2 =	slt.u32 s8, $0xFFFFF086  }
0x1c: {  	p1 =	slt.u32 s9, $0xF7A;
	s5 =	simm.s32 @!p2 $0x0  }
0x1d: {  	s5 =	simm.s32 @p1 $0x1;
	p0 =	seq.s32 s7, s2  }
0x1e: {  	s7 =	smul.u32 @!p0 $0xF7A, s2;
	p2 =	seq.s32 @!p0 s5, $0x0  }
0x1f: {  	s9 =	smul.u32 $0xF7A, s1;
	s8 =	simm.s32 @!p0 $0x1BF5;
	p2 =	por !p2, p0  }
0x20: {  	[sflag:s8] =	ssyncset.s32 @!p0 $0xFFFFF086;
	s6 =	sadd.s32 @!p0 s3, s7;
	s7 =	simm.s32 @!p0 $0x108  }
0x21: {  	s3 =	sadd.s32 s3, s9;
	s6 =	sadd.s32 @!p0 $0x88, s6;
	s7 =	simm.s32 @p2 $0x1082  }
0x22: {  	[simem:s7], [sflag:s8] =	dma.local @!p0 [hbm:s6], $0xF7A  }
0x23: {  	s9 =	sor.u32 $0xD0000000, s2;
	s6 =	simm.s32 $0x108;
	_ =	swait.ge @!p0 [sflag:s8], $0x0  }
0x24: {  	s3 =	sadd.s32 $0x88, s3;
	s6 =	simm.s32 @!p1 $0x1082;
	[sflag:s4] =	ssyncset.s32 $0xFFFFF086  }
0x25: {  	[simem:s6], [sflag:s4] =	dma.local [hbm:s3], $0xF7A  }
0x26: {  	[smem:$0x3F7F] =	sst s1;
	(tag) =	ssettag s2;
	_ =	strace s9  }
0x27: {  	s1 =	sld [smem:$0x3F8F]  }
0x28: {  	s2 =	sld [smem:$0x3F90]  }
0x29: {  	s4 =	sld [smem:$0x3F92]  }
0x2a: {  	p0 =	seq.s32 s5, $0x0;
	s5 =	sld [smem:$0x3F93]  }
0x2b: {  	s6 =	sld [smem:$0x3F94]  }
0x2c: {  	s7 =	sld [smem:$0x3F95]  }
0x2d: {  	s3 =	simm.s32 $0x108;
	s8 =	sld [smem:$0x3F96]  }
0x2e: {  	s3 =	simm.s32 @!p0 $0x1082;
	s9 =	sld [smem:$0x3F97]  }
0x2f: {  	lr =	sadd.s32 s0, s3;
	s0 =	sld [smem:$0x3F8E]  }
0x30: {  	s3 =	sld [smem:$0x3F91]  }
0x31: {  	[smem:$0x3F9A] =	sst s10  }
0x32: {  	s10 =	sld [smem:$0x3F98];
	_ =	sdelay $0x3  }
0x33: {  	p0 =	seq.s32 s10, $0x1;
	s10 =	sld [smem:$0x3F9A];
	_ =	sdelay $0x3  }
0x34: {  	[smem:$0x3F9A] =	sst s10  }
0x35: {  	s10 =	sld [smem:$0x3F99];
	_ =	sdelay $0x3  }
0x36: {  	p1 =	seq.s32 s10, $0x1;
	s10 =	sld [smem:$0x3F9A];
	_ =	sdelay $0x3  }
0x37: {  	[smem:$0x3F9A] =	sst s10  }
0x38: {  	s10 =	sld [smem:$0x3F9B]  }
0x39: {  	_ = 	snop;
	(pc) =	sbr.ind lr, $3  }
0x3a: {  	_ = 	snop  }
0x3b: {  	_ = 	snop  }
0x3c: {  	p2 =	seq.s32 s10, $0x1;
	s10 =	sld [smem:$0x3F9A]  }
0x3d: {  	_ =	shalt  }
0x3e: {  	_ =	shalt  }
0x3f: {  	_ =	shalt  }
0x40: {  	_ =	shalt  }
0x41: {  	_ =	shalt  }
0x42: {  	_ =	shalt  }
0x43: {  	_ =	shalt  }
0x44: {  	_ =	shalt  }
0x45: {  	_ =	shalt  }
0x46: {  	_ =	shalt  }
0x47: {  	_ =	shalt  }
0x48: {  	_ =	shalt  }
0x49: {  	_ =	shalt  }
0x4a: {  	_ =	shalt  }
0x4b: {  	_ =	shalt  }
0x4c: {  	_ =	shalt  }
0x4d: {  	_ =	shalt  }
0x4e: {  	_ =	shalt  }
0x4f: {  	_ =	shalt  }
0x50: {  	_ =	shalt  }
0x51: {  	_ =	shalt  }
0x52: {  	_ =	shalt  }
0x53: {  	_ =	shalt  }
0x54: {  	_ =	shalt  }
0x55: {  	_ =	shalt  }
0x56: {  	_ =	shalt  }
0x57: {  	_ =	shalt  }
0x58: {  	_ =	shalt  }
0x59: {  	_ =	shalt  }
0x5a: {  	_ =	shalt  }
0x5b: {  	_ =	shalt  }
0x5c: {  	_ =	shalt  }
0x5d: {  	_ =	shalt  }
0x5e: {  	_ =	shalt  }
0x5f: {  	_ =	shalt  }
0x60: {  	_ =	shalt  }
0x61: {  	_ =	shalt  }
0x62: {  	_ =	shalt  }
0x63: {  	_ =	shalt  }
0x64: {  	_ =	shalt  }
0x65: {  	_ =	shalt  }
0x66: {  	_ =	shalt  }
0x67: {  	_ =	shalt  }
0x68: {  	_ =	shalt  }
0x69: {  	_ =	shalt  }
0x6a: {  	_ =	shalt  }
0x6b: {  	_ =	shalt  }
0x6c: {  	_ =	shalt  }
0x6d: {  	_ =	shalt  }
0x6e: {  	_ =	shalt  }
0x6f: {  	_ =	shalt  }
0x70: {  	_ =	shalt  }
0x71: {  	_ =	shalt  }
0x72: {  	_ =	shalt  }
0x73: {  	_ =	shalt  }
0x74: {  	_ =	shalt  }
0x75: {  	_ =	shalt  }
0x76: {  	_ =	shalt  }
0x77: {  	_ =	shalt  }
0x78: {  	_ =	shalt  }
0x79: {  	_ =	shalt  }
0x7a: {  	_ =	shalt  }
0x7b: {  	_ =	shalt  }
0x7c: {  	_ =	shalt  }
0x7d: {  	_ =	shalt  }
0x7e: {  	_ =	shalt  }
0x7f: {  	_ =	shalt  }
0x80: {  	_ =	shalt  }
0x81: {  	_ =	shalt  }
0x82: {  	_ =	shalt  }
0x83: {  	_ =	shalt  }
0x84: {  	_ =	shalt  }
0x85: {  	_ =	shalt  }
0x86: {  	_ =	shalt  }
0x87: {  	_ =	shalt  }
.Lfunc_end0:
.L_simem_size_0:
called_computation_lowered:
.L_overlay_start_0:
0x88: {  	s2 =	sld [smem:$0x3FD9]  }
0x89: {  	s3 =	sld [smem:$0x3FFE];
	_ =	sdelay $0x1  }
0x8a: {  	s1 =	srdreg.scid  }
0x8b: {  	s0 =	sand.u32 $0x1, s1  }
0x8c: {  	s17 =	sshll.u32 s0, $0xA;
	s2 =	sadd.s32 s3, s2  }
0x8d: {  	s2 =	sadd.s32 s2, s17  }
0x8e: {  	[smem:$0x3FA6] =	sst s2  }
0x8f: {  	_ = 	snop  }
0x90: {  	s2 =	sld [smem:$0x3FD0];
	(tm) =	ssettm $0x1  }
0x91: {  	s18 =	sld [smem:$0x3FFB];
	_ =	sdelay $0x3  }
0x92: {  	_ =	strace s18  }
0x93: {  	s3 =	sld [smem:$0x3FFC];
	_ =	sdelay $0x3  }
0x94: {  	_ =	strace s3  }
0x95: {  	s3 =	sld [smem:$0x3FFD];
	_ =	sdelay $0x3  }
0x96: {  	_ =	strace s3  }
0x97: {  	_ =	strace $0x8FFFFFFF  }
0x98: {  	s19 =	sld [smem:$0x3FDB];
	_ =	sdelay $0x1  }
0x99: {  	s4 =	simm.s32 $_scs_section_size  }
0x9a: {  	s5 =	simm.s32 $_size__tile_overlayer_lowered;
	s6 =	simm.s32 $_tile_overlayer_lowered  }
0x9b: {  	s22 =	simm.s32 $0x1BFF;
	s21 =	sshll.u32 s6, $0x1;
	s3 =	sadd.s32 s4, s19  }
0x9c: {  	s7 =	simm.s32 $0x0;
	s20 =	sshll.u32 s5, $0x1;
	s5 =	sadd.s32 s21, s3  }
0x9d: {  	[timem:s7], [sflag:s22] =	dma.local [hbm:s5], s20  }
0x9e: {  	_ =	swait.ge [sflag:s22], s20  }
0x9f: {  	s4 =	ssub.s32 $0x0, s20;
	[sflag:s22] =	ssyncset.done $0x0  }
0xa0: {  	[sflag:s22] =	ssyncadd.s32 s4;
	_ =	sdelay $0x1  }
0xa1: {  	s23 =	simm.s32 $0x1B8B  }
0xa2: {  	_ =	swait.ge [sflag:s23], $0x1  }
0xa3: {  	[sflag:s23] =	ssyncset.done $0x0  }
0xa4: {  	s25 =	simm.s32 $0x1B8E;
	s24 =	sld [smem:$0x3FFE];
	[sflag:s23] =	ssyncadd.s32 $0xFFFFFFFF  }
0xa5: {  	s26 =	simm.s32 $execute0_lowered;
	[smem:$0x3FD2] =	sst s25  }
0xa6: {  	s5 =	sshll.u32 s26, $0x1;
	_ =	strace $0x80000046;
	[dreg:$0x1] =	wrdreg $0xFFFFFFFF  }
0xa7: {  	s28 =	simm.s32 $_size_execute0_lowered;
	s3 =	sadd.s32 s3, s5;
	[dreg:$0x0] =	wrdreg $0x0  }
0xa8: {  	s5 =	sshll.u32 s28, $0x1;
	[dreg:$0x2] =	wrdreg s3  }
0xa9: {  	[dreg:$0x3] =	wrdreg s5  }
0xaa: {  	[dreg:$0x4] =	wrdreg $0xC0  }
0xab: {  	_ =	task [dreg:s7], $0x5FFFF  }
0xac: {  	[dreg:$0x1] =	wrdreg $0xFFFFFFFF  }
0xad: {  	[dreg:$0x0] =	wrdreg $0x60  }
0xae: {  	[dreg:$0x2] =	wrdreg s24  }
0xaf: {  	[dreg:$0x3] =	wrdreg s2  }
0xb0: {  	[dreg:$0x4] =	wrdreg $0x9  }
0xb1: {  	_ =	task.clear_ibuf [dreg:s7], $0x5FFFF;
	_ =	strace $0x90000046  }
0xb2: {  	s29 =	simm.s32 $0x9;
	_ =	strace $0x80000048  }
0xb3: {  	_ =	swait.ge [sflag:s29], $0x1  }
0xb4: {  	[sflag:s29] =	ssyncadd.s32 $0xFFFFFFFF  }
0xb5: {  	_ =	strace $0x90000048  }
0xb6: {  	_ =	sfence  }
0xb7: {  	s30 =	sld [smem:$0x0];
	_ =	sdelay $0x2  }
0xb8: {  	s31 =	sshll.u32 s1, $0xD;
	s1 =	sshrl.u32 s1, $0x2  }
0xb9: {  	s3 =	sand.u32 $0x4000, s31;
	s1 =	sadd.s32 s1, s30  }
0xba: {  	s0 =	sor.u32 s3, s0;
	s1 =	sshll.u32 s1, $0x11  }
0xbb: {  	s0 =	sor.u32 s1, s0  }
0xbc: {  	s0 =	sadd.s32 $0x8F2B, s0  }
0xbd: {  	[sflag:s0] =	ssyncadd.remote.s32 $0x1  }
0xbe: {  	_ =	sfence.sel $0xFFFF  }
0xbf: {  	[dreg:$0x0] =	wrdreg $0xFFFFFFFF;
	(pc) =	sbr.abs _section_cstart, $3  }
0xc0: {  	[dreg:$0x1] =	wrdreg $0xFFFFFFFF  }
0xc1: {  	_ =	task.clear_ibuf [dreg:s7], $0x2FFFF;
	_ =	strace $0x9FFFFFFF  }
0xc2: {  	(tm) =	ssettm $0x7FFFFFFF  }
0xc3: {  	_ =	shalt  }
tec
execute0_lowered:
.L_overlay_start_1:
0x0: {  	(tag) =	ssettag $0x1  }
0x1: {  	s18 =	stileid.u32;
	s10 =	rddreg [dreg:$0x0]  }
0x2: {  	s0 =	srdreg.scid;
	s7 =	rddreg [dreg:$0x1]  }
0x3: {  	s30 =	simm.s32 $0x8300;
	s0 =	sand.u32 $0x1, s0;
	s1 =	sshll.u32 s18, $0x1  }
0x4: {  	s31 =	simm.s32 $0x8380;
	s28 =	simm.s32 $0x0;
	s1 =	sor.u32 s0, s1  }
0x5: {  	s3 =	sadd.s32 $0xA6C00, s10;
	s4 =	sadd.s32 $0xF5200, s10;
	s6 =	smul.u32 $0xF0, s1  }
0x6: {  	s5 =	sadd.s32 $0xF5400, s10;
	s8 =	sadd.s32 $0x1E2800, s10;
	s12 =	smul.u32 $0x50, s1  }
0x7: {  	s9 =	sadd.s32 $0x36A800, s10;
	s2 =	ssub.s32 $0x2, s0;
	s17 =	smul.u32 $0x500, s1  }
0x8: {  	s13 =	sadd.s32 $0x374800, s10;
	s14 =	sshrl.u32 s2, $0x1;
	s1 =	smul.u32 $0xF00, s1  }
0x9: {  	s23 =	sadd.s32 $0x28, s12;
	s12 =	sshrl.u32 s12, $0x3;
	s25 =	sadd.s32 s8, s17  }
0xa: {  	s11 =	sadd.s32 $0xC0, s6;
	[dreg:$0x4] =	wrdreg s25;
	s26 =	sadd.s32 s4, s12  }
0xb: {  	s29 =	sadd.s32 s7, s12;
	s12 =	sadd.s32 s9, s17;
	[dreg:$0x6] =	wrdreg s26  }
0xc: {  	s20 =	sshrl.u32 s6, $0x3;
	s17 =	sadd.s32 s13, s17;
	[dreg:$0x8] =	wrdreg s12  }
0xd: {  	s15 =	sshrl.u32 s11, $0x3;
	s21 =	sadd.s32 s3, s20;
	[dreg:$0xb] =	wrdreg s17  }
0xe: {  	s24 =	sshll.u32 s23, $0x4;
	s22 =	sadd.s32 s3, s15;
	[dreg:$0xd] =	wrdreg s21  }
0xf: {  	s16 =	sshrl.u32 s23, $0x3;
	s8 =	sadd.s32 s8, s24;
	[dreg:$0x3] =	wrdreg s22  }
0x10: {  	s2 =	ssub.s32 s2, s14;
	s4 =	sadd.s32 s4, s16;
	[dreg:$0x5] =	wrdreg s8  }
0x11: {  	s2 =	smax.u32 s2, $0x1;
	s14 =	sadd.s32 s9, s24;
	[dreg:$0x7] =	wrdreg s4  }
0x12: {  	s19 =	sadd.s32 s7, s16;
	s16 =	sadd.s32 s5, s15;
	[dreg:$0x9] =	wrdreg s14  }
0x13: {  	s7 =	sadd.s32 s13, s24;
	s9 =	sadd.s32 $0x60, s6;
	[dreg:$0xa] =	wrdreg s16  }
0x14: {  	s21 =	sadd.s32 $0x34C800, s10;
	[dreg:$0xc] =	wrdreg s7;
	s7 =	sadd.s32 $0x30, s6  }
0x15: {  	s6 =	sadd.s32 $0x90, s6;
	s24 =	sshrl.u32 s9, $0x3;
	s14 =	sadd.s32 s5, s20  }
0x16: {  	s20 =	sshll.u32 s11, $0x4;
	s11 =	sadd.s32 s21, s1;
	[dreg:$0x11] =	wrdreg s14  }
0x17: {  	s8 =	sadd.s32 $0xF5800, s10;
	s26 =	sadd.s32 s3, s24;
	[dreg:$0x17] =	wrdreg s11  }
0x18: {  	s22 =	sshrl.u32 s7, $0x3;
	s16 =	sadd.s32 s5, s24;
	[dreg:$0xf] =	wrdreg s26  }
0x19: {  	s25 =	sshrl.u32 s6, $0x3;
	s23 =	sadd.s32 s3, s22;
	[dreg:$0x13] =	wrdreg s16  }
0x1a: {  	s24 =	sshll.u32 s7, $0x4;
	s3 =	sadd.s32 s3, s25;
	[dreg:$0xe] =	wrdreg s23  }
0x1b: {  	s6 =	sshll.u32 s6, $0x4;
	s15 =	sadd.s32 s5, s22;
	[dreg:$0x10] =	wrdreg s3  }
0x1c: {  	s14 =	smul.u32 $0x1420, s18;
	s17 =	sadd.s32 s5, s25;
	[dreg:$0x12] =	wrdreg s15  }
0x1d: {  	s11 =	simm.s32 $0x9B80;
	s12 =	sadd.s32 s21, s24;
	[dreg:$0x14] =	wrdreg s17  }
0x1e: {  	s22 =	sadd.s32 $0x32E800, s10;
	s4 =	sadd.s32 s21, s6;
	[dreg:$0x18] =	wrdreg s12  }
0x1f: {  	s25 =	sshll.u32 s9, $0x4;
	s23 =	sadd.s32 s21, s20;
	[dreg:$0x1a] =	wrdreg s4  }
0x20: {  	s26 =	smul.u32 $0x14200, s18;
	s3 =	sadd.s32 s22, s20;
	[dreg:$0x15] =	wrdreg s23  }
0x21: {  	s16 =	smul.u32 $0xA10, s0;
	s13 =	sadd.s32 s21, s25;
	[dreg:$0x16] =	wrdreg s3  }
0x22: {  	s5 =	sadd.s32 $0x58A00, s10;
	s1 =	sadd.s32 s22, s1;
	[dreg:$0x19] =	wrdreg s13  }
0x23: {  	s9 =	sadd.s32 $0x143A00, s10;
	s15 =	sadd.s32 s22, s24;
	[dreg:$0x1b] =	wrdreg s1  }
0x24: {  	s17 =	sadd.s32 s22, s25;
	s18 =	sadd.s32 s22, s6;
	[dreg:$0x1c] =	wrdreg s15  }
0x25: {  	s20 =	smul.u32 $0xA100, s0;
	s0 =	simm.s32 $0x0;
	[dreg:$0x1d] =	wrdreg s17  }
0x26: {  	s24 =	sadd.s32 $0xA800, s10;
	s25 =	sadd.s32 $0xA7000, s10;
	[dreg:$0x1e] =	wrdreg s18  }
0x27: {  	s1 =	sadd.s32 s16, s14;
	s21 =	sadd.s32 s26, s10;
	[smem:$0x7FF] =	sst s0  }
0x28: {  	s23 =	sadd.s32 $0x191C00, s10;
	s26 =	sadd.s32 $0x194600, s10;
	s13 =	simm.s32 $0x3  }
0x29: {  	s14 =	simm.s32 $0x30;
	_ =	strace $0x80000047;
	[dreg:$0x1f] =	wrdreg s24  }
0x2a: {  	s15 =	simm.s32 $0x80;
	s18 =	simm.s32 $0x1;
	[smem:$0x7FB] =	sst s25  }
0x2b: {  	s3 =	sadd.s32 s20, s21;
	s22 =	sadd.s32 $0x38, s1;
	[smem:$0x7FC] =	sst s26  }
0x2c: {  	s1 =	sshrl.u32 s1, $0x3;
	[smem:$0x7FD] =	sst s2;
	s21 =	simm.s32 $0x28  }
0x2d: {  	s20 =	simm.s32 $0x9C00;
	s24 =	simm.s32 $0xB480;
	s25 =	simm.s32 $0xD080  }
0x2e: {  	s26 =	simm.s32 $0xD100;
	s4 =	sshrl.u32 s22, $0x3;
	s1 =	sadd.s32 s1, s23  }
0x2f: {  	s12 =	sadd.s32 $0x1EC800, s3;
	s3 =	smov.u32 s19;
	s19 =	simm.s32 $0x2  }
0x30: {  	s22 =	simm.s32 $0xB400;
	s4 =	sadd.s32 s4, s23;
	s23 =	simm.s32 $0x38  }
.LBB2_1:
0x31: {  	s2 =	rddreg [dreg:$0xd]  }
0x32: {  	[tilespmem:s0], [sflag:$0x3] =	stream.linear.gather [hbm4b:s2+s0], $0x30, $0x38;
	[tilespmem:$0x11600] =	vst v63  }
0x33: {  	_ =	swait.ge [sflag:s13], $0x30  }
0x34: {  	[sflag:s13] =	ssyncset.done $0x0  }
0x35: {  	[sflag:s13] =	ssyncadd.s32 $0xFFFFFFD0  }
0x36: {  	[tilespmem:s15], [sflag:$0x1] =	stream.indirect.gather [hbm4b:s5+s14], $0x80, s0, s14, $0xb8;
	[tilespmem:$0x11600] =	vst v63  }
0x37: {  	s6 =	simm.s32 $0x1880;
	s10 =	rddreg [dreg:$0xe]  }
0x38: {  	[tilespmem:s6], [sflag:$0x3] =	stream.linear.gather [hbm4b:s10+s0], $0x30, $0x38;
	[tilespmem:$0x11600] =	vst v63  }
0x39: {  	_ =	swait.ge [sflag:s13], $0x30  }
0x3a: {  	[sflag:s13] =	ssyncset.done $0x0  }
0x3b: {  	s7 =	simm.s32 $0x1900;
	[sflag:s13] =	ssyncadd.s32 $0xFFFFFFD0  }
0x3c: {  	[tilespmem:s7], [sflag:$0x2] =	stream.indirect.gather [hbm4b:s5+s14], $0x80, s6, s14, $0xb8;
	[tilespmem:$0x11600] =	vst v63  }
0x3d: {  	_ =	swait.ge [sflag:s18], $0x1800  }
0x3e: {  	[sflag:s18] =	ssyncset.done $0x0  }
0x3f: {  	s16 =	rddreg [dreg:$0x17];
	[sflag:s18] =	ssyncadd.s32 $0xFFFFE800  }
0x40: {  	[hbm4b:s16+s0] =	stream.linear.scatter [tilespmem:s15], [sflag:$0x3], $0x1800, $0x38;
	[tilespmem:$0x11600] =	vst v63  }
0x41: {  	_ =	swait.ge [sflag:s13], $0x1800  }
0x42: {  	[sflag:s13] =	ssyncset.done $0x0  }
0x43: {  	[sflag:s13] =	ssyncadd.s32 $0xFFFFE800  }
0x44: {  	_ =	swait.ge [sflag:s19], $0x1800  }
0x45: {  	[sflag:s19] =	ssyncset.done $0x0  }
0x46: {  	s17 =	rddreg [dreg:$0x18];
	[sflag:s19] =	ssyncadd.s32 $0xFFFFE800  }
0x47: {  	[hbm4b:s17+s0] =	stream.linear.scatter [tilespmem:s7], [sflag:$0x3], $0x1800, $0x38;
	[tilespmem:$0x11600] =	vst v63  }
0x48: {  	_ =	swait.ge [sflag:s13], $0x1800  }
0x49: {  	[sflag:s13] =	ssyncset.done $0x0  }
0x4a: {  	s10 =	rddreg [dreg:$0xf];
	[sflag:s13] =	ssyncadd.s32 $0xFFFFE800  }
0x4b: {  	[tilespmem:s0], [sflag:$0x3] =	stream.linear.gather [hbm4b:s10+s0], $0x30, $0x38;
	[tilespmem:$0x11600] =	vst v63  }
0x4c: {  	_ =	swait.ge [sflag:s13], $0x30  }
0x4d: {  	[sflag:s13] =	ssyncset.done $0x0  }
0x4e: {  	[sflag:s13] =	ssyncadd.s32 $0xFFFFFFD0  }
0x4f: {  	[tilespmem:s15], [sflag:$0x1] =	stream.indirect.gather [hbm4b:s5+s14], $0x80, s0, s14, $0xb8;
	[tilespmem:$0x11600] =	vst v63  }
0x50: {  	s16 =	rddreg [dreg:$0x10]  }
0x51: {  	[tilespmem:s6], [sflag:$0x3] =	stream.linear.gather [hbm4b:s16+s0], $0x30, $0x38;
	[tilespmem:$0x11600] =	vst v63  }
0x52: {  	_ =	swait.ge [sflag:s13], $0x30  }
0x53: {  	[sflag:s13] =	ssyncset.done $0x0  }
0x54: {  	[sflag:s13] =	ssyncadd.s32 $0xFFFFFFD0  }
0x55: {  	[tilespmem:s7], [sflag:$0x2] =	stream.indirect.gather [hbm4b:s5+s14], $0x80, s6, s14, $0xb8;
	[tilespmem:$0x11600] =	vst v63  }
0x56: {  	_ =	swait.ge [sflag:s18], $0x1800  }
0x57: {  	[sflag:s18] =	ssyncset.done $0x0  }
0x58: {  	s17 =	rddreg [dreg:$0x19];
	[sflag:s18] =	ssyncadd.s32 $0xFFFFE800  }
0x59: {  	[hbm4b:s17+s0] =	stream.linear.scatter [tilespmem:s15], [sflag:$0x3], $0x1800, $0x38;
	[tilespmem:$0x11600] =	vst v63  }
0x5a: {  	_ =	swait.ge [sflag:s13], $0x1800  }
0x5b: {  	[sflag:s13] =	ssyncset.done $0x0  }
0x5c: {  	[sflag:s13] =	ssyncadd.s32 $0xFFFFE800  }
0x5d: {  	_ =	swait.ge [sflag:s19], $0x1800  }
0x5e: {  	[sflag:s19] =	ssyncset.done $0x0  }
0x5f: {  	s6 =	rddreg [dreg:$0x1a];
	[sflag:s19] =	ssyncadd.s32 $0xFFFFE800  }
0x60: {  	[hbm4b:s6+s0] =	stream.linear.scatter [tilespmem:s7], [sflag:$0x3], $0x1800, $0x38;
	[tilespmem:$0x11600] =	vst v63  }
0x61: {  	_ =	swait.ge [sflag:s13], $0x1800  }
0x62: {  	[sflag:s13] =	ssyncset.done $0x0  }
0x63: {  	s10 =	rddreg [dreg:$0x3];
	[sflag:s13] =	ssyncadd.s32 $0xFFFFE800  }
0x64: {  	[tilespmem:s0], [sflag:$0x3] =	stream.linear.gather [hbm4b:s10+s0], $0x30, $0x38;
	[tilespmem:$0x11600] =	vst v63  }
0x65: {  	_ =	swait.ge [sflag:s13], $0x30  }
0x66: {  	[sflag:s13] =	ssyncset.done $0x0  }
0x67: {  	[sflag:s13] =	ssyncadd.s32 $0xFFFFFFD0  }
0x68: {  	[tilespmem:s15], [sflag:$0x1] =	stream.indirect.gather [hbm4b:s5+s14], $0x80, s0, s14, $0xb8;
	[tilespmem:$0x11600] =	vst v63  }
0x69: {  	_ =	swait.ge [sflag:s18], $0x1800  }
0x6a: {  	[sflag:s18] =	ssyncset.done $0x0  }
0x6b: {  	s16 =	rddreg [dreg:$0x15];
	[sflag:s18] =	ssyncadd.s32 $0xFFFFE800  }
0x6c: {  	[hbm4b:s16+s0] =	stream.linear.scatter [tilespmem:s15], [sflag:$0x3], $0x1800, $0x38;
	[tilespmem:$0x11600] =	vst v63  }
0x6d: {  	_ =	swait.ge [sflag:s13], $0x1800  }
0x6e: {  	[sflag:s13] =	ssyncset.done $0x0  }
0x6f: {  	s17 =	simm.s32 $0x3100;
	[sflag:s13] =	ssyncadd.s32 $0xFFFFE800  }
0x70: {  	[tilespmem:s17], [sflag:$0x3] =	stream.linear.gather [hbm4b:s29+s0], $0x28, $0x38;
	[tilespmem:$0x11600] =	vst v63  }
0x71: {  	_ =	swait.ge [sflag:s13], $0x28  }
0x72: {  	[sflag:s13] =	ssyncset.done $0x0  }
0x73: {  	s7 =	simm.s32 $0x3180;
	s2 =	rddreg [dreg:$0x1f];
	[sflag:s13] =	ssyncadd.s32 $0xFFFFFFD8  }
0x74: {  	[tilespmem:s7], [sflag:$0x1] =	stream.indirect.gather [hbm4b:s2+s21], $0x80, s17, s21, $0xb8;
	[tilespmem:$0x11600] =	vst v63  }
0x75: {  	s10 =	simm.s32 $0x4580  }
0x76: {  	[tilespmem:s10], [sflag:$0x3] =	stream.linear.gather [hbm4b:s3+s0], $0x28, $0x38;
	[tilespmem:$0x11600] =	vst v63  }
0x77: {  	_ =	swait.ge [sflag:s13], $0x28  }
0x78: {  	[sflag:s13] =	ssyncset.done $0x0  }
0x79: {  	s17 =	smov.u32 s3;
	s3 =	simm.s32 $0x4600;
	[sflag:s13] =	ssyncadd.s32 $0xFFFFFFD8  }
0x7a: {  	[tilespmem:s3], [sflag:$0x2] =	stream.indirect.gather [hbm4b:s2+s21], $0x80, s10, s21, $0xb8;
	[tilespmem:$0x11600] =	vst v63  }
0x7b: {  	_ =	swait.ge [sflag:s18], $0x1400  }
0x7c: {  	[sflag:s18] =	ssyncset.done $0x0  }
0x7d: {  	s10 =	rddreg [dreg:$0x4];
	[sflag:s18] =	ssyncadd.s32 $0xFFFFEC00  }
0x7e: {  	[hbm4b:s10+s0] =	stream.linear.scatter [tilespmem:s7], [sflag:$0x3], $0x1400, $0x38;
	[tilespmem:$0x11600] =	vst v63  }
0x7f: {  	_ =	swait.ge [sflag:s13], $0x1400  }
0x80: {  	[sflag:s13] =	ssyncset.done $0x0  }
0x81: {  	[sflag:s13] =	ssyncadd.s32 $0xFFFFEC00  }
0x82: {  	_ =	swait.ge [sflag:s19], $0x1400  }
0x83: {  	[sflag:s19] =	ssyncset.done $0x0  }
0x84: {  	s6 =	rddreg [dreg:$0x5];
	[sflag:s19] =	ssyncadd.s32 $0xFFFFEC00  }
0x85: {  	[hbm4b:s6+s0] =	stream.linear.scatter [tilespmem:s3], [sflag:$0x3], $0x1400, $0x38;
	[tilespmem:$0x11600] =	vst v63  }
0x86: {  	_ =	swait.ge [sflag:s13], $0x1400  }
0x87: {  	[sflag:s13] =	ssyncset.done $0x0  }
0x88: {  	s10 =	simm.s32 $0x5A00;
	s7 =	rddreg [dreg:$0x6];
	[sflag:s13] =	ssyncadd.s32 $0xFFFFEC00  }
0x89: {  	[tilespmem:s10], [sflag:$0x3] =	stream.linear.gather [hbm4b:s7+s0], $0x28, $0x38;
	[tilespmem:$0x11600] =	vst v63  }
0x8a: {  	_ =	swait.ge [sflag:s13], $0x28  }
0x8b: {  	s3 =	sld [smem:$0x7FB]  }
0x8c: {  	[sflag:s13] =	ssyncset.done $0x0  }
0x8d: {  	s7 =	simm.s32 $0x5A80;
	[sflag:s13] =	ssyncadd.s32 $0xFFFFFFD8  }
0x8e: {  	[tilespmem:s7], [sflag:$0x1] =	stream.indirect.gather [hbm4b:s3+s21], $0x80, s10, s21, $0xb8;
	[tilespmem:$0x11600] =	vst v63  }
0x8f: {  	s6 =	simm.s32 $0x6E80;
	s10 =	rddreg [dreg:$0x7]  }
0x90: {  	[tilespmem:s6], [sflag:$0x3] =	stream.linear.gather [hbm4b:s10+s0], $0x28, $0x38;
	[tilespmem:$0x11600] =	vst v63  }
0x91: {  	_ =	swait.ge [sflag:s13], $0x28  }
0x92: {  	[sflag:s13] =	ssyncset.done $0x0  }
0x93: {  	s10 =	simm.s32 $0x6F00;
	[sflag:s13] =	ssyncadd.s32 $0xFFFFFFD8  }
0x94: {  	[tilespmem:s10], [sflag:$0x2] =	stream.indirect.gather [hbm4b:s3+s21], $0x80, s6, s21, $0xb8;
	[tilespmem:$0x11600] =	vst v63  }
0x95: {  	_ =	swait.ge [sflag:s18], $0x1400  }
0x96: {  	[sflag:s18] =	ssyncset.done $0x0  }
0x97: {  	s6 =	rddreg [dreg:$0x8];
	[sflag:s18] =	ssyncadd.s32 $0xFFFFEC00  }
0x98: {  	[hbm4b:s6+s0] =	stream.linear.scatter [tilespmem:s7], [sflag:$0x3], $0x1400, $0x38;
	[tilespmem:$0x11600] =	vst v63  }
0x99: {  	_ =	swait.ge [sflag:s13], $0x1400  }
0x9a: {  	[sflag:s13] =	ssyncset.done $0x0  }
0x9b: {  	[sflag:s13] =	ssyncadd.s32 $0xFFFFEC00  }
0x9c: {  	_ =	swait.ge [sflag:s19], $0x1400  }
0x9d: {  	[sflag:s19] =	ssyncset.done $0x0  }
0x9e: {  	s7 =	rddreg [dreg:$0x9];
	[sflag:s19] =	ssyncadd.s32 $0xFFFFEC00  }
0x9f: {  	[hbm4b:s7+s0] =	stream.linear.scatter [tilespmem:s10], [sflag:$0x3], $0x1400, $0x38;
	[tilespmem:$0x11600] =	vst v63  }
0xa0: {  	_ =	swait.ge [sflag:s13], $0x1400  }
0xa1: {  	[sflag:s13] =	ssyncset.done $0x0  }
0xa2: {  	s10 =	rddreg [dreg:$0x11];
	[sflag:s13] =	ssyncadd.s32 $0xFFFFEC00  }
0xa3: {  	[tilespmem:s30], [sflag:$0x3] =	stream.linear.gather [hbm4b:s10+s0], $0x30, $0x38;
	[tilespmem:$0x11600] =	vst v63  }
0xa4: {  	_ =	swait.ge [sflag:s13], $0x30  }
0xa5: {  	[sflag:s13] =	ssyncset.done $0x0  }
0xa6: {  	[sflag:s13] =	ssyncadd.s32 $0xFFFFFFD0  }
0xa7: {  	[tilespmem:s31], [sflag:$0x1] =	stream.indirect.gather [hbm4b:s8+s14], $0x80, s30, s14, $0xb8;
	[tilespmem:$0x11600] =	vst v63  }
0xa8: {  	s3 =	rddreg [dreg:$0x12]  }
0xa9: {  	[tilespmem:s11], [sflag:$0x3] =	stream.linear.gather [hbm4b:s3+s0], $0x30, $0x38;
	[tilespmem:$0x11600] =	vst v63  }
0xaa: {  	_ =	swait.ge [sflag:s13], $0x30  }
0xab: {  	[sflag:s13] =	ssyncset.done $0x0  }
0xac: {  	[sflag:s13] =	ssyncadd.s32 $0xFFFFFFD0  }
0xad: {  	[tilespmem:s20], [sflag:$0x2] =	stream.indirect.gather [hbm4b:s8+s14], $0x80, s11, s14, $0xb8;
	[tilespmem:$0x11600] =	vst v63  }
0xae: {  	_ =	swait.ge [sflag:s18], $0x1800  }
0xaf: {  	[sflag:s18] =	ssyncset.done $0x0  }
0xb0: {  	s6 =	rddreg [dreg:$0x1b];
	[sflag:s18] =	ssyncadd.s32 $0xFFFFE800  }
0xb1: {  	[hbm4b:s6+s0] =	stream.linear.scatter [tilespmem:s31], [sflag:$0x3], $0x1800, $0x38;
	[tilespmem:$0x11600] =	vst v63  }
0xb2: {  	_ =	swait.ge [sflag:s13], $0x1800  }
0xb3: {  	[sflag:s13] =	ssyncset.done $0x0  }
0xb4: {  	[sflag:s13] =	ssyncadd.s32 $0xFFFFE800  }
0xb5: {  	_ =	swait.ge [sflag:s19], $0x1800  }
0xb6: {  	[sflag:s19] =	ssyncset.done $0x0  }
0xb7: {  	s7 =	rddreg [dreg:$0x1c];
	[sflag:s19] =	ssyncadd.s32 $0xFFFFE800  }
0xb8: {  	[hbm4b:s7+s0] =	stream.linear.scatter [tilespmem:s20], [sflag:$0x3], $0x1800, $0x38;
	[tilespmem:$0x11600] =	vst v63  }
0xb9: {  	_ =	swait.ge [sflag:s13], $0x1800  }
0xba: {  	[sflag:s13] =	ssyncset.done $0x0  }
0xbb: {  	s10 =	rddreg [dreg:$0x13];
	[sflag:s13] =	ssyncadd.s32 $0xFFFFE800  }
0xbc: {  	[tilespmem:s30], [sflag:$0x3] =	stream.linear.gather [hbm4b:s10+s0], $0x30, $0x38;
	[tilespmem:$0x11600] =	vst v63  }
0xbd: {  	_ =	swait.ge [sflag:s13], $0x30  }
0xbe: {  	[sflag:s13] =	ssyncset.done $0x0  }
0xbf: {  	[sflag:s13] =	ssyncadd.s32 $0xFFFFFFD0  }
0xc0: {  	[tilespmem:s31], [sflag:$0x1] =	stream.indirect.gather [hbm4b:s8+s14], $0x80, s30, s14, $0xb8;
	[tilespmem:$0x11600] =	vst v63  }
0xc1: {  	s3 =	rddreg [dreg:$0x14]  }
0xc2: {  	[tilespmem:s11], [sflag:$0x3] =	stream.linear.gather [hbm4b:s3+s0], $0x30, $0x38;
	[tilespmem:$0x11600] =	vst v63  }
0xc3: {  	_ =	swait.ge [sflag:s13], $0x30  }
0xc4: {  	[sflag:s13] =	ssyncset.done $0x0  }
0xc5: {  	[sflag:s13] =	ssyncadd.s32 $0xFFFFFFD0  }
0xc6: {  	[tilespmem:s20], [sflag:$0x2] =	stream.indirect.gather [hbm4b:s8+s14], $0x80, s11, s14, $0xb8;
	[tilespmem:$0x11600] =	vst v63  }
0xc7: {  	_ =	swait.ge [sflag:s18], $0x1800  }
0xc8: {  	[sflag:s18] =	ssyncset.done $0x0  }
0xc9: {  	s6 =	rddreg [dreg:$0x1d];
	[sflag:s18] =	ssyncadd.s32 $0xFFFFE800  }
0xca: {  	[hbm4b:s6+s0] =	stream.linear.scatter [tilespmem:s31], [sflag:$0x3], $0x1800, $0x38;
	[tilespmem:$0x11600] =	vst v63  }
0xcb: {  	_ =	swait.ge [sflag:s13], $0x1800  }
0xcc: {  	[sflag:s13] =	ssyncset.done $0x0  }
0xcd: {  	[sflag:s13] =	ssyncadd.s32 $0xFFFFE800  }
0xce: {  	_ =	swait.ge [sflag:s19], $0x1800  }
0xcf: {  	[sflag:s19] =	ssyncset.done $0x0  }
0xd0: {  	s7 =	rddreg [dreg:$0x1e];
	[sflag:s19] =	ssyncadd.s32 $0xFFFFE800  }
0xd1: {  	[hbm4b:s7+s0] =	stream.linear.scatter [tilespmem:s20], [sflag:$0x3], $0x1800, $0x38;
	[tilespmem:$0x11600] =	vst v63  }
0xd2: {  	_ =	swait.ge [sflag:s13], $0x1800  }
0xd3: {  	[sflag:s13] =	ssyncset.done $0x0  }
0xd4: {  	s10 =	rddreg [dreg:$0xa];
	[sflag:s13] =	ssyncadd.s32 $0xFFFFE800  }
0xd5: {  	[tilespmem:s30], [sflag:$0x3] =	stream.linear.gather [hbm4b:s10+s0], $0x30, $0x38;
	[tilespmem:$0x11600] =	vst v63  }
0xd6: {  	_ =	swait.ge [sflag:s13], $0x30  }
0xd7: {  	[sflag:s13] =	ssyncset.done $0x0  }
0xd8: {  	[sflag:s13] =	ssyncadd.s32 $0xFFFFFFD0  }
0xd9: {  	[tilespmem:s31], [sflag:$0x1] =	stream.indirect.gather [hbm4b:s8+s14], $0x80, s30, s14, $0xb8;
	[tilespmem:$0x11600] =	vst v63  }
0xda: {  	_ =	swait.ge [sflag:s18], $0x1800  }
0xdb: {  	[sflag:s18] =	ssyncset.done $0x0  }
0xdc: {  	s3 =	rddreg [dreg:$0x16];
	[sflag:s18] =	ssyncadd.s32 $0xFFFFE800  }
0xdd: {  	[hbm4b:s3+s0] =	stream.linear.scatter [tilespmem:s31], [sflag:$0x3], $0x1800, $0x38;
	[tilespmem:$0x11600] =	vst v63  }
0xde: {  	_ =	swait.ge [sflag:s13], $0x1800  }
0xdf: {  	[sflag:s13] =	ssyncset.done $0x0  }
0xe0: {  	s6 =	sadd.s32 $0x0, s1;
	[sflag:s13] =	ssyncadd.s32 $0xFFFFE800  }
0xe1: {  	[tilespmem:s22], [sflag:$0x3] =	stream.linear.gather [hbm4b:s6+s0], $0x38, $0x38;
	[tilespmem:$0x11600] =	vst v63  }
0xe2: {  	_ =	swait.ge [sflag:s13], $0x38  }
0xe3: {  	[sflag:s13] =	ssyncset.done $0x0  }
0xe4: {  	[sflag:s13] =	ssyncadd.s32 $0xFFFFFFC8  }
0xe5: {  	[tilespmem:s24], [sflag:$0x1] =	stream.indirect.gather [hbm4b:s9+s23], $0x80, s22, s23, $0xb8;
	[tilespmem:$0x11600] =	vst v63  }
0xe6: {  	s7 =	sadd.s32 $0x0, s4  }
0xe7: {  	[tilespmem:s25], [sflag:$0x3] =	stream.linear.gather [hbm4b:s7+s0], $0x38, $0x38;
	[tilespmem:$0x11600] =	vst v63  }
0xe8: {  	_ =	swait.ge [sflag:s13], $0x38  }
0xe9: {  	[sflag:s13] =	ssyncset.done $0x0  }
0xea: {  	[sflag:s13] =	ssyncadd.s32 $0xFFFFFFC8  }
0xeb: {  	[tilespmem:s26], [sflag:$0x2] =	stream.indirect.gather [hbm4b:s9+s23], $0x80, s25, s23, $0xb8;
	[tilespmem:$0x11600] =	vst v63  }
0xec: {  	_ =	swait.ge [sflag:s18], $0x1C00  }
0xed: {  	[sflag:s18] =	ssyncset.done $0x0  }
0xee: {  	[sflag:s18] =	ssyncadd.s32 $0xFFFFE400  }
0xef: {  	[hbm4b:s12+s0] =	stream.linear.scatter [tilespmem:s24], [sflag:$0x3], $0x1C00, $0x38;
	[tilespmem:$0x11600] =	vst v63  }
0xf0: {  	_ =	swait.ge [sflag:s13], $0x1C00  }
0xf1: {  	[sflag:s13] =	ssyncset.done $0x0  }
0xf2: {  	[sflag:s13] =	ssyncadd.s32 $0xFFFFE400  }
0xf3: {  	_ =	swait.ge [sflag:s19], $0x1C00  }
0xf4: {  	[sflag:s19] =	ssyncset.done $0x0  }
0xf5: {  	s10 =	sadd.s32 $0x380, s12;
	[sflag:s19] =	ssyncadd.s32 $0xFFFFE400  }
0xf6: {  	[hbm4b:s10+s0] =	stream.linear.scatter [tilespmem:s26], [sflag:$0x3], $0x1C00, $0x38;
	[tilespmem:$0x11600] =	vst v63  }
0xf7: {  	s16 =	smov.u32 s29;
	s29 =	sadd.s32 $0x700, s12;
	_ =	swait.ge [sflag:s13], $0x1C00  }
0xf8: {  	s2 =	simm.s32 $0xE;
	s3 =	simm.s32 $0x1C;
	[sflag:s13] =	ssyncset.done $0x0  }
.LBB2_2:
0xf9: {  	s6 =	sadd.s32 s2, s1  }
0xfa: {  	[sflag:s13] =	ssyncadd.s32 $0xFFFFE400;
	s7 =	smov.u32 s3;
	s10 =	sadd.s32 $0xE, s3  }
0xfb: {  	[tilespmem:s22], [sflag:$0x3] =	stream.linear.gather [hbm4b:s6+s0], $0x38, $0x38;
	[tilespmem:$0x11600] =	vst v63  }
0xfc: {  	p0 =	sne.s32 s3, $0x134;
	_ =	swait.ge [sflag:s13], $0x38  }
0xfd: {  	[sflag:s13] =	ssyncset.done $0x0  }
0xfe: {  	[sflag:s13] =	ssyncadd.s32 $0xFFFFFFC8  }
0xff: {  	[tilespmem:s24], [sflag:$0x1] =	stream.indirect.gather [hbm4b:s9+s23], $0x80, s22, s23, $0xb8;
	[tilespmem:$0x11600] =	vst v63  }
0x100: {  	s3 =	sadd.s32 s2, s4;
	s2 =	smov.u32 s7  }
0x101: {  	[tilespmem:s25], [sflag:$0x3] =	stream.linear.gather [hbm4b:s3+s0], $0x38, $0x38;
	[tilespmem:$0x11600] =	vst v63  }
0x102: {  	_ =	swait.ge [sflag:s13], $0x38  }
0x103: {  	[sflag:s13] =	ssyncset.done $0x0  }
0x104: {  	[sflag:s13] =	ssyncadd.s32 $0xFFFFFFC8  }
0x105: {  	[tilespmem:s26], [sflag:$0x2] =	stream.indirect.gather [hbm4b:s9+s23], $0x80, s25, s23, $0xb8;
	[tilespmem:$0x11600] =	vst v63  }
0x106: {  	_ =	swait.ge [sflag:s18], $0x1C00  }
0x107: {  	[sflag:s18] =	ssyncset.done $0x0  }
0x108: {  	[sflag:s18] =	ssyncadd.s32 $0xFFFFE400  }
0x109: {  	[hbm4b:s29+s0] =	stream.linear.scatter [tilespmem:s24], [sflag:$0x3], $0x1C00, $0x38;
	[tilespmem:$0x11600] =	vst v63  }
0x10a: {  	_ =	swait.ge [sflag:s13], $0x1C00  }
0x10b: {  	[sflag:s13] =	ssyncset.done $0x0  }
0x10c: {  	[sflag:s13] =	ssyncadd.s32 $0xFFFFE400  }
0x10d: {  	_ =	swait.ge [sflag:s19], $0x1C00  }
.Ltmp0:
0x10e: {  	[sflag:s19] =	ssyncset.done $0x0;
	(pc) =	sbr.rel @p0 .LBB2_2-.Ltmp0, $4  }
0x10f: {  	s3 =	sadd.s32 $0x380, s29;
	[sflag:s19] =	ssyncadd.s32 $0xFFFFE400  }
0x110: {  	[hbm4b:s3+s0] =	stream.linear.scatter [tilespmem:s26], [sflag:$0x3], $0x1C00, $0x38;
	[tilespmem:$0x11600] =	vst v63  }
0x111: {  	_ =	swait.ge [sflag:s13], $0x1C00  }
0x112: {  	s29 =	sadd.s32 $0x700, s29;
	s3 =	smov.u32 s10;
	[sflag:s13] =	ssyncset.done $0x0  }
0x113: {  	s3 =	sadd.s32 s2, s1;
	[sflag:s13] =	ssyncadd.s32 $0xFFFFE400  }
0x114: {  	[tilespmem:s22], [sflag:$0x3] =	stream.linear.gather [hbm4b:s3+s0], $0x38, $0x38;
	[tilespmem:$0x11600] =	vst v63  }
0x115: {  	_ =	swait.ge [sflag:s13], $0x38  }
0x116: {  	[sflag:s13] =	ssyncset.done $0x0  }
0x117: {  	[sflag:s13] =	ssyncadd.s32 $0xFFFFFFC8  }
0x118: {  	[tilespmem:s24], [sflag:$0x1] =	stream.indirect.gather [hbm4b:s9+s23], $0x80, s22, s23, $0xb8;
	[tilespmem:$0x11600] =	vst v63  }
0x119: {  	s6 =	sadd.s32 s2, s4  }
0x11a: {  	[tilespmem:s25], [sflag:$0x3] =	stream.linear.gather [hbm4b:s6+s0], $0x38, $0x38;
	[tilespmem:$0x11600] =	vst v63  }
0x11b: {  	_ =	swait.ge [sflag:s13], $0x38  }
0x11c: {  	[sflag:s13] =	ssyncset.done $0x0  }
0x11d: {  	[sflag:s13] =	ssyncadd.s32 $0xFFFFFFC8  }
0x11e: {  	[tilespmem:s26], [sflag:$0x2] =	stream.indirect.gather [hbm4b:s9+s23], $0x80, s25, s23, $0xb8;
	[tilespmem:$0x11600] =	vst v63  }
0x11f: {  	_ =	swait.ge [sflag:s18], $0x1C00  }
0x120: {  	[sflag:s18] =	ssyncset.done $0x0  }
0x121: {  	[sflag:s18] =	ssyncadd.s32 $0xFFFFE400  }
0x122: {  	[hbm4b:s29+s0] =	stream.linear.scatter [tilespmem:s24], [sflag:$0x3], $0x1C00, $0x38;
	[tilespmem:$0x11600] =	vst v63  }
0x123: {  	_ =	swait.ge [sflag:s13], $0x1C00  }
0x124: {  	[sflag:s13] =	ssyncset.done $0x0  }
0x125: {  	[sflag:s13] =	ssyncadd.s32 $0xFFFFE400  }
0x126: {  	_ =	swait.ge [sflag:s19], $0x1C00  }
0x127: {  	[sflag:s19] =	ssyncset.done $0x0  }
0x128: {  	s7 =	sadd.s32 $0x380, s29;
	[sflag:s19] =	ssyncadd.s32 $0xFFFFE400  }
0x129: {  	[hbm4b:s7+s0] =	stream.linear.scatter [tilespmem:s26], [sflag:$0x3], $0x1C00, $0x38;
	[tilespmem:$0x11600] =	vst v63  }
0x12a: {  	_ =	swait.ge [sflag:s13], $0x1C00  }
0x12b: {  	[sflag:s13] =	ssyncset.done $0x0  }
0x12c: {  	s10 =	simm.s32 $0xED00;
	[sflag:s13] =	ssyncadd.s32 $0xFFFFE400  }
0x12d: {  	[tilespmem:s10], [sflag:$0x3] =	stream.linear.gather [hbm4b:s16+s0], $0x28, $0x38;
	[tilespmem:$0x11600] =	vst v63  }
0x12e: {  	_ =	swait.ge [sflag:s13], $0x28  }
0x12f: {  	s29 =	smov.u32 s16;
	s16 =	sld [smem:$0x7FC]  }
0x130: {  	[sflag:s13] =	ssyncset.done $0x0  }
0x131: {  	s6 =	simm.s32 $0xED80;
	[sflag:s13] =	ssyncadd.s32 $0xFFFFFFD8  }
0x132: {  	[tilespmem:s6], [sflag:$0x1] =	stream.indirect.gather [hbm4b:s16+s21], $0x80, s10, s21, $0xb8;
	[tilespmem:$0x11600] =	vst v63  }
0x133: {  	s7 =	simm.s32 $0x10180  }
0x134: {  	[tilespmem:s7], [sflag:$0x3] =	stream.linear.gather [hbm4b:s17+s0], $0x28, $0x38;
	[tilespmem:$0x11600] =	vst v63  }
0x135: {  	_ =	swait.ge [sflag:s13], $0x28  }
0x136: {  	[sflag:s13] =	ssyncset.done $0x0  }
0x137: {  	s10 =	simm.s32 $0x10200;
	[sflag:s13] =	ssyncadd.s32 $0xFFFFFFD8  }
0x138: {  	[tilespmem:s10], [sflag:$0x2] =	stream.indirect.gather [hbm4b:s16+s21], $0x80, s7, s21, $0xb8;
	[tilespmem:$0x11600] =	vst v63  }
0x139: {  	_ =	swait.ge [sflag:s18], $0x1400  }
0x13a: {  	[sflag:s18] =	ssyncset.done $0x0  }
0x13b: {  	s7 =	rddreg [dreg:$0xb];
	[sflag:s18] =	ssyncadd.s32 $0xFFFFEC00  }
0x13c: {  	[hbm4b:s7+s0] =	stream.linear.scatter [tilespmem:s6], [sflag:$0x3], $0x1400, $0x38;
	[tilespmem:$0x11600] =	vst v63  }
0x13d: {  	_ =	swait.ge [sflag:s13], $0x1400  }
0x13e: {  	[sflag:s13] =	ssyncset.done $0x0  }
0x13f: {  	[sflag:s13] =	ssyncadd.s32 $0xFFFFEC00  }
0x140: {  	_ =	swait.ge [sflag:s19], $0x1400  }
0x141: {  	[sflag:s19] =	ssyncset.done $0x0  }
0x142: {  	s16 =	rddreg [dreg:$0xc];
	[sflag:s19] =	ssyncadd.s32 $0xFFFFEC00  }
0x143: {  	[hbm4b:s16+s0] =	stream.linear.scatter [tilespmem:s10], [sflag:$0x3], $0x1400, $0x38;
	[tilespmem:$0x11600] =	vst v63  }
0x144: {  	_ =	swait.ge [sflag:s13], $0x1400  }
0x145: {  	s3 =	smov.u32 s17;
	s17 =	sld [smem:$0x7FD];
	_ =	sdelay $0x1  }
0x146: {  	s28 =	sadd.s32 $0x1, s28  }
0x147: {  	p0 =	sne.s32 s28, s17  }
.Ltmp1:
0x148: {  	_ = 	snop;
	(pc) =	sbr.rel @p0 .LBB2_1-.Ltmp1, $3  }
0x149: {  	_ =	sdelay $0x1  }
0x14a: {  	[sflag:s13] =	ssyncset.done $0x0  }
0x14b: {  	[sflag:s13] =	ssyncadd.s32 $0xFFFFEC00  }
0x14c: {  	_ =	sfence.sel $0x180000  }
0x14d: {  	[bflag:$0x0] =	sbarrier.arrive $0xFFFF  }
0x14e: {  	_ =	strace $0x90000047  }
0x14f: {  	s0 =	stileid.u32;
	[bflag:$0x2] =	sbarrier.arrive $0xFFFF  }
0x150: {  	p0 =	sne.s32 s0, $0x0;
	s0 =	rddreg [dreg:$0x2]  }
0x151: {  	s0 =	sadd.s32 @!p0 $0x100000, s0  }
0x152: {  	[sflag:s0] =	ssyncadd.tile.s32 @!p0 $0x1;
	_ =	shalt  }
.Lfunc_end2:
_tile_overlayer_lowered:
.L_overlay_start_2:
0x153: {  	(tag) =	ssettag $0x2  }
0x154: {  	s0 =	rddreg [dreg:$0x0];
	s2 =	stileid.u32  }
0x155: {  	s1 =	rddreg [dreg:$0x1];
	p0 =	sne.s32 s2, $0x0  }
0x156: {  	s3 =	rddreg [dreg:$0x2];
	[bflag:$0x3] =	sbarrier.arrive $0xFFFF;
	s2 =	simm.s32 @!p0 $0x1C03  }
0x157: {  	[timem:s3], [sflag:s2] =	dma.local @!p0 [hbm:s0], s1  }
0x158: {  	s0 =	simm.s32 @!p0 $0x3  }
0x159: {  	_ =	swait.ge @!p0 [sflag:s0], s1  }
0x15a: {  	s1 =	ssub.s32 @!p0 $0x0, s1;
	[sflag:s0] =	ssyncset.done @!p0 $0x0  }
0x15b: {  	[sflag:s0] =	ssyncadd.s32 @!p0 s1  }
0x15c: {  	[bflag:$0x3] =	sbarrier.arrive $0xFFFF  }
0x15d: {  	_ =	shalt  }

// kernel: kernel.14.cloned.1.call-start
scs
__scs_entry_jumppad:
0x0: {  	(pc) =	sbr.rel $0x88, $3  }
0x1: {  	(tag) =	ssettag $0x0;
	lr =	simm.s32 $0x1  }
0x2: {  	[smem:$0x3F7F] =	sst lr;
	_ =	strace $0xD0000000  }
0x3: {  	_ = 	snop  }
0x4: {  	_ = 	snop  }
0x5: {  	_ = 	snop  }
0x6: {  	_ = 	snop  }
0x7: {  	_ = 	snop  }
__scs_overlays_trampoline_lowered:
0x8: {  	[smem:$0x3F8E] =	sst s0  }
0x9: {  	[smem:$0x3F8F] =	sst s1  }
0xa: {  	[smem:$0x3F90] =	sst s2  }
0xb: {  	[smem:$0x3F91] =	sst s3  }
0xc: {  	[smem:$0x3F92] =	sst s4  }
0xd: {  	[smem:$0x3F93] =	sst s5  }
0xe: {  	[smem:$0x3F94] =	sst s6  }
0xf: {  	[smem:$0x3F95] =	sst s7  }
0x10: {  	[smem:$0x3F96] =	sst s8  }
0x11: {  	[smem:$0x3F97] =	sst s9;
	s0 =	simm.s32 @!p0 $0x0  }
0x12: {  	s1 =	sld [smem:$0x3F7D];
	s0 =	simm.s32 @p0 $0x1  }
0x13: {  	[smem:$0x3F98] =	sst s0;
	s0 =	simm.s32 @!p1 $0x0  }
0x14: {  	s2 =	sld [smem:$0x3F7C];
	s0 =	simm.s32 @p1 $0x1  }
0x15: {  	[smem:$0x3F99] =	sst s0;
	s0 =	simm.s32 @!p2 $0x0  }
0x16: {  	s3 =	sld [smem:$0x3FDB];
	s0 =	simm.s32 @p2 $0x1  }
0x17: {  	s4 =	simm.s32 $0x1BF5;
	[smem:$0x3F9B] =	sst s0  }
0x18: {  	s0 =	sld [smem:$0x3F7E];
	_ =	swait.ge [sflag:s4], $0x0  }
0x19: {  	s7 =	sld [smem:$0x3F7F]  }
0x1a: {  	s8 =	sadd.s32 $0xFFFFE003, lr  }
0x1b: {  	s9 =	sadd.s32 $0xFFFFFEF7, lr;
	s5 =	simm.s32 $0xFFFFFFFF;
	p2 =	slt.u32 s8, $0xFFFFF086  }
0x1c: {  	p1 =	slt.u32 s9, $0xF7A;
	s5 =	simm.s32 @!p2 $0x0  }
0x1d: {  	s5 =	simm.s32 @p1 $0x1;
	p0 =	seq.s32 s7, s2  }
0x1e: {  	s7 =	smul.u32 @!p0 $0xF7A, s2;
	p2 =	seq.s32 @!p0 s5, $0x0  }
0x1f: {  	s9 =	smul.u32 $0xF7A, s1;
	s8 =	simm.s32 @!p0 $0x1BF5;
	p2 =	por !p2, p0  }
0x20: {  	[sflag:s8] =	ssyncset.s32 @!p0 $0xFFFFF086;
	s6 =	sadd.s32 @!p0 s3, s7;
	s7 =	simm.s32 @!p0 $0x108  }
0x21: {  	s3 =	sadd.s32 s3, s9;
	s6 =	sadd.s32 @!p0 $0x88, s6;
	s7 =	simm.s32 @p2 $0x1082  }
0x22: {  	[simem:s7], [sflag:s8] =	dma.local @!p0 [hbm:s6], $0xF7A  }
0x23: {  	s9 =	sor.u32 $0xD0000000, s2;
	s6 =	simm.s32 $0x108;
	_ =	swait.ge @!p0 [sflag:s8], $0x0  }
0x24: {  	s3 =	sadd.s32 $0x88, s3;
	s6 =	simm.s32 @!p1 $0x1082;
	[sflag:s4] =	ssyncset.s32 $0xFFFFF086  }
0x25: {  	[simem:s6], [sflag:s4] =	dma.local [hbm:s3], $0xF7A  }
0x26: {  	[smem:$0x3F7F] =	sst s1;
	(tag) =	ssettag s2;
	_ =	strace s9  }
0x27: {  	s1 =	sld [smem:$0x3F8F]  }
0x28: {  	s2 =	sld [smem:$0x3F90]  }
0x29: {  	s4 =	sld [smem:$0x3F92]  }
0x2a: {  	p0 =	seq.s32 s5, $0x0;
	s5 =	sld [smem:$0x3F93]  }
0x2b: {  	s6 =	sld [smem:$0x3F94]  }
0x2c: {  	s7 =	sld [smem:$0x3F95]  }
0x2d: {  	s3 =	simm.s32 $0x108;
	s8 =	sld [smem:$0x3F96]  }
0x2e: {  	s3 =	simm.s32 @!p0 $0x1082;
	s9 =	sld [smem:$0x3F97]  }
0x2f: {  	lr =	sadd.s32 s0, s3;
	s0 =	sld [smem:$0x3F8E]  }
0x30: {  	s3 =	sld [smem:$0x3F91]  }
0x31: {  	[smem:$0x3F9A] =	sst s10  }
0x32: {  	s10 =	sld [smem:$0x3F98];
	_ =	sdelay $0x3  }
0x33: {  	p0 =	seq.s32 s10, $0x1;
	s10 =	sld [smem:$0x3F9A];
	_ =	sdelay $0x3  }
0x34: {  	[smem:$0x3F9A] =	sst s10  }
0x35: {  	s10 =	sld [smem:$0x3F99];
	_ =	sdelay $0x3  }
0x36: {  	p1 =	seq.s32 s10, $0x1;
	s10 =	sld [smem:$0x3F9A];
	_ =	sdelay $0x3  }
0x37: {  	[smem:$0x3F9A] =	sst s10  }
0x38: {  	s10 =	sld [smem:$0x3F9B]  }
0x39: {  	_ = 	snop;
	(pc) =	sbr.ind lr, $3  }
0x3a: {  	_ = 	snop  }
0x3b: {  	_ = 	snop  }
0x3c: {  	p2 =	seq.s32 s10, $0x1;
	s10 =	sld [smem:$0x3F9A]  }
0x3d: {  	_ =	shalt  }
0x3e: {  	_ =	shalt  }
0x3f: {  	_ =	shalt  }
0x40: {  	_ =	shalt  }
0x41: {  	_ =	shalt  }
0x42: {  	_ =	shalt  }
0x43: {  	_ =	shalt  }
0x44: {  	_ =	shalt  }
0x45: {  	_ =	shalt  }
0x46: {  	_ =	shalt  }
0x47: {  	_ =	shalt  }
0x48: {  	_ =	shalt  }
0x49: {  	_ =	shalt  }
0x4a: {  	_ =	shalt  }
0x4b: {  	_ =	shalt  }
0x4c: {  	_ =	shalt  }
0x4d: {  	_ =	shalt  }
0x4e: {  	_ =	shalt  }
0x4f: {  	_ =	shalt  }
0x50: {  	_ =	shalt  }
0x51: {  	_ =	shalt  }
0x52: {  	_ =	shalt  }
0x53: {  	_ =	shalt  }
0x54: {  	_ =	shalt  }
0x55: {  	_ =	shalt  }
0x56: {  	_ =	shalt  }
0x57: {  	_ =	shalt  }
0x58: {  	_ =	shalt  }
0x59: {  	_ =	shalt  }
0x5a: {  	_ =	shalt  }
0x5b: {  	_ =	shalt  }
0x5c: {  	_ =	shalt  }
0x5d: {  	_ =	shalt  }
0x5e: {  	_ =	shalt  }
0x5f: {  	_ =	shalt  }
0x60: {  	_ =	shalt  }
0x61: {  	_ =	shalt  }
0x62: {  	_ =	shalt  }
0x63: {  	_ =	shalt  }
0x64: {  	_ =	shalt  }
0x65: {  	_ =	shalt  }
0x66: {  	_ =	shalt  }
0x67: {  	_ =	shalt  }
0x68: {  	_ =	shalt  }
0x69: {  	_ =	shalt  }
0x6a: {  	_ =	shalt  }
0x6b: {  	_ =	shalt  }
0x6c: {  	_ =	shalt  }
0x6d: {  	_ =	shalt  }
0x6e: {  	_ =	shalt  }
0x6f: {  	_ =	shalt  }
0x70: {  	_ =	shalt  }
0x71: {  	_ =	shalt  }
0x72: {  	_ =	shalt  }
0x73: {  	_ =	shalt  }
0x74: {  	_ =	shalt  }
0x75: {  	_ =	shalt  }
0x76: {  	_ =	shalt  }
0x77: {  	_ =	shalt  }
0x78: {  	_ =	shalt  }
0x79: {  	_ =	shalt  }
0x7a: {  	_ =	shalt  }
0x7b: {  	_ =	shalt  }
0x7c: {  	_ =	shalt  }
0x7d: {  	_ =	shalt  }
0x7e: {  	_ =	shalt  }
0x7f: {  	_ =	shalt  }
0x80: {  	_ =	shalt  }
0x81: {  	_ =	shalt  }
0x82: {  	_ =	shalt  }
0x83: {  	_ =	shalt  }
0x84: {  	_ =	shalt  }
0x85: {  	_ =	shalt  }
0x86: {  	_ =	shalt  }
0x87: {  	_ =	shalt  }
.Lfunc_end0:
.L_simem_size_0:
called_computation.1_lowered:
.L_overlay_start_0:
0x88: {  	s2 =	sld [smem:$0x3FD9]  }
0x89: {  	s3 =	sld [smem:$0x3FFE];
	_ =	sdelay $0x1  }
0x8a: {  	s1 =	srdreg.scid  }
0x8b: {  	s0 =	sand.u32 $0x1, s1  }
0x8c: {  	s16 =	sshll.u32 s0, $0xA;
	s2 =	sadd.s32 s3, s2  }
0x8d: {  	s2 =	sadd.s32 s2, s16  }
0x8e: {  	[smem:$0x3FA6] =	sst s2  }
0x8f: {  	_ = 	snop  }
0x90: {  	(tm) =	ssettm $0x1  }
0x91: {  	s17 =	sld [smem:$0x3FFB];
	_ =	sdelay $0x3  }
0x92: {  	_ =	strace s17  }
0x93: {  	s2 =	sld [smem:$0x3FFC];
	_ =	sdelay $0x3  }
0x94: {  	_ =	strace s2  }
0x95: {  	s2 =	sld [smem:$0x3FFD];
	_ =	sdelay $0x3  }
0x96: {  	_ =	strace s2  }
0x97: {  	_ =	strace $0x8FFFFFFF  }
0x98: {  	s18 =	sld [smem:$0x3FDB];
	_ =	sdelay $0x1  }
0x99: {  	s19 =	simm.s32 $_scs_section_size  }
0x9a: {  	s4 =	simm.s32 $_size__tile_overlayer_lowered;
	s5 =	simm.s32 $_tile_overlayer_lowered  }
0x9b: {  	s22 =	simm.s32 $0x1BFF;
	s21 =	sshll.u32 s5, $0x1;
	s2 =	sadd.s32 s19, s18  }
0x9c: {  	s6 =	simm.s32 $0x0;
	s20 =	sshll.u32 s4, $0x1;
	s4 =	sadd.s32 s21, s2  }
0x9d: {  	[timem:s6], [sflag:s22] =	dma.local [hbm:s4], s20  }
0x9e: {  	_ =	swait.ge [sflag:s22], s20  }
0x9f: {  	s3 =	ssub.s32 $0x0, s20;
	[sflag:s22] =	ssyncset.done $0x0  }
0xa0: {  	[sflag:s22] =	ssyncadd.s32 s3;
	_ =	sdelay $0x1  }
0xa1: {  	s23 =	simm.s32 $0x1B8B  }
0xa2: {  	_ =	swait.ge [sflag:s23], $0x1  }
0xa3: {  	[sflag:s23] =	ssyncset.done $0x0  }
0xa4: {  	s25 =	simm.s32 $0x1B8E;
	s24 =	sld [smem:$0x3FFE];
	[sflag:s23] =	ssyncadd.s32 $0xFFFFFFFF  }
0xa5: {  	s26 =	simm.s32 $execute0_lowered;
	[smem:$0x3FD2] =	sst s25  }
0xa6: {  	s4 =	sshll.u32 s26, $0x1;
	_ =	strace $0x80000049;
	[dreg:$0x1] =	wrdreg $0xFFFFFFFF  }
0xa7: {  	s28 =	simm.s32 $_size_execute0_lowered;
	s2 =	sadd.s32 s2, s4;
	[dreg:$0x0] =	wrdreg $0x0  }
0xa8: {  	s4 =	sshll.u32 s28, $0x1;
	[dreg:$0x2] =	wrdreg s2  }
0xa9: {  	[dreg:$0x3] =	wrdreg s4  }
0xaa: {  	[dreg:$0x4] =	wrdreg $0xC0  }
0xab: {  	_ =	task [dreg:s6], $0x5FFFF  }
0xac: {  	[dreg:$0x1] =	wrdreg $0xFFFFFFFF  }
0xad: {  	[dreg:$0x0] =	wrdreg $0x60  }
0xae: {  	[dreg:$0x2] =	wrdreg s24  }
0xaf: {  	[dreg:$0x3] =	wrdreg $0x9  }
0xb0: {  	_ =	task.clear_ibuf [dreg:s6], $0x4FFFF;
	_ =	strace $0x90000049  }
0xb1: {  	s29 =	simm.s32 $0x9;
	_ =	strace $0x8000004B  }
0xb2: {  	_ =	swait.ge [sflag:s29], $0x1  }
0xb3: {  	[sflag:s29] =	ssyncadd.s32 $0xFFFFFFFF  }
0xb4: {  	_ =	strace $0x9000004B  }
0xb5: {  	_ =	sfence  }
0xb6: {  	s30 =	sld [smem:$0x0];
	_ =	sdelay $0x2  }
0xb7: {  	s31 =	sshll.u32 s1, $0xD;
	s1 =	sshrl.u32 s1, $0x2  }
0xb8: {  	s3 =	sand.u32 $0x4000, s31;
	s1 =	sadd.s32 s1, s30  }
0xb9: {  	s0 =	sor.u32 s3, s0;
	s1 =	sshll.u32 s1, $0x11  }
0xba: {  	s0 =	sor.u32 s1, s0  }
0xbb: {  	s0 =	sadd.s32 $0x8F2B, s0  }
0xbc: {  	[sflag:s0] =	ssyncadd.remote.s32 $0x1  }
0xbd: {  	_ =	sfence.sel $0xFFFF  }
0xbe: {  	[dreg:$0x0] =	wrdreg $0xFFFFFFFF;
	(pc) =	sbr.abs _section_cstart, $3  }
0xbf: {  	[dreg:$0x1] =	wrdreg $0xFFFFFFFF  }
0xc0: {  	_ =	task.clear_ibuf [dreg:s6], $0x2FFFF;
	_ =	strace $0x9FFFFFFF  }
0xc1: {  	(tm) =	ssettm $0x7FFFFFFF  }
tec
execute0_lowered:
.L_overlay_start_1:
0x0: {  	(tag) =	ssettag $0x1  }
0x1: {  	s1 =	srdreg.scid;
	s0 =	stileid.u32  }
0x2: {  	s28 =	sand.u32 $0x1, s1;
	s31 =	sshll.u32 s0, $0x1  }
0x3: {  	s12 =	sor.u32 s28, s31  }
0x4: {  	s24 =	rddreg [dreg:$0x0];
	s16 =	smul.u32 $0x140, s12  }
0x5: {  	s2 =	simm.s32 $0x0;
	s1 =	rddreg [dreg:$0x1]  }
0x6: {  	[smem:$0x7FF] =	sst s2;
	s17 =	sadd.s32 $0x191C00, s24;
	s3 =	sshrl.u32 s16, $0x3  }
0x7: {  	_ =	strace $0x8000004A;
	s4 =	sadd.s32 s17, s3;
	s3 =	simm.s32 $0x3  }
0x8: {  	[tilespmem:s2], [sflag:$0x3] =	stream.linear.gather [hbm4b:s4+s2], $0x50, $0x38;
	[tilespmem:$0xA200] =	vst v63  }
0x9: {  	s6 =	simm.s32 $0x50;
	_ =	swait.ge [sflag:s3], $0x50  }
0xa: {  	s7 =	simm.s32 $0x80;
	s14 =	sadd.s32 $0x50, s16;
	[sflag:s3] =	ssyncset.done $0x0  }
0xb: {  	s5 =	sadd.s32 $0x37E800, s24;
	s8 =	sshrl.u32 s14, $0x3;
	[sflag:s3] =	ssyncadd.s32 $0xFFFFFFB0  }
0xc: {  	[tilespmem:s7], [sflag:$0x1] =	stream.indirect.gather [hbm4b:s5+s6], $0x80, s2, s6, $0xb8;
	[tilespmem:$0xA200] =	vst v63  }
0xd: {  	s9 =	simm.s32 $0x2880;
	s8 =	sadd.s32 s17, s8  }
0xe: {  	[tilespmem:s9], [sflag:$0x3] =	stream.linear.gather [hbm4b:s8+s2], $0x50, $0x38;
	[tilespmem:$0xA200] =	vst v63  }
0xf: {  	_ =	swait.ge [sflag:s3], $0x50  }
0x10: {  	[sflag:s3] =	ssyncset.done $0x0  }
0x11: {  	s10 =	simm.s32 $0x2900;
	s11 =	simm.s32 $0x1;
	[sflag:s3] =	ssyncadd.s32 $0xFFFFFFB0  }
0x12: {  	[tilespmem:s10], [sflag:$0x2] =	stream.indirect.gather [hbm4b:s5+s6], $0x80, s9, s6, $0xb8;
	[tilespmem:$0xA200] =	vst v63  }
0x13: {  	s25 =	smul.u32 $0x1400, s12;
	_ =	swait.ge [sflag:s11], $0x2800  }
0x14: {  	s18 =	sadd.s32 $0xA800, s24;
	[sflag:s11] =	ssyncset.done $0x0  }
0x15: {  	s12 =	sadd.s32 s18, s25;
	[sflag:s11] =	ssyncadd.s32 $0xFFFFD800  }
0x16: {  	[hbm4b:s12+s2] =	stream.linear.scatter [tilespmem:s7], [sflag:$0x3], $0x2800, $0x38;
	[tilespmem:$0xA200] =	vst v63  }
0x17: {  	_ =	swait.ge [sflag:s3], $0x2800  }
0x18: {  	[sflag:s3] =	ssyncset.done $0x0  }
0x19: {  	s13 =	simm.s32 $0x2;
	[sflag:s3] =	ssyncadd.s32 $0xFFFFD800  }
0x1a: {  	_ =	swait.ge [sflag:s13], $0x2800  }
0x1b: {  	s26 =	sshll.u32 s14, $0x4;
	[sflag:s13] =	ssyncset.done $0x0  }
0x1c: {  	s14 =	sadd.s32 s18, s26;
	[sflag:s13] =	ssyncadd.s32 $0xFFFFD800  }
0x1d: {  	[hbm4b:s14+s2] =	stream.linear.scatter [tilespmem:s10], [sflag:$0x3], $0x2800, $0x38;
	[tilespmem:$0xA200] =	vst v63  }
0x1e: {  	s19 =	sadd.s32 $0xA0, s16;
	_ =	swait.ge [sflag:s3], $0x2800  }
0x1f: {  	s15 =	sshrl.u32 s19, $0x3;
	[sflag:s3] =	ssyncset.done $0x0  }
0x20: {  	s15 =	sadd.s32 s17, s15;
	[sflag:s3] =	ssyncadd.s32 $0xFFFFD800  }
0x21: {  	[tilespmem:s2], [sflag:$0x3] =	stream.linear.gather [hbm4b:s15+s2], $0x50, $0x38;
	[tilespmem:$0xA200] =	vst v63  }
0x22: {  	_ =	swait.ge [sflag:s3], $0x50  }
0x23: {  	s20 =	sadd.s32 $0xF0, s16;
	[sflag:s3] =	ssyncset.done $0x0  }
0x24: {  	s16 =	sshrl.u32 s20, $0x3;
	[sflag:s3] =	ssyncadd.s32 $0xFFFFFFB0  }
0x25: {  	[tilespmem:s7], [sflag:$0x1] =	stream.indirect.gather [hbm4b:s5+s6], $0x80, s2, s6, $0xb8;
	[tilespmem:$0xA200] =	vst v63  }
0x26: {  	s16 =	sadd.s32 s17, s16  }
0x27: {  	[tilespmem:s9], [sflag:$0x3] =	stream.linear.gather [hbm4b:s16+s2], $0x50, $0x38;
	[tilespmem:$0xA200] =	vst v63  }
0x28: {  	_ =	swait.ge [sflag:s3], $0x50  }
0x29: {  	[sflag:s3] =	ssyncset.done $0x0  }
0x2a: {  	[sflag:s3] =	ssyncadd.s32 $0xFFFFFFB0  }
0x2b: {  	[tilespmem:s10], [sflag:$0x2] =	stream.indirect.gather [hbm4b:s5+s6], $0x80, s9, s6, $0xb8;
	[tilespmem:$0xA200] =	vst v63  }
0x2c: {  	_ =	swait.ge [sflag:s11], $0x2800  }
0x2d: {  	s30 =	sshll.u32 s19, $0x4;
	[sflag:s11] =	ssyncset.done $0x0  }
0x2e: {  	s17 =	sadd.s32 s18, s30;
	[sflag:s11] =	ssyncadd.s32 $0xFFFFD800  }
0x2f: {  	[hbm4b:s17+s2] =	stream.linear.scatter [tilespmem:s7], [sflag:$0x3], $0x2800, $0x38;
	[tilespmem:$0xA200] =	vst v63  }
0x30: {  	_ =	swait.ge [sflag:s3], $0x2800  }
0x31: {  	[sflag:s3] =	ssyncset.done $0x0  }
0x32: {  	[sflag:s3] =	ssyncadd.s32 $0xFFFFD800  }
0x33: {  	_ =	swait.ge [sflag:s13], $0x2800  }
0x34: {  	s29 =	sshll.u32 s20, $0x4;
	[sflag:s13] =	ssyncset.done $0x0  }
0x35: {  	s18 =	sadd.s32 s18, s29;
	[sflag:s13] =	ssyncadd.s32 $0xFFFFD800  }
0x36: {  	[hbm4b:s18+s2] =	stream.linear.scatter [tilespmem:s10], [sflag:$0x3], $0x2800, $0x38;
	[tilespmem:$0xA200] =	vst v63  }
0x37: {  	_ =	swait.ge [sflag:s3], $0x2800  }
0x38: {  	[sflag:s3] =	ssyncset.done $0x0  }
0x39: {  	s19 =	simm.s32 $0x5100;
	[sflag:s3] =	ssyncadd.s32 $0xFFFFD800  }
0x3a: {  	[tilespmem:s19], [sflag:$0x3] =	stream.linear.gather [hbm4b:s4+s2], $0x50, $0x38;
	[tilespmem:$0xA200] =	vst v63  }
0x3b: {  	_ =	swait.ge [sflag:s3], $0x50  }
0x3c: {  	[sflag:s3] =	ssyncset.done $0x0  }
0x3d: {  	s21 =	simm.s32 $0x5180;
	s20 =	sadd.s32 $0x143A00, s24;
	[sflag:s3] =	ssyncadd.s32 $0xFFFFFFB0  }
0x3e: {  	[tilespmem:s21], [sflag:$0x1] =	stream.indirect.gather [hbm4b:s20+s6], $0x80, s19, s6, $0xb8;
	[tilespmem:$0xA200] =	vst v63  }
0x3f: {  	s22 =	simm.s32 $0x7980  }
0x40: {  	[tilespmem:s22], [sflag:$0x3] =	stream.linear.gather [hbm4b:s8+s2], $0x50, $0x38;
	[tilespmem:$0xA200] =	vst v63  }
0x41: {  	_ =	swait.ge [sflag:s3], $0x50  }
0x42: {  	[sflag:s3] =	ssyncset.done $0x0  }
0x43: {  	s23 =	simm.s32 $0x7A00;
	[sflag:s3] =	ssyncadd.s32 $0xFFFFFFB0  }
0x44: {  	[tilespmem:s23], [sflag:$0x2] =	stream.indirect.gather [hbm4b:s20+s6], $0x80, s22, s6, $0xb8;
	[tilespmem:$0xA200] =	vst v63  }
0x45: {  	_ =	swait.ge [sflag:s11], $0x2800  }
0x46: {  	s31 =	sadd.s32 $0x32800, s24;
	[sflag:s11] =	ssyncset.done $0x0  }
0x47: {  	s24 =	sadd.s32 s31, s25;
	[sflag:s11] =	ssyncadd.s32 $0xFFFFD800  }
0x48: {  	[hbm4b:s24+s2] =	stream.linear.scatter [tilespmem:s21], [sflag:$0x3], $0x2800, $0x38;
	[tilespmem:$0xA200] =	vst v63  }
0x49: {  	_ =	swait.ge [sflag:s3], $0x2800  }
0x4a: {  	[sflag:s3] =	ssyncset.done $0x0  }
0x4b: {  	[sflag:s3] =	ssyncadd.s32 $0xFFFFD800  }
0x4c: {  	_ =	swait.ge [sflag:s13], $0x2800  }
0x4d: {  	[sflag:s13] =	ssyncset.done $0x0  }
0x4e: {  	s25 =	sadd.s32 s31, s26;
	[sflag:s13] =	ssyncadd.s32 $0xFFFFD800  }
0x4f: {  	[hbm4b:s25+s2] =	stream.linear.scatter [tilespmem:s23], [sflag:$0x3], $0x2800, $0x38;
	[tilespmem:$0xA200] =	vst v63  }
0x50: {  	_ =	swait.ge [sflag:s3], $0x2800  }
0x51: {  	[sflag:s3] =	ssyncset.done $0x0  }
0x52: {  	[sflag:s3] =	ssyncadd.s32 $0xFFFFD800  }
0x53: {  	[tilespmem:s19], [sflag:$0x3] =	stream.linear.gather [hbm4b:s15+s2], $0x50, $0x38;
	[tilespmem:$0xA200] =	vst v63  }
0x54: {  	_ =	swait.ge [sflag:s3], $0x50  }
0x55: {  	[sflag:s3] =	ssyncset.done $0x0  }
0x56: {  	[sflag:s3] =	ssyncadd.s32 $0xFFFFFFB0  }
0x57: {  	[tilespmem:s21], [sflag:$0x1] =	stream.indirect.gather [hbm4b:s20+s6], $0x80, s19, s6, $0xb8;
	[tilespmem:$0xA200] =	vst v63  }
0x58: {  	_ = 	snop  }
0x59: {  	[tilespmem:s22], [sflag:$0x3] =	stream.linear.gather [hbm4b:s16+s2], $0x50, $0x38;
	[tilespmem:$0xA200] =	vst v63  }
0x5a: {  	_ =	swait.ge [sflag:s3], $0x50  }
0x5b: {  	[sflag:s3] =	ssyncset.done $0x0  }
0x5c: {  	[sflag:s3] =	ssyncadd.s32 $0xFFFFFFB0  }
0x5d: {  	[tilespmem:s23], [sflag:$0x2] =	stream.indirect.gather [hbm4b:s20+s6], $0x80, s22, s6, $0xb8;
	[tilespmem:$0xA200] =	vst v63  }
0x5e: {  	_ =	swait.ge [sflag:s11], $0x2800  }
0x5f: {  	[sflag:s11] =	ssyncset.done $0x0  }
0x60: {  	s28 =	ssub.s32 $0x2, s28;
	s26 =	sadd.s32 s31, s30;
	[sflag:s11] =	ssyncadd.s32 $0xFFFFD800  }
0x61: {  	[hbm4b:s26+s2] =	stream.linear.scatter [tilespmem:s21], [sflag:$0x3], $0x2800, $0x38;
	[tilespmem:$0xA200] =	vst v63  }
0x62: {  	s30 =	sshrl.u32 s28, $0x1;
	_ =	swait.ge [sflag:s3], $0x2800  }
0x63: {  	s30 =	ssub.s32 s28, s30;
	[sflag:s3] =	ssyncset.done $0x0  }
0x64: {  	s28 =	sadd.s32 s31, s29;
	s29 =	smax.u32 s30, $0x1;
	[sflag:s3] =	ssyncadd.s32 $0xFFFFD800  }
0x65: {  	p0 =	sne.s32 s29, $0x1;
	_ =	swait.ge [sflag:s13], $0x2800  }
.Ltmp0:
0x66: {  	[sflag:s13] =	ssyncset.done $0x0;
	(pc) =	sbr.rel @!p0 .LBB2_2-.Ltmp0, $4  }
0x67: {  	[sflag:s13] =	ssyncadd.s32 $0xFFFFD800  }
0x68: {  	[hbm4b:s28+s2] =	stream.linear.scatter [tilespmem:s23], [sflag:$0x3], $0x2800, $0x38;
	[tilespmem:$0xA200] =	vst v63  }
0x69: {  	_ =	swait.ge [sflag:s3], $0x2800  }
0x6a: {  	s29 =	sadd.s32 $0xFFFFFFFF, s29;
	[sflag:s3] =	ssyncset.done $0x0  }
.LBB2_1:
0x6b: {  	p0 =	sne.s32 s29, $0x1;
	s29 =	sadd.s32 $0xFFFFFFFF, s29;
	[sflag:s3] =	ssyncadd.s32 $0xFFFFD800  }
0x6c: {  	[tilespmem:s2], [sflag:$0x3] =	stream.linear.gather [hbm4b:s4+s2], $0x50, $0x38;
	[tilespmem:$0xA200] =	vst v63  }
0x6d: {  	_ =	swait.ge [sflag:s3], $0x50  }
0x6e: {  	[sflag:s3] =	ssyncset.done $0x0  }
0x6f: {  	[sflag:s3] =	ssyncadd.s32 $0xFFFFFFB0  }
0x70: {  	[tilespmem:s7], [sflag:$0x1] =	stream.indirect.gather [hbm4b:s5+s6], $0x80, s2, s6, $0xb8;
	[tilespmem:$0xA200] =	vst v63  }
0x71: {  	_ = 	snop  }
0x72: {  	[tilespmem:s9], [sflag:$0x3] =	stream.linear.gather [hbm4b:s8+s2], $0x50, $0x38;
	[tilespmem:$0xA200] =	vst v63  }
0x73: {  	_ =	swait.ge [sflag:s3], $0x50  }
0x74: {  	[sflag:s3] =	ssyncset.done $0x0  }
0x75: {  	[sflag:s3] =	ssyncadd.s32 $0xFFFFFFB0  }
0x76: {  	[tilespmem:s10], [sflag:$0x2] =	stream.indirect.gather [hbm4b:s5+s6], $0x80, s9, s6, $0xb8;
	[tilespmem:$0xA200] =	vst v63  }
0x77: {  	_ =	swait.ge [sflag:s11], $0x2800  }
0x78: {  	[sflag:s11] =	ssyncset.done $0x0  }
0x79: {  	[sflag:s11] =	ssyncadd.s32 $0xFFFFD800  }
0x7a: {  	[hbm4b:s12+s2] =	stream.linear.scatter [tilespmem:s7], [sflag:$0x3], $0x2800, $0x38;
	[tilespmem:$0xA200] =	vst v63  }
0x7b: {  	_ =	swait.ge [sflag:s3], $0x2800  }
0x7c: {  	[sflag:s3] =	ssyncset.done $0x0  }
0x7d: {  	[sflag:s3] =	ssyncadd.s32 $0xFFFFD800  }
0x7e: {  	_ =	swait.ge [sflag:s13], $0x2800  }
0x7f: {  	[sflag:s13] =	ssyncset.done $0x0  }
0x80: {  	[sflag:s13] =	ssyncadd.s32 $0xFFFFD800  }
0x81: {  	[hbm4b:s14+s2] =	stream.linear.scatter [tilespmem:s10], [sflag:$0x3], $0x2800, $0x38;
	[tilespmem:$0xA200] =	vst v63  }
0x82: {  	_ =	swait.ge [sflag:s3], $0x2800  }
0x83: {  	[sflag:s3] =	ssyncset.done $0x0  }
0x84: {  	[sflag:s3] =	ssyncadd.s32 $0xFFFFD800  }
0x85: {  	[tilespmem:s2], [sflag:$0x3] =	stream.linear.gather [hbm4b:s15+s2], $0x50, $0x38;
	[tilespmem:$0xA200] =	vst v63  }
0x86: {  	_ =	swait.ge [sflag:s3], $0x50  }
0x87: {  	[sflag:s3] =	ssyncset.done $0x0  }
0x88: {  	[sflag:s3] =	ssyncadd.s32 $0xFFFFFFB0  }
0x89: {  	[tilespmem:s7], [sflag:$0x1] =	stream.indirect.gather [hbm4b:s5+s6], $0x80, s2, s6, $0xb8;
	[tilespmem:$0xA200] =	vst v63  }
0x8a: {  	_ = 	snop  }
0x8b: {  	[tilespmem:s9], [sflag:$0x3] =	stream.linear.gather [hbm4b:s16+s2], $0x50, $0x38;
	[tilespmem:$0xA200] =	vst v63  }
0x8c: {  	_ =	swait.ge [sflag:s3], $0x50  }
0x8d: {  	[sflag:s3] =	ssyncset.done $0x0  }
0x8e: {  	[sflag:s3] =	ssyncadd.s32 $0xFFFFFFB0  }
0x8f: {  	[tilespmem:s10], [sflag:$0x2] =	stream.indirect.gather [hbm4b:s5+s6], $0x80, s9, s6, $0xb8;
	[tilespmem:$0xA200] =	vst v63  }
0x90: {  	_ =	swait.ge [sflag:s11], $0x2800  }
0x91: {  	[sflag:s11] =	ssyncset.done $0x0  }
0x92: {  	[sflag:s11] =	ssyncadd.s32 $0xFFFFD800  }
0x93: {  	[hbm4b:s17+s2] =	stream.linear.scatter [tilespmem:s7], [sflag:$0x3], $0x2800, $0x38;
	[tilespmem:$0xA200] =	vst v63  }
0x94: {  	_ =	swait.ge [sflag:s3], $0x2800  }
0x95: {  	[sflag:s3] =	ssyncset.done $0x0  }
0x96: {  	[sflag:s3] =	ssyncadd.s32 $0xFFFFD800  }
0x97: {  	_ =	swait.ge [sflag:s13], $0x2800  }
0x98: {  	[sflag:s13] =	ssyncset.done $0x0  }
0x99: {  	[sflag:s13] =	ssyncadd.s32 $0xFFFFD800  }
0x9a: {  	[hbm4b:s18+s2] =	stream.linear.scatter [tilespmem:s10], [sflag:$0x3], $0x2800, $0x38;
	[tilespmem:$0xA200] =	vst v63  }
0x9b: {  	_ =	swait.ge [sflag:s3], $0x2800  }
0x9c: {  	[sflag:s3] =	ssyncset.done $0x0  }
0x9d: {  	[sflag:s3] =	ssyncadd.s32 $0xFFFFD800  }
0x9e: {  	[tilespmem:s19], [sflag:$0x3] =	stream.linear.gather [hbm4b:s4+s2], $0x50, $0x38;
	[tilespmem:$0xA200] =	vst v63  }
0x9f: {  	_ =	swait.ge [sflag:s3], $0x50  }
0xa0: {  	[sflag:s3] =	ssyncset.done $0x0  }
0xa1: {  	[sflag:s3] =	ssyncadd.s32 $0xFFFFFFB0  }
0xa2: {  	[tilespmem:s21], [sflag:$0x1] =	stream.indirect.gather [hbm4b:s20+s6], $0x80, s19, s6, $0xb8;
	[tilespmem:$0xA200] =	vst v63  }
0xa3: {  	_ = 	snop  }
0xa4: {  	[tilespmem:s22], [sflag:$0x3] =	stream.linear.gather [hbm4b:s8+s2], $0x50, $0x38;
	[tilespmem:$0xA200] =	vst v63  }
0xa5: {  	_ =	swait.ge [sflag:s3], $0x50  }
0xa6: {  	[sflag:s3] =	ssyncset.done $0x0  }
0xa7: {  	[sflag:s3] =	ssyncadd.s32 $0xFFFFFFB0  }
0xa8: {  	[tilespmem:s23], [sflag:$0x2] =	stream.indirect.gather [hbm4b:s20+s6], $0x80, s22, s6, $0xb8;
	[tilespmem:$0xA200] =	vst v63  }
0xa9: {  	_ =	swait.ge [sflag:s11], $0x2800  }
0xaa: {  	[sflag:s11] =	ssyncset.done $0x0  }
0xab: {  	[sflag:s11] =	ssyncadd.s32 $0xFFFFD800  }
0xac: {  	[hbm4b:s24+s2] =	stream.linear.scatter [tilespmem:s21], [sflag:$0x3], $0x2800, $0x38;
	[tilespmem:$0xA200] =	vst v63  }
0xad: {  	_ =	swait.ge [sflag:s3], $0x2800  }
0xae: {  	[sflag:s3] =	ssyncset.done $0x0  }
0xaf: {  	[sflag:s3] =	ssyncadd.s32 $0xFFFFD800  }
0xb0: {  	_ =	swait.ge [sflag:s13], $0x2800  }
0xb1: {  	[sflag:s13] =	ssyncset.done $0x0  }
0xb2: {  	[sflag:s13] =	ssyncadd.s32 $0xFFFFD800  }
0xb3: {  	[hbm4b:s25+s2] =	stream.linear.scatter [tilespmem:s23], [sflag:$0x3], $0x2800, $0x38;
	[tilespmem:$0xA200] =	vst v63  }
0xb4: {  	_ =	swait.ge [sflag:s3], $0x2800  }
0xb5: {  	[sflag:s3] =	ssyncset.done $0x0  }
0xb6: {  	[sflag:s3] =	ssyncadd.s32 $0xFFFFD800  }
0xb7: {  	[tilespmem:s19], [sflag:$0x3] =	stream.linear.gather [hbm4b:s15+s2], $0x50, $0x38;
	[tilespmem:$0xA200] =	vst v63  }
0xb8: {  	_ =	swait.ge [sflag:s3], $0x50  }
0xb9: {  	[sflag:s3] =	ssyncset.done $0x0  }
0xba: {  	[sflag:s3] =	ssyncadd.s32 $0xFFFFFFB0  }
0xbb: {  	[tilespmem:s21], [sflag:$0x1] =	stream.indirect.gather [hbm4b:s20+s6], $0x80, s19, s6, $0xb8;
	[tilespmem:$0xA200] =	vst v63  }
0xbc: {  	_ = 	snop  }
0xbd: {  	[tilespmem:s22], [sflag:$0x3] =	stream.linear.gather [hbm4b:s16+s2], $0x50, $0x38;
	[tilespmem:$0xA200] =	vst v63  }
0xbe: {  	_ =	swait.ge [sflag:s3], $0x50  }
0xbf: {  	[sflag:s3] =	ssyncset.done $0x0  }
0xc0: {  	[sflag:s3] =	ssyncadd.s32 $0xFFFFFFB0  }
0xc1: {  	[tilespmem:s23], [sflag:$0x2] =	stream.indirect.gather [hbm4b:s20+s6], $0x80, s22, s6, $0xb8;
	[tilespmem:$0xA200] =	vst v63  }
0xc2: {  	_ =	swait.ge [sflag:s11], $0x2800  }
0xc3: {  	[sflag:s11] =	ssyncset.done $0x0  }
0xc4: {  	[sflag:s11] =	ssyncadd.s32 $0xFFFFD800  }
0xc5: {  	[hbm4b:s26+s2] =	stream.linear.scatter [tilespmem:s21], [sflag:$0x3], $0x2800, $0x38;
	[tilespmem:$0xA200] =	vst v63  }
0xc6: {  	_ =	swait.ge [sflag:s3], $0x2800  }
0xc7: {  	[sflag:s3] =	ssyncset.done $0x0  }
0xc8: {  	[sflag:s3] =	ssyncadd.s32 $0xFFFFD800  }
0xc9: {  	_ =	swait.ge [sflag:s13], $0x2800  }
.Ltmp1:
0xca: {  	[sflag:s13] =	ssyncset.done $0x0;
	(pc) =	sbr.rel @p0 .LBB2_1-.Ltmp1, $4  }
0xcb: {  	[sflag:s13] =	ssyncadd.s32 $0xFFFFD800  }
0xcc: {  	[hbm4b:s28+s2] =	stream.linear.scatter [tilespmem:s23], [sflag:$0x3], $0x2800, $0x38;
	[tilespmem:$0xA200] =	vst v63  }
0xcd: {  	_ =	swait.ge [sflag:s3], $0x2800  }
0xce: {  	[sflag:s3] =	ssyncset.done $0x0  }
.LBB2_2:
0xcf: {  	[sflag:s3] =	ssyncadd.s32 $0xFFFFD800  }
0xd0: {  	_ =	sfence.sel $0x180000  }
0xd1: {  	[bflag:$0x0] =	sbarrier.arrive $0xFFFF  }
0xd2: {  	p0 =	sne.s32 s0, $0x0;
	_ =	strace $0x9000004A  }
0xd3: {  	s0 =	sadd.s32 @!p0 $0x100000, s1;
	[bflag:$0x2] =	sbarrier.arrive $0xFFFF  }
0xd4: {  	[sflag:s0] =	ssyncadd.tile.s32 @!p0 $0x1;
	_ =	shalt  }
.Lfunc_end2:
_tile_overlayer_lowered:
.L_overlay_start_2:
0xd5: {  	(tag) =	ssettag $0x2  }
0xd6: {  	s0 =	rddreg [dreg:$0x0];
	s2 =	stileid.u32  }
0xd7: {  	s1 =	rddreg [dreg:$0x1];
	p0 =	sne.s32 s2, $0x0  }
0xd8: {  	s3 =	rddreg [dreg:$0x2];
	[bflag:$0x3] =	sbarrier.arrive $0xFFFF;
	s2 =	simm.s32 @!p0 $0x1C03  }
0xd9: {  	[timem:s3], [sflag:s2] =	dma.local @!p0 [hbm:s0], s1  }
0xda: {  	s0 =	simm.s32 @!p0 $0x3  }
0xdb: {  	_ =	swait.ge @!p0 [sflag:s0], s1  }
0xdc: {  	s1 =	ssub.s32 @!p0 $0x0, s1;
	[sflag:s0] =	ssyncset.done @!p0 $0x0  }
0xdd: {  	[sflag:s0] =	ssyncadd.s32 @!p0 s1  }
0xde: {  	[bflag:$0x3] =	sbarrier.arrive $0xFFFF  }
0xdf: {  	_ =	shalt  }

// kernel: kernel.17.cloned.1.call-start
scs
__scs_entry_jumppad:
0x0: {  	(pc) =	sbr.rel $0x88, $3  }
0x1: {  	(tag) =	ssettag $0x0;
	lr =	simm.s32 $0x1  }
0x2: {  	[smem:$0x3F7F] =	sst lr;
	_ =	strace $0xD0000000  }
0x3: {  	_ = 	snop  }
0x4: {  	_ = 	snop  }
0x5: {  	_ = 	snop  }
0x6: {  	_ = 	snop  }
0x7: {  	_ = 	snop  }
__scs_overlays_trampoline_lowered:
0x8: {  	[smem:$0x3F8E] =	sst s0  }
0x9: {  	[smem:$0x3F8F] =	sst s1  }
0xa: {  	[smem:$0x3F90] =	sst s2  }
0xb: {  	[smem:$0x3F91] =	sst s3  }
0xc: {  	[smem:$0x3F92] =	sst s4  }
0xd: {  	[smem:$0x3F93] =	sst s5  }
0xe: {  	[smem:$0x3F94] =	sst s6  }
0xf: {  	[smem:$0x3F95] =	sst s7  }
0x10: {  	[smem:$0x3F96] =	sst s8  }
0x11: {  	[smem:$0x3F97] =	sst s9;
	s0 =	simm.s32 @!p0 $0x0  }
0x12: {  	s1 =	sld [smem:$0x3F7D];
	s0 =	simm.s32 @p0 $0x1  }
0x13: {  	[smem:$0x3F98] =	sst s0;
	s0 =	simm.s32 @!p1 $0x0  }
0x14: {  	s2 =	sld [smem:$0x3F7C];
	s0 =	simm.s32 @p1 $0x1  }
0x15: {  	[smem:$0x3F99] =	sst s0;
	s0 =	simm.s32 @!p2 $0x0  }
0x16: {  	s3 =	sld [smem:$0x3FDB];
	s0 =	simm.s32 @p2 $0x1  }
0x17: {  	s4 =	simm.s32 $0x1BF5;
	[smem:$0x3F9B] =	sst s0  }
0x18: {  	s0 =	sld [smem:$0x3F7E];
	_ =	swait.ge [sflag:s4], $0x0  }
0x19: {  	s7 =	sld [smem:$0x3F7F]  }
0x1a: {  	s8 =	sadd.s32 $0xFFFFE003, lr  }
0x1b: {  	s9 =	sadd.s32 $0xFFFFFEF7, lr;
	s5 =	simm.s32 $0xFFFFFFFF;
	p2 =	slt.u32 s8, $0xFFFFF086  }
0x1c: {  	p1 =	slt.u32 s9, $0xF7A;
	s5 =	simm.s32 @!p2 $0x0  }
0x1d: {  	s5 =	simm.s32 @p1 $0x1;
	p0 =	seq.s32 s7, s2  }
0x1e: {  	s7 =	smul.u32 @!p0 $0xF7A, s2;
	p2 =	seq.s32 @!p0 s5, $0x0  }
0x1f: {  	s9 =	smul.u32 $0xF7A, s1;
	s8 =	simm.s32 @!p0 $0x1BF5;
	p2 =	por !p2, p0  }
0x20: {  	[sflag:s8] =	ssyncset.s32 @!p0 $0xFFFFF086;
	s6 =	sadd.s32 @!p0 s3, s7;
	s7 =	simm.s32 @!p0 $0x108  }
0x21: {  	s3 =	sadd.s32 s3, s9;
	s6 =	sadd.s32 @!p0 $0x88, s6;
	s7 =	simm.s32 @p2 $0x1082  }
0x22: {  	[simem:s7], [sflag:s8] =	dma.local @!p0 [hbm:s6], $0xF7A  }
0x23: {  	s9 =	sor.u32 $0xD0000000, s2;
	s6 =	simm.s32 $0x108;
	_ =	swait.ge @!p0 [sflag:s8], $0x0  }
0x24: {  	s3 =	sadd.s32 $0x88, s3;
	s6 =	simm.s32 @!p1 $0x1082;
	[sflag:s4] =	ssyncset.s32 $0xFFFFF086  }
0x25: {  	[simem:s6], [sflag:s4] =	dma.local [hbm:s3], $0xF7A  }
0x26: {  	[smem:$0x3F7F] =	sst s1;
	(tag) =	ssettag s2;
	_ =	strace s9  }
0x27: {  	s1 =	sld [smem:$0x3F8F]  }
0x28: {  	s2 =	sld [smem:$0x3F90]  }
0x29: {  	s4 =	sld [smem:$0x3F92]  }
0x2a: {  	p0 =	seq.s32 s5, $0x0;
	s5 =	sld [smem:$0x3F93]  }
0x2b: {  	s6 =	sld [smem:$0x3F94]  }
0x2c: {  	s7 =	sld [smem:$0x3F95]  }
0x2d: {  	s3 =	simm.s32 $0x108;
	s8 =	sld [smem:$0x3F96]  }
0x2e: {  	s3 =	simm.s32 @!p0 $0x1082;
	s9 =	sld [smem:$0x3F97]  }
0x2f: {  	lr =	sadd.s32 s0, s3;
	s0 =	sld [smem:$0x3F8E]  }
0x30: {  	s3 =	sld [smem:$0x3F91]  }
0x31: {  	[smem:$0x3F9A] =	sst s10  }
0x32: {  	s10 =	sld [smem:$0x3F98];
	_ =	sdelay $0x3  }
0x33: {  	p0 =	seq.s32 s10, $0x1;
	s10 =	sld [smem:$0x3F9A];
	_ =	sdelay $0x3  }
0x34: {  	[smem:$0x3F9A] =	sst s10  }
0x35: {  	s10 =	sld [smem:$0x3F99];
	_ =	sdelay $0x3  }
0x36: {  	p1 =	seq.s32 s10, $0x1;
	s10 =	sld [smem:$0x3F9A];
	_ =	sdelay $0x3  }
0x37: {  	[smem:$0x3F9A] =	sst s10  }
0x38: {  	s10 =	sld [smem:$0x3F9B]  }
0x39: {  	_ = 	snop;
	(pc) =	sbr.ind lr, $3  }
0x3a: {  	_ = 	snop  }
0x3b: {  	_ = 	snop  }
0x3c: {  	p2 =	seq.s32 s10, $0x1;
	s10 =	sld [smem:$0x3F9A]  }
0x3d: {  	_ =	shalt  }
0x3e: {  	_ =	shalt  }
0x3f: {  	_ =	shalt  }
0x40: {  	_ =	shalt  }
0x41: {  	_ =	shalt  }
0x42: {  	_ =	shalt  }
0x43: {  	_ =	shalt  }
0x44: {  	_ =	shalt  }
0x45: {  	_ =	shalt  }
0x46: {  	_ =	shalt  }
0x47: {  	_ =	shalt  }
0x48: {  	_ =	shalt  }
0x49: {  	_ =	shalt  }
0x4a: {  	_ =	shalt  }
0x4b: {  	_ =	shalt  }
0x4c: {  	_ =	shalt  }
0x4d: {  	_ =	shalt  }
0x4e: {  	_ =	shalt  }
0x4f: {  	_ =	shalt  }
0x50: {  	_ =	shalt  }
0x51: {  	_ =	shalt  }
0x52: {  	_ =	shalt  }
0x53: {  	_ =	shalt  }
0x54: {  	_ =	shalt  }
0x55: {  	_ =	shalt  }
0x56: {  	_ =	shalt  }
0x57: {  	_ =	shalt  }
0x58: {  	_ =	shalt  }
0x59: {  	_ =	shalt  }
0x5a: {  	_ =	shalt  }
0x5b: {  	_ =	shalt  }
0x5c: {  	_ =	shalt  }
0x5d: {  	_ =	shalt  }
0x5e: {  	_ =	shalt  }
0x5f: {  	_ =	shalt  }
0x60: {  	_ =	shalt  }
0x61: {  	_ =	shalt  }
0x62: {  	_ =	shalt  }
0x63: {  	_ =	shalt  }
0x64: {  	_ =	shalt  }
0x65: {  	_ =	shalt  }
0x66: {  	_ =	shalt  }
0x67: {  	_ =	shalt  }
0x68: {  	_ =	shalt  }
0x69: {  	_ =	shalt  }
0x6a: {  	_ =	shalt  }
0x6b: {  	_ =	shalt  }
0x6c: {  	_ =	shalt  }
0x6d: {  	_ =	shalt  }
0x6e: {  	_ =	shalt  }
0x6f: {  	_ =	shalt  }
0x70: {  	_ =	shalt  }
0x71: {  	_ =	shalt  }
0x72: {  	_ =	shalt  }
0x73: {  	_ =	shalt  }
0x74: {  	_ =	shalt  }
0x75: {  	_ =	shalt  }
0x76: {  	_ =	shalt  }
0x77: {  	_ =	shalt  }
0x78: {  	_ =	shalt  }
0x79: {  	_ =	shalt  }
0x7a: {  	_ =	shalt  }
0x7b: {  	_ =	shalt  }
0x7c: {  	_ =	shalt  }
0x7d: {  	_ =	shalt  }
0x7e: {  	_ =	shalt  }
0x7f: {  	_ =	shalt  }
0x80: {  	_ =	shalt  }
0x81: {  	_ =	shalt  }
0x82: {  	_ =	shalt  }
0x83: {  	_ =	shalt  }
0x84: {  	_ =	shalt  }
0x85: {  	_ =	shalt  }
0x86: {  	_ =	shalt  }
0x87: {  	_ =	shalt  }
.Lfunc_end0:
.L_simem_size_0:
called_computation.2_lowered:
.L_overlay_start_0:
0x88: {  	s2 =	sld [smem:$0x3FD9]  }
0x89: {  	s3 =	sld [smem:$0x3FFE];
	_ =	sdelay $0x1  }
0x8a: {  	s1 =	srdreg.scid  }
0x8b: {  	s0 =	sand.u32 $0x1, s1  }
0x8c: {  	s16 =	sshll.u32 s0, $0xA;
	s2 =	sadd.s32 s3, s2  }
0x8d: {  	s2 =	sadd.s32 s2, s16  }
0x8e: {  	[smem:$0x3FA6] =	sst s2  }
0x8f: {  	_ = 	snop  }
0x90: {  	(tm) =	ssettm $0x1  }
0x91: {  	s17 =	sld [smem:$0x3FFB];
	_ =	sdelay $0x3  }
0x92: {  	_ =	strace s17  }
0x93: {  	s2 =	sld [smem:$0x3FFC];
	_ =	sdelay $0x3  }
0x94: {  	_ =	strace s2  }
0x95: {  	s2 =	sld [smem:$0x3FFD];
	_ =	sdelay $0x3  }
0x96: {  	_ =	strace s2  }
0x97: {  	_ =	strace $0x8FFFFFFF  }
0x98: {  	s18 =	sld [smem:$0x3FDB];
	_ =	sdelay $0x1  }
0x99: {  	s19 =	simm.s32 $_scs_section_size  }
0x9a: {  	s4 =	simm.s32 $_size__tile_overlayer_lowered;
	s5 =	simm.s32 $_tile_overlayer_lowered  }
0x9b: {  	s22 =	simm.s32 $0x1BFF;
	s21 =	sshll.u32 s5, $0x1;
	s2 =	sadd.s32 s19, s18  }
0x9c: {  	s6 =	simm.s32 $0x0;
	s20 =	sshll.u32 s4, $0x1;
	s4 =	sadd.s32 s21, s2  }
0x9d: {  	[timem:s6], [sflag:s22] =	dma.local [hbm:s4], s20  }
0x9e: {  	_ =	swait.ge [sflag:s22], s20  }
0x9f: {  	s3 =	ssub.s32 $0x0, s20;
	[sflag:s22] =	ssyncset.done $0x0  }
0xa0: {  	[sflag:s22] =	ssyncadd.s32 s3;
	_ =	sdelay $0x1  }
0xa1: {  	s23 =	simm.s32 $0x1B8B  }
0xa2: {  	_ =	swait.ge [sflag:s23], $0x1  }
0xa3: {  	[sflag:s23] =	ssyncset.done $0x0  }
0xa4: {  	s25 =	simm.s32 $0x1B8E;
	s24 =	sld [smem:$0x3FFE];
	[sflag:s23] =	ssyncadd.s32 $0xFFFFFFFF  }
0xa5: {  	s26 =	simm.s32 $execute0_lowered;
	[smem:$0x3FD2] =	sst s25  }
0xa6: {  	s4 =	sshll.u32 s26, $0x1;
	_ =	strace $0x8000004C;
	[dreg:$0x1] =	wrdreg $0xFFFFFFFF  }
0xa7: {  	s28 =	simm.s32 $_size_execute0_lowered;
	s2 =	sadd.s32 s2, s4;
	[dreg:$0x0] =	wrdreg $0x0  }
0xa8: {  	s4 =	sshll.u32 s28, $0x1;
	[dreg:$0x2] =	wrdreg s2  }
0xa9: {  	[dreg:$0x3] =	wrdreg s4  }
0xaa: {  	[dreg:$0x4] =	wrdreg $0xC0  }
0xab: {  	_ =	task [dreg:s6], $0x5FFFF  }
0xac: {  	[dreg:$0x1] =	wrdreg $0xFFFFFFFF  }
0xad: {  	[dreg:$0x0] =	wrdreg $0x60  }
0xae: {  	[dreg:$0x2] =	wrdreg s24  }
0xaf: {  	[dreg:$0x3] =	wrdreg $0x9  }
0xb0: {  	_ =	task.clear_ibuf [dreg:s6], $0x4FFFF;
	_ =	strace $0x9000004C  }
0xb1: {  	s29 =	simm.s32 $0x9;
	_ =	strace $0x8000004E  }
0xb2: {  	_ =	swait.ge [sflag:s29], $0x1  }
0xb3: {  	[sflag:s29] =	ssyncadd.s32 $0xFFFFFFFF  }
0xb4: {  	_ =	strace $0x9000004E  }
0xb5: {  	_ =	sfence  }
0xb6: {  	s30 =	sld [smem:$0x0];
	_ =	sdelay $0x2  }
0xb7: {  	s31 =	sshll.u32 s1, $0xD;
	s1 =	sshrl.u32 s1, $0x2  }
0xb8: {  	s3 =	sand.u32 $0x4000, s31;
	s1 =	sadd.s32 s1, s30  }
0xb9: {  	s0 =	sor.u32 s3, s0;
	s1 =	sshll.u32 s1, $0x11  }
0xba: {  	s0 =	sor.u32 s1, s0  }
0xbb: {  	s0 =	sadd.s32 $0x8F2B, s0  }
0xbc: {  	[sflag:s0] =	ssyncadd.remote.s32 $0x1  }
0xbd: {  	_ =	sfence.sel $0xFFFF  }
0xbe: {  	[dreg:$0x0] =	wrdreg $0xFFFFFFFF;
	(pc) =	sbr.abs _section_cstart, $3  }
0xbf: {  	[dreg:$0x1] =	wrdreg $0xFFFFFFFF  }
0xc0: {  	_ =	task.clear_ibuf [dreg:s6], $0x2FFFF;
	_ =	strace $0x9FFFFFFF  }
0xc1: {  	(tm) =	ssettm $0x7FFFFFFF  }
tec
execute0_lowered:
.L_overlay_start_1:
0x0: {  	(tag) =	ssettag $0x1  }
0x1: {  	s5 =	rddreg [dreg:$0x0]  }
0x2: {  	s0 =	rddreg [dreg:$0x1];
	s2 =	simm.s32 $0x0;
	s4 =	srdreg.scid  }
0x3: {  	s1 =	stileid.u32;
	s17 =	simm.s32 $0x2100;
	s18 =	simm.s32 $0x1  }
0x4: {  	s19 =	simm.s32 $0x2;
	s20 =	simm.s32 $0x4100;
	s21 =	simm.s32 $0x4180  }
0x5: {  	s22 =	simm.s32 $0x6180;
	s23 =	simm.s32 $0x6200;
	s24 =	simm.s32 $0x0  }
0x6: {  	[smem:$0x7FF] =	sst s2;
	s3 =	sadd.s32 $0x194600, s5;
	s7 =	sand.u32 $0x1, s4  }
0x7: {  	s6 =	sshll.u32 s1, $0x1;
	s11 =	sadd.s32 $0x1E2800, s5;
	s12 =	smul.u32 $0x9800, s1  }
0x8: {  	s4 =	sadd.s32 $0x5A800, s5;
	s10 =	sadd.s32 $0x37E800, s5;
	s13 =	smul.u32 $0x980, s1  }
0x9: {  	s8 =	sadd.s32 $0xA8A00, s5;
	_ =	strace $0x8000004D;
	s15 =	smul.u32 $0x4C0, s7  }
0xa: {  	s6 =	sor.u32 s7, s6;
	s9 =	ssub.s32 $0x2, s7;
	s16 =	smul.u32 $0x4C00, s7  }
0xb: {  	s6 =	smul.u32 $0x4C0, s6;
	s28 =	sshrl.u32 s9, $0x1;
	s30 =	sadd.s32 s12, s8  }
0xc: {  	s12 =	sadd.s32 s12, s10;
	s9 =	ssub.s32 s9, s28;
	s13 =	sadd.s32 s15, s13  }
0xd: {  	s12 =	sadd.s32 s16, s12;
	s15 =	simm.s32 $0x80;
	s29 =	sadd.s32 $0x480, s6  }
0xe: {  	s31 =	sadd.s32 $0x40, s13;
	s6 =	sshrl.u32 s29, $0x3;
	s14 =	sshll.u32 s29, $0x4  }
0xf: {  	s13 =	sshrl.u32 s13, $0x3;
	s5 =	sadd.s32 s11, s6;
	s6 =	sadd.s32 s8, s14  }
0x10: {  	s7 =	sadd.s32 s10, s14;
	s8 =	smax.u32 s9, $0x1;
	s9 =	sadd.s32 s16, s30  }
0x11: {  	s14 =	sshrl.u32 s31, $0x3;
	s10 =	sadd.s32 s13, s11;
	s13 =	simm.s32 $0x3  }
0x12: {  	s16 =	simm.s32 $0x2080;
	s11 =	sadd.s32 s14, s11;
	s14 =	simm.s32 $0x40  }
.LBB2_1:
0x13: {  	s25 =	sadd.s32 $0x0, s10  }
0x14: {  	[tilespmem:s2], [sflag:$0x3] =	stream.linear.gather [hbm4b:s25+s2], $0x40, $0x38;
	[tilespmem:$0x8200] =	vst v63  }
0x15: {  	_ =	swait.ge [sflag:s13], $0x40  }
0x16: {  	[sflag:s13] =	ssyncset.done $0x0  }
0x17: {  	[sflag:s13] =	ssyncadd.s32 $0xFFFFFFC0  }
0x18: {  	[tilespmem:s15], [sflag:$0x1] =	stream.indirect.gather [hbm4b:s3+s14], $0x80, s2, s14, $0xb8;
	[tilespmem:$0x8200] =	vst v63  }
0x19: {  	s30 =	sadd.s32 $0x0, s11  }
0x1a: {  	[tilespmem:s16], [sflag:$0x3] =	stream.linear.gather [hbm4b:s30+s2], $0x40, $0x38;
	[tilespmem:$0x8200] =	vst v63  }
0x1b: {  	_ =	swait.ge [sflag:s13], $0x40  }
0x1c: {  	[sflag:s13] =	ssyncset.done $0x0  }
0x1d: {  	[sflag:s13] =	ssyncadd.s32 $0xFFFFFFC0  }
0x1e: {  	[tilespmem:s17], [sflag:$0x2] =	stream.indirect.gather [hbm4b:s3+s14], $0x80, s16, s14, $0xb8;
	[tilespmem:$0x8200] =	vst v63  }
0x1f: {  	_ =	swait.ge [sflag:s18], $0x2000  }
0x20: {  	[sflag:s18] =	ssyncset.done $0x0  }
0x21: {  	[sflag:s18] =	ssyncadd.s32 $0xFFFFE000  }
0x22: {  	[hbm4b:s9+s2] =	stream.linear.scatter [tilespmem:s15], [sflag:$0x3], $0x2000, $0x38;
	[tilespmem:$0x8200] =	vst v63  }
0x23: {  	_ =	swait.ge [sflag:s13], $0x2000  }
0x24: {  	[sflag:s13] =	ssyncset.done $0x0  }
0x25: {  	[sflag:s13] =	ssyncadd.s32 $0xFFFFE000  }
0x26: {  	_ =	swait.ge [sflag:s19], $0x2000  }
0x27: {  	[sflag:s19] =	ssyncset.done $0x0  }
0x28: {  	s31 =	sadd.s32 $0x400, s9;
	[sflag:s19] =	ssyncadd.s32 $0xFFFFE000  }
0x29: {  	[hbm4b:s31+s2] =	stream.linear.scatter [tilespmem:s17], [sflag:$0x3], $0x2000, $0x38;
	[tilespmem:$0x8200] =	vst v63  }
0x2a: {  	s26 =	simm.s32 $0x10;
	_ =	swait.ge [sflag:s13], $0x2000  }
0x2b: {  	s28 =	simm.s32 $0x20;
	s25 =	sadd.s32 $0x800, s9;
	[sflag:s13] =	ssyncset.done $0x0  }
.LBB2_2:
0x2c: {  	s29 =	sadd.s32 s26, s10  }
0x2d: {  	[sflag:s13] =	ssyncadd.s32 $0xFFFFE000;
	s30 =	smov.u32 s28;
	s31 =	sadd.s32 $0x10, s28  }
0x2e: {  	[tilespmem:s2], [sflag:$0x3] =	stream.linear.gather [hbm4b:s29+s2], $0x40, $0x38;
	[tilespmem:$0x8200] =	vst v63  }
0x2f: {  	p0 =	sne.s32 s28, $0x80;
	_ =	swait.ge [sflag:s13], $0x40  }
0x30: {  	[sflag:s13] =	ssyncset.done $0x0  }
0x31: {  	[sflag:s13] =	ssyncadd.s32 $0xFFFFFFC0  }
0x32: {  	[tilespmem:s15], [sflag:$0x1] =	stream.indirect.gather [hbm4b:s3+s14], $0x80, s2, s14, $0xb8;
	[tilespmem:$0x8200] =	vst v63  }
0x33: {  	s28 =	sadd.s32 s26, s11;
	s26 =	smov.u32 s30  }
0x34: {  	[tilespmem:s16], [sflag:$0x3] =	stream.linear.gather [hbm4b:s28+s2], $0x40, $0x38;
	[tilespmem:$0x8200] =	vst v63  }
0x35: {  	_ =	swait.ge [sflag:s13], $0x40  }
0x36: {  	[sflag:s13] =	ssyncset.done $0x0  }
0x37: {  	[sflag:s13] =	ssyncadd.s32 $0xFFFFFFC0  }
0x38: {  	[tilespmem:s17], [sflag:$0x2] =	stream.indirect.gather [hbm4b:s3+s14], $0x80, s16, s14, $0xb8;
	[tilespmem:$0x8200] =	vst v63  }
0x39: {  	_ =	swait.ge [sflag:s18], $0x2000  }
0x3a: {  	[sflag:s18] =	ssyncset.done $0x0  }
0x3b: {  	[sflag:s18] =	ssyncadd.s32 $0xFFFFE000  }
0x3c: {  	[hbm4b:s25+s2] =	stream.linear.scatter [tilespmem:s15], [sflag:$0x3], $0x2000, $0x38;
	[tilespmem:$0x8200] =	vst v63  }
0x3d: {  	_ =	swait.ge [sflag:s13], $0x2000  }
0x3e: {  	[sflag:s13] =	ssyncset.done $0x0  }
0x3f: {  	[sflag:s13] =	ssyncadd.s32 $0xFFFFE000  }
0x40: {  	_ =	swait.ge [sflag:s19], $0x2000  }
.Ltmp0:
0x41: {  	[sflag:s19] =	ssyncset.done $0x0;
	(pc) =	sbr.rel @p0 .LBB2_2-.Ltmp0, $4  }
0x42: {  	s28 =	sadd.s32 $0x400, s25;
	[sflag:s19] =	ssyncadd.s32 $0xFFFFE000  }
0x43: {  	[hbm4b:s28+s2] =	stream.linear.scatter [tilespmem:s17], [sflag:$0x3], $0x2000, $0x38;
	[tilespmem:$0x8200] =	vst v63  }
0x44: {  	_ =	swait.ge [sflag:s13], $0x2000  }
0x45: {  	s25 =	sadd.s32 $0x800, s25;
	s28 =	smov.u32 s31;
	[sflag:s13] =	ssyncset.done $0x0  }
0x46: {  	s28 =	sadd.s32 s26, s10;
	[sflag:s13] =	ssyncadd.s32 $0xFFFFE000  }
0x47: {  	[tilespmem:s2], [sflag:$0x3] =	stream.linear.gather [hbm4b:s28+s2], $0x40, $0x38;
	[tilespmem:$0x8200] =	vst v63  }
0x48: {  	_ =	swait.ge [sflag:s13], $0x40  }
0x49: {  	[sflag:s13] =	ssyncset.done $0x0  }
0x4a: {  	[sflag:s13] =	ssyncadd.s32 $0xFFFFFFC0  }
0x4b: {  	[tilespmem:s15], [sflag:$0x1] =	stream.indirect.gather [hbm4b:s3+s14], $0x80, s2, s14, $0xb8;
	[tilespmem:$0x8200] =	vst v63  }
0x4c: {  	s30 =	sadd.s32 s26, s11  }
0x4d: {  	[tilespmem:s16], [sflag:$0x3] =	stream.linear.gather [hbm4b:s30+s2], $0x40, $0x38;
	[tilespmem:$0x8200] =	vst v63  }
0x4e: {  	_ =	swait.ge [sflag:s13], $0x40  }
0x4f: {  	[sflag:s13] =	ssyncset.done $0x0  }
0x50: {  	[sflag:s13] =	ssyncadd.s32 $0xFFFFFFC0  }
0x51: {  	[tilespmem:s17], [sflag:$0x2] =	stream.indirect.gather [hbm4b:s3+s14], $0x80, s16, s14, $0xb8;
	[tilespmem:$0x8200] =	vst v63  }
0x52: {  	_ =	swait.ge [sflag:s18], $0x2000  }
0x53: {  	[sflag:s18] =	ssyncset.done $0x0  }
0x54: {  	[sflag:s18] =	ssyncadd.s32 $0xFFFFE000  }
0x55: {  	[hbm4b:s25+s2] =	stream.linear.scatter [tilespmem:s15], [sflag:$0x3], $0x2000, $0x38;
	[tilespmem:$0x8200] =	vst v63  }
0x56: {  	_ =	swait.ge [sflag:s13], $0x2000  }
0x57: {  	[sflag:s13] =	ssyncset.done $0x0  }
0x58: {  	[sflag:s13] =	ssyncadd.s32 $0xFFFFE000  }
0x59: {  	_ =	swait.ge [sflag:s19], $0x2000  }
0x5a: {  	[sflag:s19] =	ssyncset.done $0x0  }
0x5b: {  	s31 =	sadd.s32 $0x400, s25;
	[sflag:s19] =	ssyncadd.s32 $0xFFFFE000  }
0x5c: {  	[hbm4b:s31+s2] =	stream.linear.scatter [tilespmem:s17], [sflag:$0x3], $0x2000, $0x38;
	[tilespmem:$0x8200] =	vst v63  }
0x5d: {  	_ =	swait.ge [sflag:s13], $0x2000  }
0x5e: {  	[sflag:s13] =	ssyncset.done $0x0  }
0x5f: {  	s26 =	simm.s32 $0x0;
	[sflag:s13] =	ssyncadd.s32 $0xFFFFE000  }
0x60: {  	[tilespmem:s26], [sflag:$0x3] =	stream.linear.gather [hbm4b:s5+s26], $0x40, $0x38;
	[tilespmem:$0x8200] =	vst v63  }
0x61: {  	_ =	swait.ge [sflag:s13], $0x40  }
0x62: {  	[sflag:s13] =	ssyncset.done $0x0  }
0x63: {  	[sflag:s13] =	ssyncadd.s32 $0xFFFFFFC0  }
0x64: {  	[tilespmem:s15], [sflag:$0x1] =	stream.indirect.gather [hbm4b:s3+s14], $0x80, s26, s14, $0xb8;
	[tilespmem:$0x8200] =	vst v63  }
0x65: {  	_ =	swait.ge [sflag:s18], $0x2000  }
0x66: {  	[sflag:s18] =	ssyncset.done $0x0  }
0x67: {  	[sflag:s18] =	ssyncadd.s32 $0xFFFFE000  }
0x68: {  	[hbm4b:s6+s26] =	stream.linear.scatter [tilespmem:s15], [sflag:$0x3], $0x2000, $0x38;
	[tilespmem:$0x8200] =	vst v63  }
0x69: {  	_ =	swait.ge [sflag:s13], $0x2000  }
0x6a: {  	[sflag:s13] =	ssyncset.done $0x0  }
0x6b: {  	s29 =	sadd.s32 $0x0, s10;
	[sflag:s13] =	ssyncadd.s32 $0xFFFFE000  }
0x6c: {  	[tilespmem:s20], [sflag:$0x3] =	stream.linear.gather [hbm4b:s29+s2], $0x40, $0x38;
	[tilespmem:$0x8200] =	vst v63  }
0x6d: {  	_ =	swait.ge [sflag:s13], $0x40  }
0x6e: {  	[sflag:s13] =	ssyncset.done $0x0  }
0x6f: {  	[sflag:s13] =	ssyncadd.s32 $0xFFFFFFC0  }
0x70: {  	[tilespmem:s21], [sflag:$0x1] =	stream.indirect.gather [hbm4b:s4+s14], $0x80, s20, s14, $0xb8;
	[tilespmem:$0x8200] =	vst v63  }
0x71: {  	s30 =	sadd.s32 $0x0, s11  }
0x72: {  	[tilespmem:s22], [sflag:$0x3] =	stream.linear.gather [hbm4b:s30+s2], $0x40, $0x38;
	[tilespmem:$0x8200] =	vst v63  }
0x73: {  	_ =	swait.ge [sflag:s13], $0x40  }
0x74: {  	[sflag:s13] =	ssyncset.done $0x0  }
0x75: {  	[sflag:s13] =	ssyncadd.s32 $0xFFFFFFC0  }
0x76: {  	[tilespmem:s23], [sflag:$0x2] =	stream.indirect.gather [hbm4b:s4+s14], $0x80, s22, s14, $0xb8;
	[tilespmem:$0x8200] =	vst v63  }
0x77: {  	_ =	swait.ge [sflag:s18], $0x2000  }
0x78: {  	[sflag:s18] =	ssyncset.done $0x0  }
0x79: {  	[sflag:s18] =	ssyncadd.s32 $0xFFFFE000  }
0x7a: {  	[hbm4b:s12+s2] =	stream.linear.scatter [tilespmem:s21], [sflag:$0x3], $0x2000, $0x38;
	[tilespmem:$0x8200] =	vst v63  }
0x7b: {  	_ =	swait.ge [sflag:s13], $0x2000  }
0x7c: {  	[sflag:s13] =	ssyncset.done $0x0  }
0x7d: {  	[sflag:s13] =	ssyncadd.s32 $0xFFFFE000  }
0x7e: {  	_ =	swait.ge [sflag:s19], $0x2000  }
0x7f: {  	[sflag:s19] =	ssyncset.done $0x0  }
0x80: {  	s31 =	sadd.s32 $0x400, s12;
	[sflag:s19] =	ssyncadd.s32 $0xFFFFE000  }
0x81: {  	[hbm4b:s31+s2] =	stream.linear.scatter [tilespmem:s23], [sflag:$0x3], $0x2000, $0x38;
	[tilespmem:$0x8200] =	vst v63  }
0x82: {  	s28 =	simm.s32 $0x20;
	_ =	swait.ge [sflag:s13], $0x2000  }
0x83: {  	s25 =	sadd.s32 $0x800, s12;
	s26 =	simm.s32 $0x10;
	[sflag:s13] =	ssyncset.done $0x0  }
.LBB2_4:
0x84: {  	s29 =	sadd.s32 s26, s10  }
0x85: {  	[sflag:s13] =	ssyncadd.s32 $0xFFFFE000;
	s30 =	smov.u32 s28;
	s31 =	sadd.s32 $0x10, s28  }
0x86: {  	[tilespmem:s20], [sflag:$0x3] =	stream.linear.gather [hbm4b:s29+s2], $0x40, $0x38;
	[tilespmem:$0x8200] =	vst v63  }
0x87: {  	p0 =	sne.s32 s28, $0x80;
	_ =	swait.ge [sflag:s13], $0x40  }
0x88: {  	[sflag:s13] =	ssyncset.done $0x0  }
0x89: {  	[sflag:s13] =	ssyncadd.s32 $0xFFFFFFC0  }
0x8a: {  	[tilespmem:s21], [sflag:$0x1] =	stream.indirect.gather [hbm4b:s4+s14], $0x80, s20, s14, $0xb8;
	[tilespmem:$0x8200] =	vst v63  }
0x8b: {  	s28 =	sadd.s32 s26, s11;
	s26 =	smov.u32 s30  }
0x8c: {  	[tilespmem:s22], [sflag:$0x3] =	stream.linear.gather [hbm4b:s28+s2], $0x40, $0x38;
	[tilespmem:$0x8200] =	vst v63  }
0x8d: {  	_ =	swait.ge [sflag:s13], $0x40  }
0x8e: {  	[sflag:s13] =	ssyncset.done $0x0  }
0x8f: {  	[sflag:s13] =	ssyncadd.s32 $0xFFFFFFC0  }
0x90: {  	[tilespmem:s23], [sflag:$0x2] =	stream.indirect.gather [hbm4b:s4+s14], $0x80, s22, s14, $0xb8;
	[tilespmem:$0x8200] =	vst v63  }
0x91: {  	_ =	swait.ge [sflag:s18], $0x2000  }
0x92: {  	[sflag:s18] =	ssyncset.done $0x0  }
0x93: {  	[sflag:s18] =	ssyncadd.s32 $0xFFFFE000  }
0x94: {  	[hbm4b:s25+s2] =	stream.linear.scatter [tilespmem:s21], [sflag:$0x3], $0x2000, $0x38;
	[tilespmem:$0x8200] =	vst v63  }
0x95: {  	_ =	swait.ge [sflag:s13], $0x2000  }
0x96: {  	[sflag:s13] =	ssyncset.done $0x0  }
0x97: {  	[sflag:s13] =	ssyncadd.s32 $0xFFFFE000  }
0x98: {  	_ =	swait.ge [sflag:s19], $0x2000  }
.Ltmp1:
0x99: {  	[sflag:s19] =	ssyncset.done $0x0;
	(pc) =	sbr.rel @p0 .LBB2_4-.Ltmp1, $4  }
0x9a: {  	s28 =	sadd.s32 $0x400, s25;
	[sflag:s19] =	ssyncadd.s32 $0xFFFFE000  }
0x9b: {  	[hbm4b:s28+s2] =	stream.linear.scatter [tilespmem:s23], [sflag:$0x3], $0x2000, $0x38;
	[tilespmem:$0x8200] =	vst v63  }
0x9c: {  	_ =	swait.ge [sflag:s13], $0x2000  }
0x9d: {  	s25 =	sadd.s32 $0x800, s25;
	s28 =	smov.u32 s31;
	[sflag:s13] =	ssyncset.done $0x0  }
0x9e: {  	s28 =	sadd.s32 s26, s10;
	[sflag:s13] =	ssyncadd.s32 $0xFFFFE000  }
0x9f: {  	[tilespmem:s20], [sflag:$0x3] =	stream.linear.gather [hbm4b:s28+s2], $0x40, $0x38;
	[tilespmem:$0x8200] =	vst v63  }
0xa0: {  	_ =	swait.ge [sflag:s13], $0x40  }
0xa1: {  	[sflag:s13] =	ssyncset.done $0x0  }
0xa2: {  	[sflag:s13] =	ssyncadd.s32 $0xFFFFFFC0  }
0xa3: {  	[tilespmem:s21], [sflag:$0x1] =	stream.indirect.gather [hbm4b:s4+s14], $0x80, s20, s14, $0xb8;
	[tilespmem:$0x8200] =	vst v63  }
0xa4: {  	s30 =	sadd.s32 s26, s11  }
0xa5: {  	[tilespmem:s22], [sflag:$0x3] =	stream.linear.gather [hbm4b:s30+s2], $0x40, $0x38;
	[tilespmem:$0x8200] =	vst v63  }
0xa6: {  	_ =	swait.ge [sflag:s13], $0x40  }
0xa7: {  	[sflag:s13] =	ssyncset.done $0x0  }
0xa8: {  	[sflag:s13] =	ssyncadd.s32 $0xFFFFFFC0  }
0xa9: {  	[tilespmem:s23], [sflag:$0x2] =	stream.indirect.gather [hbm4b:s4+s14], $0x80, s22, s14, $0xb8;
	[tilespmem:$0x8200] =	vst v63  }
0xaa: {  	_ =	swait.ge [sflag:s18], $0x2000  }
0xab: {  	[sflag:s18] =	ssyncset.done $0x0  }
0xac: {  	[sflag:s18] =	ssyncadd.s32 $0xFFFFE000  }
0xad: {  	[hbm4b:s25+s2] =	stream.linear.scatter [tilespmem:s21], [sflag:$0x3], $0x2000, $0x38;
	[tilespmem:$0x8200] =	vst v63  }
0xae: {  	_ =	swait.ge [sflag:s13], $0x2000  }
0xaf: {  	[sflag:s13] =	ssyncset.done $0x0  }
0xb0: {  	[sflag:s13] =	ssyncadd.s32 $0xFFFFE000  }
0xb1: {  	_ =	swait.ge [sflag:s19], $0x2000  }
0xb2: {  	[sflag:s19] =	ssyncset.done $0x0  }
0xb3: {  	s31 =	sadd.s32 $0x400, s25;
	[sflag:s19] =	ssyncadd.s32 $0xFFFFE000  }
0xb4: {  	[hbm4b:s31+s2] =	stream.linear.scatter [tilespmem:s23], [sflag:$0x3], $0x2000, $0x38;
	[tilespmem:$0x8200] =	vst v63  }
0xb5: {  	_ =	swait.ge [sflag:s13], $0x2000  }
0xb6: {  	[sflag:s13] =	ssyncset.done $0x0  }
0xb7: {  	[sflag:s13] =	ssyncadd.s32 $0xFFFFE000  }
0xb8: {  	[tilespmem:s20], [sflag:$0x3] =	stream.linear.gather [hbm4b:s5+s2], $0x40, $0x38;
	[tilespmem:$0x8200] =	vst v63  }
0xb9: {  	_ =	swait.ge [sflag:s13], $0x40  }
0xba: {  	[sflag:s13] =	ssyncset.done $0x0  }
0xbb: {  	[sflag:s13] =	ssyncadd.s32 $0xFFFFFFC0  }
0xbc: {  	[tilespmem:s21], [sflag:$0x1] =	stream.indirect.gather [hbm4b:s4+s14], $0x80, s20, s14, $0xb8;
	[tilespmem:$0x8200] =	vst v63  }
0xbd: {  	s24 =	sadd.s32 $0x1, s24;
	_ =	swait.ge [sflag:s18], $0x2000  }
0xbe: {  	p0 =	sne.s32 s24, s8;
	[sflag:s18] =	ssyncset.done $0x0  }
.Ltmp2:
0xbf: {  	[sflag:s18] =	ssyncadd.s32 $0xFFFFE000;
	(pc) =	sbr.rel @p0 .LBB2_1-.Ltmp2, $4  }
0xc0: {  	[hbm4b:s7+s2] =	stream.linear.scatter [tilespmem:s21], [sflag:$0x3], $0x2000, $0x38;
	[tilespmem:$0x8200] =	vst v63  }
0xc1: {  	_ =	swait.ge [sflag:s13], $0x2000  }
0xc2: {  	[sflag:s13] =	ssyncset.done $0x0  }
0xc3: {  	[sflag:s13] =	ssyncadd.s32 $0xFFFFE000  }
0xc4: {  	_ =	sfence.sel $0x180000  }
0xc5: {  	[bflag:$0x0] =	sbarrier.arrive $0xFFFF  }
0xc6: {  	p0 =	sne.s32 s1, $0x0;
	_ =	strace $0x9000004D  }
0xc7: {  	s0 =	sadd.s32 @!p0 $0x100000, s0;
	[bflag:$0x2] =	sbarrier.arrive $0xFFFF  }
0xc8: {  	[sflag:s0] =	ssyncadd.tile.s32 @!p0 $0x1;
	_ =	shalt  }
.Lfunc_end2:
_tile_overlayer_lowered:
.L_overlay_start_2:
0xc9: {  	(tag) =	ssettag $0x2  }
0xca: {  	s0 =	rddreg [dreg:$0x0];
	s2 =	stileid.u32  }
0xcb: {  	s1 =	rddreg [dreg:$0x1];
	p0 =	sne.s32 s2, $0x0  }
0xcc: {  	s3 =	rddreg [dreg:$0x2];
	[bflag:$0x3] =	sbarrier.arrive $0xFFFF;
	s2 =	simm.s32 @!p0 $0x1C03  }
0xcd: {  	[timem:s3], [sflag:s2] =	dma.local @!p0 [hbm:s0], s1  }
0xce: {  	s0 =	simm.s32 @!p0 $0x3  }
0xcf: {  	_ =	swait.ge @!p0 [sflag:s0], s1  }
0xd0: {  	s1 =	ssub.s32 @!p0 $0x0, s1;
	[sflag:s0] =	ssyncset.done @!p0 $0x0  }
0xd1: {  	[sflag:s0] =	ssyncadd.s32 @!p0 s1  }
0xd2: {  	[bflag:$0x3] =	sbarrier.arrive $0xFFFF  }
0xd3: {  	_ =	shalt  }

</sc_bundles>
